<compile_context>
chip_gen: v7x
topology: tpu7x:2x2x1
jax: 0.10.2.dev20260603
libtpu: 0.0.44.dev20260713+nightly
codegen_flags: <defaults>
</compile_context>

<pallas_src>
import functools

import jax
import jax.numpy as jnp
from jax import lax
from jax.experimental import pallas as pl
from jax.experimental.pallas import tpu as pltpu
from jax.experimental.pallas import tpu_sc as plsc

N = 10000
D = 128
H = 128
A = 256
E = 320000

NC = 2
NS = 16
EW = E // NS
NST = 2
K = 100
NCHUNK = EW // (NST * K)
NB = 4
NPAD = 10240
RPT = NPAD // NS
HH = H // 2

_mesh = plsc.VectorSubcoreMesh(core_axis_name="c", subcore_axis_name="s")



@functools.partial(
    pl.kernel,
    out_type=jax.ShapeDtypeStruct((NC, NPAD), jnp.float32),
    mesh=_mesh,
    scratch_types=[
        pltpu.VMEM((NCHUNK, K), jnp.int32),
        pltpu.VMEM((K,), jnp.float32),
        pltpu.VMEM((RPT,), jnp.float32),
        pltpu.VMEM_SHARED((NPAD,), jnp.float32),
        pltpu.SemaphoreType.DMA,
    ],
    compiler_params=pltpu.CompilerParams(use_tc_tiling_on_sc=False),
)
def _sc_degree(dst_hbm, ones_hbm, zeros_hbm, degp_hbm,
               dst_all, ones_v, zrow_v, acc_sh, sem):
    c = lax.axis_index("c")
    s = lax.axis_index("s")
    pltpu.sync_copy(zeros_hbm, zrow_v)
    pltpu.sync_copy(zrow_v, acc_sh.at[pl.ds(s * RPT, RPT)])
    pltpu.sync_copy(ones_hbm, ones_v)
    pltpu.sync_copy(dst_hbm.at[s, c], dst_all)
    plsc.subcore_barrier()

    def group(gi, carry):
        for b in range(5):
            pltpu.async_copy(ones_v, acc_sh.at[dst_all.at[gi * 5 + b]], sem,
                             add=True)
        for b in range(5):
            pltpu.make_async_copy(ones_v, acc_sh.at[dst_all.at[gi * 5 + b]],
                                  sem).wait()
        return carry

    lax.fori_loop(0, NCHUNK // 5, group, 0)
    plsc.subcore_barrier()
    pltpu.sync_copy(acc_sh.at[pl.ds(s * RPT, RPT)],
                    degp_hbm.at[c, pl.ds(s * RPT, RPT)])


@functools.partial(
    pl.kernel,
    out_type=jax.ShapeDtypeStruct((NC, NPAD, HH), jnp.float32),
    mesh=_mesh,
    scratch_types=[
        pltpu.VMEM((NCHUNK, K), jnp.int32),
        pltpu.VMEM((NCHUNK, K), jnp.int32),
        [pltpu.VMEM((K, HH), jnp.float32)] * NB,
        pltpu.VMEM_SHARED((NPAD, HH), jnp.float32),
        [pltpu.SemaphoreType.DMA] * NB,
    ],
    compiler_params=pltpu.CompilerParams(use_tc_tiling_on_sc=False),
)
def _sc_scatter(g_hbm, src_hbm, dst_hbm, zeros_hbm, part_hbm,
                src_all, dst_all, rows, acc_sh, sg):
    c = lax.axis_index("c")
    s = lax.axis_index("s")
    for z in range(RPT // 128):
        pltpu.sync_copy(zeros_hbm,
                        acc_sh.at[pl.ds(s * RPT + z * 128, 128)])
    plsc.subcore_barrier()

    for st in range(NST):
        pltpu.sync_copy(src_hbm.at[s, st], src_all)
        pltpu.sync_copy(dst_hbm.at[s, st], dst_all)

        def gather(j, b):
            pltpu.async_copy(g_hbm.at[c].at[src_all.at[j]], rows[b], sg[b])

        def gather_wait(j, b):
            pltpu.make_async_copy(g_hbm.at[c].at[src_all.at[j]], rows[b],
                                  sg[b]).wait()

        for b in range(NB):
            gather(b, b)

        def stepgroup(i, carry):
            j0 = i * NB
            for u in range(NB):
                j = j0 + u
                gather_wait(j, u)
                pltpu.sync_copy(rows[u], acc_sh.at[dst_all.at[j]], add=True)
                gather(j + NB, u)
            return carry

        lax.fori_loop(0, NCHUNK // NB - 1, stepgroup, 0)
        for u in range(NB):
            j = NCHUNK - NB + u
            gather_wait(j, u)
            pltpu.sync_copy(rows[u], acc_sh.at[dst_all.at[j]], add=True)

    plsc.subcore_barrier()
    pltpu.sync_copy(acc_sh.at[pl.ds(s * RPT, RPT)],
                    part_hbm.at[c, pl.ds(s * RPT, RPT)])



def _tc_mm_body(x_ref, w1_ref, h1_ref):
    h1_ref[...] = jnp.dot(x_ref[...], w1_ref[...],
                          preferred_element_type=jnp.float32)


def _tc1_body(deg0_ref, deg1_ref, h1_ref, dinv_ref, g_ref):
    deg = deg0_ref[...] + deg1_ref[...] + 1.0
    dinv = lax.rsqrt(deg)
    dinv_ref[...] = dinv
    g = h1_ref[...] * dinv
    g_ref[0] = g[:, :HH]
    g_ref[1] = g[:, HH:]


def _combine(p_ref, h, res, dinv, b):
    ssum = jnp.concatenate([p_ref[0, :N, :], p_ref[1, :N, :]], axis=1)
    agg = ssum * dinv + h * (dinv * dinv)
    return jnp.maximum(agg + b + res, 0.0)


def _tc2a_body(p_ref, h_ref, res_ref, dinv_ref, b_ref, a_ref):
    a_ref[...] = _combine(p_ref, h_ref[...], res_ref[...], dinv_ref[...],
                          b_ref[...])


def _tc2b_body(a_ref, w2_ref, dinv_ref, h2_ref, g_ref):
    dinv = dinv_ref[...]
    h2 = jnp.dot(a_ref[...], w2_ref[...], preferred_element_type=jnp.float32)
    h2_ref[...] = h2
    g2 = h2 * dinv
    g_ref[0] = g2[:, :HH]
    g_ref[1] = g2[:, HH:]


def _tc3_body(p_ref, h_ref, res_ref, dinv_ref, b_ref,
              wa_ref, ba_ref, wc_ref, bc_ref, logits_ref, value_ref):
    a = _combine(p_ref, h_ref[...], res_ref[...], dinv_ref[...], b_ref[...])
    pooled = jnp.mean(a, axis=0, keepdims=True)
    logits_ref[...] = (
        jnp.dot(pooled, wa_ref[...], preferred_element_type=jnp.float32)
        + ba_ref[...])
    value_ref[...] = (
        jnp.dot(pooled, wc_ref[...], preferred_element_type=jnp.float32)
        + bc_ref[...])



def kernel(x, edge_index, W1, b1, W2, b2, Wa, ba, Wc, bc):
    eidx = edge_index.reshape(2, NS, NST, NCHUNK, K)
    src = eidx[0]
    dst = eidx[1]
    zeros_row = jnp.zeros((RPT,), jnp.float32)
    ones_k = jnp.ones((K,), jnp.float32)
    zeros_rows = jnp.zeros((128, HH), jnp.float32)

    degp = _sc_degree(dst, ones_k, zeros_row)
    deg0 = degp[0, :N].reshape(N, 1)
    deg1 = degp[1, :N].reshape(N, 1)

    h1 = pl.pallas_call(
        _tc_mm_body,
        out_shape=jax.ShapeDtypeStruct((N, H), jnp.float32),
    )(x, W1)

    dinv, g1 = pl.pallas_call(
        _tc1_body,
        out_shape=[jax.ShapeDtypeStruct((N, 1), jnp.float32),
                   jax.ShapeDtypeStruct((NC, N, HH), jnp.float32)],
    )(deg0, deg1, h1)

    p1 = _sc_scatter(g1, src, dst, zeros_rows)
    a1 = pl.pallas_call(
        _tc2a_body,
        out_shape=jax.ShapeDtypeStruct((N, H), jnp.float32),
    )(p1, h1, x, dinv, b1.reshape(1, H))
    h2, g2 = pl.pallas_call(
        _tc2b_body,
        out_shape=[jax.ShapeDtypeStruct((N, H), jnp.float32),
                   jax.ShapeDtypeStruct((NC, N, HH), jnp.float32)],
    )(a1, W2, dinv)

    p2 = _sc_scatter(g2, src, dst, zeros_rows)
    logits, value = pl.pallas_call(
        _tc3_body,
        out_shape=[jax.ShapeDtypeStruct((1, A), jnp.float32),
                   jax.ShapeDtypeStruct((1, 1), jnp.float32)],
    )(p2, h2, a1, dinv, b2.reshape(1, H),
      Wa, ba.reshape(1, A), Wc, bc.reshape(1, 1))

    return (logits, value)

# --- scband reference (transcript-rebuilt; emitter-appended) ---
"""Pipeline reference for scband-lightning-fast-ppo-65970697666687 (READ-ONLY COPY).

The authoritative reference and input builder live on the scoring server;
editing this copy changes nothing except your own understanding.
"""

import jax, jax.numpy as jnp
import numpy as np

N = 10000
D = 128
H = 128
A = 256
E = 320000


def setup_inputs(seed: int = 0) -> dict:
    key = jax.random.key(seed)
    ks = jax.random.split(key, 10)
    x = jax.random.normal(ks[0], (N, D), dtype=jnp.float32)
    edge_index = jax.random.randint(ks[1], (2, E), 0, N, dtype=jnp.int32)
    W1 = jax.random.normal(ks[2], (D, H), dtype=jnp.float32) * 0.05
    b1 = jnp.zeros((H,), dtype=jnp.float32)
    W2 = jax.random.normal(ks[3], (H, H), dtype=jnp.float32) * 0.05
    b2 = jnp.zeros((H,), dtype=jnp.float32)
    Wa = jax.random.normal(ks[4], (H, A), dtype=jnp.float32) * 0.05
    ba = jnp.zeros((A,), dtype=jnp.float32)
    Wc = jax.random.normal(ks[5], (H, 1), dtype=jnp.float32) * 0.05
    bc = jnp.zeros((1,), dtype=jnp.float32)
    return {"x": x, "edge_index": edge_index, "W1": W1, "b1": b1, "W2": W2, "b2": b2, "Wa": Wa, "ba": ba, "Wc": Wc, "bc": bc}


def gcn_conv(x, edge_index, W, b):
    # PyG GCNConv: add self-loops, symmetric normalization D^-1/2 (A+I) D^-1/2 X W + b
    n = x.shape[0]
    loop = jnp.arange(n, dtype=edge_index.dtype)
    src = jnp.concatenate([edge_index[0], loop])
    dst = jnp.concatenate([edge_index[1], loop])
    deg = jnp.zeros((n,), jnp.float32).at[dst].add(1.0)
    dinv = jax.lax.rsqrt(deg)  # deg >= 1 due to self-loops
    h = x @ W
    norm = dinv[src] * dinv[dst]
    msg = h[src] * norm[:, None]
    out = jnp.zeros((n, W.shape[1]), jnp.float32).at[dst].add(msg)
    return out + b


def reference(x, edge_index, W1, b1, W2, b2, Wa, ba, Wc, bc):
    # skip is nn.Identity since in_channels == hidden_dim
    identity = x
    h = jax.nn.relu(gcn_conv(x, edge_index, W1, b1) + identity)
    h2 = jax.nn.relu(gcn_conv(h, edge_index, W2, b2) + h)
    pooled = h2.mean(axis=0, keepdims=True)  # no batch attribute -> mean over all nodes
    action_logits = pooled @ Wa + ba
    state_values = pooled @ Wc + bc
    return (action_logits, state_values)

if __name__ == "__main__":
    import jax
    _d = setup_inputs()
    print(jax.jit(kernel)(*tuple(_d.values())))

</pallas_src>

<mosaic_0001>
#map = affine_map<(d0, d1) -> (0, 0, 0)>
#map1 = affine_map<(d0, d1) -> (0, 0, 0, 0)>
#map2 = affine_map<(d0, d1) -> (0, 0)>
module attributes {stable_mosaic.version = 14 : i64} {
  func.func @_sc_scatter(%arg0: i32, %arg1: i32, %arg2: memref<2x10000x64xf32, #tpu.memory_space<hbm>>, %arg3: memref<16x2x100x100xi32, #tpu.memory_space<hbm>>, %arg4: memref<16x2x100x100xi32, #tpu.memory_space<hbm>>, %arg5: memref<128x64xf32, #tpu.memory_space<hbm>>, %arg6: memref<2x10240x64xf32, #tpu.memory_space<hbm>>, %arg7: memref<100x100xi32, #tpu.memory_space<vmem>>, %arg8: memref<100x100xi32, #tpu.memory_space<vmem>>, %arg9: memref<100x64xf32, #tpu.memory_space<vmem>>, %arg10: memref<100x64xf32, #tpu.memory_space<vmem>>, %arg11: memref<100x64xf32, #tpu.memory_space<vmem>>, %arg12: memref<100x64xf32, #tpu.memory_space<vmem>>, %arg13: memref<10240x64xf32, #tpu.memory_space<vmem_shared>>, %arg14: memref<!tpu.dma_semaphore, #tpu.memory_space<semaphore_mem>>, %arg15: memref<!tpu.dma_semaphore, #tpu.memory_space<semaphore_mem>>, %arg16: memref<!tpu.dma_semaphore, #tpu.memory_space<semaphore_mem>>, %arg17: memref<!tpu.dma_semaphore, #tpu.memory_space<semaphore_mem>>) attributes {dimension_semantics = [#tpu.dimension_semantics<core_parallel>, #tpu.dimension_semantics<subcore_parallel>], iteration_bounds = array<i64: 2, 16>, scalar_prefetch = 0 : i64, scratch_operands = 11 : i64, tpu.core_type = #tpu.core_type<sc_vector_subcore>, window_params = [{transform_indices = #map}, {transform_indices = #map1}, {transform_indices = #map1}, {transform_indices = #map2}, {transform_indices = #map}]} {
    %mul3A = arith.constant 640 : i32
    %mul3A_0 = arith.muli %arg1, %mul3A : i32
    %add3A = arith.constant 0 : i32
    %add3A_1 = arith.addi %mul3A_0, %add3A : i32
    "tpu.region"() ({
      %run_scoped3A_219 = tpu.sem_alloc : memref<!tpu.dma_semaphore, #tpu.memory_space<semaphore_mem>>
      %dma_start3A_220 = arith.constant 0 : i32
      %dma_start3A_221 = tpu.memref_slice %arg13[%add3A_1, %dma_start3A_220] : memref<10240x64xf32, #tpu.memory_space<vmem_shared>> -> memref<128x64xf32, #tpu.memory_space<vmem_shared>>
      tpu.enqueue_dma source(%arg5 : memref<128x64xf32, #tpu.memory_space<hbm>>) target(%dma_start3A_221 : memref<128x64xf32, #tpu.memory_space<vmem_shared>>) target_semaphore(%run_scoped3A_219 : memref<!tpu.dma_semaphore, #tpu.memory_space<semaphore_mem>>)
      %dma_wait3A_222 = arith.constant 0 : i32
      %dma_wait3A_223 = tpu.memref_slice %arg13[%add3A_1, %dma_wait3A_222] : memref<10240x64xf32, #tpu.memory_space<vmem_shared>> -> memref<128x64xf32, #tpu.memory_space<vmem_shared>>
      tpu.wait_dma2 semaphore(%run_scoped3A_219 : memref<!tpu.dma_semaphore, #tpu.memory_space<semaphore_mem>>) src(%arg5 : memref<128x64xf32, #tpu.memory_space<hbm>>) dst(%dma_wait3A_223 : memref<128x64xf32, #tpu.memory_space<vmem_shared>>)
      tpu.yield
    }) : () -> ()
    %mul3A_2 = arith.constant 640 : i32
    %mul3A_3 = arith.muli %arg1, %mul3A_2 : i32
    %add3A_4 = arith.constant 128 : i32
    %add3A_5 = arith.addi %mul3A_3, %add3A_4 : i32
    "tpu.region"() ({
      %run_scoped3A_219 = tpu.sem_alloc : memref<!tpu.dma_semaphore, #tpu.memory_space<semaphore_mem>>
      %dma_start3A_220 = arith.constant 0 : i32
      %dma_start3A_221 = tpu.memref_slice %arg13[%add3A_5, %dma_start3A_220] : memref<10240x64xf32, #tpu.memory_space<vmem_shared>> -> memref<128x64xf32, #tpu.memory_space<vmem_shared>>
      tpu.enqueue_dma source(%arg5 : memref<128x64xf32, #tpu.memory_space<hbm>>) target(%dma_start3A_221 : memref<128x64xf32, #tpu.memory_space<vmem_shared>>) target_semaphore(%run_scoped3A_219 : memref<!tpu.dma_semaphore, #tpu.memory_space<semaphore_mem>>)
      %dma_wait3A_222 = arith.constant 0 : i32
      %dma_wait3A_223 = tpu.memref_slice %arg13[%add3A_5, %dma_wait3A_222] : memref<10240x64xf32, #tpu.memory_space<vmem_shared>> -> memref<128x64xf32, #tpu.memory_space<vmem_shared>>
      tpu.wait_dma2 semaphore(%run_scoped3A_219 : memref<!tpu.dma_semaphore, #tpu.memory_space<semaphore_mem>>) src(%arg5 : memref<128x64xf32, #tpu.memory_space<hbm>>) dst(%dma_wait3A_223 : memref<128x64xf32, #tpu.memory_space<vmem_shared>>)
      tpu.yield
    }) : () -> ()
    %mul3A_6 = arith.constant 640 : i32
    %mul3A_7 = arith.muli %arg1, %mul3A_6 : i32
    %add3A_8 = arith.constant 256 : i32
    %add3A_9 = arith.addi %mul3A_7, %add3A_8 : i32
    "tpu.region"() ({
      %run_scoped3A_219 = tpu.sem_alloc : memref<!tpu.dma_semaphore, #tpu.memory_space<semaphore_mem>>
      %dma_start3A_220 = arith.constant 0 : i32
      %dma_start3A_221 = tpu.memref_slice %arg13[%add3A_9, %dma_start3A_220] : memref<10240x64xf32, #tpu.memory_space<vmem_shared>> -> memref<128x64xf32, #tpu.memory_space<vmem_shared>>
      tpu.enqueue_dma source(%arg5 : memref<128x64xf32, #tpu.memory_space<hbm>>) target(%dma_start3A_221 : memref<128x64xf32, #tpu.memory_space<vmem_shared>>) target_semaphore(%run_scoped3A_219 : memref<!tpu.dma_semaphore, #tpu.memory_space<semaphore_mem>>)
      %dma_wait3A_222 = arith.constant 0 : i32
      %dma_wait3A_223 = tpu.memref_slice %arg13[%add3A_9, %dma_wait3A_222] : memref<10240x64xf32, #tpu.memory_space<vmem_shared>> -> memref<128x64xf32, #tpu.memory_space<vmem_shared>>
      tpu.wait_dma2 semaphore(%run_scoped3A_219 : memref<!tpu.dma_semaphore, #tpu.memory_space<semaphore_mem>>) src(%arg5 : memref<128x64xf32, #tpu.memory_space<hbm>>) dst(%dma_wait3A_223 : memref<128x64xf32, #tpu.memory_space<vmem_shared>>)
      tpu.yield
    }) : () -> ()
    %mul3A_10 = arith.constant 640 : i32
    %mul3A_11 = arith.muli %arg1, %mul3A_10 : i32
    %add3A_12 = arith.constant 384 : i32
    %add3A_13 = arith.addi %mul3A_11, %add3A_12 : i32
    "tpu.region"() ({
      %run_scoped3A_219 = tpu.sem_alloc : memref<!tpu.dma_semaphore, #tpu.memory_space<semaphore_mem>>
      %dma_start3A_220 = arith.constant 0 : i32
      %dma_start3A_221 = tpu.memref_slice %arg13[%add3A_13, %dma_start3A_220] : memref<10240x64xf32, #tpu.memory_space<vmem_shared>> -> memref<128x64xf32, #tpu.memory_space<vmem_shared>>
      tpu.enqueue_dma source(%arg5 : memref<128x64xf32, #tpu.memory_space<hbm>>) target(%dma_start3A_221 : memref<128x64xf32, #tpu.memory_space<vmem_shared>>) target_semaphore(%run_scoped3A_219 : memref<!tpu.dma_semaphore, #tpu.memory_space<semaphore_mem>>)
      %dma_wait3A_222 = arith.constant 0 : i32
      %dma_wait3A_223 = tpu.memref_slice %arg13[%add3A_13, %dma_wait3A_222] : memref<10240x64xf32, #tpu.memory_space<vmem_shared>> -> memref<128x64xf32, #tpu.memory_space<vmem_shared>>
      tpu.wait_dma2 semaphore(%run_scoped3A_219 : memref<!tpu.dma_semaphore, #tpu.memory_space<semaphore_mem>>) src(%arg5 : memref<128x64xf32, #tpu.memory_space<hbm>>) dst(%dma_wait3A_223 : memref<128x64xf32, #tpu.memory_space<vmem_shared>>)
      tpu.yield
    }) : () -> ()
    %mul3A_14 = arith.constant 640 : i32
    %mul3A_15 = arith.muli %arg1, %mul3A_14 : i32
    %add3A_16 = arith.constant 512 : i32
    %add3A_17 = arith.addi %mul3A_15, %add3A_16 : i32
    "tpu.region"() ({
      %run_scoped3A_219 = tpu.sem_alloc : memref<!tpu.dma_semaphore, #tpu.memory_space<semaphore_mem>>
      %dma_start3A_220 = arith.constant 0 : i32
      %dma_start3A_221 = tpu.memref_slice %arg13[%add3A_17, %dma_start3A_220] : memref<10240x64xf32, #tpu.memory_space<vmem_shared>> -> memref<128x64xf32, #tpu.memory_space<vmem_shared>>
      tpu.enqueue_dma source(%arg5 : memref<128x64xf32, #tpu.memory_space<hbm>>) target(%dma_start3A_221 : memref<128x64xf32, #tpu.memory_space<vmem_shared>>) target_semaphore(%run_scoped3A_219 : memref<!tpu.dma_semaphore, #tpu.memory_space<semaphore_mem>>)
      %dma_wait3A_222 = arith.constant 0 : i32
      %dma_wait3A_223 = tpu.memref_slice %arg13[%add3A_17, %dma_wait3A_222] : memref<10240x64xf32, #tpu.memory_space<vmem_shared>> -> memref<128x64xf32, #tpu.memory_space<vmem_shared>>
      tpu.wait_dma2 semaphore(%run_scoped3A_219 : memref<!tpu.dma_semaphore, #tpu.memory_space<semaphore_mem>>) src(%arg5 : memref<128x64xf32, #tpu.memory_space<hbm>>) dst(%dma_wait3A_223 : memref<128x64xf32, #tpu.memory_space<vmem_shared>>)
      tpu.yield
    }) : () -> ()
    %barrier3A = arith.constant 0 : index
    tpu.barrier barrier_id(%barrier3A)
    %run_scoped3A = arith.constant 0 : i32
    "tpu.region"() ({
      %run_scoped3A_219 = tpu.sem_alloc : memref<!tpu.dma_semaphore, #tpu.memory_space<semaphore_mem>>
      %dma_start3A_220 = arith.constant 0 : i32
      %dma_start3A_221 = arith.constant 0 : i32
      %dma_start3A_222 = tpu.memref_slice %arg3[%arg1, %run_scoped3A, %dma_start3A_220, %dma_start3A_221] : memref<16x2x100x100xi32, #tpu.memory_space<hbm>> -> memref<1x1x100x100xi32, #tpu.memory_space<hbm>>
      %dma_start3A_223 = tpu.memref_squeeze %dma_start3A_222 : memref<1x1x100x100xi32, #tpu.memory_space<hbm>> -> memref<100x100xi32, #tpu.memory_space<hbm>>
      %dma_start3A_224 = arith.constant 0 : i32
      %dma_start3A_225 = arith.constant 0 : i32
      %dma_start3A_226 = tpu.memref_slice %arg3[%arg1, %run_scoped3A, %dma_start3A_224, %dma_start3A_225] : memref<16x2x100x100xi32, #tpu.memory_space<hbm>> -> memref<1x1x100x100xi32, #tpu.memory_space<hbm>>
      %dma_start3A_227 = tpu.memref_squeeze %dma_start3A_226 : memref<1x1x100x100xi32, #tpu.memory_space<hbm>> -> memref<100x100xi32, #tpu.memory_space<hbm>>
      tpu.enqueue_dma source(%dma_start3A_227 : memref<100x100xi32, #tpu.memory_space<hbm>>) target(%arg7 : memref<100x100xi32, #tpu.memory_space<vmem>>) target_semaphore(%run_scoped3A_219 : memref<!tpu.dma_semaphore, #tpu.memory_space<semaphore_mem>>)
      %dma_wait3A_228 = arith.constant 0 : i32
      %dma_wait3A_229 = arith.constant 0 : i32
      %dma_wait3A_230 = tpu.memref_slice %arg3[%arg1, %run_scoped3A, %dma_wait3A_228, %dma_wait3A_229] : memref<16x2x100x100xi32, #tpu.memory_space<hbm>> -> memref<1x1x100x100xi32, #tpu.memory_space<hbm>>
      %dma_wait3A_231 = tpu.memref_squeeze %dma_wait3A_230 : memref<1x1x100x100xi32, #tpu.memory_space<hbm>> -> memref<100x100xi32, #tpu.memory_space<hbm>>
      %dma_wait3A_232 = arith.constant 0 : i32
      %dma_wait3A_233 = arith.constant 0 : i32
      %dma_wait3A_234 = tpu.memref_slice %arg3[%arg1, %run_scoped3A, %dma_wait3A_232, %dma_wait3A_233] : memref<16x2x100x100xi32, #tpu.memory_space<hbm>> -> memref<1x1x100x100xi32, #tpu.memory_space<hbm>>
      %dma_wait3A_235 = tpu.memref_squeeze %dma_wait3A_234 : memref<1x1x100x100xi32, #tpu.memory_space<hbm>> -> memref<100x100xi32, #tpu.memory_space<hbm>>
      tpu.wait_dma2 semaphore(%run_scoped3A_219 : memref<!tpu.dma_semaphore, #tpu.memory_space<semaphore_mem>>) src(%dma_wait3A_235 : memref<100x100xi32, #tpu.memory_space<hbm>>) dst(%arg7 : memref<100x100xi32, #tpu.memory_space<vmem>>)
      tpu.yield
    }) : () -> ()
    %run_scoped3A_18 = arith.constant 0 : i32
    "tpu.region"() ({
      %run_scoped3A_219 = tpu.sem_alloc : memref<!tpu.dma_semaphore, #tpu.memory_space<semaphore_mem>>
      %dma_start3A_220 = arith.constant 0 : i32
      %dma_start3A_221 = arith.constant 0 : i32
      %dma_start3A_222 = tpu.memref_slice %arg4[%arg1, %run_scoped3A_18, %dma_start3A_220, %dma_start3A_221] : memref<16x2x100x100xi32, #tpu.memory_space<hbm>> -> memref<1x1x100x100xi32, #tpu.memory_space<hbm>>
      %dma_start3A_223 = tpu.memref_squeeze %dma_start3A_222 : memref<1x1x100x100xi32, #tpu.memory_space<hbm>> -> memref<100x100xi32, #tpu.memory_space<hbm>>
      %dma_start3A_224 = arith.constant 0 : i32
      %dma_start3A_225 = arith.constant 0 : i32
      %dma_start3A_226 = tpu.memref_slice %arg4[%arg1, %run_scoped3A_18, %dma_start3A_224, %dma_start3A_225] : memref<16x2x100x100xi32, #tpu.memory_space<hbm>> -> memref<1x1x100x100xi32, #tpu.memory_space<hbm>>
      %dma_start3A_227 = tpu.memref_squeeze %dma_start3A_226 : memref<1x1x100x100xi32, #tpu.memory_space<hbm>> -> memref<100x100xi32, #tpu.memory_space<hbm>>
      tpu.enqueue_dma source(%dma_start3A_227 : memref<100x100xi32, #tpu.memory_space<hbm>>) target(%arg8 : memref<100x100xi32, #tpu.memory_space<vmem>>) target_semaphore(%run_scoped3A_219 : memref<!tpu.dma_semaphore, #tpu.memory_space<semaphore_mem>>)
      %dma_wait3A_228 = arith.constant 0 : i32
      %dma_wait3A_229 = arith.constant 0 : i32
      %dma_wait3A_230 = tpu.memref_slice %arg4[%arg1, %run_scoped3A_18, %dma_wait3A_228, %dma_wait3A_229] : memref<16x2x100x100xi32, #tpu.memory_space<hbm>> -> memref<1x1x100x100xi32, #tpu.memory_space<hbm>>
      %dma_wait3A_231 = tpu.memref_squeeze %dma_wait3A_230 : memref<1x1x100x100xi32, #tpu.memory_space<hbm>> -> memref<100x100xi32, #tpu.memory_space<hbm>>
      %dma_wait3A_232 = arith.constant 0 : i32
      %dma_wait3A_233 = arith.constant 0 : i32
      %dma_wait3A_234 = tpu.memref_slice %arg4[%arg1, %run_scoped3A_18, %dma_wait3A_232, %dma_wait3A_233] : memref<16x2x100x100xi32, #tpu.memory_space<hbm>> -> memref<1x1x100x100xi32, #tpu.memory_space<hbm>>
      %dma_wait3A_235 = tpu.memref_squeeze %dma_wait3A_234 : memref<1x1x100x100xi32, #tpu.memory_space<hbm>> -> memref<100x100xi32, #tpu.memory_space<hbm>>
      tpu.wait_dma2 semaphore(%run_scoped3A_219 : memref<!tpu.dma_semaphore, #tpu.memory_space<semaphore_mem>>) src(%dma_wait3A_235 : memref<100x100xi32, #tpu.memory_space<hbm>>) dst(%arg8 : memref<100x100xi32, #tpu.memory_space<vmem>>)
      tpu.yield
    }) : () -> ()
    %dma_start3A = arith.constant 0 : i32
    %dma_start3A_19 = arith.constant 0 : i32
    %dma_start3A_20 = tpu.memref_slice %arg7[%dma_start3A, %dma_start3A_19] : memref<100x100xi32, #tpu.memory_space<vmem>> -> memref<1x100xi32, #tpu.memory_space<vmem>>
    %dma_start3A_21 = tpu.memref_squeeze %dma_start3A_20 : memref<1x100xi32, #tpu.memory_space<vmem>> -> memref<100xi32, #tpu.memory_space<vmem>>
    %dma_start3A_22 = arith.constant 0 : i32
    %dma_start3A_23 = arith.constant 0 : i32
    %dma_start3A_24 = tpu.memref_slice %arg2[%arg0, %dma_start3A_22, %dma_start3A_23] : memref<2x10000x64xf32, #tpu.memory_space<hbm>> -> memref<1x10000x64xf32, #tpu.memory_space<hbm>>
    %dma_start3A_25 = tpu.memref_squeeze %dma_start3A_24 : memref<1x10000x64xf32, #tpu.memory_space<hbm>> -> memref<10000x64xf32, #tpu.memory_space<hbm>>
    %dma_start3A_26 = arith.constant 0 : i32
    %dma_start3A_27 = arith.constant 0 : i32
    %dma_start3A_28 = tpu.memref_slice %dma_start3A_25[%dma_start3A_26, %dma_start3A_27] : memref<10000x64xf32, #tpu.memory_space<hbm>> -> memref<10000x64xf32, #tpu.memory_space<hbm>>
    tpu.enqueue_indirect_dma source(%dma_start3A_28 : memref<10000x64xf32, #tpu.memory_space<hbm>>) target(%arg9 : memref<100x64xf32, #tpu.memory_space<vmem>>) offsets(%dma_start3A_21 : memref<100xi32, #tpu.memory_space<vmem>>) semaphore(%arg14 : memref<!tpu.dma_semaphore, #tpu.memory_space<semaphore_mem>>)
    %dma_start3A_29 = arith.constant 1 : i32
    %dma_start3A_30 = arith.constant 0 : i32
    %dma_start3A_31 = tpu.memref_slice %arg7[%dma_start3A_29, %dma_start3A_30] : memref<100x100xi32, #tpu.memory_space<vmem>> -> memref<1x100xi32, #tpu.memory_space<vmem>>
    %dma_start3A_32 = tpu.memref_squeeze %dma_start3A_31 : memref<1x100xi32, #tpu.memory_space<vmem>> -> memref<100xi32, #tpu.memory_space<vmem>>
    %dma_start3A_33 = arith.constant 0 : i32
    %dma_start3A_34 = arith.constant 0 : i32
    %dma_start3A_35 = tpu.memref_slice %arg2[%arg0, %dma_start3A_33, %dma_start3A_34] : memref<2x10000x64xf32, #tpu.memory_space<hbm>> -> memref<1x10000x64xf32, #tpu.memory_space<hbm>>
    %dma_start3A_36 = tpu.memref_squeeze %dma_start3A_35 : memref<1x10000x64xf32, #tpu.memory_space<hbm>> -> memref<10000x64xf32, #tpu.memory_space<hbm>>
    %dma_start3A_37 = arith.constant 0 : i32
    %dma_start3A_38 = arith.constant 0 : i32
    %dma_start3A_39 = tpu.memref_slice %dma_start3A_36[%dma_start3A_37, %dma_start3A_38] : memref<10000x64xf32, #tpu.memory_space<hbm>> -> memref<10000x64xf32, #tpu.memory_space<hbm>>
    tpu.enqueue_indirect_dma source(%dma_start3A_39 : memref<10000x64xf32, #tpu.memory_space<hbm>>) target(%arg10 : memref<100x64xf32, #tpu.memory_space<vmem>>) offsets(%dma_start3A_32 : memref<100xi32, #tpu.memory_space<vmem>>) semaphore(%arg15 : memref<!tpu.dma_semaphore, #tpu.memory_space<semaphore_mem>>)
    %dma_start3A_40 = arith.constant 2 : i32
    %dma_start3A_41 = arith.constant 0 : i32
    %dma_start3A_42 = tpu.memref_slice %arg7[%dma_start3A_40, %dma_start3A_41] : memref<100x100xi32, #tpu.memory_space<vmem>> -> memref<1x100xi32, #tpu.memory_space<vmem>>
    %dma_start3A_43 = tpu.memref_squeeze %dma_start3A_42 : memref<1x100xi32, #tpu.memory_space<vmem>> -> memref<100xi32, #tpu.memory_space<vmem>>
    %dma_start3A_44 = arith.constant 0 : i32
    %dma_start3A_45 = arith.constant 0 : i32
    %dma_start3A_46 = tpu.memref_slice %arg2[%arg0, %dma_start3A_44, %dma_start3A_45] : memref<2x10000x64xf32, #tpu.memory_space<hbm>> -> memref<1x10000x64xf32, #tpu.memory_space<hbm>>
    %dma_start3A_47 = tpu.memref_squeeze %dma_start3A_46 : memref<1x10000x64xf32, #tpu.memory_space<hbm>> -> memref<10000x64xf32, #tpu.memory_space<hbm>>
    %dma_start3A_48 = arith.constant 0 : i32
    %dma_start3A_49 = arith.constant 0 : i32
    %dma_start3A_50 = tpu.memref_slice %dma_start3A_47[%dma_start3A_48, %dma_start3A_49] : memref<10000x64xf32, #tpu.memory_space<hbm>> -> memref<10000x64xf32, #tpu.memory_space<hbm>>
    tpu.enqueue_indirect_dma source(%dma_start3A_50 : memref<10000x64xf32, #tpu.memory_space<hbm>>) target(%arg11 : memref<100x64xf32, #tpu.memory_space<vmem>>) offsets(%dma_start3A_43 : memref<100xi32, #tpu.memory_space<vmem>>) semaphore(%arg16 : memref<!tpu.dma_semaphore, #tpu.memory_space<semaphore_mem>>)
    %dma_start3A_51 = arith.constant 3 : i32
    %dma_start3A_52 = arith.constant 0 : i32
    %dma_start3A_53 = tpu.memref_slice %arg7[%dma_start3A_51, %dma_start3A_52] : memref<100x100xi32, #tpu.memory_space<vmem>> -> memref<1x100xi32, #tpu.memory_space<vmem>>
    %dma_start3A_54 = tpu.memref_squeeze %dma_start3A_53 : memref<1x100xi32, #tpu.memory_space<vmem>> -> memref<100xi32, #tpu.memory_space<vmem>>
    %dma_start3A_55 = arith.constant 0 : i32
    %dma_start3A_56 = arith.constant 0 : i32
    %dma_start3A_57 = tpu.memref_slice %arg2[%arg0, %dma_start3A_55, %dma_start3A_56] : memref<2x10000x64xf32, #tpu.memory_space<hbm>> -> memref<1x10000x64xf32, #tpu.memory_space<hbm>>
    %dma_start3A_58 = tpu.memref_squeeze %dma_start3A_57 : memref<1x10000x64xf32, #tpu.memory_space<hbm>> -> memref<10000x64xf32, #tpu.memory_space<hbm>>
    %dma_start3A_59 = arith.constant 0 : i32
    %dma_start3A_60 = arith.constant 0 : i32
    %dma_start3A_61 = tpu.memref_slice %dma_start3A_58[%dma_start3A_59, %dma_start3A_60] : memref<10000x64xf32, #tpu.memory_space<hbm>> -> memref<10000x64xf32, #tpu.memory_space<hbm>>
    tpu.enqueue_indirect_dma source(%dma_start3A_61 : memref<10000x64xf32, #tpu.memory_space<hbm>>) target(%arg12 : memref<100x64xf32, #tpu.memory_space<vmem>>) offsets(%dma_start3A_54 : memref<100xi32, #tpu.memory_space<vmem>>) semaphore(%arg17 : memref<!tpu.dma_semaphore, #tpu.memory_space<semaphore_mem>>)
    %scan3A = arith.constant 0 : i32
    %scan3A_62 = arith.constant 0 : i32
    %scan3A_63 = arith.constant 24 : i32
    %scan3A_64 = arith.addi %scan3A_62, %scan3A_63 : i32
    %scan3A_65 = arith.constant 1 : i32
    scf.for %scan3A_219 = %scan3A_62 to %scan3A_64 step %scan3A_65  : i32 {
      %mul3A_220 = arith.constant 4 : i32
      %mul3A_221 = arith.muli %scan3A_219, %mul3A_220 : i32
      %add3A_222 = arith.constant 0 : i32
      %add3A_223 = arith.addi %mul3A_221, %add3A_222 : i32
      %dma_wait3A_224 = arith.constant 0 : i32
      %dma_wait3A_225 = tpu.memref_slice %arg7[%add3A_223, %dma_wait3A_224] : memref<100x100xi32, #tpu.memory_space<vmem>> -> memref<1x100xi32, #tpu.memory_space<vmem>>
      %dma_wait3A_226 = tpu.memref_squeeze %dma_wait3A_225 : memref<1x100xi32, #tpu.memory_space<vmem>> -> memref<100xi32, #tpu.memory_space<vmem>>
      %dma_wait3A_227 = arith.constant 0 : i32
      %dma_wait3A_228 = arith.constant 0 : i32
      %dma_wait3A_229 = tpu.memref_slice %arg2[%arg0, %dma_wait3A_227, %dma_wait3A_228] : memref<2x10000x64xf32, #tpu.memory_space<hbm>> -> memref<1x10000x64xf32, #tpu.memory_space<hbm>>
      %dma_wait3A_230 = tpu.memref_squeeze %dma_wait3A_229 : memref<1x10000x64xf32, #tpu.memory_space<hbm>> -> memref<10000x64xf32, #tpu.memory_space<hbm>>
      %dma_wait3A_231 = arith.constant 0 : i32
      %dma_wait3A_232 = arith.constant 0 : i32
      %dma_wait3A_233 = tpu.memref_slice %dma_wait3A_230[%dma_wait3A_231, %dma_wait3A_232] : memref<10000x64xf32, #tpu.memory_space<hbm>> -> memref<10000x64xf32, #tpu.memory_space<hbm>>
      tpu.wait_indirect_dma semaphore(%arg14 : memref<!tpu.dma_semaphore, #tpu.memory_space<semaphore_mem>>) src(%dma_wait3A_233 : memref<10000x64xf32, #tpu.memory_space<hbm>>) dst(%arg9 : memref<100x64xf32, #tpu.memory_space<vmem>>)
      "tpu.region"() ({
        %run_scoped3A_318 = tpu.sem_alloc : memref<!tpu.dma_semaphore, #tpu.memory_space<semaphore_mem>>
        %dma_start3A_319 = arith.constant 0 : i32
        %dma_start3A_320 = tpu.memref_slice %arg8[%add3A_223, %dma_start3A_319] : memref<100x100xi32, #tpu.memory_space<vmem>> -> memref<1x100xi32, #tpu.memory_space<vmem>>
        %dma_start3A_321 = tpu.memref_squeeze %dma_start3A_320 : memref<1x100xi32, #tpu.memory_space<vmem>> -> memref<100xi32, #tpu.memory_space<vmem>>
        %dma_start3A_322 = arith.constant 0 : i32
        %dma_start3A_323 = arith.constant 0 : i32
        %dma_start3A_324 = tpu.memref_slice %arg13[%dma_start3A_322, %dma_start3A_323] : memref<10240x64xf32, #tpu.memory_space<vmem_shared>> -> memref<10240x64xf32, #tpu.memory_space<vmem_shared>>
        tpu.enqueue_indirect_dma source(%arg9 : memref<100x64xf32, #tpu.memory_space<vmem>>) target(%dma_start3A_324 : memref<10240x64xf32, #tpu.memory_space<vmem_shared>>) offsets(%dma_start3A_321 : memref<100xi32, #tpu.memory_space<vmem>>) semaphore(%run_scoped3A_318 : memref<!tpu.dma_semaphore, #tpu.memory_space<semaphore_mem>>) {add = true}
        %dma_wait3A_325 = arith.constant 0 : i32
        %dma_wait3A_326 = tpu.memref_slice %arg8[%add3A_223, %dma_wait3A_325] : memref<100x100xi32, #tpu.memory_space<vmem>> -> memref<1x100xi32, #tpu.memory_space<vmem>>
        %dma_wait3A_327 = tpu.memref_squeeze %dma_wait3A_326 : memref<1x100xi32, #tpu.memory_space<vmem>> -> memref<100xi32, #tpu.memory_space<vmem>>
        %dma_wait3A_328 = arith.constant 0 : i32
        %dma_wait3A_329 = arith.constant 0 : i32
        %dma_wait3A_330 = tpu.memref_slice %arg13[%dma_wait3A_328, %dma_wait3A_329] : memref<10240x64xf32, #tpu.memory_space<vmem_shared>> -> memref<10240x64xf32, #tpu.memory_space<vmem_shared>>
        tpu.wait_indirect_dma semaphore(%run_scoped3A_318 : memref<!tpu.dma_semaphore, #tpu.memory_space<semaphore_mem>>) src(%arg9 : memref<100x64xf32, #tpu.memory_space<vmem>>) dst(%dma_wait3A_330 : memref<10240x64xf32, #tpu.memory_space<vmem_shared>>)
        tpu.yield
      }) : () -> ()
      %add3A_234 = arith.constant 4 : i32
      %add3A_235 = arith.addi %add3A_223, %add3A_234 : i32
      %dma_start3A_236 = arith.constant 0 : i32
      %dma_start3A_237 = tpu.memref_slice %arg7[%add3A_235, %dma_start3A_236] : memref<100x100xi32, #tpu.memory_space<vmem>> -> memref<1x100xi32, #tpu.memory_space<vmem>>
      %dma_start3A_238 = tpu.memref_squeeze %dma_start3A_237 : memref<1x100xi32, #tpu.memory_space<vmem>> -> memref<100xi32, #tpu.memory_space<vmem>>
      %dma_start3A_239 = arith.constant 0 : i32
      %dma_start3A_240 = arith.constant 0 : i32
      %dma_start3A_241 = tpu.memref_slice %arg2[%arg0, %dma_start3A_239, %dma_start3A_240] : memref<2x10000x64xf32, #tpu.memory_space<hbm>> -> memref<1x10000x64xf32, #tpu.memory_space<hbm>>
      %dma_start3A_242 = tpu.memref_squeeze %dma_start3A_241 : memref<1x10000x64xf32, #tpu.memory_space<hbm>> -> memref<10000x64xf32, #tpu.memory_space<hbm>>
      %dma_start3A_243 = arith.constant 0 : i32
      %dma_start3A_244 = arith.constant 0 : i32
      %dma_start3A_245 = tpu.memref_slice %dma_start3A_242[%dma_start3A_243, %dma_start3A_244] : memref<10000x64xf32, #tpu.memory_space<hbm>> -> memref<10000x64xf32, #tpu.memory_space<hbm>>
      tpu.enqueue_indirect_dma source(%dma_start3A_245 : memref<10000x64xf32, #tpu.memory_space<hbm>>) target(%arg9 : memref<100x64xf32, #tpu.memory_space<vmem>>) offsets(%dma_start3A_238 : memref<100xi32, #tpu.memory_space<vmem>>) semaphore(%arg14 : memref<!tpu.dma_semaphore, #tpu.memory_space<semaphore_mem>>)
      %add3A_246 = arith.constant 1 : i32
      %add3A_247 = arith.addi %mul3A_221, %add3A_246 : i32
      %dma_wait3A_248 = arith.constant 0 : i32
      %dma_wait3A_249 = tpu.memref_slice %arg7[%add3A_247, %dma_wait3A_248] : memref<100x100xi32, #tpu.memory_space<vmem>> -> memref<1x100xi32, #tpu.memory_space<vmem>>
      %dma_wait3A_250 = tpu.memref_squeeze %dma_wait3A_249 : memref<1x100xi32, #tpu.memory_space<vmem>> -> memref<100xi32, #tpu.memory_space<vmem>>
      %dma_wait3A_251 = arith.constant 0 : i32
      %dma_wait3A_252 = arith.constant 0 : i32
      %dma_wait3A_253 = tpu.memref_slice %arg2[%arg0, %dma_wait3A_251, %dma_wait3A_252] : memref<2x10000x64xf32, #tpu.memory_space<hbm>> -> memref<1x10000x64xf32, #tpu.memory_space<hbm>>
      %dma_wait3A_254 = tpu.memref_squeeze %dma_wait3A_253 : memref<1x10000x64xf32, #tpu.memory_space<hbm>> -> memref<10000x64xf32, #tpu.memory_space<hbm>>
      %dma_wait3A_255 = arith.constant 0 : i32
      %dma_wait3A_256 = arith.constant 0 : i32
      %dma_wait3A_257 = tpu.memref_slice %dma_wait3A_254[%dma_wait3A_255, %dma_wait3A_256] : memref<10000x64xf32, #tpu.memory_space<hbm>> -> memref<10000x64xf32, #tpu.memory_space<hbm>>
      tpu.wait_indirect_dma semaphore(%arg15 : memref<!tpu.dma_semaphore, #tpu.memory_space<semaphore_mem>>) src(%dma_wait3A_257 : memref<10000x64xf32, #tpu.memory_space<hbm>>) dst(%arg10 : memref<100x64xf32, #tpu.memory_space<vmem>>)
      "tpu.region"() ({
        %run_scoped3A_318 = tpu.sem_alloc : memref<!tpu.dma_semaphore, #tpu.memory_space<semaphore_mem>>
        %dma_start3A_319 = arith.constant 0 : i32
        %dma_start3A_320 = tpu.memref_slice %arg8[%add3A_247, %dma_start3A_319] : memref<100x100xi32, #tpu.memory_space<vmem>> -> memref<1x100xi32, #tpu.memory_space<vmem>>
        %dma_start3A_321 = tpu.memref_squeeze %dma_start3A_320 : memref<1x100xi32, #tpu.memory_space<vmem>> -> memref<100xi32, #tpu.memory_space<vmem>>
        %dma_start3A_322 = arith.constant 0 : i32
        %dma_start3A_323 = arith.constant 0 : i32
        %dma_start3A_324 = tpu.memref_slice %arg13[%dma_start3A_322, %dma_start3A_323] : memref<10240x64xf32, #tpu.memory_space<vmem_shared>> -> memref<10240x64xf32, #tpu.memory_space<vmem_shared>>
        tpu.enqueue_indirect_dma source(%arg10 : memref<100x64xf32, #tpu.memory_space<vmem>>) target(%dma_start3A_324 : memref<10240x64xf32, #tpu.memory_space<vmem_shared>>) offsets(%dma_start3A_321 : memref<100xi32, #tpu.memory_space<vmem>>) semaphore(%run_scoped3A_318 : memref<!tpu.dma_semaphore, #tpu.memory_space<semaphore_mem>>) {add = true}
        %dma_wait3A_325 = arith.constant 0 : i32
        %dma_wait3A_326 = tpu.memref_slice %arg8[%add3A_247, %dma_wait3A_325] : memref<100x100xi32, #tpu.memory_space<vmem>> -> memref<1x100xi32, #tpu.memory_space<vmem>>
        %dma_wait3A_327 = tpu.memref_squeeze %dma_wait3A_326 : memref<1x100xi32, #tpu.memory_space<vmem>> -> memref<100xi32, #tpu.memory_space<vmem>>
        %dma_wait3A_328 = arith.constant 0 : i32
        %dma_wait3A_329 = arith.constant 0 : i32
        %dma_wait3A_330 = tpu.memref_slice %arg13[%dma_wait3A_328, %dma_wait3A_329] : memref<10240x64xf32, #tpu.memory_space<vmem_shared>> -> memref<10240x64xf32, #tpu.memory_space<vmem_shared>>
        tpu.wait_indirect_dma semaphore(%run_scoped3A_318 : memref<!tpu.dma_semaphore, #tpu.memory_space<semaphore_mem>>) src(%arg10 : memref<100x64xf32, #tpu.memory_space<vmem>>) dst(%dma_wait3A_330 : memref<10240x64xf32, #tpu.memory_space<vmem_shared>>)
        tpu.yield
      }) : () -> ()
      %add3A_258 = arith.constant 4 : i32
      %add3A_259 = arith.addi %add3A_247, %add3A_258 : i32
      %dma_start3A_260 = arith.constant 0 : i32
      %dma_start3A_261 = tpu.memref_slice %arg7[%add3A_259, %dma_start3A_260] : memref<100x100xi32, #tpu.memory_space<vmem>> -> memref<1x100xi32, #tpu.memory_space<vmem>>
      %dma_start3A_262 = tpu.memref_squeeze %dma_start3A_261 : memref<1x100xi32, #tpu.memory_space<vmem>> -> memref<100xi32, #tpu.memory_space<vmem>>
      %dma_start3A_263 = arith.constant 0 : i32
      %dma_start3A_264 = arith.constant 0 : i32
      %dma_start3A_265 = tpu.memref_slice %arg2[%arg0, %dma_start3A_263, %dma_start3A_264] : memref<2x10000x64xf32, #tpu.memory_space<hbm>> -> memref<1x10000x64xf32, #tpu.memory_space<hbm>>
      %dma_start3A_266 = tpu.memref_squeeze %dma_start3A_265 : memref<1x10000x64xf32, #tpu.memory_space<hbm>> -> memref<10000x64xf32, #tpu.memory_space<hbm>>
      %dma_start3A_267 = arith.constant 0 : i32
      %dma_start3A_268 = arith.constant 0 : i32
      %dma_start3A_269 = tpu.memref_slice %dma_start3A_266[%dma_start3A_267, %dma_start3A_268] : memref<10000x64xf32, #tpu.memory_space<hbm>> -> memref<10000x64xf32, #tpu.memory_space<hbm>>
      tpu.enqueue_indirect_dma source(%dma_start3A_269 : memref<10000x64xf32, #tpu.memory_space<hbm>>) target(%arg10 : memref<100x64xf32, #tpu.memory_space<vmem>>) offsets(%dma_start3A_262 : memref<100xi32, #tpu.memory_space<vmem>>) semaphore(%arg15 : memref<!tpu.dma_semaphore, #tpu.memory_space<semaphore_mem>>)
      %add3A_270 = arith.constant 2 : i32
      %add3A_271 = arith.addi %mul3A_221, %add3A_270 : i32
      %dma_wait3A_272 = arith.constant 0 : i32
      %dma_wait3A_273 = tpu.memref_slice %arg7[%add3A_271, %dma_wait3A_272] : memref<100x100xi32, #tpu.memory_space<vmem>> -> memref<1x100xi32, #tpu.memory_space<vmem>>
      %dma_wait3A_274 = tpu.memref_squeeze %dma_wait3A_273 : memref<1x100xi32, #tpu.memory_space<vmem>> -> memref<100xi32, #tpu.memory_space<vmem>>
      %dma_wait3A_275 = arith.constant 0 : i32
      %dma_wait3A_276 = arith.constant 0 : i32
      %dma_wait3A_277 = tpu.memref_slice %arg2[%arg0, %dma_wait3A_275, %dma_wait3A_276] : memref<2x10000x64xf32, #tpu.memory_space<hbm>> -> memref<1x10000x64xf32, #tpu.memory_space<hbm>>
      %dma_wait3A_278 = tpu.memref_squeeze %dma_wait3A_277 : memref<1x10000x64xf32, #tpu.memory_space<hbm>> -> memref<10000x64xf32, #tpu.memory_space<hbm>>
      %dma_wait3A_279 = arith.constant 0 : i32
      %dma_wait3A_280 = arith.constant 0 : i32
      %dma_wait3A_281 = tpu.memref_slice %dma_wait3A_278[%dma_wait3A_279, %dma_wait3A_280] : memref<10000x64xf32, #tpu.memory_space<hbm>> -> memref<10000x64xf32, #tpu.memory_space<hbm>>
      tpu.wait_indirect_dma semaphore(%arg16 : memref<!tpu.dma_semaphore, #tpu.memory_space<semaphore_mem>>) src(%dma_wait3A_281 : memref<10000x64xf32, #tpu.memory_space<hbm>>) dst(%arg11 : memref<100x64xf32, #tpu.memory_space<vmem>>)
      "tpu.region"() ({
        %run_scoped3A_318 = tpu.sem_alloc : memref<!tpu.dma_semaphore, #tpu.memory_space<semaphore_mem>>
        %dma_start3A_319 = arith.constant 0 : i32
        %dma_start3A_320 = tpu.memref_slice %arg8[%add3A_271, %dma_start3A_319] : memref<100x100xi32, #tpu.memory_space<vmem>> -> memref<1x100xi32, #tpu.memory_space<vmem>>
        %dma_start3A_321 = tpu.memref_squeeze %dma_start3A_320 : memref<1x100xi32, #tpu.memory_space<vmem>> -> memref<100xi32, #tpu.memory_space<vmem>>
        %dma_start3A_322 = arith.constant 0 : i32
        %dma_start3A_323 = arith.constant 0 : i32
        %dma_start3A_324 = tpu.memref_slice %arg13[%dma_start3A_322, %dma_start3A_323] : memref<10240x64xf32, #tpu.memory_space<vmem_shared>> -> memref<10240x64xf32, #tpu.memory_space<vmem_shared>>
        tpu.enqueue_indirect_dma source(%arg11 : memref<100x64xf32, #tpu.memory_space<vmem>>) target(%dma_start3A_324 : memref<10240x64xf32, #tpu.memory_space<vmem_shared>>) offsets(%dma_start3A_321 : memref<100xi32, #tpu.memory_space<vmem>>) semaphore(%run_scoped3A_318 : memref<!tpu.dma_semaphore, #tpu.memory_space<semaphore_mem>>) {add = true}
        %dma_wait3A_325 = arith.constant 0 : i32
        %dma_wait3A_326 = tpu.memref_slice %arg8[%add3A_271, %dma_wait3A_325] : memref<100x100xi32, #tpu.memory_space<vmem>> -> memref<1x100xi32, #tpu.memory_space<vmem>>
        %dma_wait3A_327 = tpu.memref_squeeze %dma_wait3A_326 : memref<1x100xi32, #tpu.memory_space<vmem>> -> memref<100xi32, #tpu.memory_space<vmem>>
        %dma_wait3A_328 = arith.constant 0 : i32
        %dma_wait3A_329 = arith.constant 0 : i32
        %dma_wait3A_330 = tpu.memref_slice %arg13[%dma_wait3A_328, %dma_wait3A_329] : memref<10240x64xf32, #tpu.memory_space<vmem_shared>> -> memref<10240x64xf32, #tpu.memory_space<vmem_shared>>
        tpu.wait_indirect_dma semaphore(%run_scoped3A_318 : memref<!tpu.dma_semaphore, #tpu.memory_space<semaphore_mem>>) src(%arg11 : memref<100x64xf32, #tpu.memory_space<vmem>>) dst(%dma_wait3A_330 : memref<10240x64xf32, #tpu.memory_space<vmem_shared>>)
        tpu.yield
      }) : () -> ()
      %add3A_282 = arith.constant 4 : i32
      %add3A_283 = arith.addi %add3A_271, %add3A_282 : i32
      %dma_start3A_284 = arith.constant 0 : i32
      %dma_start3A_285 = tpu.memref_slice %arg7[%add3A_283, %dma_start3A_284] : memref<100x100xi32, #tpu.memory_space<vmem>> -> memref<1x100xi32, #tpu.memory_space<vmem>>
      %dma_start3A_286 = tpu.memref_squeeze %dma_start3A_285 : memref<1x100xi32, #tpu.memory_space<vmem>> -> memref<100xi32, #tpu.memory_space<vmem>>
      %dma_start3A_287 = arith.constant 0 : i32
      %dma_start3A_288 = arith.constant 0 : i32
      %dma_start3A_289 = tpu.memref_slice %arg2[%arg0, %dma_start3A_287, %dma_start3A_288] : memref<2x10000x64xf32, #tpu.memory_space<hbm>> -> memref<1x10000x64xf32, #tpu.memory_space<hbm>>
      %dma_start3A_290 = tpu.memref_squeeze %dma_start3A_289 : memref<1x10000x64xf32, #tpu.memory_space<hbm>> -> memref<10000x64xf32, #tpu.memory_space<hbm>>
      %dma_start3A_291 = arith.constant 0 : i32
      %dma_start3A_292 = arith.constant 0 : i32
      %dma_start3A_293 = tpu.memref_slice %dma_start3A_290[%dma_start3A_291, %dma_start3A_292] : memref<10000x64xf32, #tpu.memory_space<hbm>> -> memref<10000x64xf32, #tpu.memory_space<hbm>>
      tpu.enqueue_indirect_dma source(%dma_start3A_293 : memref<10000x64xf32, #tpu.memory_space<hbm>>) target(%arg11 : memref<100x64xf32, #tpu.memory_space<vmem>>) offsets(%dma_start3A_286 : memref<100xi32, #tpu.memory_space<vmem>>) semaphore(%arg16 : memref<!tpu.dma_semaphore, #tpu.memory_space<semaphore_mem>>)
      %add3A_294 = arith.constant 3 : i32
      %add3A_295 = arith.addi %mul3A_221, %add3A_294 : i32
      %dma_wait3A_296 = arith.constant 0 : i32
      %dma_wait3A_297 = tpu.memref_slice %arg7[%add3A_295, %dma_wait3A_296] : memref<100x100xi32, #tpu.memory_space<vmem>> -> memref<1x100xi32, #tpu.memory_space<vmem>>
      %dma_wait3A_298 = tpu.memref_squeeze %dma_wait3A_297 : memref<1x100xi32, #tpu.memory_space<vmem>> -> memref<100xi32, #tpu.memory_space<vmem>>
      %dma_wait3A_299 = arith.constant 0 : i32
      %dma_wait3A_300 = arith.constant 0 : i32
      %dma_wait3A_301 = tpu.memref_slice %arg2[%arg0, %dma_wait3A_299, %dma_wait3A_300] : memref<2x10000x64xf32, #tpu.memory_space<hbm>> -> memref<1x10000x64xf32, #tpu.memory_space<hbm>>
      %dma_wait3A_302 = tpu.memref_squeeze %dma_wait3A_301 : memref<1x10000x64xf32, #tpu.memory_space<hbm>> -> memref<10000x64xf32, #tpu.memory_space<hbm>>
      %dma_wait3A_303 = arith.constant 0 : i32
      %dma_wait3A_304 = arith.constant 0 : i32
      %dma_wait3A_305 = tpu.memref_slice %dma_wait3A_302[%dma_wait3A_303, %dma_wait3A_304] : memref<10000x64xf32, #tpu.memory_space<hbm>> -> memref<10000x64xf32, #tpu.memory_space<hbm>>
      tpu.wait_indirect_dma semaphore(%arg17 : memref<!tpu.dma_semaphore, #tpu.memory_space<semaphore_mem>>) src(%dma_wait3A_305 : memref<10000x64xf32, #tpu.memory_space<hbm>>) dst(%arg12 : memref<100x64xf32, #tpu.memory_space<vmem>>)
      "tpu.region"() ({
        %run_scoped3A_318 = tpu.sem_alloc : memref<!tpu.dma_semaphore, #tpu.memory_space<semaphore_mem>>
        %dma_start3A_319 = arith.constant 0 : i32
        %dma_start3A_320 = tpu.memref_slice %arg8[%add3A_295, %dma_start3A_319] : memref<100x100xi32, #tpu.memory_space<vmem>> -> memref<1x100xi32, #tpu.memory_space<vmem>>
        %dma_start3A_321 = tpu.memref_squeeze %dma_start3A_320 : memref<1x100xi32, #tpu.memory_space<vmem>> -> memref<100xi32, #tpu.memory_space<vmem>>
        %dma_start3A_322 = arith.constant 0 : i32
        %dma_start3A_323 = arith.constant 0 : i32
        %dma_start3A_324 = tpu.memref_slice %arg13[%dma_start3A_322, %dma_start3A_323] : memref<10240x64xf32, #tpu.memory_space<vmem_shared>> -> memref<10240x64xf32, #tpu.memory_space<vmem_shared>>
        tpu.enqueue_indirect_dma source(%arg12 : memref<100x64xf32, #tpu.memory_space<vmem>>) target(%dma_start3A_324 : memref<10240x64xf32, #tpu.memory_space<vmem_shared>>) offsets(%dma_start3A_321 : memref<100xi32, #tpu.memory_space<vmem>>) semaphore(%run_scoped3A_318 : memref<!tpu.dma_semaphore, #tpu.memory_space<semaphore_mem>>) {add = true}
        %dma_wait3A_325 = arith.constant 0 : i32
        %dma_wait3A_326 = tpu.memref_slice %arg8[%add3A_295, %dma_wait3A_325] : memref<100x100xi32, #tpu.memory_space<vmem>> -> memref<1x100xi32, #tpu.memory_space<vmem>>
        %dma_wait3A_327 = tpu.memref_squeeze %dma_wait3A_326 : memref<1x100xi32, #tpu.memory_space<vmem>> -> memref<100xi32, #tpu.memory_space<vmem>>
        %dma_wait3A_328 = arith.constant 0 : i32
        %dma_wait3A_329 = arith.constant 0 : i32
        %dma_wait3A_330 = tpu.memref_slice %arg13[%dma_wait3A_328, %dma_wait3A_329] : memref<10240x64xf32, #tpu.memory_space<vmem_shared>> -> memref<10240x64xf32, #tpu.memory_space<vmem_shared>>
        tpu.wait_indirect_dma semaphore(%run_scoped3A_318 : memref<!tpu.dma_semaphore, #tpu.memory_space<semaphore_mem>>) src(%arg12 : memref<100x64xf32, #tpu.memory_space<vmem>>) dst(%dma_wait3A_330 : memref<10240x64xf32, #tpu.memory_space<vmem_shared>>)
        tpu.yield
      }) : () -> ()
      %add3A_306 = arith.constant 4 : i32
      %add3A_307 = arith.addi %add3A_295, %add3A_306 : i32
      %dma_start3A_308 = arith.constant 0 : i32
      %dma_start3A_309 = tpu.memref_slice %arg7[%add3A_307, %dma_start3A_308] : memref<100x100xi32, #tpu.memory_space<vmem>> -> memref<1x100xi32, #tpu.memory_space<vmem>>
      %dma_start3A_310 = tpu.memref_squeeze %dma_start3A_309 : memref<1x100xi32, #tpu.memory_space<vmem>> -> memref<100xi32, #tpu.memory_space<vmem>>
      %dma_start3A_311 = arith.constant 0 : i32
      %dma_start3A_312 = arith.constant 0 : i32
      %dma_start3A_313 = tpu.memref_slice %arg2[%arg0, %dma_start3A_311, %dma_start3A_312] : memref<2x10000x64xf32, #tpu.memory_space<hbm>> -> memref<1x10000x64xf32, #tpu.memory_space<hbm>>
      %dma_start3A_314 = tpu.memref_squeeze %dma_start3A_313 : memref<1x10000x64xf32, #tpu.memory_space<hbm>> -> memref<10000x64xf32, #tpu.memory_space<hbm>>
      %dma_start3A_315 = arith.constant 0 : i32
      %dma_start3A_316 = arith.constant 0 : i32
      %dma_start3A_317 = tpu.memref_slice %dma_start3A_314[%dma_start3A_315, %dma_start3A_316] : memref<10000x64xf32, #tpu.memory_space<hbm>> -> memref<10000x64xf32, #tpu.memory_space<hbm>>
      tpu.enqueue_indirect_dma source(%dma_start3A_317 : memref<10000x64xf32, #tpu.memory_space<hbm>>) target(%arg12 : memref<100x64xf32, #tpu.memory_space<vmem>>) offsets(%dma_start3A_310 : memref<100xi32, #tpu.memory_space<vmem>>) semaphore(%arg17 : memref<!tpu.dma_semaphore, #tpu.memory_space<semaphore_mem>>)
    }
    %scan3A_66 = arith.constant 24 : i32
    %dma_wait3A = arith.constant 96 : i32
    %dma_wait3A_67 = arith.constant 0 : i32
    %dma_wait3A_68 = tpu.memref_slice %arg7[%dma_wait3A, %dma_wait3A_67] : memref<100x100xi32, #tpu.memory_space<vmem>> -> memref<1x100xi32, #tpu.memory_space<vmem>>
    %dma_wait3A_69 = tpu.memref_squeeze %dma_wait3A_68 : memref<1x100xi32, #tpu.memory_space<vmem>> -> memref<100xi32, #tpu.memory_space<vmem>>
    %dma_wait3A_70 = arith.constant 0 : i32
    %dma_wait3A_71 = arith.constant 0 : i32
    %dma_wait3A_72 = tpu.memref_slice %arg2[%arg0, %dma_wait3A_70, %dma_wait3A_71] : memref<2x10000x64xf32, #tpu.memory_space<hbm>> -> memref<1x10000x64xf32, #tpu.memory_space<hbm>>
    %dma_wait3A_73 = tpu.memref_squeeze %dma_wait3A_72 : memref<1x10000x64xf32, #tpu.memory_space<hbm>> -> memref<10000x64xf32, #tpu.memory_space<hbm>>
    %dma_wait3A_74 = arith.constant 0 : i32
    %dma_wait3A_75 = arith.constant 0 : i32
    %dma_wait3A_76 = tpu.memref_slice %dma_wait3A_73[%dma_wait3A_74, %dma_wait3A_75] : memref<10000x64xf32, #tpu.memory_space<hbm>> -> memref<10000x64xf32, #tpu.memory_space<hbm>>
    tpu.wait_indirect_dma semaphore(%arg14 : memref<!tpu.dma_semaphore, #tpu.memory_space<semaphore_mem>>) src(%dma_wait3A_76 : memref<10000x64xf32, #tpu.memory_space<hbm>>) dst(%arg9 : memref<100x64xf32, #tpu.memory_space<vmem>>)
    %run_scoped3A_77 = arith.constant 96 : i32
    "tpu.region"() ({
      %run_scoped3A_219 = tpu.sem_alloc : memref<!tpu.dma_semaphore, #tpu.memory_space<semaphore_mem>>
      %dma_start3A_220 = arith.constant 0 : i32
      %dma_start3A_221 = tpu.memref_slice %arg8[%run_scoped3A_77, %dma_start3A_220] : memref<100x100xi32, #tpu.memory_space<vmem>> -> memref<1x100xi32, #tpu.memory_space<vmem>>
      %dma_start3A_222 = tpu.memref_squeeze %dma_start3A_221 : memref<1x100xi32, #tpu.memory_space<vmem>> -> memref<100xi32, #tpu.memory_space<vmem>>
      %dma_start3A_223 = arith.constant 0 : i32
      %dma_start3A_224 = arith.constant 0 : i32
      %dma_start3A_225 = tpu.memref_slice %arg13[%dma_start3A_223, %dma_start3A_224] : memref<10240x64xf32, #tpu.memory_space<vmem_shared>> -> memref<10240x64xf32, #tpu.memory_space<vmem_shared>>
      tpu.enqueue_indirect_dma source(%arg9 : memref<100x64xf32, #tpu.memory_space<vmem>>) target(%dma_start3A_225 : memref<10240x64xf32, #tpu.memory_space<vmem_shared>>) offsets(%dma_start3A_222 : memref<100xi32, #tpu.memory_space<vmem>>) semaphore(%run_scoped3A_219 : memref<!tpu.dma_semaphore, #tpu.memory_space<semaphore_mem>>) {add = true}
      %dma_wait3A_226 = arith.constant 0 : i32
      %dma_wait3A_227 = tpu.memref_slice %arg8[%run_scoped3A_77, %dma_wait3A_226] : memref<100x100xi32, #tpu.memory_space<vmem>> -> memref<1x100xi32, #tpu.memory_space<vmem>>
      %dma_wait3A_228 = tpu.memref_squeeze %dma_wait3A_227 : memref<1x100xi32, #tpu.memory_space<vmem>> -> memref<100xi32, #tpu.memory_space<vmem>>
      %dma_wait3A_229 = arith.constant 0 : i32
      %dma_wait3A_230 = arith.constant 0 : i32
      %dma_wait3A_231 = tpu.memref_slice %arg13[%dma_wait3A_229, %dma_wait3A_230] : memref<10240x64xf32, #tpu.memory_space<vmem_shared>> -> memref<10240x64xf32, #tpu.memory_space<vmem_shared>>
      tpu.wait_indirect_dma semaphore(%run_scoped3A_219 : memref<!tpu.dma_semaphore, #tpu.memory_space<semaphore_mem>>) src(%arg9 : memref<100x64xf32, #tpu.memory_space<vmem>>) dst(%dma_wait3A_231 : memref<10240x64xf32, #tpu.memory_space<vmem_shared>>)
      tpu.yield
    }) : () -> ()
    %dma_wait3A_78 = arith.constant 97 : i32
    %dma_wait3A_79 = arith.constant 0 : i32
    %dma_wait3A_80 = tpu.memref_slice %arg7[%dma_wait3A_78, %dma_wait3A_79] : memref<100x100xi32, #tpu.memory_space<vmem>> -> memref<1x100xi32, #tpu.memory_space<vmem>>
    %dma_wait3A_81 = tpu.memref_squeeze %dma_wait3A_80 : memref<1x100xi32, #tpu.memory_space<vmem>> -> memref<100xi32, #tpu.memory_space<vmem>>
    %dma_wait3A_82 = arith.constant 0 : i32
    %dma_wait3A_83 = arith.constant 0 : i32
    %dma_wait3A_84 = tpu.memref_slice %arg2[%arg0, %dma_wait3A_82, %dma_wait3A_83] : memref<2x10000x64xf32, #tpu.memory_space<hbm>> -> memref<1x10000x64xf32, #tpu.memory_space<hbm>>
    %dma_wait3A_85 = tpu.memref_squeeze %dma_wait3A_84 : memref<1x10000x64xf32, #tpu.memory_space<hbm>> -> memref<10000x64xf32, #tpu.memory_space<hbm>>
    %dma_wait3A_86 = arith.constant 0 : i32
    %dma_wait3A_87 = arith.constant 0 : i32
    %dma_wait3A_88 = tpu.memref_slice %dma_wait3A_85[%dma_wait3A_86, %dma_wait3A_87] : memref<10000x64xf32, #tpu.memory_space<hbm>> -> memref<10000x64xf32, #tpu.memory_space<hbm>>
    tpu.wait_indirect_dma semaphore(%arg15 : memref<!tpu.dma_semaphore, #tpu.memory_space<semaphore_mem>>) src(%dma_wait3A_88 : memref<10000x64xf32, #tpu.memory_space<hbm>>) dst(%arg10 : memref<100x64xf32, #tpu.memory_space<vmem>>)
    %run_scoped3A_89 = arith.constant 97 : i32
    "tpu.region"() ({
      %run_scoped3A_219 = tpu.sem_alloc : memref<!tpu.dma_semaphore, #tpu.memory_space<semaphore_mem>>
      %dma_start3A_220 = arith.constant 0 : i32
      %dma_start3A_221 = tpu.memref_slice %arg8[%run_scoped3A_89, %dma_start3A_220] : memref<100x100xi32, #tpu.memory_space<vmem>> -> memref<1x100xi32, #tpu.memory_space<vmem>>
      %dma_start3A_222 = tpu.memref_squeeze %dma_start3A_221 : memref<1x100xi32, #tpu.memory_space<vmem>> -> memref<100xi32, #tpu.memory_space<vmem>>
      %dma_start3A_223 = arith.constant 0 : i32
      %dma_start3A_224 = arith.constant 0 : i32
      %dma_start3A_225 = tpu.memref_slice %arg13[%dma_start3A_223, %dma_start3A_224] : memref<10240x64xf32, #tpu.memory_space<vmem_shared>> -> memref<10240x64xf32, #tpu.memory_space<vmem_shared>>
      tpu.enqueue_indirect_dma source(%arg10 : memref<100x64xf32, #tpu.memory_space<vmem>>) target(%dma_start3A_225 : memref<10240x64xf32, #tpu.memory_space<vmem_shared>>) offsets(%dma_start3A_222 : memref<100xi32, #tpu.memory_space<vmem>>) semaphore(%run_scoped3A_219 : memref<!tpu.dma_semaphore, #tpu.memory_space<semaphore_mem>>) {add = true}
      %dma_wait3A_226 = arith.constant 0 : i32
      %dma_wait3A_227 = tpu.memref_slice %arg8[%run_scoped3A_89, %dma_wait3A_226] : memref<100x100xi32, #tpu.memory_space<vmem>> -> memref<1x100xi32, #tpu.memory_space<vmem>>
      %dma_wait3A_228 = tpu.memref_squeeze %dma_wait3A_227 : memref<1x100xi32, #tpu.memory_space<vmem>> -> memref<100xi32, #tpu.memory_space<vmem>>
      %dma_wait3A_229 = arith.constant 0 : i32
      %dma_wait3A_230 = arith.constant 0 : i32
      %dma_wait3A_231 = tpu.memref_slice %arg13[%dma_wait3A_229, %dma_wait3A_230] : memref<10240x64xf32, #tpu.memory_space<vmem_shared>> -> memref<10240x64xf32, #tpu.memory_space<vmem_shared>>
      tpu.wait_indirect_dma semaphore(%run_scoped3A_219 : memref<!tpu.dma_semaphore, #tpu.memory_space<semaphore_mem>>) src(%arg10 : memref<100x64xf32, #tpu.memory_space<vmem>>) dst(%dma_wait3A_231 : memref<10240x64xf32, #tpu.memory_space<vmem_shared>>)
      tpu.yield
    }) : () -> ()
    %dma_wait3A_90 = arith.constant 98 : i32
    %dma_wait3A_91 = arith.constant 0 : i32
    %dma_wait3A_92 = tpu.memref_slice %arg7[%dma_wait3A_90, %dma_wait3A_91] : memref<100x100xi32, #tpu.memory_space<vmem>> -> memref<1x100xi32, #tpu.memory_space<vmem>>
    %dma_wait3A_93 = tpu.memref_squeeze %dma_wait3A_92 : memref<1x100xi32, #tpu.memory_space<vmem>> -> memref<100xi32, #tpu.memory_space<vmem>>
    %dma_wait3A_94 = arith.constant 0 : i32
    %dma_wait3A_95 = arith.constant 0 : i32
    %dma_wait3A_96 = tpu.memref_slice %arg2[%arg0, %dma_wait3A_94, %dma_wait3A_95] : memref<2x10000x64xf32, #tpu.memory_space<hbm>> -> memref<1x10000x64xf32, #tpu.memory_space<hbm>>
    %dma_wait3A_97 = tpu.memref_squeeze %dma_wait3A_96 : memref<1x10000x64xf32, #tpu.memory_space<hbm>> -> memref<10000x64xf32, #tpu.memory_space<hbm>>
    %dma_wait3A_98 = arith.constant 0 : i32
    %dma_wait3A_99 = arith.constant 0 : i32
    %dma_wait3A_100 = tpu.memref_slice %dma_wait3A_97[%dma_wait3A_98, %dma_wait3A_99] : memref<10000x64xf32, #tpu.memory_space<hbm>> -> memref<10000x64xf32, #tpu.memory_space<hbm>>
    tpu.wait_indirect_dma semaphore(%arg16 : memref<!tpu.dma_semaphore, #tpu.memory_space<semaphore_mem>>) src(%dma_wait3A_100 : memref<10000x64xf32, #tpu.memory_space<hbm>>) dst(%arg11 : memref<100x64xf32, #tpu.memory_space<vmem>>)
    %run_scoped3A_101 = arith.constant 98 : i32
    "tpu.region"() ({
      %run_scoped3A_219 = tpu.sem_alloc : memref<!tpu.dma_semaphore, #tpu.memory_space<semaphore_mem>>
      %dma_start3A_220 = arith.constant 0 : i32
      %dma_start3A_221 = tpu.memref_slice %arg8[%run_scoped3A_101, %dma_start3A_220] : memref<100x100xi32, #tpu.memory_space<vmem>> -> memref<1x100xi32, #tpu.memory_space<vmem>>
      %dma_start3A_222 = tpu.memref_squeeze %dma_start3A_221 : memref<1x100xi32, #tpu.memory_space<vmem>> -> memref<100xi32, #tpu.memory_space<vmem>>
      %dma_start3A_223 = arith.constant 0 : i32
      %dma_start3A_224 = arith.constant 0 : i32
      %dma_start3A_225 = tpu.memref_slice %arg13[%dma_start3A_223, %dma_start3A_224] : memref<10240x64xf32, #tpu.memory_space<vmem_shared>> -> memref<10240x64xf32, #tpu.memory_space<vmem_shared>>
      tpu.enqueue_indirect_dma source(%arg11 : memref<100x64xf32, #tpu.memory_space<vmem>>) target(%dma_start3A_225 : memref<10240x64xf32, #tpu.memory_space<vmem_shared>>) offsets(%dma_start3A_222 : memref<100xi32, #tpu.memory_space<vmem>>) semaphore(%run_scoped3A_219 : memref<!tpu.dma_semaphore, #tpu.memory_space<semaphore_mem>>) {add = true}
      %dma_wait3A_226 = arith.constant 0 : i32
      %dma_wait3A_227 = tpu.memref_slice %arg8[%run_scoped3A_101, %dma_wait3A_226] : memref<100x100xi32, #tpu.memory_space<vmem>> -> memref<1x100xi32, #tpu.memory_space<vmem>>
      %dma_wait3A_228 = tpu.memref_squeeze %dma_wait3A_227 : memref<1x100xi32, #tpu.memory_space<vmem>> -> memref<100xi32, #tpu.memory_space<vmem>>
      %dma_wait3A_229 = arith.constant 0 : i32
      %dma_wait3A_230 = arith.constant 0 : i32
      %dma_wait3A_231 = tpu.memref_slice %arg13[%dma_wait3A_229, %dma_wait3A_230] : memref<10240x64xf32, #tpu.memory_space<vmem_shared>> -> memref<10240x64xf32, #tpu.memory_space<vmem_shared>>
      tpu.wait_indirect_dma semaphore(%run_scoped3A_219 : memref<!tpu.dma_semaphore, #tpu.memory_space<semaphore_mem>>) src(%arg11 : memref<100x64xf32, #tpu.memory_space<vmem>>) dst(%dma_wait3A_231 : memref<10240x64xf32, #tpu.memory_space<vmem_shared>>)
      tpu.yield
    }) : () -> ()
    %dma_wait3A_102 = arith.constant 99 : i32
    %dma_wait3A_103 = arith.constant 0 : i32
    %dma_wait3A_104 = tpu.memref_slice %arg7[%dma_wait3A_102, %dma_wait3A_103] : memref<100x100xi32, #tpu.memory_space<vmem>> -> memref<1x100xi32, #tpu.memory_space<vmem>>
    %dma_wait3A_105 = tpu.memref_squeeze %dma_wait3A_104 : memref<1x100xi32, #tpu.memory_space<vmem>> -> memref<100xi32, #tpu.memory_space<vmem>>
    %dma_wait3A_106 = arith.constant 0 : i32
    %dma_wait3A_107 = arith.constant 0 : i32
    %dma_wait3A_108 = tpu.memref_slice %arg2[%arg0, %dma_wait3A_106, %dma_wait3A_107] : memref<2x10000x64xf32, #tpu.memory_space<hbm>> -> memref<1x10000x64xf32, #tpu.memory_space<hbm>>
    %dma_wait3A_109 = tpu.memref_squeeze %dma_wait3A_108 : memref<1x10000x64xf32, #tpu.memory_space<hbm>> -> memref<10000x64xf32, #tpu.memory_space<hbm>>
    %dma_wait3A_110 = arith.constant 0 : i32
    %dma_wait3A_111 = arith.constant 0 : i32
    %dma_wait3A_112 = tpu.memref_slice %dma_wait3A_109[%dma_wait3A_110, %dma_wait3A_111] : memref<10000x64xf32, #tpu.memory_space<hbm>> -> memref<10000x64xf32, #tpu.memory_space<hbm>>
    tpu.wait_indirect_dma semaphore(%arg17 : memref<!tpu.dma_semaphore, #tpu.memory_space<semaphore_mem>>) src(%dma_wait3A_112 : memref<10000x64xf32, #tpu.memory_space<hbm>>) dst(%arg12 : memref<100x64xf32, #tpu.memory_space<vmem>>)
    %run_scoped3A_113 = arith.constant 99 : i32
    "tpu.region"() ({
      %run_scoped3A_219 = tpu.sem_alloc : memref<!tpu.dma_semaphore, #tpu.memory_space<semaphore_mem>>
      %dma_start3A_220 = arith.constant 0 : i32
      %dma_start3A_221 = tpu.memref_slice %arg8[%run_scoped3A_113, %dma_start3A_220] : memref<100x100xi32, #tpu.memory_space<vmem>> -> memref<1x100xi32, #tpu.memory_space<vmem>>
      %dma_start3A_222 = tpu.memref_squeeze %dma_start3A_221 : memref<1x100xi32, #tpu.memory_space<vmem>> -> memref<100xi32, #tpu.memory_space<vmem>>
      %dma_start3A_223 = arith.constant 0 : i32
      %dma_start3A_224 = arith.constant 0 : i32
      %dma_start3A_225 = tpu.memref_slice %arg13[%dma_start3A_223, %dma_start3A_224] : memref<10240x64xf32, #tpu.memory_space<vmem_shared>> -> memref<10240x64xf32, #tpu.memory_space<vmem_shared>>
      tpu.enqueue_indirect_dma source(%arg12 : memref<100x64xf32, #tpu.memory_space<vmem>>) target(%dma_start3A_225 : memref<10240x64xf32, #tpu.memory_space<vmem_shared>>) offsets(%dma_start3A_222 : memref<100xi32, #tpu.memory_space<vmem>>) semaphore(%run_scoped3A_219 : memref<!tpu.dma_semaphore, #tpu.memory_space<semaphore_mem>>) {add = true}
      %dma_wait3A_226 = arith.constant 0 : i32
      %dma_wait3A_227 = tpu.memref_slice %arg8[%run_scoped3A_113, %dma_wait3A_226] : memref<100x100xi32, #tpu.memory_space<vmem>> -> memref<1x100xi32, #tpu.memory_space<vmem>>
      %dma_wait3A_228 = tpu.memref_squeeze %dma_wait3A_227 : memref<1x100xi32, #tpu.memory_space<vmem>> -> memref<100xi32, #tpu.memory_space<vmem>>
      %dma_wait3A_229 = arith.constant 0 : i32
      %dma_wait3A_230 = arith.constant 0 : i32
      %dma_wait3A_231 = tpu.memref_slice %arg13[%dma_wait3A_229, %dma_wait3A_230] : memref<10240x64xf32, #tpu.memory_space<vmem_shared>> -> memref<10240x64xf32, #tpu.memory_space<vmem_shared>>
      tpu.wait_indirect_dma semaphore(%run_scoped3A_219 : memref<!tpu.dma_semaphore, #tpu.memory_space<semaphore_mem>>) src(%arg12 : memref<100x64xf32, #tpu.memory_space<vmem>>) dst(%dma_wait3A_231 : memref<10240x64xf32, #tpu.memory_space<vmem_shared>>)
      tpu.yield
    }) : () -> ()
    %run_scoped3A_114 = arith.constant 1 : i32
    "tpu.region"() ({
      %run_scoped3A_219 = tpu.sem_alloc : memref<!tpu.dma_semaphore, #tpu.memory_space<semaphore_mem>>
      %dma_start3A_220 = arith.constant 0 : i32
      %dma_start3A_221 = arith.constant 0 : i32
      %dma_start3A_222 = tpu.memref_slice %arg3[%arg1, %run_scoped3A_114, %dma_start3A_220, %dma_start3A_221] : memref<16x2x100x100xi32, #tpu.memory_space<hbm>> -> memref<1x1x100x100xi32, #tpu.memory_space<hbm>>
      %dma_start3A_223 = tpu.memref_squeeze %dma_start3A_222 : memref<1x1x100x100xi32, #tpu.memory_space<hbm>> -> memref<100x100xi32, #tpu.memory_space<hbm>>
      %dma_start3A_224 = arith.constant 0 : i32
      %dma_start3A_225 = arith.constant 0 : i32
      %dma_start3A_226 = tpu.memref_slice %arg3[%arg1, %run_scoped3A_114, %dma_start3A_224, %dma_start3A_225] : memref<16x2x100x100xi32, #tpu.memory_space<hbm>> -> memref<1x1x100x100xi32, #tpu.memory_space<hbm>>
      %dma_start3A_227 = tpu.memref_squeeze %dma_start3A_226 : memref<1x1x100x100xi32, #tpu.memory_space<hbm>> -> memref<100x100xi32, #tpu.memory_space<hbm>>
      tpu.enqueue_dma source(%dma_start3A_227 : memref<100x100xi32, #tpu.memory_space<hbm>>) target(%arg7 : memref<100x100xi32, #tpu.memory_space<vmem>>) target_semaphore(%run_scoped3A_219 : memref<!tpu.dma_semaphore, #tpu.memory_space<semaphore_mem>>)
      %dma_wait3A_228 = arith.constant 0 : i32
      %dma_wait3A_229 = arith.constant 0 : i32
      %dma_wait3A_230 = tpu.memref_slice %arg3[%arg1, %run_scoped3A_114, %dma_wait3A_228, %dma_wait3A_229] : memref<16x2x100x100xi32, #tpu.memory_space<hbm>> -> memref<1x1x100x100xi32, #tpu.memory_space<hbm>>
      %dma_wait3A_231 = tpu.memref_squeeze %dma_wait3A_230 : memref<1x1x100x100xi32, #tpu.memory_space<hbm>> -> memref<100x100xi32, #tpu.memory_space<hbm>>
      %dma_wait3A_232 = arith.constant 0 : i32
      %dma_wait3A_233 = arith.constant 0 : i32
      %dma_wait3A_234 = tpu.memref_slice %arg3[%arg1, %run_scoped3A_114, %dma_wait3A_232, %dma_wait3A_233] : memref<16x2x100x100xi32, #tpu.memory_space<hbm>> -> memref<1x1x100x100xi32, #tpu.memory_space<hbm>>
      %dma_wait3A_235 = tpu.memref_squeeze %dma_wait3A_234 : memref<1x1x100x100xi32, #tpu.memory_space<hbm>> -> memref<100x100xi32, #tpu.memory_space<hbm>>
      tpu.wait_dma2 semaphore(%run_scoped3A_219 : memref<!tpu.dma_semaphore, #tpu.memory_space<semaphore_mem>>) src(%dma_wait3A_235 : memref<100x100xi32, #tpu.memory_space<hbm>>) dst(%arg7 : memref<100x100xi32, #tpu.memory_space<vmem>>)
      tpu.yield
    }) : () -> ()
    %run_scoped3A_115 = arith.constant 1 : i32
    "tpu.region"() ({
      %run_scoped3A_219 = tpu.sem_alloc : memref<!tpu.dma_semaphore, #tpu.memory_space<semaphore_mem>>
      %dma_start3A_220 = arith.constant 0 : i32
      %dma_start3A_221 = arith.constant 0 : i32
      %dma_start3A_222 = tpu.memref_slice %arg4[%arg1, %run_scoped3A_115, %dma_start3A_220, %dma_start3A_221] : memref<16x2x100x100xi32, #tpu.memory_space<hbm>> -> memref<1x1x100x100xi32, #tpu.memory_space<hbm>>
      %dma_start3A_223 = tpu.memref_squeeze %dma_start3A_222 : memref<1x1x100x100xi32, #tpu.memory_space<hbm>> -> memref<100x100xi32, #tpu.memory_space<hbm>>
      %dma_start3A_224 = arith.constant 0 : i32
      %dma_start3A_225 = arith.constant 0 : i32
      %dma_start3A_226 = tpu.memref_slice %arg4[%arg1, %run_scoped3A_115, %dma_start3A_224, %dma_start3A_225] : memref<16x2x100x100xi32, #tpu.memory_space<hbm>> -> memref<1x1x100x100xi32, #tpu.memory_space<hbm>>
      %dma_start3A_227 = tpu.memref_squeeze %dma_start3A_226 : memref<1x1x100x100xi32, #tpu.memory_space<hbm>> -> memref<100x100xi32, #tpu.memory_space<hbm>>
      tpu.enqueue_dma source(%dma_start3A_227 : memref<100x100xi32, #tpu.memory_space<hbm>>) target(%arg8 : memref<100x100xi32, #tpu.memory_space<vmem>>) target_semaphore(%run_scoped3A_219 : memref<!tpu.dma_semaphore, #tpu.memory_space<semaphore_mem>>)
      %dma_wait3A_228 = arith.constant 0 : i32
      %dma_wait3A_229 = arith.constant 0 : i32
      %dma_wait3A_230 = tpu.memref_slice %arg4[%arg1, %run_scoped3A_115, %dma_wait3A_228, %dma_wait3A_229] : memref<16x2x100x100xi32, #tpu.memory_space<hbm>> -> memref<1x1x100x100xi32, #tpu.memory_space<hbm>>
      %dma_wait3A_231 = tpu.memref_squeeze %dma_wait3A_230 : memref<1x1x100x100xi32, #tpu.memory_space<hbm>> -> memref<100x100xi32, #tpu.memory_space<hbm>>
      %dma_wait3A_232 = arith.constant 0 : i32
      %dma_wait3A_233 = arith.constant 0 : i32
      %dma_wait3A_234 = tpu.memref_slice %arg4[%arg1, %run_scoped3A_115, %dma_wait3A_232, %dma_wait3A_233] : memref<16x2x100x100xi32, #tpu.memory_space<hbm>> -> memref<1x1x100x100xi32, #tpu.memory_space<hbm>>
      %dma_wait3A_235 = tpu.memref_squeeze %dma_wait3A_234 : memref<1x1x100x100xi32, #tpu.memory_space<hbm>> -> memref<100x100xi32, #tpu.memory_space<hbm>>
      tpu.wait_dma2 semaphore(%run_scoped3A_219 : memref<!tpu.dma_semaphore, #tpu.memory_space<semaphore_mem>>) src(%dma_wait3A_235 : memref<100x100xi32, #tpu.memory_space<hbm>>) dst(%arg8 : memref<100x100xi32, #tpu.memory_space<vmem>>)
      tpu.yield
    }) : () -> ()
    %dma_start3A_116 = arith.constant 0 : i32
    %dma_start3A_117 = arith.constant 0 : i32
    %dma_start3A_118 = tpu.memref_slice %arg7[%dma_start3A_116, %dma_start3A_117] : memref<100x100xi32, #tpu.memory_space<vmem>> -> memref<1x100xi32, #tpu.memory_space<vmem>>
    %dma_start3A_119 = tpu.memref_squeeze %dma_start3A_118 : memref<1x100xi32, #tpu.memory_space<vmem>> -> memref<100xi32, #tpu.memory_space<vmem>>
    %dma_start3A_120 = arith.constant 0 : i32
    %dma_start3A_121 = arith.constant 0 : i32
    %dma_start3A_122 = tpu.memref_slice %arg2[%arg0, %dma_start3A_120, %dma_start3A_121] : memref<2x10000x64xf32, #tpu.memory_space<hbm>> -> memref<1x10000x64xf32, #tpu.memory_space<hbm>>
    %dma_start3A_123 = tpu.memref_squeeze %dma_start3A_122 : memref<1x10000x64xf32, #tpu.memory_space<hbm>> -> memref<10000x64xf32, #tpu.memory_space<hbm>>
    %dma_start3A_124 = arith.constant 0 : i32
    %dma_start3A_125 = arith.constant 0 : i32
    %dma_start3A_126 = tpu.memref_slice %dma_start3A_123[%dma_start3A_124, %dma_start3A_125] : memref<10000x64xf32, #tpu.memory_space<hbm>> -> memref<10000x64xf32, #tpu.memory_space<hbm>>
    tpu.enqueue_indirect_dma source(%dma_start3A_126 : memref<10000x64xf32, #tpu.memory_space<hbm>>) target(%arg9 : memref<100x64xf32, #tpu.memory_space<vmem>>) offsets(%dma_start3A_119 : memref<100xi32, #tpu.memory_space<vmem>>) semaphore(%arg14 : memref<!tpu.dma_semaphore, #tpu.memory_space<semaphore_mem>>)
    %dma_start3A_127 = arith.constant 1 : i32
    %dma_start3A_128 = arith.constant 0 : i32
    %dma_start3A_129 = tpu.memref_slice %arg7[%dma_start3A_127, %dma_start3A_128] : memref<100x100xi32, #tpu.memory_space<vmem>> -> memref<1x100xi32, #tpu.memory_space<vmem>>
    %dma_start3A_130 = tpu.memref_squeeze %dma_start3A_129 : memref<1x100xi32, #tpu.memory_space<vmem>> -> memref<100xi32, #tpu.memory_space<vmem>>
    %dma_start3A_131 = arith.constant 0 : i32
    %dma_start3A_132 = arith.constant 0 : i32
    %dma_start3A_133 = tpu.memref_slice %arg2[%arg0, %dma_start3A_131, %dma_start3A_132] : memref<2x10000x64xf32, #tpu.memory_space<hbm>> -> memref<1x10000x64xf32, #tpu.memory_space<hbm>>
    %dma_start3A_134 = tpu.memref_squeeze %dma_start3A_133 : memref<1x10000x64xf32, #tpu.memory_space<hbm>> -> memref<10000x64xf32, #tpu.memory_space<hbm>>
    %dma_start3A_135 = arith.constant 0 : i32
    %dma_start3A_136 = arith.constant 0 : i32
    %dma_start3A_137 = tpu.memref_slice %dma_start3A_134[%dma_start3A_135, %dma_start3A_136] : memref<10000x64xf32, #tpu.memory_space<hbm>> -> memref<10000x64xf32, #tpu.memory_space<hbm>>
    tpu.enqueue_indirect_dma source(%dma_start3A_137 : memref<10000x64xf32, #tpu.memory_space<hbm>>) target(%arg10 : memref<100x64xf32, #tpu.memory_space<vmem>>) offsets(%dma_start3A_130 : memref<100xi32, #tpu.memory_space<vmem>>) semaphore(%arg15 : memref<!tpu.dma_semaphore, #tpu.memory_space<semaphore_mem>>)
    %dma_start3A_138 = arith.constant 2 : i32
    %dma_start3A_139 = arith.constant 0 : i32
    %dma_start3A_140 = tpu.memref_slice %arg7[%dma_start3A_138, %dma_start3A_139] : memref<100x100xi32, #tpu.memory_space<vmem>> -> memref<1x100xi32, #tpu.memory_space<vmem>>
    %dma_start3A_141 = tpu.memref_squeeze %dma_start3A_140 : memref<1x100xi32, #tpu.memory_space<vmem>> -> memref<100xi32, #tpu.memory_space<vmem>>
    %dma_start3A_142 = arith.constant 0 : i32
    %dma_start3A_143 = arith.constant 0 : i32
    %dma_start3A_144 = tpu.memref_slice %arg2[%arg0, %dma_start3A_142, %dma_start3A_143] : memref<2x10000x64xf32, #tpu.memory_space<hbm>> -> memref<1x10000x64xf32, #tpu.memory_space<hbm>>
    %dma_start3A_145 = tpu.memref_squeeze %dma_start3A_144 : memref<1x10000x64xf32, #tpu.memory_space<hbm>> -> memref<10000x64xf32, #tpu.memory_space<hbm>>
    %dma_start3A_146 = arith.constant 0 : i32
    %dma_start3A_147 = arith.constant 0 : i32
    %dma_start3A_148 = tpu.memref_slice %dma_start3A_145[%dma_start3A_146, %dma_start3A_147] : memref<10000x64xf32, #tpu.memory_space<hbm>> -> memref<10000x64xf32, #tpu.memory_space<hbm>>
    tpu.enqueue_indirect_dma source(%dma_start3A_148 : memref<10000x64xf32, #tpu.memory_space<hbm>>) target(%arg11 : memref<100x64xf32, #tpu.memory_space<vmem>>) offsets(%dma_start3A_141 : memref<100xi32, #tpu.memory_space<vmem>>) semaphore(%arg16 : memref<!tpu.dma_semaphore, #tpu.memory_space<semaphore_mem>>)
    %dma_start3A_149 = arith.constant 3 : i32
    %dma_start3A_150 = arith.constant 0 : i32
    %dma_start3A_151 = tpu.memref_slice %arg7[%dma_start3A_149, %dma_start3A_150] : memref<100x100xi32, #tpu.memory_space<vmem>> -> memref<1x100xi32, #tpu.memory_space<vmem>>
    %dma_start3A_152 = tpu.memref_squeeze %dma_start3A_151 : memref<1x100xi32, #tpu.memory_space<vmem>> -> memref<100xi32, #tpu.memory_space<vmem>>
    %dma_start3A_153 = arith.constant 0 : i32
    %dma_start3A_154 = arith.constant 0 : i32
    %dma_start3A_155 = tpu.memref_slice %arg2[%arg0, %dma_start3A_153, %dma_start3A_154] : memref<2x10000x64xf32, #tpu.memory_space<hbm>> -> memref<1x10000x64xf32, #tpu.memory_space<hbm>>
    %dma_start3A_156 = tpu.memref_squeeze %dma_start3A_155 : memref<1x10000x64xf32, #tpu.memory_space<hbm>> -> memref<10000x64xf32, #tpu.memory_space<hbm>>
    %dma_start3A_157 = arith.constant 0 : i32
    %dma_start3A_158 = arith.constant 0 : i32
    %dma_start3A_159 = tpu.memref_slice %dma_start3A_156[%dma_start3A_157, %dma_start3A_158] : memref<10000x64xf32, #tpu.memory_space<hbm>> -> memref<10000x64xf32, #tpu.memory_space<hbm>>
    tpu.enqueue_indirect_dma source(%dma_start3A_159 : memref<10000x64xf32, #tpu.memory_space<hbm>>) target(%arg12 : memref<100x64xf32, #tpu.memory_space<vmem>>) offsets(%dma_start3A_152 : memref<100xi32, #tpu.memory_space<vmem>>) semaphore(%arg17 : memref<!tpu.dma_semaphore, #tpu.memory_space<semaphore_mem>>)
    %scan3A_160 = arith.constant 0 : i32
    %scan3A_161 = arith.constant 0 : i32
    %scan3A_162 = arith.constant 24 : i32
    %scan3A_163 = arith.addi %scan3A_161, %scan3A_162 : i32
    %scan3A_164 = arith.constant 1 : i32
    scf.for %scan3A_219 = %scan3A_161 to %scan3A_163 step %scan3A_164  : i32 {
      %mul3A_220 = arith.constant 4 : i32
      %mul3A_221 = arith.muli %scan3A_219, %mul3A_220 : i32
      %add3A_222 = arith.constant 0 : i32
      %add3A_223 = arith.addi %mul3A_221, %add3A_222 : i32
      %dma_wait3A_224 = arith.constant 0 : i32
      %dma_wait3A_225 = tpu.memref_slice %arg7[%add3A_223, %dma_wait3A_224] : memref<100x100xi32, #tpu.memory_space<vmem>> -> memref<1x100xi32, #tpu.memory_space<vmem>>
      %dma_wait3A_226 = tpu.memref_squeeze %dma_wait3A_225 : memref<1x100xi32, #tpu.memory_space<vmem>> -> memref<100xi32, #tpu.memory_space<vmem>>
      %dma_wait3A_227 = arith.constant 0 : i32
      %dma_wait3A_228 = arith.constant 0 : i32
      %dma_wait3A_229 = tpu.memref_slice %arg2[%arg0, %dma_wait3A_227, %dma_wait3A_228] : memref<2x10000x64xf32, #tpu.memory_space<hbm>> -> memref<1x10000x64xf32, #tpu.memory_space<hbm>>
      %dma_wait3A_230 = tpu.memref_squeeze %dma_wait3A_229 : memref<1x10000x64xf32, #tpu.memory_space<hbm>> -> memref<10000x64xf32, #tpu.memory_space<hbm>>
      %dma_wait3A_231 = arith.constant 0 : i32
      %dma_wait3A_232 = arith.constant 0 : i32
      %dma_wait3A_233 = tpu.memref_slice %dma_wait3A_230[%dma_wait3A_231, %dma_wait3A_232] : memref<10000x64xf32, #tpu.memory_space<hbm>> -> memref<10000x64xf32, #tpu.memory_space<hbm>>
      tpu.wait_indirect_dma semaphore(%arg14 : memref<!tpu.dma_semaphore, #tpu.memory_space<semaphore_mem>>) src(%dma_wait3A_233 : memref<10000x64xf32, #tpu.memory_space<hbm>>) dst(%arg9 : memref<100x64xf32, #tpu.memory_space<vmem>>)
      "tpu.region"() ({
        %run_scoped3A_318 = tpu.sem_alloc : memref<!tpu.dma_semaphore, #tpu.memory_space<semaphore_mem>>
        %dma_start3A_319 = arith.constant 0 : i32
        %dma_start3A_320 = tpu.memref_slice %arg8[%add3A_223, %dma_start3A_319] : memref<100x100xi32, #tpu.memory_space<vmem>> -> memref<1x100xi32, #tpu.memory_space<vmem>>
        %dma_start3A_321 = tpu.memref_squeeze %dma_start3A_320 : memref<1x100xi32, #tpu.memory_space<vmem>> -> memref<100xi32, #tpu.memory_space<vmem>>
        %dma_start3A_322 = arith.constant 0 : i32
        %dma_start3A_323 = arith.constant 0 : i32
        %dma_start3A_324 = tpu.memref_slice %arg13[%dma_start3A_322, %dma_start3A_323] : memref<10240x64xf32, #tpu.memory_space<vmem_shared>> -> memref<10240x64xf32, #tpu.memory_space<vmem_shared>>
        tpu.enqueue_indirect_dma source(%arg9 : memref<100x64xf32, #tpu.memory_space<vmem>>) target(%dma_start3A_324 : memref<10240x64xf32, #tpu.memory_space<vmem_shared>>) offsets(%dma_start3A_321 : memref<100xi32, #tpu.memory_space<vmem>>) semaphore(%run_scoped3A_318 : memref<!tpu.dma_semaphore, #tpu.memory_space<semaphore_mem>>) {add = true}
        %dma_wait3A_325 = arith.constant 0 : i32
        %dma_wait3A_326 = tpu.memref_slice %arg8[%add3A_223, %dma_wait3A_325] : memref<100x100xi32, #tpu.memory_space<vmem>> -> memref<1x100xi32, #tpu.memory_space<vmem>>
        %dma_wait3A_327 = tpu.memref_squeeze %dma_wait3A_326 : memref<1x100xi32, #tpu.memory_space<vmem>> -> memref<100xi32, #tpu.memory_space<vmem>>
        %dma_wait3A_328 = arith.constant 0 : i32
        %dma_wait3A_329 = arith.constant 0 : i32
        %dma_wait3A_330 = tpu.memref_slice %arg13[%dma_wait3A_328, %dma_wait3A_329] : memref<10240x64xf32, #tpu.memory_space<vmem_shared>> -> memref<10240x64xf32, #tpu.memory_space<vmem_shared>>
        tpu.wait_indirect_dma semaphore(%run_scoped3A_318 : memref<!tpu.dma_semaphore, #tpu.memory_space<semaphore_mem>>) src(%arg9 : memref<100x64xf32, #tpu.memory_space<vmem>>) dst(%dma_wait3A_330 : memref<10240x64xf32, #tpu.memory_space<vmem_shared>>)
        tpu.yield
      }) : () -> ()
      %add3A_234 = arith.constant 4 : i32
      %add3A_235 = arith.addi %add3A_223, %add3A_234 : i32
      %dma_start3A_236 = arith.constant 0 : i32
      %dma_start3A_237 = tpu.memref_slice %arg7[%add3A_235, %dma_start3A_236] : memref<100x100xi32, #tpu.memory_space<vmem>> -> memref<1x100xi32, #tpu.memory_space<vmem>>
      %dma_start3A_238 = tpu.memref_squeeze %dma_start3A_237 : memref<1x100xi32, #tpu.memory_space<vmem>> -> memref<100xi32, #tpu.memory_space<vmem>>
      %dma_start3A_239 = arith.constant 0 : i32
      %dma_start3A_240 = arith.constant 0 : i32
      %dma_start3A_241 = tpu.memref_slice %arg2[%arg0, %dma_start3A_239, %dma_start3A_240] : memref<2x10000x64xf32, #tpu.memory_space<hbm>> -> memref<1x10000x64xf32, #tpu.memory_space<hbm>>
      %dma_start3A_242 = tpu.memref_squeeze %dma_start3A_241 : memref<1x10000x64xf32, #tpu.memory_space<hbm>> -> memref<10000x64xf32, #tpu.memory_space<hbm>>
      %dma_start3A_243 = arith.constant 0 : i32
      %dma_start3A_244 = arith.constant 0 : i32
      %dma_start3A_245 = tpu.memref_slice %dma_start3A_242[%dma_start3A_243, %dma_start3A_244] : memref<10000x64xf32, #tpu.memory_space<hbm>> -> memref<10000x64xf32, #tpu.memory_space<hbm>>
      tpu.enqueue_indirect_dma source(%dma_start3A_245 : memref<10000x64xf32, #tpu.memory_space<hbm>>) target(%arg9 : memref<100x64xf32, #tpu.memory_space<vmem>>) offsets(%dma_start3A_238 : memref<100xi32, #tpu.memory_space<vmem>>) semaphore(%arg14 : memref<!tpu.dma_semaphore, #tpu.memory_space<semaphore_mem>>)
      %add3A_246 = arith.constant 1 : i32
      %add3A_247 = arith.addi %mul3A_221, %add3A_246 : i32
      %dma_wait3A_248 = arith.constant 0 : i32
      %dma_wait3A_249 = tpu.memref_slice %arg7[%add3A_247, %dma_wait3A_248] : memref<100x100xi32, #tpu.memory_space<vmem>> -> memref<1x100xi32, #tpu.memory_space<vmem>>
      %dma_wait3A_250 = tpu.memref_squeeze %dma_wait3A_249 : memref<1x100xi32, #tpu.memory_space<vmem>> -> memref<100xi32, #tpu.memory_space<vmem>>
      %dma_wait3A_251 = arith.constant 0 : i32
      %dma_wait3A_252 = arith.constant 0 : i32
      %dma_wait3A_253 = tpu.memref_slice %arg2[%arg0, %dma_wait3A_251, %dma_wait3A_252] : memref<2x10000x64xf32, #tpu.memory_space<hbm>> -> memref<1x10000x64xf32, #tpu.memory_space<hbm>>
      %dma_wait3A_254 = tpu.memref_squeeze %dma_wait3A_253 : memref<1x10000x64xf32, #tpu.memory_space<hbm>> -> memref<10000x64xf32, #tpu.memory_space<hbm>>
      %dma_wait3A_255 = arith.constant 0 : i32
      %dma_wait3A_256 = arith.constant 0 : i32
      %dma_wait3A_257 = tpu.memref_slice %dma_wait3A_254[%dma_wait3A_255, %dma_wait3A_256] : memref<10000x64xf32, #tpu.memory_space<hbm>> -> memref<10000x64xf32, #tpu.memory_space<hbm>>
      tpu.wait_indirect_dma semaphore(%arg15 : memref<!tpu.dma_semaphore, #tpu.memory_space<semaphore_mem>>) src(%dma_wait3A_257 : memref<10000x64xf32, #tpu.memory_space<hbm>>) dst(%arg10 : memref<100x64xf32, #tpu.memory_space<vmem>>)
      "tpu.region"() ({
        %run_scoped3A_318 = tpu.sem_alloc : memref<!tpu.dma_semaphore, #tpu.memory_space<semaphore_mem>>
        %dma_start3A_319 = arith.constant 0 : i32
        %dma_start3A_320 = tpu.memref_slice %arg8[%add3A_247, %dma_start3A_319] : memref<100x100xi32, #tpu.memory_space<vmem>> -> memref<1x100xi32, #tpu.memory_space<vmem>>
        %dma_start3A_321 = tpu.memref_squeeze %dma_start3A_320 : memref<1x100xi32, #tpu.memory_space<vmem>> -> memref<100xi32, #tpu.memory_space<vmem>>
        %dma_start3A_322 = arith.constant 0 : i32
        %dma_start3A_323 = arith.constant 0 : i32
        %dma_start3A_324 = tpu.memref_slice %arg13[%dma_start3A_322, %dma_start3A_323] : memref<10240x64xf32, #tpu.memory_space<vmem_shared>> -> memref<10240x64xf32, #tpu.memory_space<vmem_shared>>
        tpu.enqueue_indirect_dma source(%arg10 : memref<100x64xf32, #tpu.memory_space<vmem>>) target(%dma_start3A_324 : memref<10240x64xf32, #tpu.memory_space<vmem_shared>>) offsets(%dma_start3A_321 : memref<100xi32, #tpu.memory_space<vmem>>) semaphore(%run_scoped3A_318 : memref<!tpu.dma_semaphore, #tpu.memory_space<semaphore_mem>>) {add = true}
        %dma_wait3A_325 = arith.constant 0 : i32
        %dma_wait3A_326 = tpu.memref_slice %arg8[%add3A_247, %dma_wait3A_325] : memref<100x100xi32, #tpu.memory_space<vmem>> -> memref<1x100xi32, #tpu.memory_space<vmem>>
        %dma_wait3A_327 = tpu.memref_squeeze %dma_wait3A_326 : memref<1x100xi32, #tpu.memory_space<vmem>> -> memref<100xi32, #tpu.memory_space<vmem>>
        %dma_wait3A_328 = arith.constant 0 : i32
        %dma_wait3A_329 = arith.constant 0 : i32
        %dma_wait3A_330 = tpu.memref_slice %arg13[%dma_wait3A_328, %dma_wait3A_329] : memref<10240x64xf32, #tpu.memory_space<vmem_shared>> -> memref<10240x64xf32, #tpu.memory_space<vmem_shared>>
        tpu.wait_indirect_dma semaphore(%run_scoped3A_318 : memref<!tpu.dma_semaphore, #tpu.memory_space<semaphore_mem>>) src(%arg10 : memref<100x64xf32, #tpu.memory_space<vmem>>) dst(%dma_wait3A_330 : memref<10240x64xf32, #tpu.memory_space<vmem_shared>>)
        tpu.yield
      }) : () -> ()
      %add3A_258 = arith.constant 4 : i32
      %add3A_259 = arith.addi %add3A_247, %add3A_258 : i32
      %dma_start3A_260 = arith.constant 0 : i32
      %dma_start3A_261 = tpu.memref_slice %arg7[%add3A_259, %dma_start3A_260] : memref<100x100xi32, #tpu.memory_space<vmem>> -> memref<1x100xi32, #tpu.memory_space<vmem>>
      %dma_start3A_262 = tpu.memref_squeeze %dma_start3A_261 : memref<1x100xi32, #tpu.memory_space<vmem>> -> memref<100xi32, #tpu.memory_space<vmem>>
      %dma_start3A_263 = arith.constant 0 : i32
      %dma_start3A_264 = arith.constant 0 : i32
      %dma_start3A_265 = tpu.memref_slice %arg2[%arg0, %dma_start3A_263, %dma_start3A_264] : memref<2x10000x64xf32, #tpu.memory_space<hbm>> -> memref<1x10000x64xf32, #tpu.memory_space<hbm>>
      %dma_start3A_266 = tpu.memref_squeeze %dma_start3A_265 : memref<1x10000x64xf32, #tpu.memory_space<hbm>> -> memref<10000x64xf32, #tpu.memory_space<hbm>>
      %dma_start3A_267 = arith.constant 0 : i32
      %dma_start3A_268 = arith.constant 0 : i32
      %dma_start3A_269 = tpu.memref_slice %dma_start3A_266[%dma_start3A_267, %dma_start3A_268] : memref<10000x64xf32, #tpu.memory_space<hbm>> -> memref<10000x64xf32, #tpu.memory_space<hbm>>
      tpu.enqueue_indirect_dma source(%dma_start3A_269 : memref<10000x64xf32, #tpu.memory_space<hbm>>) target(%arg10 : memref<100x64xf32, #tpu.memory_space<vmem>>) offsets(%dma_start3A_262 : memref<100xi32, #tpu.memory_space<vmem>>) semaphore(%arg15 : memref<!tpu.dma_semaphore, #tpu.memory_space<semaphore_mem>>)
      %add3A_270 = arith.constant 2 : i32
      %add3A_271 = arith.addi %mul3A_221, %add3A_270 : i32
      %dma_wait3A_272 = arith.constant 0 : i32
      %dma_wait3A_273 = tpu.memref_slice %arg7[%add3A_271, %dma_wait3A_272] : memref<100x100xi32, #tpu.memory_space<vmem>> -> memref<1x100xi32, #tpu.memory_space<vmem>>
      %dma_wait3A_274 = tpu.memref_squeeze %dma_wait3A_273 : memref<1x100xi32, #tpu.memory_space<vmem>> -> memref<100xi32, #tpu.memory_space<vmem>>
      %dma_wait3A_275 = arith.constant 0 : i32
      %dma_wait3A_276 = arith.constant 0 : i32
      %dma_wait3A_277 = tpu.memref_slice %arg2[%arg0, %dma_wait3A_275, %dma_wait3A_276] : memref<2x10000x64xf32, #tpu.memory_space<hbm>> -> memref<1x10000x64xf32, #tpu.memory_space<hbm>>
      %dma_wait3A_278 = tpu.memref_squeeze %dma_wait3A_277 : memref<1x10000x64xf32, #tpu.memory_space<hbm>> -> memref<10000x64xf32, #tpu.memory_space<hbm>>
      %dma_wait3A_279 = arith.constant 0 : i32
      %dma_wait3A_280 = arith.constant 0 : i32
      %dma_wait3A_281 = tpu.memref_slice %dma_wait3A_278[%dma_wait3A_279, %dma_wait3A_280] : memref<10000x64xf32, #tpu.memory_space<hbm>> -> memref<10000x64xf32, #tpu.memory_space<hbm>>
      tpu.wait_indirect_dma semaphore(%arg16 : memref<!tpu.dma_semaphore, #tpu.memory_space<semaphore_mem>>) src(%dma_wait3A_281 : memref<10000x64xf32, #tpu.memory_space<hbm>>) dst(%arg11 : memref<100x64xf32, #tpu.memory_space<vmem>>)
      "tpu.region"() ({
        %run_scoped3A_318 = tpu.sem_alloc : memref<!tpu.dma_semaphore, #tpu.memory_space<semaphore_mem>>
        %dma_start3A_319 = arith.constant 0 : i32
        %dma_start3A_320 = tpu.memref_slice %arg8[%add3A_271, %dma_start3A_319] : memref<100x100xi32, #tpu.memory_space<vmem>> -> memref<1x100xi32, #tpu.memory_space<vmem>>
        %dma_start3A_321 = tpu.memref_squeeze %dma_start3A_320 : memref<1x100xi32, #tpu.memory_space<vmem>> -> memref<100xi32, #tpu.memory_space<vmem>>
        %dma_start3A_322 = arith.constant 0 : i32
        %dma_start3A_323 = arith.constant 0 : i32
        %dma_start3A_324 = tpu.memref_slice %arg13[%dma_start3A_322, %dma_start3A_323] : memref<10240x64xf32, #tpu.memory_space<vmem_shared>> -> memref<10240x64xf32, #tpu.memory_space<vmem_shared>>
        tpu.enqueue_indirect_dma source(%arg11 : memref<100x64xf32, #tpu.memory_space<vmem>>) target(%dma_start3A_324 : memref<10240x64xf32, #tpu.memory_space<vmem_shared>>) offsets(%dma_start3A_321 : memref<100xi32, #tpu.memory_space<vmem>>) semaphore(%run_scoped3A_318 : memref<!tpu.dma_semaphore, #tpu.memory_space<semaphore_mem>>) {add = true}
        %dma_wait3A_325 = arith.constant 0 : i32
        %dma_wait3A_326 = tpu.memref_slice %arg8[%add3A_271, %dma_wait3A_325] : memref<100x100xi32, #tpu.memory_space<vmem>> -> memref<1x100xi32, #tpu.memory_space<vmem>>
        %dma_wait3A_327 = tpu.memref_squeeze %dma_wait3A_326 : memref<1x100xi32, #tpu.memory_space<vmem>> -> memref<100xi32, #tpu.memory_space<vmem>>
        %dma_wait3A_328 = arith.constant 0 : i32
        %dma_wait3A_329 = arith.constant 0 : i32
        %dma_wait3A_330 = tpu.memref_slice %arg13[%dma_wait3A_328, %dma_wait3A_329] : memref<10240x64xf32, #tpu.memory_space<vmem_shared>> -> memref<10240x64xf32, #tpu.memory_space<vmem_shared>>
        tpu.wait_indirect_dma semaphore(%run_scoped3A_318 : memref<!tpu.dma_semaphore, #tpu.memory_space<semaphore_mem>>) src(%arg11 : memref<100x64xf32, #tpu.memory_space<vmem>>) dst(%dma_wait3A_330 : memref<10240x64xf32, #tpu.memory_space<vmem_shared>>)
        tpu.yield
      }) : () -> ()
      %add3A_282 = arith.constant 4 : i32
      %add3A_283 = arith.addi %add3A_271, %add3A_282 : i32
      %dma_start3A_284 = arith.constant 0 : i32
      %dma_start3A_285 = tpu.memref_slice %arg7[%add3A_283, %dma_start3A_284] : memref<100x100xi32, #tpu.memory_space<vmem>> -> memref<1x100xi32, #tpu.memory_space<vmem>>
      %dma_start3A_286 = tpu.memref_squeeze %dma_start3A_285 : memref<1x100xi32, #tpu.memory_space<vmem>> -> memref<100xi32, #tpu.memory_space<vmem>>
      %dma_start3A_287 = arith.constant 0 : i32
      %dma_start3A_288 = arith.constant 0 : i32
      %dma_start3A_289 = tpu.memref_slice %arg2[%arg0, %dma_start3A_287, %dma_start3A_288] : memref<2x10000x64xf32, #tpu.memory_space<hbm>> -> memref<1x10000x64xf32, #tpu.memory_space<hbm>>
      %dma_start3A_290 = tpu.memref_squeeze %dma_start3A_289 : memref<1x10000x64xf32, #tpu.memory_space<hbm>> -> memref<10000x64xf32, #tpu.memory_space<hbm>>
      %dma_start3A_291 = arith.constant 0 : i32
      %dma_start3A_292 = arith.constant 0 : i32
      %dma_start3A_293 = tpu.memref_slice %dma_start3A_290[%dma_start3A_291, %dma_start3A_292] : memref<10000x64xf32, #tpu.memory_space<hbm>> -> memref<10000x64xf32, #tpu.memory_space<hbm>>
      tpu.enqueue_indirect_dma source(%dma_start3A_293 : memref<10000x64xf32, #tpu.memory_space<hbm>>) target(%arg11 : memref<100x64xf32, #tpu.memory_space<vmem>>) offsets(%dma_start3A_286 : memref<100xi32, #tpu.memory_space<vmem>>) semaphore(%arg16 : memref<!tpu.dma_semaphore, #tpu.memory_space<semaphore_mem>>)
      %add3A_294 = arith.constant 3 : i32
      %add3A_295 = arith.addi %mul3A_221, %add3A_294 : i32
      %dma_wait3A_296 = arith.constant 0 : i32
      %dma_wait3A_297 = tpu.memref_slice %arg7[%add3A_295, %dma_wait3A_296] : memref<100x100xi32, #tpu.memory_space<vmem>> -> memref<1x100xi32, #tpu.memory_space<vmem>>
      %dma_wait3A_298 = tpu.memref_squeeze %dma_wait3A_297 : memref<1x100xi32, #tpu.memory_space<vmem>> -> memref<100xi32, #tpu.memory_space<vmem>>
      %dma_wait3A_299 = arith.constant 0 : i32
      %dma_wait3A_300 = arith.constant 0 : i32
      %dma_wait3A_301 = tpu.memref_slice %arg2[%arg0, %dma_wait3A_299, %dma_wait3A_300] : memref<2x10000x64xf32, #tpu.memory_space<hbm>> -> memref<1x10000x64xf32, #tpu.memory_space<hbm>>
      %dma_wait3A_302 = tpu.memref_squeeze %dma_wait3A_301 : memref<1x10000x64xf32, #tpu.memory_space<hbm>> -> memref<10000x64xf32, #tpu.memory_space<hbm>>
      %dma_wait3A_303 = arith.constant 0 : i32
      %dma_wait3A_304 = arith.constant 0 : i32
      %dma_wait3A_305 = tpu.memref_slice %dma_wait3A_302[%dma_wait3A_303, %dma_wait3A_304] : memref<10000x64xf32, #tpu.memory_space<hbm>> -> memref<10000x64xf32, #tpu.memory_space<hbm>>
      tpu.wait_indirect_dma semaphore(%arg17 : memref<!tpu.dma_semaphore, #tpu.memory_space<semaphore_mem>>) src(%dma_wait3A_305 : memref<10000x64xf32, #tpu.memory_space<hbm>>) dst(%arg12 : memref<100x64xf32, #tpu.memory_space<vmem>>)
      "tpu.region"() ({
        %run_scoped3A_318 = tpu.sem_alloc : memref<!tpu.dma_semaphore, #tpu.memory_space<semaphore_mem>>
        %dma_start3A_319 = arith.constant 0 : i32
        %dma_start3A_320 = tpu.memref_slice %arg8[%add3A_295, %dma_start3A_319] : memref<100x100xi32, #tpu.memory_space<vmem>> -> memref<1x100xi32, #tpu.memory_space<vmem>>
        %dma_start3A_321 = tpu.memref_squeeze %dma_start3A_320 : memref<1x100xi32, #tpu.memory_space<vmem>> -> memref<100xi32, #tpu.memory_space<vmem>>
        %dma_start3A_322 = arith.constant 0 : i32
        %dma_start3A_323 = arith.constant 0 : i32
        %dma_start3A_324 = tpu.memref_slice %arg13[%dma_start3A_322, %dma_start3A_323] : memref<10240x64xf32, #tpu.memory_space<vmem_shared>> -> memref<10240x64xf32, #tpu.memory_space<vmem_shared>>
        tpu.enqueue_indirect_dma source(%arg12 : memref<100x64xf32, #tpu.memory_space<vmem>>) target(%dma_start3A_324 : memref<10240x64xf32, #tpu.memory_space<vmem_shared>>) offsets(%dma_start3A_321 : memref<100xi32, #tpu.memory_space<vmem>>) semaphore(%run_scoped3A_318 : memref<!tpu.dma_semaphore, #tpu.memory_space<semaphore_mem>>) {add = true}
        %dma_wait3A_325 = arith.constant 0 : i32
        %dma_wait3A_326 = tpu.memref_slice %arg8[%add3A_295, %dma_wait3A_325] : memref<100x100xi32, #tpu.memory_space<vmem>> -> memref<1x100xi32, #tpu.memory_space<vmem>>
        %dma_wait3A_327 = tpu.memref_squeeze %dma_wait3A_326 : memref<1x100xi32, #tpu.memory_space<vmem>> -> memref<100xi32, #tpu.memory_space<vmem>>
        %dma_wait3A_328 = arith.constant 0 : i32
        %dma_wait3A_329 = arith.constant 0 : i32
        %dma_wait3A_330 = tpu.memref_slice %arg13[%dma_wait3A_328, %dma_wait3A_329] : memref<10240x64xf32, #tpu.memory_space<vmem_shared>> -> memref<10240x64xf32, #tpu.memory_space<vmem_shared>>
        tpu.wait_indirect_dma semaphore(%run_scoped3A_318 : memref<!tpu.dma_semaphore, #tpu.memory_space<semaphore_mem>>) src(%arg12 : memref<100x64xf32, #tpu.memory_space<vmem>>) dst(%dma_wait3A_330 : memref<10240x64xf32, #tpu.memory_space<vmem_shared>>)
        tpu.yield
      }) : () -> ()
      %add3A_306 = arith.constant 4 : i32
      %add3A_307 = arith.addi %add3A_295, %add3A_306 : i32
      %dma_start3A_308 = arith.constant 0 : i32
      %dma_start3A_309 = tpu.memref_slice %arg7[%add3A_307, %dma_start3A_308] : memref<100x100xi32, #tpu.memory_space<vmem>> -> memref<1x100xi32, #tpu.memory_space<vmem>>
      %dma_start3A_310 = tpu.memref_squeeze %dma_start3A_309 : memref<1x100xi32, #tpu.memory_space<vmem>> -> memref<100xi32, #tpu.memory_space<vmem>>
      %dma_start3A_311 = arith.constant 0 : i32
      %dma_start3A_312 = arith.constant 0 : i32
      %dma_start3A_313 = tpu.memref_slice %arg2[%arg0, %dma_start3A_311, %dma_start3A_312] : memref<2x10000x64xf32, #tpu.memory_space<hbm>> -> memref<1x10000x64xf32, #tpu.memory_space<hbm>>
      %dma_start3A_314 = tpu.memref_squeeze %dma_start3A_313 : memref<1x10000x64xf32, #tpu.memory_space<hbm>> -> memref<10000x64xf32, #tpu.memory_space<hbm>>
      %dma_start3A_315 = arith.constant 0 : i32
      %dma_start3A_316 = arith.constant 0 : i32
      %dma_start3A_317 = tpu.memref_slice %dma_start3A_314[%dma_start3A_315, %dma_start3A_316] : memref<10000x64xf32, #tpu.memory_space<hbm>> -> memref<10000x64xf32, #tpu.memory_space<hbm>>
      tpu.enqueue_indirect_dma source(%dma_start3A_317 : memref<10000x64xf32, #tpu.memory_space<hbm>>) target(%arg12 : memref<100x64xf32, #tpu.memory_space<vmem>>) offsets(%dma_start3A_310 : memref<100xi32, #tpu.memory_space<vmem>>) semaphore(%arg17 : memref<!tpu.dma_semaphore, #tpu.memory_space<semaphore_mem>>)
    }
    %scan3A_165 = arith.constant 24 : i32
    %dma_wait3A_166 = arith.constant 96 : i32
    %dma_wait3A_167 = arith.constant 0 : i32
    %dma_wait3A_168 = tpu.memref_slice %arg7[%dma_wait3A_166, %dma_wait3A_167] : memref<100x100xi32, #tpu.memory_space<vmem>> -> memref<1x100xi32, #tpu.memory_space<vmem>>
    %dma_wait3A_169 = tpu.memref_squeeze %dma_wait3A_168 : memref<1x100xi32, #tpu.memory_space<vmem>> -> memref<100xi32, #tpu.memory_space<vmem>>
    %dma_wait3A_170 = arith.constant 0 : i32
    %dma_wait3A_171 = arith.constant 0 : i32
    %dma_wait3A_172 = tpu.memref_slice %arg2[%arg0, %dma_wait3A_170, %dma_wait3A_171] : memref<2x10000x64xf32, #tpu.memory_space<hbm>> -> memref<1x10000x64xf32, #tpu.memory_space<hbm>>
    %dma_wait3A_173 = tpu.memref_squeeze %dma_wait3A_172 : memref<1x10000x64xf32, #tpu.memory_space<hbm>> -> memref<10000x64xf32, #tpu.memory_space<hbm>>
    %dma_wait3A_174 = arith.constant 0 : i32
    %dma_wait3A_175 = arith.constant 0 : i32
    %dma_wait3A_176 = tpu.memref_slice %dma_wait3A_173[%dma_wait3A_174, %dma_wait3A_175] : memref<10000x64xf32, #tpu.memory_space<hbm>> -> memref<10000x64xf32, #tpu.memory_space<hbm>>
    tpu.wait_indirect_dma semaphore(%arg14 : memref<!tpu.dma_semaphore, #tpu.memory_space<semaphore_mem>>) src(%dma_wait3A_176 : memref<10000x64xf32, #tpu.memory_space<hbm>>) dst(%arg9 : memref<100x64xf32, #tpu.memory_space<vmem>>)
    %run_scoped3A_177 = arith.constant 96 : i32
    "tpu.region"() ({
      %run_scoped3A_219 = tpu.sem_alloc : memref<!tpu.dma_semaphore, #tpu.memory_space<semaphore_mem>>
      %dma_start3A_220 = arith.constant 0 : i32
      %dma_start3A_221 = tpu.memref_slice %arg8[%run_scoped3A_177, %dma_start3A_220] : memref<100x100xi32, #tpu.memory_space<vmem>> -> memref<1x100xi32, #tpu.memory_space<vmem>>
      %dma_start3A_222 = tpu.memref_squeeze %dma_start3A_221 : memref<1x100xi32, #tpu.memory_space<vmem>> -> memref<100xi32, #tpu.memory_space<vmem>>
      %dma_start3A_223 = arith.constant 0 : i32
      %dma_start3A_224 = arith.constant 0 : i32
      %dma_start3A_225 = tpu.memref_slice %arg13[%dma_start3A_223, %dma_start3A_224] : memref<10240x64xf32, #tpu.memory_space<vmem_shared>> -> memref<10240x64xf32, #tpu.memory_space<vmem_shared>>
      tpu.enqueue_indirect_dma source(%arg9 : memref<100x64xf32, #tpu.memory_space<vmem>>) target(%dma_start3A_225 : memref<10240x64xf32, #tpu.memory_space<vmem_shared>>) offsets(%dma_start3A_222 : memref<100xi32, #tpu.memory_space<vmem>>) semaphore(%run_scoped3A_219 : memref<!tpu.dma_semaphore, #tpu.memory_space<semaphore_mem>>) {add = true}
      %dma_wait3A_226 = arith.constant 0 : i32
      %dma_wait3A_227 = tpu.memref_slice %arg8[%run_scoped3A_177, %dma_wait3A_226] : memref<100x100xi32, #tpu.memory_space<vmem>> -> memref<1x100xi32, #tpu.memory_space<vmem>>
      %dma_wait3A_228 = tpu.memref_squeeze %dma_wait3A_227 : memref<1x100xi32, #tpu.memory_space<vmem>> -> memref<100xi32, #tpu.memory_space<vmem>>
      %dma_wait3A_229 = arith.constant 0 : i32
      %dma_wait3A_230 = arith.constant 0 : i32
      %dma_wait3A_231 = tpu.memref_slice %arg13[%dma_wait3A_229, %dma_wait3A_230] : memref<10240x64xf32, #tpu.memory_space<vmem_shared>> -> memref<10240x64xf32, #tpu.memory_space<vmem_shared>>
      tpu.wait_indirect_dma semaphore(%run_scoped3A_219 : memref<!tpu.dma_semaphore, #tpu.memory_space<semaphore_mem>>) src(%arg9 : memref<100x64xf32, #tpu.memory_space<vmem>>) dst(%dma_wait3A_231 : memref<10240x64xf32, #tpu.memory_space<vmem_shared>>)
      tpu.yield
    }) : () -> ()
    %dma_wait3A_178 = arith.constant 97 : i32
    %dma_wait3A_179 = arith.constant 0 : i32
    %dma_wait3A_180 = tpu.memref_slice %arg7[%dma_wait3A_178, %dma_wait3A_179] : memref<100x100xi32, #tpu.memory_space<vmem>> -> memref<1x100xi32, #tpu.memory_space<vmem>>
    %dma_wait3A_181 = tpu.memref_squeeze %dma_wait3A_180 : memref<1x100xi32, #tpu.memory_space<vmem>> -> memref<100xi32, #tpu.memory_space<vmem>>
    %dma_wait3A_182 = arith.constant 0 : i32
    %dma_wait3A_183 = arith.constant 0 : i32
    %dma_wait3A_184 = tpu.memref_slice %arg2[%arg0, %dma_wait3A_182, %dma_wait3A_183] : memref<2x10000x64xf32, #tpu.memory_space<hbm>> -> memref<1x10000x64xf32, #tpu.memory_space<hbm>>
    %dma_wait3A_185 = tpu.memref_squeeze %dma_wait3A_184 : memref<1x10000x64xf32, #tpu.memory_space<hbm>> -> memref<10000x64xf32, #tpu.memory_space<hbm>>
    %dma_wait3A_186 = arith.constant 0 : i32
    %dma_wait3A_187 = arith.constant 0 : i32
    %dma_wait3A_188 = tpu.memref_slice %dma_wait3A_185[%dma_wait3A_186, %dma_wait3A_187] : memref<10000x64xf32, #tpu.memory_space<hbm>> -> memref<10000x64xf32, #tpu.memory_space<hbm>>
    tpu.wait_indirect_dma semaphore(%arg15 : memref<!tpu.dma_semaphore, #tpu.memory_space<semaphore_mem>>) src(%dma_wait3A_188 : memref<10000x64xf32, #tpu.memory_space<hbm>>) dst(%arg10 : memref<100x64xf32, #tpu.memory_space<vmem>>)
    %run_scoped3A_189 = arith.constant 97 : i32
    "tpu.region"() ({
      %run_scoped3A_219 = tpu.sem_alloc : memref<!tpu.dma_semaphore, #tpu.memory_space<semaphore_mem>>
      %dma_start3A_220 = arith.constant 0 : i32
      %dma_start3A_221 = tpu.memref_slice %arg8[%run_scoped3A_189, %dma_start3A_220] : memref<100x100xi32, #tpu.memory_space<vmem>> -> memref<1x100xi32, #tpu.memory_space<vmem>>
      %dma_start3A_222 = tpu.memref_squeeze %dma_start3A_221 : memref<1x100xi32, #tpu.memory_space<vmem>> -> memref<100xi32, #tpu.memory_space<vmem>>
      %dma_start3A_223 = arith.constant 0 : i32
      %dma_start3A_224 = arith.constant 0 : i32
      %dma_start3A_225 = tpu.memref_slice %arg13[%dma_start3A_223, %dma_start3A_224] : memref<10240x64xf32, #tpu.memory_space<vmem_shared>> -> memref<10240x64xf32, #tpu.memory_space<vmem_shared>>
      tpu.enqueue_indirect_dma source(%arg10 : memref<100x64xf32, #tpu.memory_space<vmem>>) target(%dma_start3A_225 : memref<10240x64xf32, #tpu.memory_space<vmem_shared>>) offsets(%dma_start3A_222 : memref<100xi32, #tpu.memory_space<vmem>>) semaphore(%run_scoped3A_219 : memref<!tpu.dma_semaphore, #tpu.memory_space<semaphore_mem>>) {add = true}
      %dma_wait3A_226 = arith.constant 0 : i32
      %dma_wait3A_227 = tpu.memref_slice %arg8[%run_scoped3A_189, %dma_wait3A_226] : memref<100x100xi32, #tpu.memory_space<vmem>> -> memref<1x100xi32, #tpu.memory_space<vmem>>
      %dma_wait3A_228 = tpu.memref_squeeze %dma_wait3A_227 : memref<1x100xi32, #tpu.memory_space<vmem>> -> memref<100xi32, #tpu.memory_space<vmem>>
      %dma_wait3A_229 = arith.constant 0 : i32
      %dma_wait3A_230 = arith.constant 0 : i32
      %dma_wait3A_231 = tpu.memref_slice %arg13[%dma_wait3A_229, %dma_wait3A_230] : memref<10240x64xf32, #tpu.memory_space<vmem_shared>> -> memref<10240x64xf32, #tpu.memory_space<vmem_shared>>
      tpu.wait_indirect_dma semaphore(%run_scoped3A_219 : memref<!tpu.dma_semaphore, #tpu.memory_space<semaphore_mem>>) src(%arg10 : memref<100x64xf32, #tpu.memory_space<vmem>>) dst(%dma_wait3A_231 : memref<10240x64xf32, #tpu.memory_space<vmem_shared>>)
      tpu.yield
    }) : () -> ()
    %dma_wait3A_190 = arith.constant 98 : i32
    %dma_wait3A_191 = arith.constant 0 : i32
    %dma_wait3A_192 = tpu.memref_slice %arg7[%dma_wait3A_190, %dma_wait3A_191] : memref<100x100xi32, #tpu.memory_space<vmem>> -> memref<1x100xi32, #tpu.memory_space<vmem>>
    %dma_wait3A_193 = tpu.memref_squeeze %dma_wait3A_192 : memref<1x100xi32, #tpu.memory_space<vmem>> -> memref<100xi32, #tpu.memory_space<vmem>>
    %dma_wait3A_194 = arith.constant 0 : i32
    %dma_wait3A_195 = arith.constant 0 : i32
    %dma_wait3A_196 = tpu.memref_slice %arg2[%arg0, %dma_wait3A_194, %dma_wait3A_195] : memref<2x10000x64xf32, #tpu.memory_space<hbm>> -> memref<1x10000x64xf32, #tpu.memory_space<hbm>>
    %dma_wait3A_197 = tpu.memref_squeeze %dma_wait3A_196 : memref<1x10000x64xf32, #tpu.memory_space<hbm>> -> memref<10000x64xf32, #tpu.memory_space<hbm>>
    %dma_wait3A_198 = arith.constant 0 : i32
    %dma_wait3A_199 = arith.constant 0 : i32
    %dma_wait3A_200 = tpu.memref_slice %dma_wait3A_197[%dma_wait3A_198, %dma_wait3A_199] : memref<10000x64xf32, #tpu.memory_space<hbm>> -> memref<10000x64xf32, #tpu.memory_space<hbm>>
    tpu.wait_indirect_dma semaphore(%arg16 : memref<!tpu.dma_semaphore, #tpu.memory_space<semaphore_mem>>) src(%dma_wait3A_200 : memref<10000x64xf32, #tpu.memory_space<hbm>>) dst(%arg11 : memref<100x64xf32, #tpu.memory_space<vmem>>)
    %run_scoped3A_201 = arith.constant 98 : i32
    "tpu.region"() ({
      %run_scoped3A_219 = tpu.sem_alloc : memref<!tpu.dma_semaphore, #tpu.memory_space<semaphore_mem>>
      %dma_start3A_220 = arith.constant 0 : i32
      %dma_start3A_221 = tpu.memref_slice %arg8[%run_scoped3A_201, %dma_start3A_220] : memref<100x100xi32, #tpu.memory_space<vmem>> -> memref<1x100xi32, #tpu.memory_space<vmem>>
      %dma_start3A_222 = tpu.memref_squeeze %dma_start3A_221 : memref<1x100xi32, #tpu.memory_space<vmem>> -> memref<100xi32, #tpu.memory_space<vmem>>
      %dma_start3A_223 = arith.constant 0 : i32
      %dma_start3A_224 = arith.constant 0 : i32
      %dma_start3A_225 = tpu.memref_slice %arg13[%dma_start3A_223, %dma_start3A_224] : memref<10240x64xf32, #tpu.memory_space<vmem_shared>> -> memref<10240x64xf32, #tpu.memory_space<vmem_shared>>
      tpu.enqueue_indirect_dma source(%arg11 : memref<100x64xf32, #tpu.memory_space<vmem>>) target(%dma_start3A_225 : memref<10240x64xf32, #tpu.memory_space<vmem_shared>>) offsets(%dma_start3A_222 : memref<100xi32, #tpu.memory_space<vmem>>) semaphore(%run_scoped3A_219 : memref<!tpu.dma_semaphore, #tpu.memory_space<semaphore_mem>>) {add = true}
      %dma_wait3A_226 = arith.constant 0 : i32
      %dma_wait3A_227 = tpu.memref_slice %arg8[%run_scoped3A_201, %dma_wait3A_226] : memref<100x100xi32, #tpu.memory_space<vmem>> -> memref<1x100xi32, #tpu.memory_space<vmem>>
      %dma_wait3A_228 = tpu.memref_squeeze %dma_wait3A_227 : memref<1x100xi32, #tpu.memory_space<vmem>> -> memref<100xi32, #tpu.memory_space<vmem>>
      %dma_wait3A_229 = arith.constant 0 : i32
      %dma_wait3A_230 = arith.constant 0 : i32
      %dma_wait3A_231 = tpu.memref_slice %arg13[%dma_wait3A_229, %dma_wait3A_230] : memref<10240x64xf32, #tpu.memory_space<vmem_shared>> -> memref<10240x64xf32, #tpu.memory_space<vmem_shared>>
      tpu.wait_indirect_dma semaphore(%run_scoped3A_219 : memref<!tpu.dma_semaphore, #tpu.memory_space<semaphore_mem>>) src(%arg11 : memref<100x64xf32, #tpu.memory_space<vmem>>) dst(%dma_wait3A_231 : memref<10240x64xf32, #tpu.memory_space<vmem_shared>>)
      tpu.yield
    }) : () -> ()
    %dma_wait3A_202 = arith.constant 99 : i32
    %dma_wait3A_203 = arith.constant 0 : i32
    %dma_wait3A_204 = tpu.memref_slice %arg7[%dma_wait3A_202, %dma_wait3A_203] : memref<100x100xi32, #tpu.memory_space<vmem>> -> memref<1x100xi32, #tpu.memory_space<vmem>>
    %dma_wait3A_205 = tpu.memref_squeeze %dma_wait3A_204 : memref<1x100xi32, #tpu.memory_space<vmem>> -> memref<100xi32, #tpu.memory_space<vmem>>
    %dma_wait3A_206 = arith.constant 0 : i32
    %dma_wait3A_207 = arith.constant 0 : i32
    %dma_wait3A_208 = tpu.memref_slice %arg2[%arg0, %dma_wait3A_206, %dma_wait3A_207] : memref<2x10000x64xf32, #tpu.memory_space<hbm>> -> memref<1x10000x64xf32, #tpu.memory_space<hbm>>
    %dma_wait3A_209 = tpu.memref_squeeze %dma_wait3A_208 : memref<1x10000x64xf32, #tpu.memory_space<hbm>> -> memref<10000x64xf32, #tpu.memory_space<hbm>>
    %dma_wait3A_210 = arith.constant 0 : i32
    %dma_wait3A_211 = arith.constant 0 : i32
    %dma_wait3A_212 = tpu.memref_slice %dma_wait3A_209[%dma_wait3A_210, %dma_wait3A_211] : memref<10000x64xf32, #tpu.memory_space<hbm>> -> memref<10000x64xf32, #tpu.memory_space<hbm>>
    tpu.wait_indirect_dma semaphore(%arg17 : memref<!tpu.dma_semaphore, #tpu.memory_space<semaphore_mem>>) src(%dma_wait3A_212 : memref<10000x64xf32, #tpu.memory_space<hbm>>) dst(%arg12 : memref<100x64xf32, #tpu.memory_space<vmem>>)
    %run_scoped3A_213 = arith.constant 99 : i32
    "tpu.region"() ({
      %run_scoped3A_219 = tpu.sem_alloc : memref<!tpu.dma_semaphore, #tpu.memory_space<semaphore_mem>>
      %dma_start3A_220 = arith.constant 0 : i32
      %dma_start3A_221 = tpu.memref_slice %arg8[%run_scoped3A_213, %dma_start3A_220] : memref<100x100xi32, #tpu.memory_space<vmem>> -> memref<1x100xi32, #tpu.memory_space<vmem>>
      %dma_start3A_222 = tpu.memref_squeeze %dma_start3A_221 : memref<1x100xi32, #tpu.memory_space<vmem>> -> memref<100xi32, #tpu.memory_space<vmem>>
      %dma_start3A_223 = arith.constant 0 : i32
      %dma_start3A_224 = arith.constant 0 : i32
      %dma_start3A_225 = tpu.memref_slice %arg13[%dma_start3A_223, %dma_start3A_224] : memref<10240x64xf32, #tpu.memory_space<vmem_shared>> -> memref<10240x64xf32, #tpu.memory_space<vmem_shared>>
      tpu.enqueue_indirect_dma source(%arg12 : memref<100x64xf32, #tpu.memory_space<vmem>>) target(%dma_start3A_225 : memref<10240x64xf32, #tpu.memory_space<vmem_shared>>) offsets(%dma_start3A_222 : memref<100xi32, #tpu.memory_space<vmem>>) semaphore(%run_scoped3A_219 : memref<!tpu.dma_semaphore, #tpu.memory_space<semaphore_mem>>) {add = true}
      %dma_wait3A_226 = arith.constant 0 : i32
      %dma_wait3A_227 = tpu.memref_slice %arg8[%run_scoped3A_213, %dma_wait3A_226] : memref<100x100xi32, #tpu.memory_space<vmem>> -> memref<1x100xi32, #tpu.memory_space<vmem>>
      %dma_wait3A_228 = tpu.memref_squeeze %dma_wait3A_227 : memref<1x100xi32, #tpu.memory_space<vmem>> -> memref<100xi32, #tpu.memory_space<vmem>>
      %dma_wait3A_229 = arith.constant 0 : i32
      %dma_wait3A_230 = arith.constant 0 : i32
      %dma_wait3A_231 = tpu.memref_slice %arg13[%dma_wait3A_229, %dma_wait3A_230] : memref<10240x64xf32, #tpu.memory_space<vmem_shared>> -> memref<10240x64xf32, #tpu.memory_space<vmem_shared>>
      tpu.wait_indirect_dma semaphore(%run_scoped3A_219 : memref<!tpu.dma_semaphore, #tpu.memory_space<semaphore_mem>>) src(%arg12 : memref<100x64xf32, #tpu.memory_space<vmem>>) dst(%dma_wait3A_231 : memref<10240x64xf32, #tpu.memory_space<vmem_shared>>)
      tpu.yield
    }) : () -> ()
    %barrier3A_214 = arith.constant 0 : index
    tpu.barrier barrier_id(%barrier3A_214)
    %mul3A_215 = arith.constant 640 : i32
    %mul3A_216 = arith.muli %arg1, %mul3A_215 : i32
    %mul3A_217 = arith.constant 640 : i32
    %mul3A_218 = arith.muli %arg1, %mul3A_217 : i32
    "tpu.region"() ({
      %run_scoped3A_219 = tpu.sem_alloc : memref<!tpu.dma_semaphore, #tpu.memory_space<semaphore_mem>>
      %dma_start3A_220 = arith.constant 0 : i32
      %dma_start3A_221 = tpu.memref_slice %arg6[%arg0, %mul3A_218, %dma_start3A_220] : memref<2x10240x64xf32, #tpu.memory_space<hbm>> -> memref<1x640x64xf32, #tpu.memory_space<hbm>>
      %dma_start3A_222 = tpu.memref_squeeze %dma_start3A_221 : memref<1x640x64xf32, #tpu.memory_space<hbm>> -> memref<640x64xf32, #tpu.memory_space<hbm>>
      %dma_start3A_223 = arith.constant 0 : i32
      %dma_start3A_224 = tpu.memref_slice %arg13[%mul3A_216, %dma_start3A_223] : memref<10240x64xf32, #tpu.memory_space<vmem_shared>> -> memref<640x64xf32, #tpu.memory_space<vmem_shared>>
      tpu.enqueue_dma source(%dma_start3A_224 : memref<640x64xf32, #tpu.memory_space<vmem_shared>>) target(%dma_start3A_222 : memref<640x64xf32, #tpu.memory_space<hbm>>) target_semaphore(%run_scoped3A_219 : memref<!tpu.dma_semaphore, #tpu.memory_space<semaphore_mem>>)
      %dma_wait3A_225 = arith.constant 0 : i32
      %dma_wait3A_226 = tpu.memref_slice %arg6[%arg0, %mul3A_218, %dma_wait3A_225] : memref<2x10240x64xf32, #tpu.memory_space<hbm>> -> memref<1x640x64xf32, #tpu.memory_space<hbm>>
      %dma_wait3A_227 = tpu.memref_squeeze %dma_wait3A_226 : memref<1x640x64xf32, #tpu.memory_space<hbm>> -> memref<640x64xf32, #tpu.memory_space<hbm>>
      %dma_wait3A_228 = arith.constant 0 : i32
      %dma_wait3A_229 = tpu.memref_slice %arg13[%mul3A_216, %dma_wait3A_228] : memref<10240x64xf32, #tpu.memory_space<vmem_shared>> -> memref<640x64xf32, #tpu.memory_space<vmem_shared>>
      tpu.wait_dma2 semaphore(%run_scoped3A_219 : memref<!tpu.dma_semaphore, #tpu.memory_space<semaphore_mem>>) src(%dma_wait3A_229 : memref<640x64xf32, #tpu.memory_space<vmem_shared>>) dst(%dma_wait3A_227 : memref<640x64xf32, #tpu.memory_space<hbm>>)
      tpu.yield
    }) : () -> ()
    return
  }
}

#map = affine_map<(d0, d1) -> (0, 0, 0, 0)>
#map1 = affine_map<(d0, d1) -> (0)>
#map2 = affine_map<(d0, d1) -> (0, 0)>
module attributes {stable_mosaic.version = 14 : i64} {
  func.func @_sc_degree(%arg0: i32, %arg1: i32, %arg2: memref<16x2x100x100xi32, #tpu.memory_space<hbm>>, %arg3: memref<100xf32, #tpu.memory_space<hbm>>, %arg4: memref<640xf32, #tpu.memory_space<hbm>>, %arg5: memref<2x10240xf32, #tpu.memory_space<hbm>>, %arg6: memref<100x100xi32, #tpu.memory_space<vmem>>, %arg7: memref<100xf32, #tpu.memory_space<vmem>>, %arg8: memref<640xf32, #tpu.memory_space<vmem>>, %arg9: memref<10240xf32, #tpu.memory_space<vmem_shared>>, %arg10: memref<!tpu.dma_semaphore, #tpu.memory_space<semaphore_mem>>) attributes {dimension_semantics = [#tpu.dimension_semantics<core_parallel>, #tpu.dimension_semantics<subcore_parallel>], iteration_bounds = array<i64: 2, 16>, scalar_prefetch = 0 : i64, scratch_operands = 5 : i64, tpu.core_type = #tpu.core_type<sc_vector_subcore>, window_params = [{transform_indices = #map}, {transform_indices = #map1}, {transform_indices = #map1}, {transform_indices = #map2}]} {
    "tpu.region"() ({
      %run_scoped3A = tpu.sem_alloc : memref<!tpu.dma_semaphore, #tpu.memory_space<semaphore_mem>>
      tpu.enqueue_dma source(%arg4 : memref<640xf32, #tpu.memory_space<hbm>>) target(%arg8 : memref<640xf32, #tpu.memory_space<vmem>>) target_semaphore(%run_scoped3A : memref<!tpu.dma_semaphore, #tpu.memory_space<semaphore_mem>>)
      tpu.wait_dma2 semaphore(%run_scoped3A : memref<!tpu.dma_semaphore, #tpu.memory_space<semaphore_mem>>) src(%arg4 : memref<640xf32, #tpu.memory_space<hbm>>) dst(%arg8 : memref<640xf32, #tpu.memory_space<vmem>>)
      tpu.yield
    }) : () -> ()
    %mul3A = arith.constant 640 : i32
    %mul3A_0 = arith.muli %arg1, %mul3A : i32
    "tpu.region"() ({
      %run_scoped3A = tpu.sem_alloc : memref<!tpu.dma_semaphore, #tpu.memory_space<semaphore_mem>>
      %dma_start3A = tpu.memref_slice %arg9[%mul3A_0] : memref<10240xf32, #tpu.memory_space<vmem_shared>> -> memref<640xf32, #tpu.memory_space<vmem_shared>>
      %dma_start3A_11 = tpu.memref_slice %arg9[%mul3A_0] : memref<10240xf32, #tpu.memory_space<vmem_shared>> -> memref<640xf32, #tpu.memory_space<vmem_shared>>
      tpu.enqueue_dma source(%arg8 : memref<640xf32, #tpu.memory_space<vmem>>) target(%dma_start3A_11 : memref<640xf32, #tpu.memory_space<vmem_shared>>) target_semaphore(%run_scoped3A : memref<!tpu.dma_semaphore, #tpu.memory_space<semaphore_mem>>)
      %dma_wait3A = tpu.memref_slice %arg9[%mul3A_0] : memref<10240xf32, #tpu.memory_space<vmem_shared>> -> memref<640xf32, #tpu.memory_space<vmem_shared>>
      %dma_wait3A_12 = tpu.memref_slice %arg9[%mul3A_0] : memref<10240xf32, #tpu.memory_space<vmem_shared>> -> memref<640xf32, #tpu.memory_space<vmem_shared>>
      tpu.wait_dma2 semaphore(%run_scoped3A : memref<!tpu.dma_semaphore, #tpu.memory_space<semaphore_mem>>) src(%arg8 : memref<640xf32, #tpu.memory_space<vmem>>) dst(%dma_wait3A_12 : memref<640xf32, #tpu.memory_space<vmem_shared>>)
      tpu.yield
    }) : () -> ()
    "tpu.region"() ({
      %run_scoped3A = tpu.sem_alloc : memref<!tpu.dma_semaphore, #tpu.memory_space<semaphore_mem>>
      tpu.enqueue_dma source(%arg3 : memref<100xf32, #tpu.memory_space<hbm>>) target(%arg7 : memref<100xf32, #tpu.memory_space<vmem>>) target_semaphore(%run_scoped3A : memref<!tpu.dma_semaphore, #tpu.memory_space<semaphore_mem>>)
      tpu.wait_dma2 semaphore(%run_scoped3A : memref<!tpu.dma_semaphore, #tpu.memory_space<semaphore_mem>>) src(%arg3 : memref<100xf32, #tpu.memory_space<hbm>>) dst(%arg7 : memref<100xf32, #tpu.memory_space<vmem>>)
      tpu.yield
    }) : () -> ()
    "tpu.region"() ({
      %run_scoped3A = tpu.sem_alloc : memref<!tpu.dma_semaphore, #tpu.memory_space<semaphore_mem>>
      %dma_start3A = arith.constant 0 : i32
      %dma_start3A_11 = arith.constant 0 : i32
      %dma_start3A_12 = tpu.memref_slice %arg2[%arg1, %arg0, %dma_start3A, %dma_start3A_11] : memref<16x2x100x100xi32, #tpu.memory_space<hbm>> -> memref<1x1x100x100xi32, #tpu.memory_space<hbm>>
      %dma_start3A_13 = tpu.memref_squeeze %dma_start3A_12 : memref<1x1x100x100xi32, #tpu.memory_space<hbm>> -> memref<100x100xi32, #tpu.memory_space<hbm>>
      %dma_start3A_14 = arith.constant 0 : i32
      %dma_start3A_15 = arith.constant 0 : i32
      %dma_start3A_16 = tpu.memref_slice %arg2[%arg1, %arg0, %dma_start3A_14, %dma_start3A_15] : memref<16x2x100x100xi32, #tpu.memory_space<hbm>> -> memref<1x1x100x100xi32, #tpu.memory_space<hbm>>
      %dma_start3A_17 = tpu.memref_squeeze %dma_start3A_16 : memref<1x1x100x100xi32, #tpu.memory_space<hbm>> -> memref<100x100xi32, #tpu.memory_space<hbm>>
      tpu.enqueue_dma source(%dma_start3A_17 : memref<100x100xi32, #tpu.memory_space<hbm>>) target(%arg6 : memref<100x100xi32, #tpu.memory_space<vmem>>) target_semaphore(%run_scoped3A : memref<!tpu.dma_semaphore, #tpu.memory_space<semaphore_mem>>)
      %dma_wait3A = arith.constant 0 : i32
      %dma_wait3A_18 = arith.constant 0 : i32
      %dma_wait3A_19 = tpu.memref_slice %arg2[%arg1, %arg0, %dma_wait3A, %dma_wait3A_18] : memref<16x2x100x100xi32, #tpu.memory_space<hbm>> -> memref<1x1x100x100xi32, #tpu.memory_space<hbm>>
      %dma_wait3A_20 = tpu.memref_squeeze %dma_wait3A_19 : memref<1x1x100x100xi32, #tpu.memory_space<hbm>> -> memref<100x100xi32, #tpu.memory_space<hbm>>
      %dma_wait3A_21 = arith.constant 0 : i32
      %dma_wait3A_22 = arith.constant 0 : i32
      %dma_wait3A_23 = tpu.memref_slice %arg2[%arg1, %arg0, %dma_wait3A_21, %dma_wait3A_22] : memref<16x2x100x100xi32, #tpu.memory_space<hbm>> -> memref<1x1x100x100xi32, #tpu.memory_space<hbm>>
      %dma_wait3A_24 = tpu.memref_squeeze %dma_wait3A_23 : memref<1x1x100x100xi32, #tpu.memory_space<hbm>> -> memref<100x100xi32, #tpu.memory_space<hbm>>
      tpu.wait_dma2 semaphore(%run_scoped3A : memref<!tpu.dma_semaphore, #tpu.memory_space<semaphore_mem>>) src(%dma_wait3A_24 : memref<100x100xi32, #tpu.memory_space<hbm>>) dst(%arg6 : memref<100x100xi32, #tpu.memory_space<vmem>>)
      tpu.yield
    }) : () -> ()
    %barrier3A = arith.constant 0 : index
    tpu.barrier barrier_id(%barrier3A)
    %scan3A = arith.constant 0 : i32
    %scan3A_1 = arith.constant 0 : i32
    %scan3A_2 = arith.constant 20 : i32
    %scan3A_3 = arith.addi %scan3A_1, %scan3A_2 : i32
    %scan3A_4 = arith.constant 1 : i32
    scf.for %scan3A_11 = %scan3A_1 to %scan3A_3 step %scan3A_4  : i32 {
      %mul3A_12 = arith.constant 5 : i32
      %mul3A_13 = arith.muli %scan3A_11, %mul3A_12 : i32
      %add3A = arith.constant 0 : i32
      %add3A_14 = arith.addi %mul3A_13, %add3A : i32
      %dma_start3A = arith.constant 0 : i32
      %dma_start3A_15 = tpu.memref_slice %arg6[%add3A_14, %dma_start3A] : memref<100x100xi32, #tpu.memory_space<vmem>> -> memref<1x100xi32, #tpu.memory_space<vmem>>
      %dma_start3A_16 = tpu.memref_squeeze %dma_start3A_15 : memref<1x100xi32, #tpu.memory_space<vmem>> -> memref<100xi32, #tpu.memory_space<vmem>>
      %dma_start3A_17 = arith.constant 0 : i32
      %dma_start3A_18 = tpu.memref_slice %arg9[%dma_start3A_17] : memref<10240xf32, #tpu.memory_space<vmem_shared>> -> memref<10240xf32, #tpu.memory_space<vmem_shared>>
      tpu.enqueue_indirect_dma source(%arg7 : memref<100xf32, #tpu.memory_space<vmem>>) target(%dma_start3A_18 : memref<10240xf32, #tpu.memory_space<vmem_shared>>) offsets(%dma_start3A_16 : memref<100xi32, #tpu.memory_space<vmem>>) semaphore(%arg10 : memref<!tpu.dma_semaphore, #tpu.memory_space<semaphore_mem>>) {add = true}
      %mul3A_19 = arith.constant 5 : i32
      %mul3A_20 = arith.muli %scan3A_11, %mul3A_19 : i32
      %add3A_21 = arith.constant 1 : i32
      %add3A_22 = arith.addi %mul3A_20, %add3A_21 : i32
      %dma_start3A_23 = arith.constant 0 : i32
      %dma_start3A_24 = tpu.memref_slice %arg6[%add3A_22, %dma_start3A_23] : memref<100x100xi32, #tpu.memory_space<vmem>> -> memref<1x100xi32, #tpu.memory_space<vmem>>
      %dma_start3A_25 = tpu.memref_squeeze %dma_start3A_24 : memref<1x100xi32, #tpu.memory_space<vmem>> -> memref<100xi32, #tpu.memory_space<vmem>>
      %dma_start3A_26 = arith.constant 0 : i32
      %dma_start3A_27 = tpu.memref_slice %arg9[%dma_start3A_26] : memref<10240xf32, #tpu.memory_space<vmem_shared>> -> memref<10240xf32, #tpu.memory_space<vmem_shared>>
      tpu.enqueue_indirect_dma source(%arg7 : memref<100xf32, #tpu.memory_space<vmem>>) target(%dma_start3A_27 : memref<10240xf32, #tpu.memory_space<vmem_shared>>) offsets(%dma_start3A_25 : memref<100xi32, #tpu.memory_space<vmem>>) semaphore(%arg10 : memref<!tpu.dma_semaphore, #tpu.memory_space<semaphore_mem>>) {add = true}
      %mul3A_28 = arith.constant 5 : i32
      %mul3A_29 = arith.muli %scan3A_11, %mul3A_28 : i32
      %add3A_30 = arith.constant 2 : i32
      %add3A_31 = arith.addi %mul3A_29, %add3A_30 : i32
      %dma_start3A_32 = arith.constant 0 : i32
      %dma_start3A_33 = tpu.memref_slice %arg6[%add3A_31, %dma_start3A_32] : memref<100x100xi32, #tpu.memory_space<vmem>> -> memref<1x100xi32, #tpu.memory_space<vmem>>
      %dma_start3A_34 = tpu.memref_squeeze %dma_start3A_33 : memref<1x100xi32, #tpu.memory_space<vmem>> -> memref<100xi32, #tpu.memory_space<vmem>>
      %dma_start3A_35 = arith.constant 0 : i32
      %dma_start3A_36 = tpu.memref_slice %arg9[%dma_start3A_35] : memref<10240xf32, #tpu.memory_space<vmem_shared>> -> memref<10240xf32, #tpu.memory_space<vmem_shared>>
      tpu.enqueue_indirect_dma source(%arg7 : memref<100xf32, #tpu.memory_space<vmem>>) target(%dma_start3A_36 : memref<10240xf32, #tpu.memory_space<vmem_shared>>) offsets(%dma_start3A_34 : memref<100xi32, #tpu.memory_space<vmem>>) semaphore(%arg10 : memref<!tpu.dma_semaphore, #tpu.memory_space<semaphore_mem>>) {add = true}
      %mul3A_37 = arith.constant 5 : i32
      %mul3A_38 = arith.muli %scan3A_11, %mul3A_37 : i32
      %add3A_39 = arith.constant 3 : i32
      %add3A_40 = arith.addi %mul3A_38, %add3A_39 : i32
      %dma_start3A_41 = arith.constant 0 : i32
      %dma_start3A_42 = tpu.memref_slice %arg6[%add3A_40, %dma_start3A_41] : memref<100x100xi32, #tpu.memory_space<vmem>> -> memref<1x100xi32, #tpu.memory_space<vmem>>
      %dma_start3A_43 = tpu.memref_squeeze %dma_start3A_42 : memref<1x100xi32, #tpu.memory_space<vmem>> -> memref<100xi32, #tpu.memory_space<vmem>>
      %dma_start3A_44 = arith.constant 0 : i32
      %dma_start3A_45 = tpu.memref_slice %arg9[%dma_start3A_44] : memref<10240xf32, #tpu.memory_space<vmem_shared>> -> memref<10240xf32, #tpu.memory_space<vmem_shared>>
      tpu.enqueue_indirect_dma source(%arg7 : memref<100xf32, #tpu.memory_space<vmem>>) target(%dma_start3A_45 : memref<10240xf32, #tpu.memory_space<vmem_shared>>) offsets(%dma_start3A_43 : memref<100xi32, #tpu.memory_space<vmem>>) semaphore(%arg10 : memref<!tpu.dma_semaphore, #tpu.memory_space<semaphore_mem>>) {add = true}
      %mul3A_46 = arith.constant 5 : i32
      %mul3A_47 = arith.muli %scan3A_11, %mul3A_46 : i32
      %add3A_48 = arith.constant 4 : i32
      %add3A_49 = arith.addi %mul3A_47, %add3A_48 : i32
      %dma_start3A_50 = arith.constant 0 : i32
      %dma_start3A_51 = tpu.memref_slice %arg6[%add3A_49, %dma_start3A_50] : memref<100x100xi32, #tpu.memory_space<vmem>> -> memref<1x100xi32, #tpu.memory_space<vmem>>
      %dma_start3A_52 = tpu.memref_squeeze %dma_start3A_51 : memref<1x100xi32, #tpu.memory_space<vmem>> -> memref<100xi32, #tpu.memory_space<vmem>>
      %dma_start3A_53 = arith.constant 0 : i32
      %dma_start3A_54 = tpu.memref_slice %arg9[%dma_start3A_53] : memref<10240xf32, #tpu.memory_space<vmem_shared>> -> memref<10240xf32, #tpu.memory_space<vmem_shared>>
      tpu.enqueue_indirect_dma source(%arg7 : memref<100xf32, #tpu.memory_space<vmem>>) target(%dma_start3A_54 : memref<10240xf32, #tpu.memory_space<vmem_shared>>) offsets(%dma_start3A_52 : memref<100xi32, #tpu.memory_space<vmem>>) semaphore(%arg10 : memref<!tpu.dma_semaphore, #tpu.memory_space<semaphore_mem>>) {add = true}
      %mul3A_55 = arith.constant 5 : i32
      %mul3A_56 = arith.muli %scan3A_11, %mul3A_55 : i32
      %add3A_57 = arith.constant 0 : i32
      %add3A_58 = arith.addi %mul3A_56, %add3A_57 : i32
      %dma_wait3A = arith.constant 0 : i32
      %dma_wait3A_59 = tpu.memref_slice %arg6[%add3A_58, %dma_wait3A] : memref<100x100xi32, #tpu.memory_space<vmem>> -> memref<1x100xi32, #tpu.memory_space<vmem>>
      %dma_wait3A_60 = tpu.memref_squeeze %dma_wait3A_59 : memref<1x100xi32, #tpu.memory_space<vmem>> -> memref<100xi32, #tpu.memory_space<vmem>>
      %dma_wait3A_61 = arith.constant 0 : i32
      %dma_wait3A_62 = tpu.memref_slice %arg9[%dma_wait3A_61] : memref<10240xf32, #tpu.memory_space<vmem_shared>> -> memref<10240xf32, #tpu.memory_space<vmem_shared>>
      tpu.wait_indirect_dma semaphore(%arg10 : memref<!tpu.dma_semaphore, #tpu.memory_space<semaphore_mem>>) src(%arg7 : memref<100xf32, #tpu.memory_space<vmem>>) dst(%dma_wait3A_62 : memref<10240xf32, #tpu.memory_space<vmem_shared>>)
      %mul3A_63 = arith.constant 5 : i32
      %mul3A_64 = arith.muli %scan3A_11, %mul3A_63 : i32
      %add3A_65 = arith.constant 1 : i32
      %add3A_66 = arith.addi %mul3A_64, %add3A_65 : i32
      %dma_wait3A_67 = arith.constant 0 : i32
      %dma_wait3A_68 = tpu.memref_slice %arg6[%add3A_66, %dma_wait3A_67] : memref<100x100xi32, #tpu.memory_space<vmem>> -> memref<1x100xi32, #tpu.memory_space<vmem>>
      %dma_wait3A_69 = tpu.memref_squeeze %dma_wait3A_68 : memref<1x100xi32, #tpu.memory_space<vmem>> -> memref<100xi32, #tpu.memory_space<vmem>>
      %dma_wait3A_70 = arith.constant 0 : i32
      %dma_wait3A_71 = tpu.memref_slice %arg9[%dma_wait3A_70] : memref<10240xf32, #tpu.memory_space<vmem_shared>> -> memref<10240xf32, #tpu.memory_space<vmem_shared>>
      tpu.wait_indirect_dma semaphore(%arg10 : memref<!tpu.dma_semaphore, #tpu.memory_space<semaphore_mem>>) src(%arg7 : memref<100xf32, #tpu.memory_space<vmem>>) dst(%dma_wait3A_71 : memref<10240xf32, #tpu.memory_space<vmem_shared>>)
      %mul3A_72 = arith.constant 5 : i32
      %mul3A_73 = arith.muli %scan3A_11, %mul3A_72 : i32
      %add3A_74 = arith.constant 2 : i32
      %add3A_75 = arith.addi %mul3A_73, %add3A_74 : i32
      %dma_wait3A_76 = arith.constant 0 : i32
      %dma_wait3A_77 = tpu.memref_slice %arg6[%add3A_75, %dma_wait3A_76] : memref<100x100xi32, #tpu.memory_space<vmem>> -> memref<1x100xi32, #tpu.memory_space<vmem>>
      %dma_wait3A_78 = tpu.memref_squeeze %dma_wait3A_77 : memref<1x100xi32, #tpu.memory_space<vmem>> -> memref<100xi32, #tpu.memory_space<vmem>>
      %dma_wait3A_79 = arith.constant 0 : i32
      %dma_wait3A_80 = tpu.memref_slice %arg9[%dma_wait3A_79] : memref<10240xf32, #tpu.memory_space<vmem_shared>> -> memref<10240xf32, #tpu.memory_space<vmem_shared>>
      tpu.wait_indirect_dma semaphore(%arg10 : memref<!tpu.dma_semaphore, #tpu.memory_space<semaphore_mem>>) src(%arg7 : memref<100xf32, #tpu.memory_space<vmem>>) dst(%dma_wait3A_80 : memref<10240xf32, #tpu.memory_space<vmem_shared>>)
      %mul3A_81 = arith.constant 5 : i32
      %mul3A_82 = arith.muli %scan3A_11, %mul3A_81 : i32
      %add3A_83 = arith.constant 3 : i32
      %add3A_84 = arith.addi %mul3A_82, %add3A_83 : i32
      %dma_wait3A_85 = arith.constant 0 : i32
      %dma_wait3A_86 = tpu.memref_slice %arg6[%add3A_84, %dma_wait3A_85] : memref<100x100xi32, #tpu.memory_space<vmem>> -> memref<1x100xi32, #tpu.memory_space<vmem>>
      %dma_wait3A_87 = tpu.memref_squeeze %dma_wait3A_86 : memref<1x100xi32, #tpu.memory_space<vmem>> -> memref<100xi32, #tpu.memory_space<vmem>>
      %dma_wait3A_88 = arith.constant 0 : i32
      %dma_wait3A_89 = tpu.memref_slice %arg9[%dma_wait3A_88] : memref<10240xf32, #tpu.memory_space<vmem_shared>> -> memref<10240xf32, #tpu.memory_space<vmem_shared>>
      tpu.wait_indirect_dma semaphore(%arg10 : memref<!tpu.dma_semaphore, #tpu.memory_space<semaphore_mem>>) src(%arg7 : memref<100xf32, #tpu.memory_space<vmem>>) dst(%dma_wait3A_89 : memref<10240xf32, #tpu.memory_space<vmem_shared>>)
      %mul3A_90 = arith.constant 5 : i32
      %mul3A_91 = arith.muli %scan3A_11, %mul3A_90 : i32
      %add3A_92 = arith.constant 4 : i32
      %add3A_93 = arith.addi %mul3A_91, %add3A_92 : i32
      %dma_wait3A_94 = arith.constant 0 : i32
      %dma_wait3A_95 = tpu.memref_slice %arg6[%add3A_93, %dma_wait3A_94] : memref<100x100xi32, #tpu.memory_space<vmem>> -> memref<1x100xi32, #tpu.memory_space<vmem>>
      %dma_wait3A_96 = tpu.memref_squeeze %dma_wait3A_95 : memref<1x100xi32, #tpu.memory_space<vmem>> -> memref<100xi32, #tpu.memory_space<vmem>>
      %dma_wait3A_97 = arith.constant 0 : i32
      %dma_wait3A_98 = tpu.memref_slice %arg9[%dma_wait3A_97] : memref<10240xf32, #tpu.memory_space<vmem_shared>> -> memref<10240xf32, #tpu.memory_space<vmem_shared>>
      tpu.wait_indirect_dma semaphore(%arg10 : memref<!tpu.dma_semaphore, #tpu.memory_space<semaphore_mem>>) src(%arg7 : memref<100xf32, #tpu.memory_space<vmem>>) dst(%dma_wait3A_98 : memref<10240xf32, #tpu.memory_space<vmem_shared>>)
    }
    %scan3A_5 = arith.constant 20 : i32
    %barrier3A_6 = arith.constant 0 : index
    tpu.barrier barrier_id(%barrier3A_6)
    %mul3A_7 = arith.constant 640 : i32
    %mul3A_8 = arith.muli %arg1, %mul3A_7 : i32
    %mul3A_9 = arith.constant 640 : i32
    %mul3A_10 = arith.muli %arg1, %mul3A_9 : i32
    "tpu.region"() ({
      %run_scoped3A = tpu.sem_alloc : memref<!tpu.dma_semaphore, #tpu.memory_space<semaphore_mem>>
      %dma_start3A = tpu.memref_slice %arg5[%arg0, %mul3A_10] : memref<2x10240xf32, #tpu.memory_space<hbm>> -> memref<1x640xf32, #tpu.memory_space<hbm>>
      %dma_start3A_11 = tpu.memref_squeeze %dma_start3A : memref<1x640xf32, #tpu.memory_space<hbm>> -> memref<640xf32, #tpu.memory_space<hbm>>
      %dma_start3A_12 = tpu.memref_slice %arg9[%mul3A_8] : memref<10240xf32, #tpu.memory_space<vmem_shared>> -> memref<640xf32, #tpu.memory_space<vmem_shared>>
      tpu.enqueue_dma source(%dma_start3A_12 : memref<640xf32, #tpu.memory_space<vmem_shared>>) target(%dma_start3A_11 : memref<640xf32, #tpu.memory_space<hbm>>) target_semaphore(%run_scoped3A : memref<!tpu.dma_semaphore, #tpu.memory_space<semaphore_mem>>)
      %dma_wait3A = tpu.memref_slice %arg5[%arg0, %mul3A_10] : memref<2x10240xf32, #tpu.memory_space<hbm>> -> memref<1x640xf32, #tpu.memory_space<hbm>>
      %dma_wait3A_13 = tpu.memref_squeeze %dma_wait3A : memref<1x640xf32, #tpu.memory_space<hbm>> -> memref<640xf32, #tpu.memory_space<hbm>>
      %dma_wait3A_14 = tpu.memref_slice %arg9[%mul3A_8] : memref<10240xf32, #tpu.memory_space<vmem_shared>> -> memref<640xf32, #tpu.memory_space<vmem_shared>>
      tpu.wait_dma2 semaphore(%run_scoped3A : memref<!tpu.dma_semaphore, #tpu.memory_space<semaphore_mem>>) src(%dma_wait3A_14 : memref<640xf32, #tpu.memory_space<vmem_shared>>) dst(%dma_wait3A_13 : memref<640xf32, #tpu.memory_space<hbm>>)
      tpu.yield
    }) : () -> ()
    return
  }
}

#map = affine_map<(d0, d1) -> (0, 0, 0)>
#map1 = affine_map<(d0, d1) -> (0, 0, 0, 0)>
#map2 = affine_map<(d0, d1) -> (0, 0)>
module attributes {stable_mosaic.version = 14 : i64} {
  func.func @_sc_scatter(%arg0: i32, %arg1: i32, %arg2: memref<2x10000x64xf32, #tpu.memory_space<hbm>>, %arg3: memref<16x2x100x100xi32, #tpu.memory_space<hbm>>, %arg4: memref<16x2x100x100xi32, #tpu.memory_space<hbm>>, %arg5: memref<128x64xf32, #tpu.memory_space<hbm>>, %arg6: memref<2x10240x64xf32, #tpu.memory_space<hbm>>, %arg7: memref<100x100xi32, #tpu.memory_space<vmem>>, %arg8: memref<100x100xi32, #tpu.memory_space<vmem>>, %arg9: memref<100x64xf32, #tpu.memory_space<vmem>>, %arg10: memref<100x64xf32, #tpu.memory_space<vmem>>, %arg11: memref<100x64xf32, #tpu.memory_space<vmem>>, %arg12: memref<100x64xf32, #tpu.memory_space<vmem>>, %arg13: memref<10240x64xf32, #tpu.memory_space<vmem_shared>>, %arg14: memref<!tpu.dma_semaphore, #tpu.memory_space<semaphore_mem>>, %arg15: memref<!tpu.dma_semaphore, #tpu.memory_space<semaphore_mem>>, %arg16: memref<!tpu.dma_semaphore, #tpu.memory_space<semaphore_mem>>, %arg17: memref<!tpu.dma_semaphore, #tpu.memory_space<semaphore_mem>>) attributes {dimension_semantics = [#tpu.dimension_semantics<core_parallel>, #tpu.dimension_semantics<subcore_parallel>], iteration_bounds = array<i64: 2, 16>, scalar_prefetch = 0 : i64, scratch_operands = 11 : i64, tpu.core_type = #tpu.core_type<sc_vector_subcore>, window_params = [{transform_indices = #map}, {transform_indices = #map1}, {transform_indices = #map1}, {transform_indices = #map2}, {transform_indices = #map}]} {
    %mul3A = arith.constant 640 : i32
    %mul3A_0 = arith.muli %arg1, %mul3A : i32
    %add3A = arith.constant 0 : i32
    %add3A_1 = arith.addi %mul3A_0, %add3A : i32
    "tpu.region"() ({
      %run_scoped3A_219 = tpu.sem_alloc : memref<!tpu.dma_semaphore, #tpu.memory_space<semaphore_mem>>
      %dma_start3A_220 = arith.constant 0 : i32
      %dma_start3A_221 = tpu.memref_slice %arg13[%add3A_1, %dma_start3A_220] : memref<10240x64xf32, #tpu.memory_space<vmem_shared>> -> memref<128x64xf32, #tpu.memory_space<vmem_shared>>
      tpu.enqueue_dma source(%arg5 : memref<128x64xf32, #tpu.memory_space<hbm>>) target(%dma_start3A_221 : memref<128x64xf32, #tpu.memory_space<vmem_shared>>) target_semaphore(%run_scoped3A_219 : memref<!tpu.dma_semaphore, #tpu.memory_space<semaphore_mem>>)
      %dma_wait3A_222 = arith.constant 0 : i32
      %dma_wait3A_223 = tpu.memref_slice %arg13[%add3A_1, %dma_wait3A_222] : memref<10240x64xf32, #tpu.memory_space<vmem_shared>> -> memref<128x64xf32, #tpu.memory_space<vmem_shared>>
      tpu.wait_dma2 semaphore(%run_scoped3A_219 : memref<!tpu.dma_semaphore, #tpu.memory_space<semaphore_mem>>) src(%arg5 : memref<128x64xf32, #tpu.memory_space<hbm>>) dst(%dma_wait3A_223 : memref<128x64xf32, #tpu.memory_space<vmem_shared>>)
      tpu.yield
    }) : () -> ()
    %mul3A_2 = arith.constant 640 : i32
    %mul3A_3 = arith.muli %arg1, %mul3A_2 : i32
    %add3A_4 = arith.constant 128 : i32
    %add3A_5 = arith.addi %mul3A_3, %add3A_4 : i32
    "tpu.region"() ({
      %run_scoped3A_219 = tpu.sem_alloc : memref<!tpu.dma_semaphore, #tpu.memory_space<semaphore_mem>>
      %dma_start3A_220 = arith.constant 0 : i32
      %dma_start3A_221 = tpu.memref_slice %arg13[%add3A_5, %dma_start3A_220] : memref<10240x64xf32, #tpu.memory_space<vmem_shared>> -> memref<128x64xf32, #tpu.memory_space<vmem_shared>>
      tpu.enqueue_dma source(%arg5 : memref<128x64xf32, #tpu.memory_space<hbm>>) target(%dma_start3A_221 : memref<128x64xf32, #tpu.memory_space<vmem_shared>>) target_semaphore(%run_scoped3A_219 : memref<!tpu.dma_semaphore, #tpu.memory_space<semaphore_mem>>)
      %dma_wait3A_222 = arith.constant 0 : i32
      %dma_wait3A_223 = tpu.memref_slice %arg13[%add3A_5, %dma_wait3A_222] : memref<10240x64xf32, #tpu.memory_space<vmem_shared>> -> memref<128x64xf32, #tpu.memory_space<vmem_shared>>
      tpu.wait_dma2 semaphore(%run_scoped3A_219 : memref<!tpu.dma_semaphore, #tpu.memory_space<semaphore_mem>>) src(%arg5 : memref<128x64xf32, #tpu.memory_space<hbm>>) dst(%dma_wait3A_223 : memref<128x64xf32, #tpu.memory_space<vmem_shared>>)
      tpu.yield
    }) : () -> ()
    %mul3A_6 = arith.constant 640 : i32
    %mul3A_7 = arith.muli %arg1, %mul3A_6 : i32
    %add3A_8 = arith.constant 256 : i32
    %add3A_9 = arith.addi %mul3A_7, %add3A_8 : i32
    "tpu.region"() ({
      %run_scoped3A_219 = tpu.sem_alloc : memref<!tpu.dma_semaphore, #tpu.memory_space<semaphore_mem>>
      %dma_start3A_220 = arith.constant 0 : i32
      %dma_start3A_221 = tpu.memref_slice %arg13[%add3A_9, %dma_start3A_220] : memref<10240x64xf32, #tpu.memory_space<vmem_shared>> -> memref<128x64xf32, #tpu.memory_space<vmem_shared>>
      tpu.enqueue_dma source(%arg5 : memref<128x64xf32, #tpu.memory_space<hbm>>) target(%dma_start3A_221 : memref<128x64xf32, #tpu.memory_space<vmem_shared>>) target_semaphore(%run_scoped3A_219 : memref<!tpu.dma_semaphore, #tpu.memory_space<semaphore_mem>>)
      %dma_wait3A_222 = arith.constant 0 : i32
      %dma_wait3A_223 = tpu.memref_slice %arg13[%add3A_9, %dma_wait3A_222] : memref<10240x64xf32, #tpu.memory_space<vmem_shared>> -> memref<128x64xf32, #tpu.memory_space<vmem_shared>>
      tpu.wait_dma2 semaphore(%run_scoped3A_219 : memref<!tpu.dma_semaphore, #tpu.memory_space<semaphore_mem>>) src(%arg5 : memref<128x64xf32, #tpu.memory_space<hbm>>) dst(%dma_wait3A_223 : memref<128x64xf32, #tpu.memory_space<vmem_shared>>)
      tpu.yield
    }) : () -> ()
    %mul3A_10 = arith.constant 640 : i32
    %mul3A_11 = arith.muli %arg1, %mul3A_10 : i32
    %add3A_12 = arith.constant 384 : i32
    %add3A_13 = arith.addi %mul3A_11, %add3A_12 : i32
    "tpu.region"() ({
      %run_scoped3A_219 = tpu.sem_alloc : memref<!tpu.dma_semaphore, #tpu.memory_space<semaphore_mem>>
      %dma_start3A_220 = arith.constant 0 : i32
      %dma_start3A_221 = tpu.memref_slice %arg13[%add3A_13, %dma_start3A_220] : memref<10240x64xf32, #tpu.memory_space<vmem_shared>> -> memref<128x64xf32, #tpu.memory_space<vmem_shared>>
      tpu.enqueue_dma source(%arg5 : memref<128x64xf32, #tpu.memory_space<hbm>>) target(%dma_start3A_221 : memref<128x64xf32, #tpu.memory_space<vmem_shared>>) target_semaphore(%run_scoped3A_219 : memref<!tpu.dma_semaphore, #tpu.memory_space<semaphore_mem>>)
      %dma_wait3A_222 = arith.constant 0 : i32
      %dma_wait3A_223 = tpu.memref_slice %arg13[%add3A_13, %dma_wait3A_222] : memref<10240x64xf32, #tpu.memory_space<vmem_shared>> -> memref<128x64xf32, #tpu.memory_space<vmem_shared>>
      tpu.wait_dma2 semaphore(%run_scoped3A_219 : memref<!tpu.dma_semaphore, #tpu.memory_space<semaphore_mem>>) src(%arg5 : memref<128x64xf32, #tpu.memory_space<hbm>>) dst(%dma_wait3A_223 : memref<128x64xf32, #tpu.memory_space<vmem_shared>>)
      tpu.yield
    }) : () -> ()
    %mul3A_14 = arith.constant 640 : i32
    %mul3A_15 = arith.muli %arg1, %mul3A_14 : i32
    %add3A_16 = arith.constant 512 : i32
    %add3A_17 = arith.addi %mul3A_15, %add3A_16 : i32
    "tpu.region"() ({
      %run_scoped3A_219 = tpu.sem_alloc : memref<!tpu.dma_semaphore, #tpu.memory_space<semaphore_mem>>
      %dma_start3A_220 = arith.constant 0 : i32
      %dma_start3A_221 = tpu.memref_slice %arg13[%add3A_17, %dma_start3A_220] : memref<10240x64xf32, #tpu.memory_space<vmem_shared>> -> memref<128x64xf32, #tpu.memory_space<vmem_shared>>
      tpu.enqueue_dma source(%arg5 : memref<128x64xf32, #tpu.memory_space<hbm>>) target(%dma_start3A_221 : memref<128x64xf32, #tpu.memory_space<vmem_shared>>) target_semaphore(%run_scoped3A_219 : memref<!tpu.dma_semaphore, #tpu.memory_space<semaphore_mem>>)
      %dma_wait3A_222 = arith.constant 0 : i32
      %dma_wait3A_223 = tpu.memref_slice %arg13[%add3A_17, %dma_wait3A_222] : memref<10240x64xf32, #tpu.memory_space<vmem_shared>> -> memref<128x64xf32, #tpu.memory_space<vmem_shared>>
      tpu.wait_dma2 semaphore(%run_scoped3A_219 : memref<!tpu.dma_semaphore, #tpu.memory_space<semaphore_mem>>) src(%arg5 : memref<128x64xf32, #tpu.memory_space<hbm>>) dst(%dma_wait3A_223 : memref<128x64xf32, #tpu.memory_space<vmem_shared>>)
      tpu.yield
    }) : () -> ()
    %barrier3A = arith.constant 0 : index
    tpu.barrier barrier_id(%barrier3A)
    %run_scoped3A = arith.constant 0 : i32
    "tpu.region"() ({
      %run_scoped3A_219 = tpu.sem_alloc : memref<!tpu.dma_semaphore, #tpu.memory_space<semaphore_mem>>
      %dma_start3A_220 = arith.constant 0 : i32
      %dma_start3A_221 = arith.constant 0 : i32
      %dma_start3A_222 = tpu.memref_slice %arg3[%arg1, %run_scoped3A, %dma_start3A_220, %dma_start3A_221] : memref<16x2x100x100xi32, #tpu.memory_space<hbm>> -> memref<1x1x100x100xi32, #tpu.memory_space<hbm>>
      %dma_start3A_223 = tpu.memref_squeeze %dma_start3A_222 : memref<1x1x100x100xi32, #tpu.memory_space<hbm>> -> memref<100x100xi32, #tpu.memory_space<hbm>>
      %dma_start3A_224 = arith.constant 0 : i32
      %dma_start3A_225 = arith.constant 0 : i32
      %dma_start3A_226 = tpu.memref_slice %arg3[%arg1, %run_scoped3A, %dma_start3A_224, %dma_start3A_225] : memref<16x2x100x100xi32, #tpu.memory_space<hbm>> -> memref<1x1x100x100xi32, #tpu.memory_space<hbm>>
      %dma_start3A_227 = tpu.memref_squeeze %dma_start3A_226 : memref<1x1x100x100xi32, #tpu.memory_space<hbm>> -> memref<100x100xi32, #tpu.memory_space<hbm>>
      tpu.enqueue_dma source(%dma_start3A_227 : memref<100x100xi32, #tpu.memory_space<hbm>>) target(%arg7 : memref<100x100xi32, #tpu.memory_space<vmem>>) target_semaphore(%run_scoped3A_219 : memref<!tpu.dma_semaphore, #tpu.memory_space<semaphore_mem>>)
      %dma_wait3A_228 = arith.constant 0 : i32
      %dma_wait3A_229 = arith.constant 0 : i32
      %dma_wait3A_230 = tpu.memref_slice %arg3[%arg1, %run_scoped3A, %dma_wait3A_228, %dma_wait3A_229] : memref<16x2x100x100xi32, #tpu.memory_space<hbm>> -> memref<1x1x100x100xi32, #tpu.memory_space<hbm>>
      %dma_wait3A_231 = tpu.memref_squeeze %dma_wait3A_230 : memref<1x1x100x100xi32, #tpu.memory_space<hbm>> -> memref<100x100xi32, #tpu.memory_space<hbm>>
      %dma_wait3A_232 = arith.constant 0 : i32
      %dma_wait3A_233 = arith.constant 0 : i32
      %dma_wait3A_234 = tpu.memref_slice %arg3[%arg1, %run_scoped3A, %dma_wait3A_232, %dma_wait3A_233] : memref<16x2x100x100xi32, #tpu.memory_space<hbm>> -> memref<1x1x100x100xi32, #tpu.memory_space<hbm>>
      %dma_wait3A_235 = tpu.memref_squeeze %dma_wait3A_234 : memref<1x1x100x100xi32, #tpu.memory_space<hbm>> -> memref<100x100xi32, #tpu.memory_space<hbm>>
      tpu.wait_dma2 semaphore(%run_scoped3A_219 : memref<!tpu.dma_semaphore, #tpu.memory_space<semaphore_mem>>) src(%dma_wait3A_235 : memref<100x100xi32, #tpu.memory_space<hbm>>) dst(%arg7 : memref<100x100xi32, #tpu.memory_space<vmem>>)
      tpu.yield
    }) : () -> ()
    %run_scoped3A_18 = arith.constant 0 : i32
    "tpu.region"() ({
      %run_scoped3A_219 = tpu.sem_alloc : memref<!tpu.dma_semaphore, #tpu.memory_space<semaphore_mem>>
      %dma_start3A_220 = arith.constant 0 : i32
      %dma_start3A_221 = arith.constant 0 : i32
      %dma_start3A_222 = tpu.memref_slice %arg4[%arg1, %run_scoped3A_18, %dma_start3A_220, %dma_start3A_221] : memref<16x2x100x100xi32, #tpu.memory_space<hbm>> -> memref<1x1x100x100xi32, #tpu.memory_space<hbm>>
      %dma_start3A_223 = tpu.memref_squeeze %dma_start3A_222 : memref<1x1x100x100xi32, #tpu.memory_space<hbm>> -> memref<100x100xi32, #tpu.memory_space<hbm>>
      %dma_start3A_224 = arith.constant 0 : i32
      %dma_start3A_225 = arith.constant 0 : i32
      %dma_start3A_226 = tpu.memref_slice %arg4[%arg1, %run_scoped3A_18, %dma_start3A_224, %dma_start3A_225] : memref<16x2x100x100xi32, #tpu.memory_space<hbm>> -> memref<1x1x100x100xi32, #tpu.memory_space<hbm>>
      %dma_start3A_227 = tpu.memref_squeeze %dma_start3A_226 : memref<1x1x100x100xi32, #tpu.memory_space<hbm>> -> memref<100x100xi32, #tpu.memory_space<hbm>>
      tpu.enqueue_dma source(%dma_start3A_227 : memref<100x100xi32, #tpu.memory_space<hbm>>) target(%arg8 : memref<100x100xi32, #tpu.memory_space<vmem>>) target_semaphore(%run_scoped3A_219 : memref<!tpu.dma_semaphore, #tpu.memory_space<semaphore_mem>>)
      %dma_wait3A_228 = arith.constant 0 : i32
      %dma_wait3A_229 = arith.constant 0 : i32
      %dma_wait3A_230 = tpu.memref_slice %arg4[%arg1, %run_scoped3A_18, %dma_wait3A_228, %dma_wait3A_229] : memref<16x2x100x100xi32, #tpu.memory_space<hbm>> -> memref<1x1x100x100xi32, #tpu.memory_space<hbm>>
      %dma_wait3A_231 = tpu.memref_squeeze %dma_wait3A_230 : memref<1x1x100x100xi32, #tpu.memory_space<hbm>> -> memref<100x100xi32, #tpu.memory_space<hbm>>
      %dma_wait3A_232 = arith.constant 0 : i32
      %dma_wait3A_233 = arith.constant 0 : i32
      %dma_wait3A_234 = tpu.memref_slice %arg4[%arg1, %run_scoped3A_18, %dma_wait3A_232, %dma_wait3A_233] : memref<16x2x100x100xi32, #tpu.memory_space<hbm>> -> memref<1x1x100x100xi32, #tpu.memory_space<hbm>>
      %dma_wait3A_235 = tpu.memref_squeeze %dma_wait3A_234 : memref<1x1x100x100xi32, #tpu.memory_space<hbm>> -> memref<100x100xi32, #tpu.memory_space<hbm>>
      tpu.wait_dma2 semaphore(%run_scoped3A_219 : memref<!tpu.dma_semaphore, #tpu.memory_space<semaphore_mem>>) src(%dma_wait3A_235 : memref<100x100xi32, #tpu.memory_space<hbm>>) dst(%arg8 : memref<100x100xi32, #tpu.memory_space<vmem>>)
      tpu.yield
    }) : () -> ()
    %dma_start3A = arith.constant 0 : i32
    %dma_start3A_19 = arith.constant 0 : i32
    %dma_start3A_20 = tpu.memref_slice %arg7[%dma_start3A, %dma_start3A_19] : memref<100x100xi32, #tpu.memory_space<vmem>> -> memref<1x100xi32, #tpu.memory_space<vmem>>
    %dma_start3A_21 = tpu.memref_squeeze %dma_start3A_20 : memref<1x100xi32, #tpu.memory_space<vmem>> -> memref<100xi32, #tpu.memory_space<vmem>>
    %dma_start3A_22 = arith.constant 0 : i32
    %dma_start3A_23 = arith.constant 0 : i32
    %dma_start3A_24 = tpu.memref_slice %arg2[%arg0, %dma_start3A_22, %dma_start3A_23] : memref<2x10000x64xf32, #tpu.memory_space<hbm>> -> memref<1x10000x64xf32, #tpu.memory_space<hbm>>
    %dma_start3A_25 = tpu.memref_squeeze %dma_start3A_24 : memref<1x10000x64xf32, #tpu.memory_space<hbm>> -> memref<10000x64xf32, #tpu.memory_space<hbm>>
    %dma_start3A_26 = arith.constant 0 : i32
    %dma_start3A_27 = arith.constant 0 : i32
    %dma_start3A_28 = tpu.memref_slice %dma_start3A_25[%dma_start3A_26, %dma_start3A_27] : memref<10000x64xf32, #tpu.memory_space<hbm>> -> memref<10000x64xf32, #tpu.memory_space<hbm>>
    tpu.enqueue_indirect_dma source(%dma_start3A_28 : memref<10000x64xf32, #tpu.memory_space<hbm>>) target(%arg9 : memref<100x64xf32, #tpu.memory_space<vmem>>) offsets(%dma_start3A_21 : memref<100xi32, #tpu.memory_space<vmem>>) semaphore(%arg14 : memref<!tpu.dma_semaphore, #tpu.memory_space<semaphore_mem>>)
    %dma_start3A_29 = arith.constant 1 : i32
    %dma_start3A_30 = arith.constant 0 : i32
    %dma_start3A_31 = tpu.memref_slice %arg7[%dma_start3A_29, %dma_start3A_30] : memref<100x100xi32, #tpu.memory_space<vmem>> -> memref<1x100xi32, #tpu.memory_space<vmem>>
    %dma_start3A_32 = tpu.memref_squeeze %dma_start3A_31 : memref<1x100xi32, #tpu.memory_space<vmem>> -> memref<100xi32, #tpu.memory_space<vmem>>
    %dma_start3A_33 = arith.constant 0 : i32
    %dma_start3A_34 = arith.constant 0 : i32
    %dma_start3A_35 = tpu.memref_slice %arg2[%arg0, %dma_start3A_33, %dma_start3A_34] : memref<2x10000x64xf32, #tpu.memory_space<hbm>> -> memref<1x10000x64xf32, #tpu.memory_space<hbm>>
    %dma_start3A_36 = tpu.memref_squeeze %dma_start3A_35 : memref<1x10000x64xf32, #tpu.memory_space<hbm>> -> memref<10000x64xf32, #tpu.memory_space<hbm>>
    %dma_start3A_37 = arith.constant 0 : i32
    %dma_start3A_38 = arith.constant 0 : i32
    %dma_start3A_39 = tpu.memref_slice %dma_start3A_36[%dma_start3A_37, %dma_start3A_38] : memref<10000x64xf32, #tpu.memory_space<hbm>> -> memref<10000x64xf32, #tpu.memory_space<hbm>>
    tpu.enqueue_indirect_dma source(%dma_start3A_39 : memref<10000x64xf32, #tpu.memory_space<hbm>>) target(%arg10 : memref<100x64xf32, #tpu.memory_space<vmem>>) offsets(%dma_start3A_32 : memref<100xi32, #tpu.memory_space<vmem>>) semaphore(%arg15 : memref<!tpu.dma_semaphore, #tpu.memory_space<semaphore_mem>>)
    %dma_start3A_40 = arith.constant 2 : i32
    %dma_start3A_41 = arith.constant 0 : i32
    %dma_start3A_42 = tpu.memref_slice %arg7[%dma_start3A_40, %dma_start3A_41] : memref<100x100xi32, #tpu.memory_space<vmem>> -> memref<1x100xi32, #tpu.memory_space<vmem>>
    %dma_start3A_43 = tpu.memref_squeeze %dma_start3A_42 : memref<1x100xi32, #tpu.memory_space<vmem>> -> memref<100xi32, #tpu.memory_space<vmem>>
    %dma_start3A_44 = arith.constant 0 : i32
    %dma_start3A_45 = arith.constant 0 : i32
    %dma_start3A_46 = tpu.memref_slice %arg2[%arg0, %dma_start3A_44, %dma_start3A_45] : memref<2x10000x64xf32, #tpu.memory_space<hbm>> -> memref<1x10000x64xf32, #tpu.memory_space<hbm>>
    %dma_start3A_47 = tpu.memref_squeeze %dma_start3A_46 : memref<1x10000x64xf32, #tpu.memory_space<hbm>> -> memref<10000x64xf32, #tpu.memory_space<hbm>>
    %dma_start3A_48 = arith.constant 0 : i32
    %dma_start3A_49 = arith.constant 0 : i32
    %dma_start3A_50 = tpu.memref_slice %dma_start3A_47[%dma_start3A_48, %dma_start3A_49] : memref<10000x64xf32, #tpu.memory_space<hbm>> -> memref<10000x64xf32, #tpu.memory_space<hbm>>
    tpu.enqueue_indirect_dma source(%dma_start3A_50 : memref<10000x64xf32, #tpu.memory_space<hbm>>) target(%arg11 : memref<100x64xf32, #tpu.memory_space<vmem>>) offsets(%dma_start3A_43 : memref<100xi32, #tpu.memory_space<vmem>>) semaphore(%arg16 : memref<!tpu.dma_semaphore, #tpu.memory_space<semaphore_mem>>)
    %dma_start3A_51 = arith.constant 3 : i32
    %dma_start3A_52 = arith.constant 0 : i32
    %dma_start3A_53 = tpu.memref_slice %arg7[%dma_start3A_51, %dma_start3A_52] : memref<100x100xi32, #tpu.memory_space<vmem>> -> memref<1x100xi32, #tpu.memory_space<vmem>>
    %dma_start3A_54 = tpu.memref_squeeze %dma_start3A_53 : memref<1x100xi32, #tpu.memory_space<vmem>> -> memref<100xi32, #tpu.memory_space<vmem>>
    %dma_start3A_55 = arith.constant 0 : i32
    %dma_start3A_56 = arith.constant 0 : i32
    %dma_start3A_57 = tpu.memref_slice %arg2[%arg0, %dma_start3A_55, %dma_start3A_56] : memref<2x10000x64xf32, #tpu.memory_space<hbm>> -> memref<1x10000x64xf32, #tpu.memory_space<hbm>>
    %dma_start3A_58 = tpu.memref_squeeze %dma_start3A_57 : memref<1x10000x64xf32, #tpu.memory_space<hbm>> -> memref<10000x64xf32, #tpu.memory_space<hbm>>
    %dma_start3A_59 = arith.constant 0 : i32
    %dma_start3A_60 = arith.constant 0 : i32
    %dma_start3A_61 = tpu.memref_slice %dma_start3A_58[%dma_start3A_59, %dma_start3A_60] : memref<10000x64xf32, #tpu.memory_space<hbm>> -> memref<10000x64xf32, #tpu.memory_space<hbm>>
    tpu.enqueue_indirect_dma source(%dma_start3A_61 : memref<10000x64xf32, #tpu.memory_space<hbm>>) target(%arg12 : memref<100x64xf32, #tpu.memory_space<vmem>>) offsets(%dma_start3A_54 : memref<100xi32, #tpu.memory_space<vmem>>) semaphore(%arg17 : memref<!tpu.dma_semaphore, #tpu.memory_space<semaphore_mem>>)
    %scan3A = arith.constant 0 : i32
    %scan3A_62 = arith.constant 0 : i32
    %scan3A_63 = arith.constant 24 : i32
    %scan3A_64 = arith.addi %scan3A_62, %scan3A_63 : i32
    %scan3A_65 = arith.constant 1 : i32
    scf.for %scan3A_219 = %scan3A_62 to %scan3A_64 step %scan3A_65  : i32 {
      %mul3A_220 = arith.constant 4 : i32
      %mul3A_221 = arith.muli %scan3A_219, %mul3A_220 : i32
      %add3A_222 = arith.constant 0 : i32
      %add3A_223 = arith.addi %mul3A_221, %add3A_222 : i32
      %dma_wait3A_224 = arith.constant 0 : i32
      %dma_wait3A_225 = tpu.memref_slice %arg7[%add3A_223, %dma_wait3A_224] : memref<100x100xi32, #tpu.memory_space<vmem>> -> memref<1x100xi32, #tpu.memory_space<vmem>>
      %dma_wait3A_226 = tpu.memref_squeeze %dma_wait3A_225 : memref<1x100xi32, #tpu.memory_space<vmem>> -> memref<100xi32, #tpu.memory_space<vmem>>
      %dma_wait3A_227 = arith.constant 0 : i32
      %dma_wait3A_228 = arith.constant 0 : i32
      %dma_wait3A_229 = tpu.memref_slice %arg2[%arg0, %dma_wait3A_227, %dma_wait3A_228] : memref<2x10000x64xf32, #tpu.memory_space<hbm>> -> memref<1x10000x64xf32, #tpu.memory_space<hbm>>
      %dma_wait3A_230 = tpu.memref_squeeze %dma_wait3A_229 : memref<1x10000x64xf32, #tpu.memory_space<hbm>> -> memref<10000x64xf32, #tpu.memory_space<hbm>>
      %dma_wait3A_231 = arith.constant 0 : i32
      %dma_wait3A_232 = arith.constant 0 : i32
      %dma_wait3A_233 = tpu.memref_slice %dma_wait3A_230[%dma_wait3A_231, %dma_wait3A_232] : memref<10000x64xf32, #tpu.memory_space<hbm>> -> memref<10000x64xf32, #tpu.memory_space<hbm>>
      tpu.wait_indirect_dma semaphore(%arg14 : memref<!tpu.dma_semaphore, #tpu.memory_space<semaphore_mem>>) src(%dma_wait3A_233 : memref<10000x64xf32, #tpu.memory_space<hbm>>) dst(%arg9 : memref<100x64xf32, #tpu.memory_space<vmem>>)
      "tpu.region"() ({
        %run_scoped3A_318 = tpu.sem_alloc : memref<!tpu.dma_semaphore, #tpu.memory_space<semaphore_mem>>
        %dma_start3A_319 = arith.constant 0 : i32
        %dma_start3A_320 = tpu.memref_slice %arg8[%add3A_223, %dma_start3A_319] : memref<100x100xi32, #tpu.memory_space<vmem>> -> memref<1x100xi32, #tpu.memory_space<vmem>>
        %dma_start3A_321 = tpu.memref_squeeze %dma_start3A_320 : memref<1x100xi32, #tpu.memory_space<vmem>> -> memref<100xi32, #tpu.memory_space<vmem>>
        %dma_start3A_322 = arith.constant 0 : i32
        %dma_start3A_323 = arith.constant 0 : i32
        %dma_start3A_324 = tpu.memref_slice %arg13[%dma_start3A_322, %dma_start3A_323] : memref<10240x64xf32, #tpu.memory_space<vmem_shared>> -> memref<10240x64xf32, #tpu.memory_space<vmem_shared>>
        tpu.enqueue_indirect_dma source(%arg9 : memref<100x64xf32, #tpu.memory_space<vmem>>) target(%dma_start3A_324 : memref<10240x64xf32, #tpu.memory_space<vmem_shared>>) offsets(%dma_start3A_321 : memref<100xi32, #tpu.memory_space<vmem>>) semaphore(%run_scoped3A_318 : memref<!tpu.dma_semaphore, #tpu.memory_space<semaphore_mem>>) {add = true}
        %dma_wait3A_325 = arith.constant 0 : i32
        %dma_wait3A_326 = tpu.memref_slice %arg8[%add3A_223, %dma_wait3A_325] : memref<100x100xi32, #tpu.memory_space<vmem>> -> memref<1x100xi32, #tpu.memory_space<vmem>>
        %dma_wait3A_327 = tpu.memref_squeeze %dma_wait3A_326 : memref<1x100xi32, #tpu.memory_space<vmem>> -> memref<100xi32, #tpu.memory_space<vmem>>
        %dma_wait3A_328 = arith.constant 0 : i32
        %dma_wait3A_329 = arith.constant 0 : i32
        %dma_wait3A_330 = tpu.memref_slice %arg13[%dma_wait3A_328, %dma_wait3A_329] : memref<10240x64xf32, #tpu.memory_space<vmem_shared>> -> memref<10240x64xf32, #tpu.memory_space<vmem_shared>>
        tpu.wait_indirect_dma semaphore(%run_scoped3A_318 : memref<!tpu.dma_semaphore, #tpu.memory_space<semaphore_mem>>) src(%arg9 : memref<100x64xf32, #tpu.memory_space<vmem>>) dst(%dma_wait3A_330 : memref<10240x64xf32, #tpu.memory_space<vmem_shared>>)
        tpu.yield
      }) : () -> ()
      %add3A_234 = arith.constant 4 : i32
      %add3A_235 = arith.addi %add3A_223, %add3A_234 : i32
      %dma_start3A_236 = arith.constant 0 : i32
      %dma_start3A_237 = tpu.memref_slice %arg7[%add3A_235, %dma_start3A_236] : memref<100x100xi32, #tpu.memory_space<vmem>> -> memref<1x100xi32, #tpu.memory_space<vmem>>
      %dma_start3A_238 = tpu.memref_squeeze %dma_start3A_237 : memref<1x100xi32, #tpu.memory_space<vmem>> -> memref<100xi32, #tpu.memory_space<vmem>>
      %dma_start3A_239 = arith.constant 0 : i32
      %dma_start3A_240 = arith.constant 0 : i32
      %dma_start3A_241 = tpu.memref_slice %arg2[%arg0, %dma_start3A_239, %dma_start3A_240] : memref<2x10000x64xf32, #tpu.memory_space<hbm>> -> memref<1x10000x64xf32, #tpu.memory_space<hbm>>
      %dma_start3A_242 = tpu.memref_squeeze %dma_start3A_241 : memref<1x10000x64xf32, #tpu.memory_space<hbm>> -> memref<10000x64xf32, #tpu.memory_space<hbm>>
      %dma_start3A_243 = arith.constant 0 : i32
      %dma_start3A_244 = arith.constant 0 : i32
      %dma_start3A_245 = tpu.memref_slice %dma_start3A_242[%dma_start3A_243, %dma_start3A_244] : memref<10000x64xf32, #tpu.memory_space<hbm>> -> memref<10000x64xf32, #tpu.memory_space<hbm>>
      tpu.enqueue_indirect_dma source(%dma_start3A_245 : memref<10000x64xf32, #tpu.memory_space<hbm>>) target(%arg9 : memref<100x64xf32, #tpu.memory_space<vmem>>) offsets(%dma_start3A_238 : memref<100xi32, #tpu.memory_space<vmem>>) semaphore(%arg14 : memref<!tpu.dma_semaphore, #tpu.memory_space<semaphore_mem>>)
      %add3A_246 = arith.constant 1 : i32
      %add3A_247 = arith.addi %mul3A_221, %add3A_246 : i32
      %dma_wait3A_248 = arith.constant 0 : i32
      %dma_wait3A_249 = tpu.memref_slice %arg7[%add3A_247, %dma_wait3A_248] : memref<100x100xi32, #tpu.memory_space<vmem>> -> memref<1x100xi32, #tpu.memory_space<vmem>>
      %dma_wait3A_250 = tpu.memref_squeeze %dma_wait3A_249 : memref<1x100xi32, #tpu.memory_space<vmem>> -> memref<100xi32, #tpu.memory_space<vmem>>
      %dma_wait3A_251 = arith.constant 0 : i32
      %dma_wait3A_252 = arith.constant 0 : i32
      %dma_wait3A_253 = tpu.memref_slice %arg2[%arg0, %dma_wait3A_251, %dma_wait3A_252] : memref<2x10000x64xf32, #tpu.memory_space<hbm>> -> memref<1x10000x64xf32, #tpu.memory_space<hbm>>
      %dma_wait3A_254 = tpu.memref_squeeze %dma_wait3A_253 : memref<1x10000x64xf32, #tpu.memory_space<hbm>> -> memref<10000x64xf32, #tpu.memory_space<hbm>>
      %dma_wait3A_255 = arith.constant 0 : i32
      %dma_wait3A_256 = arith.constant 0 : i32
      %dma_wait3A_257 = tpu.memref_slice %dma_wait3A_254[%dma_wait3A_255, %dma_wait3A_256] : memref<10000x64xf32, #tpu.memory_space<hbm>> -> memref<10000x64xf32, #tpu.memory_space<hbm>>
      tpu.wait_indirect_dma semaphore(%arg15 : memref<!tpu.dma_semaphore, #tpu.memory_space<semaphore_mem>>) src(%dma_wait3A_257 : memref<10000x64xf32, #tpu.memory_space<hbm>>) dst(%arg10 : memref<100x64xf32, #tpu.memory_space<vmem>>)
      "tpu.region"() ({
        %run_scoped3A_318 = tpu.sem_alloc : memref<!tpu.dma_semaphore, #tpu.memory_space<semaphore_mem>>
        %dma_start3A_319 = arith.constant 0 : i32
        %dma_start3A_320 = tpu.memref_slice %arg8[%add3A_247, %dma_start3A_319] : memref<100x100xi32, #tpu.memory_space<vmem>> -> memref<1x100xi32, #tpu.memory_space<vmem>>
        %dma_start3A_321 = tpu.memref_squeeze %dma_start3A_320 : memref<1x100xi32, #tpu.memory_space<vmem>> -> memref<100xi32, #tpu.memory_space<vmem>>
        %dma_start3A_322 = arith.constant 0 : i32
        %dma_start3A_323 = arith.constant 0 : i32
        %dma_start3A_324 = tpu.memref_slice %arg13[%dma_start3A_322, %dma_start3A_323] : memref<10240x64xf32, #tpu.memory_space<vmem_shared>> -> memref<10240x64xf32, #tpu.memory_space<vmem_shared>>
        tpu.enqueue_indirect_dma source(%arg10 : memref<100x64xf32, #tpu.memory_space<vmem>>) target(%dma_start3A_324 : memref<10240x64xf32, #tpu.memory_space<vmem_shared>>) offsets(%dma_start3A_321 : memref<100xi32, #tpu.memory_space<vmem>>) semaphore(%run_scoped3A_318 : memref<!tpu.dma_semaphore, #tpu.memory_space<semaphore_mem>>) {add = true}
        %dma_wait3A_325 = arith.constant 0 : i32
        %dma_wait3A_326 = tpu.memref_slice %arg8[%add3A_247, %dma_wait3A_325] : memref<100x100xi32, #tpu.memory_space<vmem>> -> memref<1x100xi32, #tpu.memory_space<vmem>>
        %dma_wait3A_327 = tpu.memref_squeeze %dma_wait3A_326 : memref<1x100xi32, #tpu.memory_space<vmem>> -> memref<100xi32, #tpu.memory_space<vmem>>
        %dma_wait3A_328 = arith.constant 0 : i32
        %dma_wait3A_329 = arith.constant 0 : i32
        %dma_wait3A_330 = tpu.memref_slice %arg13[%dma_wait3A_328, %dma_wait3A_329] : memref<10240x64xf32, #tpu.memory_space<vmem_shared>> -> memref<10240x64xf32, #tpu.memory_space<vmem_shared>>
        tpu.wait_indirect_dma semaphore(%run_scoped3A_318 : memref<!tpu.dma_semaphore, #tpu.memory_space<semaphore_mem>>) src(%arg10 : memref<100x64xf32, #tpu.memory_space<vmem>>) dst(%dma_wait3A_330 : memref<10240x64xf32, #tpu.memory_space<vmem_shared>>)
        tpu.yield
      }) : () -> ()
      %add3A_258 = arith.constant 4 : i32
      %add3A_259 = arith.addi %add3A_247, %add3A_258 : i32
      %dma_start3A_260 = arith.constant 0 : i32
      %dma_start3A_261 = tpu.memref_slice %arg7[%add3A_259, %dma_start3A_260] : memref<100x100xi32, #tpu.memory_space<vmem>> -> memref<1x100xi32, #tpu.memory_space<vmem>>
      %dma_start3A_262 = tpu.memref_squeeze %dma_start3A_261 : memref<1x100xi32, #tpu.memory_space<vmem>> -> memref<100xi32, #tpu.memory_space<vmem>>
      %dma_start3A_263 = arith.constant 0 : i32
      %dma_start3A_264 = arith.constant 0 : i32
      %dma_start3A_265 = tpu.memref_slice %arg2[%arg0, %dma_start3A_263, %dma_start3A_264] : memref<2x10000x64xf32, #tpu.memory_space<hbm>> -> memref<1x10000x64xf32, #tpu.memory_space<hbm>>
      %dma_start3A_266 = tpu.memref_squeeze %dma_start3A_265 : memref<1x10000x64xf32, #tpu.memory_space<hbm>> -> memref<10000x64xf32, #tpu.memory_space<hbm>>
      %dma_start3A_267 = arith.constant 0 : i32
      %dma_start3A_268 = arith.constant 0 : i32
      %dma_start3A_269 = tpu.memref_slice %dma_start3A_266[%dma_start3A_267, %dma_start3A_268] : memref<10000x64xf32, #tpu.memory_space<hbm>> -> memref<10000x64xf32, #tpu.memory_space<hbm>>
      tpu.enqueue_indirect_dma source(%dma_start3A_269 : memref<10000x64xf32, #tpu.memory_space<hbm>>) target(%arg10 : memref<100x64xf32, #tpu.memory_space<vmem>>) offsets(%dma_start3A_262 : memref<100xi32, #tpu.memory_space<vmem>>) semaphore(%arg15 : memref<!tpu.dma_semaphore, #tpu.memory_space<semaphore_mem>>)
      %add3A_270 = arith.constant 2 : i32
      %add3A_271 = arith.addi %mul3A_221, %add3A_270 : i32
      %dma_wait3A_272 = arith.constant 0 : i32
      %dma_wait3A_273 = tpu.memref_slice %arg7[%add3A_271, %dma_wait3A_272] : memref<100x100xi32, #tpu.memory_space<vmem>> -> memref<1x100xi32, #tpu.memory_space<vmem>>
      %dma_wait3A_274 = tpu.memref_squeeze %dma_wait3A_273 : memref<1x100xi32, #tpu.memory_space<vmem>> -> memref<100xi32, #tpu.memory_space<vmem>>
      %dma_wait3A_275 = arith.constant 0 : i32
      %dma_wait3A_276 = arith.constant 0 : i32
      %dma_wait3A_277 = tpu.memref_slice %arg2[%arg0, %dma_wait3A_275, %dma_wait3A_276] : memref<2x10000x64xf32, #tpu.memory_space<hbm>> -> memref<1x10000x64xf32, #tpu.memory_space<hbm>>
      %dma_wait3A_278 = tpu.memref_squeeze %dma_wait3A_277 : memref<1x10000x64xf32, #tpu.memory_space<hbm>> -> memref<10000x64xf32, #tpu.memory_space<hbm>>
      %dma_wait3A_279 = arith.constant 0 : i32
      %dma_wait3A_280 = arith.constant 0 : i32
      %dma_wait3A_281 = tpu.memref_slice %dma_wait3A_278[%dma_wait3A_279, %dma_wait3A_280] : memref<10000x64xf32, #tpu.memory_space<hbm>> -> memref<10000x64xf32, #tpu.memory_space<hbm>>
      tpu.wait_indirect_dma semaphore(%arg16 : memref<!tpu.dma_semaphore, #tpu.memory_space<semaphore_mem>>) src(%dma_wait3A_281 : memref<10000x64xf32, #tpu.memory_space<hbm>>) dst(%arg11 : memref<100x64xf32, #tpu.memory_space<vmem>>)
      "tpu.region"() ({
        %run_scoped3A_318 = tpu.sem_alloc : memref<!tpu.dma_semaphore, #tpu.memory_space<semaphore_mem>>
        %dma_start3A_319 = arith.constant 0 : i32
        %dma_start3A_320 = tpu.memref_slice %arg8[%add3A_271, %dma_start3A_319] : memref<100x100xi32, #tpu.memory_space<vmem>> -> memref<1x100xi32, #tpu.memory_space<vmem>>
        %dma_start3A_321 = tpu.memref_squeeze %dma_start3A_320 : memref<1x100xi32, #tpu.memory_space<vmem>> -> memref<100xi32, #tpu.memory_space<vmem>>
        %dma_start3A_322 = arith.constant 0 : i32
        %dma_start3A_323 = arith.constant 0 : i32
        %dma_start3A_324 = tpu.memref_slice %arg13[%dma_start3A_322, %dma_start3A_323] : memref<10240x64xf32, #tpu.memory_space<vmem_shared>> -> memref<10240x64xf32, #tpu.memory_space<vmem_shared>>
        tpu.enqueue_indirect_dma source(%arg11 : memref<100x64xf32, #tpu.memory_space<vmem>>) target(%dma_start3A_324 : memref<10240x64xf32, #tpu.memory_space<vmem_shared>>) offsets(%dma_start3A_321 : memref<100xi32, #tpu.memory_space<vmem>>) semaphore(%run_scoped3A_318 : memref<!tpu.dma_semaphore, #tpu.memory_space<semaphore_mem>>) {add = true}
        %dma_wait3A_325 = arith.constant 0 : i32
        %dma_wait3A_326 = tpu.memref_slice %arg8[%add3A_271, %dma_wait3A_325] : memref<100x100xi32, #tpu.memory_space<vmem>> -> memref<1x100xi32, #tpu.memory_space<vmem>>
        %dma_wait3A_327 = tpu.memref_squeeze %dma_wait3A_326 : memref<1x100xi32, #tpu.memory_space<vmem>> -> memref<100xi32, #tpu.memory_space<vmem>>
        %dma_wait3A_328 = arith.constant 0 : i32
        %dma_wait3A_329 = arith.constant 0 : i32
        %dma_wait3A_330 = tpu.memref_slice %arg13[%dma_wait3A_328, %dma_wait3A_329] : memref<10240x64xf32, #tpu.memory_space<vmem_shared>> -> memref<10240x64xf32, #tpu.memory_space<vmem_shared>>
        tpu.wait_indirect_dma semaphore(%run_scoped3A_318 : memref<!tpu.dma_semaphore, #tpu.memory_space<semaphore_mem>>) src(%arg11 : memref<100x64xf32, #tpu.memory_space<vmem>>) dst(%dma_wait3A_330 : memref<10240x64xf32, #tpu.memory_space<vmem_shared>>)
        tpu.yield
      }) : () -> ()
      %add3A_282 = arith.constant 4 : i32
      %add3A_283 = arith.addi %add3A_271, %add3A_282 : i32
      %dma_start3A_284 = arith.constant 0 : i32
      %dma_start3A_285 = tpu.memref_slice %arg7[%add3A_283, %dma_start3A_284] : memref<100x100xi32, #tpu.memory_space<vmem>> -> memref<1x100xi32, #tpu.memory_space<vmem>>
      %dma_start3A_286 = tpu.memref_squeeze %dma_start3A_285 : memref<1x100xi32, #tpu.memory_space<vmem>> -> memref<100xi32, #tpu.memory_space<vmem>>
      %dma_start3A_287 = arith.constant 0 : i32
      %dma_start3A_288 = arith.constant 0 : i32
      %dma_start3A_289 = tpu.memref_slice %arg2[%arg0, %dma_start3A_287, %dma_start3A_288] : memref<2x10000x64xf32, #tpu.memory_space<hbm>> -> memref<1x10000x64xf32, #tpu.memory_space<hbm>>
      %dma_start3A_290 = tpu.memref_squeeze %dma_start3A_289 : memref<1x10000x64xf32, #tpu.memory_space<hbm>> -> memref<10000x64xf32, #tpu.memory_space<hbm>>
      %dma_start3A_291 = arith.constant 0 : i32
      %dma_start3A_292 = arith.constant 0 : i32
      %dma_start3A_293 = tpu.memref_slice %dma_start3A_290[%dma_start3A_291, %dma_start3A_292] : memref<10000x64xf32, #tpu.memory_space<hbm>> -> memref<10000x64xf32, #tpu.memory_space<hbm>>
      tpu.enqueue_indirect_dma source(%dma_start3A_293 : memref<10000x64xf32, #tpu.memory_space<hbm>>) target(%arg11 : memref<100x64xf32, #tpu.memory_space<vmem>>) offsets(%dma_start3A_286 : memref<100xi32, #tpu.memory_space<vmem>>) semaphore(%arg16 : memref<!tpu.dma_semaphore, #tpu.memory_space<semaphore_mem>>)
      %add3A_294 = arith.constant 3 : i32
      %add3A_295 = arith.addi %mul3A_221, %add3A_294 : i32
      %dma_wait3A_296 = arith.constant 0 : i32
      %dma_wait3A_297 = tpu.memref_slice %arg7[%add3A_295, %dma_wait3A_296] : memref<100x100xi32, #tpu.memory_space<vmem>> -> memref<1x100xi32, #tpu.memory_space<vmem>>
      %dma_wait3A_298 = tpu.memref_squeeze %dma_wait3A_297 : memref<1x100xi32, #tpu.memory_space<vmem>> -> memref<100xi32, #tpu.memory_space<vmem>>
      %dma_wait3A_299 = arith.constant 0 : i32
      %dma_wait3A_300 = arith.constant 0 : i32
      %dma_wait3A_301 = tpu.memref_slice %arg2[%arg0, %dma_wait3A_299, %dma_wait3A_300] : memref<2x10000x64xf32, #tpu.memory_space<hbm>> -> memref<1x10000x64xf32, #tpu.memory_space<hbm>>
      %dma_wait3A_302 = tpu.memref_squeeze %dma_wait3A_301 : memref<1x10000x64xf32, #tpu.memory_space<hbm>> -> memref<10000x64xf32, #tpu.memory_space<hbm>>
      %dma_wait3A_303 = arith.constant 0 : i32
      %dma_wait3A_304 = arith.constant 0 : i32
      %dma_wait3A_305 = tpu.memref_slice %dma_wait3A_302[%dma_wait3A_303, %dma_wait3A_304] : memref<10000x64xf32, #tpu.memory_space<hbm>> -> memref<10000x64xf32, #tpu.memory_space<hbm>>
      tpu.wait_indirect_dma semaphore(%arg17 : memref<!tpu.dma_semaphore, #tpu.memory_space<semaphore_mem>>) src(%dma_wait3A_305 : memref<10000x64xf32, #tpu.memory_space<hbm>>) dst(%arg12 : memref<100x64xf32, #tpu.memory_space<vmem>>)
      "tpu.region"() ({
        %run_scoped3A_318 = tpu.sem_alloc : memref<!tpu.dma_semaphore, #tpu.memory_space<semaphore_mem>>
        %dma_start3A_319 = arith.constant 0 : i32
        %dma_start3A_320 = tpu.memref_slice %arg8[%add3A_295, %dma_start3A_319] : memref<100x100xi32, #tpu.memory_space<vmem>> -> memref<1x100xi32, #tpu.memory_space<vmem>>
        %dma_start3A_321 = tpu.memref_squeeze %dma_start3A_320 : memref<1x100xi32, #tpu.memory_space<vmem>> -> memref<100xi32, #tpu.memory_space<vmem>>
        %dma_start3A_322 = arith.constant 0 : i32
        %dma_start3A_323 = arith.constant 0 : i32
        %dma_start3A_324 = tpu.memref_slice %arg13[%dma_start3A_322, %dma_start3A_323] : memref<10240x64xf32, #tpu.memory_space<vmem_shared>> -> memref<10240x64xf32, #tpu.memory_space<vmem_shared>>
        tpu.enqueue_indirect_dma source(%arg12 : memref<100x64xf32, #tpu.memory_space<vmem>>) target(%dma_start3A_324 : memref<10240x64xf32, #tpu.memory_space<vmem_shared>>) offsets(%dma_start3A_321 : memref<100xi32, #tpu.memory_space<vmem>>) semaphore(%run_scoped3A_318 : memref<!tpu.dma_semaphore, #tpu.memory_space<semaphore_mem>>) {add = true}
        %dma_wait3A_325 = arith.constant 0 : i32
        %dma_wait3A_326 = tpu.memref_slice %arg8[%add3A_295, %dma_wait3A_325] : memref<100x100xi32, #tpu.memory_space<vmem>> -> memref<1x100xi32, #tpu.memory_space<vmem>>
        %dma_wait3A_327 = tpu.memref_squeeze %dma_wait3A_326 : memref<1x100xi32, #tpu.memory_space<vmem>> -> memref<100xi32, #tpu.memory_space<vmem>>
        %dma_wait3A_328 = arith.constant 0 : i32
        %dma_wait3A_329 = arith.constant 0 : i32
        %dma_wait3A_330 = tpu.memref_slice %arg13[%dma_wait3A_328, %dma_wait3A_329] : memref<10240x64xf32, #tpu.memory_space<vmem_shared>> -> memref<10240x64xf32, #tpu.memory_space<vmem_shared>>
        tpu.wait_indirect_dma semaphore(%run_scoped3A_318 : memref<!tpu.dma_semaphore, #tpu.memory_space<semaphore_mem>>) src(%arg12 : memref<100x64xf32, #tpu.memory_space<vmem>>) dst(%dma_wait3A_330 : memref<10240x64xf32, #tpu.memory_space<vmem_shared>>)
        tpu.yield
      }) : () -> ()
      %add3A_306 = arith.constant 4 : i32
      %add3A_307 = arith.addi %add3A_295, %add3A_306 : i32
      %dma_start3A_308 = arith.constant 0 : i32
      %dma_start3A_309 = tpu.memref_slice %arg7[%add3A_307, %dma_start3A_308] : memref<100x100xi32, #tpu.memory_space<vmem>> -> memref<1x100xi32, #tpu.memory_space<vmem>>
      %dma_start3A_310 = tpu.memref_squeeze %dma_start3A_309 : memref<1x100xi32, #tpu.memory_space<vmem>> -> memref<100xi32, #tpu.memory_space<vmem>>
      %dma_start3A_311 = arith.constant 0 : i32
      %dma_start3A_312 = arith.constant 0 : i32
      %dma_start3A_313 = tpu.memref_slice %arg2[%arg0, %dma_start3A_311, %dma_start3A_312] : memref<2x10000x64xf32, #tpu.memory_space<hbm>> -> memref<1x10000x64xf32, #tpu.memory_space<hbm>>
      %dma_start3A_314 = tpu.memref_squeeze %dma_start3A_313 : memref<1x10000x64xf32, #tpu.memory_space<hbm>> -> memref<10000x64xf32, #tpu.memory_space<hbm>>
      %dma_start3A_315 = arith.constant 0 : i32
      %dma_start3A_316 = arith.constant 0 : i32
      %dma_start3A_317 = tpu.memref_slice %dma_start3A_314[%dma_start3A_315, %dma_start3A_316] : memref<10000x64xf32, #tpu.memory_space<hbm>> -> memref<10000x64xf32, #tpu.memory_space<hbm>>
      tpu.enqueue_indirect_dma source(%dma_start3A_317 : memref<10000x64xf32, #tpu.memory_space<hbm>>) target(%arg12 : memref<100x64xf32, #tpu.memory_space<vmem>>) offsets(%dma_start3A_310 : memref<100xi32, #tpu.memory_space<vmem>>) semaphore(%arg17 : memref<!tpu.dma_semaphore, #tpu.memory_space<semaphore_mem>>)
    }
    %scan3A_66 = arith.constant 24 : i32
    %dma_wait3A = arith.constant 96 : i32
    %dma_wait3A_67 = arith.constant 0 : i32
    %dma_wait3A_68 = tpu.memref_slice %arg7[%dma_wait3A, %dma_wait3A_67] : memref<100x100xi32, #tpu.memory_space<vmem>> -> memref<1x100xi32, #tpu.memory_space<vmem>>
    %dma_wait3A_69 = tpu.memref_squeeze %dma_wait3A_68 : memref<1x100xi32, #tpu.memory_space<vmem>> -> memref<100xi32, #tpu.memory_space<vmem>>
    %dma_wait3A_70 = arith.constant 0 : i32
    %dma_wait3A_71 = arith.constant 0 : i32
    %dma_wait3A_72 = tpu.memref_slice %arg2[%arg0, %dma_wait3A_70, %dma_wait3A_71] : memref<2x10000x64xf32, #tpu.memory_space<hbm>> -> memref<1x10000x64xf32, #tpu.memory_space<hbm>>
    %dma_wait3A_73 = tpu.memref_squeeze %dma_wait3A_72 : memref<1x10000x64xf32, #tpu.memory_space<hbm>> -> memref<10000x64xf32, #tpu.memory_space<hbm>>
    %dma_wait3A_74 = arith.constant 0 : i32
    %dma_wait3A_75 = arith.constant 0 : i32
    %dma_wait3A_76 = tpu.memref_slice %dma_wait3A_73[%dma_wait3A_74, %dma_wait3A_75] : memref<10000x64xf32, #tpu.memory_space<hbm>> -> memref<10000x64xf32, #tpu.memory_space<hbm>>
    tpu.wait_indirect_dma semaphore(%arg14 : memref<!tpu.dma_semaphore, #tpu.memory_space<semaphore_mem>>) src(%dma_wait3A_76 : memref<10000x64xf32, #tpu.memory_space<hbm>>) dst(%arg9 : memref<100x64xf32, #tpu.memory_space<vmem>>)
    %run_scoped3A_77 = arith.constant 96 : i32
    "tpu.region"() ({
      %run_scoped3A_219 = tpu.sem_alloc : memref<!tpu.dma_semaphore, #tpu.memory_space<semaphore_mem>>
      %dma_start3A_220 = arith.constant 0 : i32
      %dma_start3A_221 = tpu.memref_slice %arg8[%run_scoped3A_77, %dma_start3A_220] : memref<100x100xi32, #tpu.memory_space<vmem>> -> memref<1x100xi32, #tpu.memory_space<vmem>>
      %dma_start3A_222 = tpu.memref_squeeze %dma_start3A_221 : memref<1x100xi32, #tpu.memory_space<vmem>> -> memref<100xi32, #tpu.memory_space<vmem>>
      %dma_start3A_223 = arith.constant 0 : i32
      %dma_start3A_224 = arith.constant 0 : i32
      %dma_start3A_225 = tpu.memref_slice %arg13[%dma_start3A_223, %dma_start3A_224] : memref<10240x64xf32, #tpu.memory_space<vmem_shared>> -> memref<10240x64xf32, #tpu.memory_space<vmem_shared>>
      tpu.enqueue_indirect_dma source(%arg9 : memref<100x64xf32, #tpu.memory_space<vmem>>) target(%dma_start3A_225 : memref<10240x64xf32, #tpu.memory_space<vmem_shared>>) offsets(%dma_start3A_222 : memref<100xi32, #tpu.memory_space<vmem>>) semaphore(%run_scoped3A_219 : memref<!tpu.dma_semaphore, #tpu.memory_space<semaphore_mem>>) {add = true}
      %dma_wait3A_226 = arith.constant 0 : i32
      %dma_wait3A_227 = tpu.memref_slice %arg8[%run_scoped3A_77, %dma_wait3A_226] : memref<100x100xi32, #tpu.memory_space<vmem>> -> memref<1x100xi32, #tpu.memory_space<vmem>>
      %dma_wait3A_228 = tpu.memref_squeeze %dma_wait3A_227 : memref<1x100xi32, #tpu.memory_space<vmem>> -> memref<100xi32, #tpu.memory_space<vmem>>
      %dma_wait3A_229 = arith.constant 0 : i32
      %dma_wait3A_230 = arith.constant 0 : i32
      %dma_wait3A_231 = tpu.memref_slice %arg13[%dma_wait3A_229, %dma_wait3A_230] : memref<10240x64xf32, #tpu.memory_space<vmem_shared>> -> memref<10240x64xf32, #tpu.memory_space<vmem_shared>>
      tpu.wait_indirect_dma semaphore(%run_scoped3A_219 : memref<!tpu.dma_semaphore, #tpu.memory_space<semaphore_mem>>) src(%arg9 : memref<100x64xf32, #tpu.memory_space<vmem>>) dst(%dma_wait3A_231 : memref<10240x64xf32, #tpu.memory_space<vmem_shared>>)
      tpu.yield
    }) : () -> ()
    %dma_wait3A_78 = arith.constant 97 : i32
    %dma_wait3A_79 = arith.constant 0 : i32
    %dma_wait3A_80 = tpu.memref_slice %arg7[%dma_wait3A_78, %dma_wait3A_79] : memref<100x100xi32, #tpu.memory_space<vmem>> -> memref<1x100xi32, #tpu.memory_space<vmem>>
    %dma_wait3A_81 = tpu.memref_squeeze %dma_wait3A_80 : memref<1x100xi32, #tpu.memory_space<vmem>> -> memref<100xi32, #tpu.memory_space<vmem>>
    %dma_wait3A_82 = arith.constant 0 : i32
    %dma_wait3A_83 = arith.constant 0 : i32
    %dma_wait3A_84 = tpu.memref_slice %arg2[%arg0, %dma_wait3A_82, %dma_wait3A_83] : memref<2x10000x64xf32, #tpu.memory_space<hbm>> -> memref<1x10000x64xf32, #tpu.memory_space<hbm>>
    %dma_wait3A_85 = tpu.memref_squeeze %dma_wait3A_84 : memref<1x10000x64xf32, #tpu.memory_space<hbm>> -> memref<10000x64xf32, #tpu.memory_space<hbm>>
    %dma_wait3A_86 = arith.constant 0 : i32
    %dma_wait3A_87 = arith.constant 0 : i32
    %dma_wait3A_88 = tpu.memref_slice %dma_wait3A_85[%dma_wait3A_86, %dma_wait3A_87] : memref<10000x64xf32, #tpu.memory_space<hbm>> -> memref<10000x64xf32, #tpu.memory_space<hbm>>
    tpu.wait_indirect_dma semaphore(%arg15 : memref<!tpu.dma_semaphore, #tpu.memory_space<semaphore_mem>>) src(%dma_wait3A_88 : memref<10000x64xf32, #tpu.memory_space<hbm>>) dst(%arg10 : memref<100x64xf32, #tpu.memory_space<vmem>>)
    %run_scoped3A_89 = arith.constant 97 : i32
    "tpu.region"() ({
      %run_scoped3A_219 = tpu.sem_alloc : memref<!tpu.dma_semaphore, #tpu.memory_space<semaphore_mem>>
      %dma_start3A_220 = arith.constant 0 : i32
      %dma_start3A_221 = tpu.memref_slice %arg8[%run_scoped3A_89, %dma_start3A_220] : memref<100x100xi32, #tpu.memory_space<vmem>> -> memref<1x100xi32, #tpu.memory_space<vmem>>
      %dma_start3A_222 = tpu.memref_squeeze %dma_start3A_221 : memref<1x100xi32, #tpu.memory_space<vmem>> -> memref<100xi32, #tpu.memory_space<vmem>>
      %dma_start3A_223 = arith.constant 0 : i32
      %dma_start3A_224 = arith.constant 0 : i32
      %dma_start3A_225 = tpu.memref_slice %arg13[%dma_start3A_223, %dma_start3A_224] : memref<10240x64xf32, #tpu.memory_space<vmem_shared>> -> memref<10240x64xf32, #tpu.memory_space<vmem_shared>>
      tpu.enqueue_indirect_dma source(%arg10 : memref<100x64xf32, #tpu.memory_space<vmem>>) target(%dma_start3A_225 : memref<10240x64xf32, #tpu.memory_space<vmem_shared>>) offsets(%dma_start3A_222 : memref<100xi32, #tpu.memory_space<vmem>>) semaphore(%run_scoped3A_219 : memref<!tpu.dma_semaphore, #tpu.memory_space<semaphore_mem>>) {add = true}
      %dma_wait3A_226 = arith.constant 0 : i32
      %dma_wait3A_227 = tpu.memref_slice %arg8[%run_scoped3A_89, %dma_wait3A_226] : memref<100x100xi32, #tpu.memory_space<vmem>> -> memref<1x100xi32, #tpu.memory_space<vmem>>
      %dma_wait3A_228 = tpu.memref_squeeze %dma_wait3A_227 : memref<1x100xi32, #tpu.memory_space<vmem>> -> memref<100xi32, #tpu.memory_space<vmem>>
      %dma_wait3A_229 = arith.constant 0 : i32
      %dma_wait3A_230 = arith.constant 0 : i32
      %dma_wait3A_231 = tpu.memref_slice %arg13[%dma_wait3A_229, %dma_wait3A_230] : memref<10240x64xf32, #tpu.memory_space<vmem_shared>> -> memref<10240x64xf32, #tpu.memory_space<vmem_shared>>
      tpu.wait_indirect_dma semaphore(%run_scoped3A_219 : memref<!tpu.dma_semaphore, #tpu.memory_space<semaphore_mem>>) src(%arg10 : memref<100x64xf32, #tpu.memory_space<vmem>>) dst(%dma_wait3A_231 : memref<10240x64xf32, #tpu.memory_space<vmem_shared>>)
      tpu.yield
    }) : () -> ()
    %dma_wait3A_90 = arith.constant 98 : i32
    %dma_wait3A_91 = arith.constant 0 : i32
    %dma_wait3A_92 = tpu.memref_slice %arg7[%dma_wait3A_90, %dma_wait3A_91] : memref<100x100xi32, #tpu.memory_space<vmem>> -> memref<1x100xi32, #tpu.memory_space<vmem>>
    %dma_wait3A_93 = tpu.memref_squeeze %dma_wait3A_92 : memref<1x100xi32, #tpu.memory_space<vmem>> -> memref<100xi32, #tpu.memory_space<vmem>>
    %dma_wait3A_94 = arith.constant 0 : i32
    %dma_wait3A_95 = arith.constant 0 : i32
    %dma_wait3A_96 = tpu.memref_slice %arg2[%arg0, %dma_wait3A_94, %dma_wait3A_95] : memref<2x10000x64xf32, #tpu.memory_space<hbm>> -> memref<1x10000x64xf32, #tpu.memory_space<hbm>>
    %dma_wait3A_97 = tpu.memref_squeeze %dma_wait3A_96 : memref<1x10000x64xf32, #tpu.memory_space<hbm>> -> memref<10000x64xf32, #tpu.memory_space<hbm>>
    %dma_wait3A_98 = arith.constant 0 : i32
    %dma_wait3A_99 = arith.constant 0 : i32
    %dma_wait3A_100 = tpu.memref_slice %dma_wait3A_97[%dma_wait3A_98, %dma_wait3A_99] : memref<10000x64xf32, #tpu.memory_space<hbm>> -> memref<10000x64xf32, #tpu.memory_space<hbm>>
    tpu.wait_indirect_dma semaphore(%arg16 : memref<!tpu.dma_semaphore, #tpu.memory_space<semaphore_mem>>) src(%dma_wait3A_100 : memref<10000x64xf32, #tpu.memory_space<hbm>>) dst(%arg11 : memref<100x64xf32, #tpu.memory_space<vmem>>)
    %run_scoped3A_101 = arith.constant 98 : i32
    "tpu.region"() ({
      %run_scoped3A_219 = tpu.sem_alloc : memref<!tpu.dma_semaphore, #tpu.memory_space<semaphore_mem>>
      %dma_start3A_220 = arith.constant 0 : i32
      %dma_start3A_221 = tpu.memref_slice %arg8[%run_scoped3A_101, %dma_start3A_220] : memref<100x100xi32, #tpu.memory_space<vmem>> -> memref<1x100xi32, #tpu.memory_space<vmem>>
      %dma_start3A_222 = tpu.memref_squeeze %dma_start3A_221 : memref<1x100xi32, #tpu.memory_space<vmem>> -> memref<100xi32, #tpu.memory_space<vmem>>
      %dma_start3A_223 = arith.constant 0 : i32
      %dma_start3A_224 = arith.constant 0 : i32
      %dma_start3A_225 = tpu.memref_slice %arg13[%dma_start3A_223, %dma_start3A_224] : memref<10240x64xf32, #tpu.memory_space<vmem_shared>> -> memref<10240x64xf32, #tpu.memory_space<vmem_shared>>
      tpu.enqueue_indirect_dma source(%arg11 : memref<100x64xf32, #tpu.memory_space<vmem>>) target(%dma_start3A_225 : memref<10240x64xf32, #tpu.memory_space<vmem_shared>>) offsets(%dma_start3A_222 : memref<100xi32, #tpu.memory_space<vmem>>) semaphore(%run_scoped3A_219 : memref<!tpu.dma_semaphore, #tpu.memory_space<semaphore_mem>>) {add = true}
      %dma_wait3A_226 = arith.constant 0 : i32
      %dma_wait3A_227 = tpu.memref_slice %arg8[%run_scoped3A_101, %dma_wait3A_226] : memref<100x100xi32, #tpu.memory_space<vmem>> -> memref<1x100xi32, #tpu.memory_space<vmem>>
      %dma_wait3A_228 = tpu.memref_squeeze %dma_wait3A_227 : memref<1x100xi32, #tpu.memory_space<vmem>> -> memref<100xi32, #tpu.memory_space<vmem>>
      %dma_wait3A_229 = arith.constant 0 : i32
      %dma_wait3A_230 = arith.constant 0 : i32
      %dma_wait3A_231 = tpu.memref_slice %arg13[%dma_wait3A_229, %dma_wait3A_230] : memref<10240x64xf32, #tpu.memory_space<vmem_shared>> -> memref<10240x64xf32, #tpu.memory_space<vmem_shared>>
      tpu.wait_indirect_dma semaphore(%run_scoped3A_219 : memref<!tpu.dma_semaphore, #tpu.memory_space<semaphore_mem>>) src(%arg11 : memref<100x64xf32, #tpu.memory_space<vmem>>) dst(%dma_wait3A_231 : memref<10240x64xf32, #tpu.memory_space<vmem_shared>>)
      tpu.yield
    }) : () -> ()
    %dma_wait3A_102 = arith.constant 99 : i32
    %dma_wait3A_103 = arith.constant 0 : i32
    %dma_wait3A_104 = tpu.memref_slice %arg7[%dma_wait3A_102, %dma_wait3A_103] : memref<100x100xi32, #tpu.memory_space<vmem>> -> memref<1x100xi32, #tpu.memory_space<vmem>>
    %dma_wait3A_105 = tpu.memref_squeeze %dma_wait3A_104 : memref<1x100xi32, #tpu.memory_space<vmem>> -> memref<100xi32, #tpu.memory_space<vmem>>
    %dma_wait3A_106 = arith.constant 0 : i32
    %dma_wait3A_107 = arith.constant 0 : i32
    %dma_wait3A_108 = tpu.memref_slice %arg2[%arg0, %dma_wait3A_106, %dma_wait3A_107] : memref<2x10000x64xf32, #tpu.memory_space<hbm>> -> memref<1x10000x64xf32, #tpu.memory_space<hbm>>
    %dma_wait3A_109 = tpu.memref_squeeze %dma_wait3A_108 : memref<1x10000x64xf32, #tpu.memory_space<hbm>> -> memref<10000x64xf32, #tpu.memory_space<hbm>>
    %dma_wait3A_110 = arith.constant 0 : i32
    %dma_wait3A_111 = arith.constant 0 : i32
    %dma_wait3A_112 = tpu.memref_slice %dma_wait3A_109[%dma_wait3A_110, %dma_wait3A_111] : memref<10000x64xf32, #tpu.memory_space<hbm>> -> memref<10000x64xf32, #tpu.memory_space<hbm>>
    tpu.wait_indirect_dma semaphore(%arg17 : memref<!tpu.dma_semaphore, #tpu.memory_space<semaphore_mem>>) src(%dma_wait3A_112 : memref<10000x64xf32, #tpu.memory_space<hbm>>) dst(%arg12 : memref<100x64xf32, #tpu.memory_space<vmem>>)
    %run_scoped3A_113 = arith.constant 99 : i32
    "tpu.region"() ({
      %run_scoped3A_219 = tpu.sem_alloc : memref<!tpu.dma_semaphore, #tpu.memory_space<semaphore_mem>>
      %dma_start3A_220 = arith.constant 0 : i32
      %dma_start3A_221 = tpu.memref_slice %arg8[%run_scoped3A_113, %dma_start3A_220] : memref<100x100xi32, #tpu.memory_space<vmem>> -> memref<1x100xi32, #tpu.memory_space<vmem>>
      %dma_start3A_222 = tpu.memref_squeeze %dma_start3A_221 : memref<1x100xi32, #tpu.memory_space<vmem>> -> memref<100xi32, #tpu.memory_space<vmem>>
      %dma_start3A_223 = arith.constant 0 : i32
      %dma_start3A_224 = arith.constant 0 : i32
      %dma_start3A_225 = tpu.memref_slice %arg13[%dma_start3A_223, %dma_start3A_224] : memref<10240x64xf32, #tpu.memory_space<vmem_shared>> -> memref<10240x64xf32, #tpu.memory_space<vmem_shared>>
      tpu.enqueue_indirect_dma source(%arg12 : memref<100x64xf32, #tpu.memory_space<vmem>>) target(%dma_start3A_225 : memref<10240x64xf32, #tpu.memory_space<vmem_shared>>) offsets(%dma_start3A_222 : memref<100xi32, #tpu.memory_space<vmem>>) semaphore(%run_scoped3A_219 : memref<!tpu.dma_semaphore, #tpu.memory_space<semaphore_mem>>) {add = true}
      %dma_wait3A_226 = arith.constant 0 : i32
      %dma_wait3A_227 = tpu.memref_slice %arg8[%run_scoped3A_113, %dma_wait3A_226] : memref<100x100xi32, #tpu.memory_space<vmem>> -> memref<1x100xi32, #tpu.memory_space<vmem>>
      %dma_wait3A_228 = tpu.memref_squeeze %dma_wait3A_227 : memref<1x100xi32, #tpu.memory_space<vmem>> -> memref<100xi32, #tpu.memory_space<vmem>>
      %dma_wait3A_229 = arith.constant 0 : i32
      %dma_wait3A_230 = arith.constant 0 : i32
      %dma_wait3A_231 = tpu.memref_slice %arg13[%dma_wait3A_229, %dma_wait3A_230] : memref<10240x64xf32, #tpu.memory_space<vmem_shared>> -> memref<10240x64xf32, #tpu.memory_space<vmem_shared>>
      tpu.wait_indirect_dma semaphore(%run_scoped3A_219 : memref<!tpu.dma_semaphore, #tpu.memory_space<semaphore_mem>>) src(%arg12 : memref<100x64xf32, #tpu.memory_space<vmem>>) dst(%dma_wait3A_231 : memref<10240x64xf32, #tpu.memory_space<vmem_shared>>)
      tpu.yield
    }) : () -> ()
    %run_scoped3A_114 = arith.constant 1 : i32
    "tpu.region"() ({
      %run_scoped3A_219 = tpu.sem_alloc : memref<!tpu.dma_semaphore, #tpu.memory_space<semaphore_mem>>
      %dma_start3A_220 = arith.constant 0 : i32
      %dma_start3A_221 = arith.constant 0 : i32
      %dma_start3A_222 = tpu.memref_slice %arg3[%arg1, %run_scoped3A_114, %dma_start3A_220, %dma_start3A_221] : memref<16x2x100x100xi32, #tpu.memory_space<hbm>> -> memref<1x1x100x100xi32, #tpu.memory_space<hbm>>
      %dma_start3A_223 = tpu.memref_squeeze %dma_start3A_222 : memref<1x1x100x100xi32, #tpu.memory_space<hbm>> -> memref<100x100xi32, #tpu.memory_space<hbm>>
      %dma_start3A_224 = arith.constant 0 : i32
      %dma_start3A_225 = arith.constant 0 : i32
      %dma_start3A_226 = tpu.memref_slice %arg3[%arg1, %run_scoped3A_114, %dma_start3A_224, %dma_start3A_225] : memref<16x2x100x100xi32, #tpu.memory_space<hbm>> -> memref<1x1x100x100xi32, #tpu.memory_space<hbm>>
      %dma_start3A_227 = tpu.memref_squeeze %dma_start3A_226 : memref<1x1x100x100xi32, #tpu.memory_space<hbm>> -> memref<100x100xi32, #tpu.memory_space<hbm>>
      tpu.enqueue_dma source(%dma_start3A_227 : memref<100x100xi32, #tpu.memory_space<hbm>>) target(%arg7 : memref<100x100xi32, #tpu.memory_space<vmem>>) target_semaphore(%run_scoped3A_219 : memref<!tpu.dma_semaphore, #tpu.memory_space<semaphore_mem>>)
      %dma_wait3A_228 = arith.constant 0 : i32
      %dma_wait3A_229 = arith.constant 0 : i32
      %dma_wait3A_230 = tpu.memref_slice %arg3[%arg1, %run_scoped3A_114, %dma_wait3A_228, %dma_wait3A_229] : memref<16x2x100x100xi32, #tpu.memory_space<hbm>> -> memref<1x1x100x100xi32, #tpu.memory_space<hbm>>
      %dma_wait3A_231 = tpu.memref_squeeze %dma_wait3A_230 : memref<1x1x100x100xi32, #tpu.memory_space<hbm>> -> memref<100x100xi32, #tpu.memory_space<hbm>>
      %dma_wait3A_232 = arith.constant 0 : i32
      %dma_wait3A_233 = arith.constant 0 : i32
      %dma_wait3A_234 = tpu.memref_slice %arg3[%arg1, %run_scoped3A_114, %dma_wait3A_232, %dma_wait3A_233] : memref<16x2x100x100xi32, #tpu.memory_space<hbm>> -> memref<1x1x100x100xi32, #tpu.memory_space<hbm>>
      %dma_wait3A_235 = tpu.memref_squeeze %dma_wait3A_234 : memref<1x1x100x100xi32, #tpu.memory_space<hbm>> -> memref<100x100xi32, #tpu.memory_space<hbm>>
      tpu.wait_dma2 semaphore(%run_scoped3A_219 : memref<!tpu.dma_semaphore, #tpu.memory_space<semaphore_mem>>) src(%dma_wait3A_235 : memref<100x100xi32, #tpu.memory_space<hbm>>) dst(%arg7 : memref<100x100xi32, #tpu.memory_space<vmem>>)
      tpu.yield
    }) : () -> ()
    %run_scoped3A_115 = arith.constant 1 : i32
    "tpu.region"() ({
      %run_scoped3A_219 = tpu.sem_alloc : memref<!tpu.dma_semaphore, #tpu.memory_space<semaphore_mem>>
      %dma_start3A_220 = arith.constant 0 : i32
      %dma_start3A_221 = arith.constant 0 : i32
      %dma_start3A_222 = tpu.memref_slice %arg4[%arg1, %run_scoped3A_115, %dma_start3A_220, %dma_start3A_221] : memref<16x2x100x100xi32, #tpu.memory_space<hbm>> -> memref<1x1x100x100xi32, #tpu.memory_space<hbm>>
      %dma_start3A_223 = tpu.memref_squeeze %dma_start3A_222 : memref<1x1x100x100xi32, #tpu.memory_space<hbm>> -> memref<100x100xi32, #tpu.memory_space<hbm>>
      %dma_start3A_224 = arith.constant 0 : i32
      %dma_start3A_225 = arith.constant 0 : i32
      %dma_start3A_226 = tpu.memref_slice %arg4[%arg1, %run_scoped3A_115, %dma_start3A_224, %dma_start3A_225] : memref<16x2x100x100xi32, #tpu.memory_space<hbm>> -> memref<1x1x100x100xi32, #tpu.memory_space<hbm>>
      %dma_start3A_227 = tpu.memref_squeeze %dma_start3A_226 : memref<1x1x100x100xi32, #tpu.memory_space<hbm>> -> memref<100x100xi32, #tpu.memory_space<hbm>>
      tpu.enqueue_dma source(%dma_start3A_227 : memref<100x100xi32, #tpu.memory_space<hbm>>) target(%arg8 : memref<100x100xi32, #tpu.memory_space<vmem>>) target_semaphore(%run_scoped3A_219 : memref<!tpu.dma_semaphore, #tpu.memory_space<semaphore_mem>>)
      %dma_wait3A_228 = arith.constant 0 : i32
      %dma_wait3A_229 = arith.constant 0 : i32
      %dma_wait3A_230 = tpu.memref_slice %arg4[%arg1, %run_scoped3A_115, %dma_wait3A_228, %dma_wait3A_229] : memref<16x2x100x100xi32, #tpu.memory_space<hbm>> -> memref<1x1x100x100xi32, #tpu.memory_space<hbm>>
      %dma_wait3A_231 = tpu.memref_squeeze %dma_wait3A_230 : memref<1x1x100x100xi32, #tpu.memory_space<hbm>> -> memref<100x100xi32, #tpu.memory_space<hbm>>
      %dma_wait3A_232 = arith.constant 0 : i32
      %dma_wait3A_233 = arith.constant 0 : i32
      %dma_wait3A_234 = tpu.memref_slice %arg4[%arg1, %run_scoped3A_115, %dma_wait3A_232, %dma_wait3A_233] : memref<16x2x100x100xi32, #tpu.memory_space<hbm>> -> memref<1x1x100x100xi32, #tpu.memory_space<hbm>>
      %dma_wait3A_235 = tpu.memref_squeeze %dma_wait3A_234 : memref<1x1x100x100xi32, #tpu.memory_space<hbm>> -> memref<100x100xi32, #tpu.memory_space<hbm>>
      tpu.wait_dma2 semaphore(%run_scoped3A_219 : memref<!tpu.dma_semaphore, #tpu.memory_space<semaphore_mem>>) src(%dma_wait3A_235 : memref<100x100xi32, #tpu.memory_space<hbm>>) dst(%arg8 : memref<100x100xi32, #tpu.memory_space<vmem>>)
      tpu.yield
    }) : () -> ()
    %dma_start3A_116 = arith.constant 0 : i32
    %dma_start3A_117 = arith.constant 0 : i32
    %dma_start3A_118 = tpu.memref_slice %arg7[%dma_start3A_116, %dma_start3A_117] : memref<100x100xi32, #tpu.memory_space<vmem>> -> memref<1x100xi32, #tpu.memory_space<vmem>>
    %dma_start3A_119 = tpu.memref_squeeze %dma_start3A_118 : memref<1x100xi32, #tpu.memory_space<vmem>> -> memref<100xi32, #tpu.memory_space<vmem>>
    %dma_start3A_120 = arith.constant 0 : i32
    %dma_start3A_121 = arith.constant 0 : i32
    %dma_start3A_122 = tpu.memref_slice %arg2[%arg0, %dma_start3A_120, %dma_start3A_121] : memref<2x10000x64xf32, #tpu.memory_space<hbm>> -> memref<1x10000x64xf32, #tpu.memory_space<hbm>>
    %dma_start3A_123 = tpu.memref_squeeze %dma_start3A_122 : memref<1x10000x64xf32, #tpu.memory_space<hbm>> -> memref<10000x64xf32, #tpu.memory_space<hbm>>
    %dma_start3A_124 = arith.constant 0 : i32
    %dma_start3A_125 = arith.constant 0 : i32
    %dma_start3A_126 = tpu.memref_slice %dma_start3A_123[%dma_start3A_124, %dma_start3A_125] : memref<10000x64xf32, #tpu.memory_space<hbm>> -> memref<10000x64xf32, #tpu.memory_space<hbm>>
    tpu.enqueue_indirect_dma source(%dma_start3A_126 : memref<10000x64xf32, #tpu.memory_space<hbm>>) target(%arg9 : memref<100x64xf32, #tpu.memory_space<vmem>>) offsets(%dma_start3A_119 : memref<100xi32, #tpu.memory_space<vmem>>) semaphore(%arg14 : memref<!tpu.dma_semaphore, #tpu.memory_space<semaphore_mem>>)
    %dma_start3A_127 = arith.constant 1 : i32
    %dma_start3A_128 = arith.constant 0 : i32
    %dma_start3A_129 = tpu.memref_slice %arg7[%dma_start3A_127, %dma_start3A_128] : memref<100x100xi32, #tpu.memory_space<vmem>> -> memref<1x100xi32, #tpu.memory_space<vmem>>
    %dma_start3A_130 = tpu.memref_squeeze %dma_start3A_129 : memref<1x100xi32, #tpu.memory_space<vmem>> -> memref<100xi32, #tpu.memory_space<vmem>>
    %dma_start3A_131 = arith.constant 0 : i32
    %dma_start3A_132 = arith.constant 0 : i32
    %dma_start3A_133 = tpu.memref_slice %arg2[%arg0, %dma_start3A_131, %dma_start3A_132] : memref<2x10000x64xf32, #tpu.memory_space<hbm>> -> memref<1x10000x64xf32, #tpu.memory_space<hbm>>
    %dma_start3A_134 = tpu.memref_squeeze %dma_start3A_133 : memref<1x10000x64xf32, #tpu.memory_space<hbm>> -> memref<10000x64xf32, #tpu.memory_space<hbm>>
    %dma_start3A_135 = arith.constant 0 : i32
    %dma_start3A_136 = arith.constant 0 : i32
    %dma_start3A_137 = tpu.memref_slice %dma_start3A_134[%dma_start3A_135, %dma_start3A_136] : memref<10000x64xf32, #tpu.memory_space<hbm>> -> memref<10000x64xf32, #tpu.memory_space<hbm>>
    tpu.enqueue_indirect_dma source(%dma_start3A_137 : memref<10000x64xf32, #tpu.memory_space<hbm>>) target(%arg10 : memref<100x64xf32, #tpu.memory_space<vmem>>) offsets(%dma_start3A_130 : memref<100xi32, #tpu.memory_space<vmem>>) semaphore(%arg15 : memref<!tpu.dma_semaphore, #tpu.memory_space<semaphore_mem>>)
    %dma_start3A_138 = arith.constant 2 : i32
    %dma_start3A_139 = arith.constant 0 : i32
    %dma_start3A_140 = tpu.memref_slice %arg7[%dma_start3A_138, %dma_start3A_139] : memref<100x100xi32, #tpu.memory_space<vmem>> -> memref<1x100xi32, #tpu.memory_space<vmem>>
    %dma_start3A_141 = tpu.memref_squeeze %dma_start3A_140 : memref<1x100xi32, #tpu.memory_space<vmem>> -> memref<100xi32, #tpu.memory_space<vmem>>
    %dma_start3A_142 = arith.constant 0 : i32
    %dma_start3A_143 = arith.constant 0 : i32
    %dma_start3A_144 = tpu.memref_slice %arg2[%arg0, %dma_start3A_142, %dma_start3A_143] : memref<2x10000x64xf32, #tpu.memory_space<hbm>> -> memref<1x10000x64xf32, #tpu.memory_space<hbm>>
    %dma_start3A_145 = tpu.memref_squeeze %dma_start3A_144 : memref<1x10000x64xf32, #tpu.memory_space<hbm>> -> memref<10000x64xf32, #tpu.memory_space<hbm>>
    %dma_start3A_146 = arith.constant 0 : i32
    %dma_start3A_147 = arith.constant 0 : i32
    %dma_start3A_148 = tpu.memref_slice %dma_start3A_145[%dma_start3A_146, %dma_start3A_147] : memref<10000x64xf32, #tpu.memory_space<hbm>> -> memref<10000x64xf32, #tpu.memory_space<hbm>>
    tpu.enqueue_indirect_dma source(%dma_start3A_148 : memref<10000x64xf32, #tpu.memory_space<hbm>>) target(%arg11 : memref<100x64xf32, #tpu.memory_space<vmem>>) offsets(%dma_start3A_141 : memref<100xi32, #tpu.memory_space<vmem>>) semaphore(%arg16 : memref<!tpu.dma_semaphore, #tpu.memory_space<semaphore_mem>>)
    %dma_start3A_149 = arith.constant 3 : i32
    %dma_start3A_150 = arith.constant 0 : i32
    %dma_start3A_151 = tpu.memref_slice %arg7[%dma_start3A_149, %dma_start3A_150] : memref<100x100xi32, #tpu.memory_space<vmem>> -> memref<1x100xi32, #tpu.memory_space<vmem>>
    %dma_start3A_152 = tpu.memref_squeeze %dma_start3A_151 : memref<1x100xi32, #tpu.memory_space<vmem>> -> memref<100xi32, #tpu.memory_space<vmem>>
    %dma_start3A_153 = arith.constant 0 : i32
    %dma_start3A_154 = arith.constant 0 : i32
    %dma_start3A_155 = tpu.memref_slice %arg2[%arg0, %dma_start3A_153, %dma_start3A_154] : memref<2x10000x64xf32, #tpu.memory_space<hbm>> -> memref<1x10000x64xf32, #tpu.memory_space<hbm>>
    %dma_start3A_156 = tpu.memref_squeeze %dma_start3A_155 : memref<1x10000x64xf32, #tpu.memory_space<hbm>> -> memref<10000x64xf32, #tpu.memory_space<hbm>>
    %dma_start3A_157 = arith.constant 0 : i32
    %dma_start3A_158 = arith.constant 0 : i32
    %dma_start3A_159 = tpu.memref_slice %dma_start3A_156[%dma_start3A_157, %dma_start3A_158] : memref<10000x64xf32, #tpu.memory_space<hbm>> -> memref<10000x64xf32, #tpu.memory_space<hbm>>
    tpu.enqueue_indirect_dma source(%dma_start3A_159 : memref<10000x64xf32, #tpu.memory_space<hbm>>) target(%arg12 : memref<100x64xf32, #tpu.memory_space<vmem>>) offsets(%dma_start3A_152 : memref<100xi32, #tpu.memory_space<vmem>>) semaphore(%arg17 : memref<!tpu.dma_semaphore, #tpu.memory_space<semaphore_mem>>)
    %scan3A_160 = arith.constant 0 : i32
    %scan3A_161 = arith.constant 0 : i32
    %scan3A_162 = arith.constant 24 : i32
    %scan3A_163 = arith.addi %scan3A_161, %scan3A_162 : i32
    %scan3A_164 = arith.constant 1 : i32
    scf.for %scan3A_219 = %scan3A_161 to %scan3A_163 step %scan3A_164  : i32 {
      %mul3A_220 = arith.constant 4 : i32
      %mul3A_221 = arith.muli %scan3A_219, %mul3A_220 : i32
      %add3A_222 = arith.constant 0 : i32
      %add3A_223 = arith.addi %mul3A_221, %add3A_222 : i32
      %dma_wait3A_224 = arith.constant 0 : i32
      %dma_wait3A_225 = tpu.memref_slice %arg7[%add3A_223, %dma_wait3A_224] : memref<100x100xi32, #tpu.memory_space<vmem>> -> memref<1x100xi32, #tpu.memory_space<vmem>>
      %dma_wait3A_226 = tpu.memref_squeeze %dma_wait3A_225 : memref<1x100xi32, #tpu.memory_space<vmem>> -> memref<100xi32, #tpu.memory_space<vmem>>
      %dma_wait3A_227 = arith.constant 0 : i32
      %dma_wait3A_228 = arith.constant 0 : i32
      %dma_wait3A_229 = tpu.memref_slice %arg2[%arg0, %dma_wait3A_227, %dma_wait3A_228] : memref<2x10000x64xf32, #tpu.memory_space<hbm>> -> memref<1x10000x64xf32, #tpu.memory_space<hbm>>
      %dma_wait3A_230 = tpu.memref_squeeze %dma_wait3A_229 : memref<1x10000x64xf32, #tpu.memory_space<hbm>> -> memref<10000x64xf32, #tpu.memory_space<hbm>>
      %dma_wait3A_231 = arith.constant 0 : i32
      %dma_wait3A_232 = arith.constant 0 : i32
      %dma_wait3A_233 = tpu.memref_slice %dma_wait3A_230[%dma_wait3A_231, %dma_wait3A_232] : memref<10000x64xf32, #tpu.memory_space<hbm>> -> memref<10000x64xf32, #tpu.memory_space<hbm>>
      tpu.wait_indirect_dma semaphore(%arg14 : memref<!tpu.dma_semaphore, #tpu.memory_space<semaphore_mem>>) src(%dma_wait3A_233 : memref<10000x64xf32, #tpu.memory_space<hbm>>) dst(%arg9 : memref<100x64xf32, #tpu.memory_space<vmem>>)
      "tpu.region"() ({
        %run_scoped3A_318 = tpu.sem_alloc : memref<!tpu.dma_semaphore, #tpu.memory_space<semaphore_mem>>
        %dma_start3A_319 = arith.constant 0 : i32
        %dma_start3A_320 = tpu.memref_slice %arg8[%add3A_223, %dma_start3A_319] : memref<100x100xi32, #tpu.memory_space<vmem>> -> memref<1x100xi32, #tpu.memory_space<vmem>>
        %dma_start3A_321 = tpu.memref_squeeze %dma_start3A_320 : memref<1x100xi32, #tpu.memory_space<vmem>> -> memref<100xi32, #tpu.memory_space<vmem>>
        %dma_start3A_322 = arith.constant 0 : i32
        %dma_start3A_323 = arith.constant 0 : i32
        %dma_start3A_324 = tpu.memref_slice %arg13[%dma_start3A_322, %dma_start3A_323] : memref<10240x64xf32, #tpu.memory_space<vmem_shared>> -> memref<10240x64xf32, #tpu.memory_space<vmem_shared>>
        tpu.enqueue_indirect_dma source(%arg9 : memref<100x64xf32, #tpu.memory_space<vmem>>) target(%dma_start3A_324 : memref<10240x64xf32, #tpu.memory_space<vmem_shared>>) offsets(%dma_start3A_321 : memref<100xi32, #tpu.memory_space<vmem>>) semaphore(%run_scoped3A_318 : memref<!tpu.dma_semaphore, #tpu.memory_space<semaphore_mem>>) {add = true}
        %dma_wait3A_325 = arith.constant 0 : i32
        %dma_wait3A_326 = tpu.memref_slice %arg8[%add3A_223, %dma_wait3A_325] : memref<100x100xi32, #tpu.memory_space<vmem>> -> memref<1x100xi32, #tpu.memory_space<vmem>>
        %dma_wait3A_327 = tpu.memref_squeeze %dma_wait3A_326 : memref<1x100xi32, #tpu.memory_space<vmem>> -> memref<100xi32, #tpu.memory_space<vmem>>
        %dma_wait3A_328 = arith.constant 0 : i32
        %dma_wait3A_329 = arith.constant 0 : i32
        %dma_wait3A_330 = tpu.memref_slice %arg13[%dma_wait3A_328, %dma_wait3A_329] : memref<10240x64xf32, #tpu.memory_space<vmem_shared>> -> memref<10240x64xf32, #tpu.memory_space<vmem_shared>>
        tpu.wait_indirect_dma semaphore(%run_scoped3A_318 : memref<!tpu.dma_semaphore, #tpu.memory_space<semaphore_mem>>) src(%arg9 : memref<100x64xf32, #tpu.memory_space<vmem>>) dst(%dma_wait3A_330 : memref<10240x64xf32, #tpu.memory_space<vmem_shared>>)
        tpu.yield
      }) : () -> ()
      %add3A_234 = arith.constant 4 : i32
      %add3A_235 = arith.addi %add3A_223, %add3A_234 : i32
      %dma_start3A_236 = arith.constant 0 : i32
      %dma_start3A_237 = tpu.memref_slice %arg7[%add3A_235, %dma_start3A_236] : memref<100x100xi32, #tpu.memory_space<vmem>> -> memref<1x100xi32, #tpu.memory_space<vmem>>
      %dma_start3A_238 = tpu.memref_squeeze %dma_start3A_237 : memref<1x100xi32, #tpu.memory_space<vmem>> -> memref<100xi32, #tpu.memory_space<vmem>>
      %dma_start3A_239 = arith.constant 0 : i32
      %dma_start3A_240 = arith.constant 0 : i32
      %dma_start3A_241 = tpu.memref_slice %arg2[%arg0, %dma_start3A_239, %dma_start3A_240] : memref<2x10000x64xf32, #tpu.memory_space<hbm>> -> memref<1x10000x64xf32, #tpu.memory_space<hbm>>
      %dma_start3A_242 = tpu.memref_squeeze %dma_start3A_241 : memref<1x10000x64xf32, #tpu.memory_space<hbm>> -> memref<10000x64xf32, #tpu.memory_space<hbm>>
      %dma_start3A_243 = arith.constant 0 : i32
      %dma_start3A_244 = arith.constant 0 : i32
      %dma_start3A_245 = tpu.memref_slice %dma_start3A_242[%dma_start3A_243, %dma_start3A_244] : memref<10000x64xf32, #tpu.memory_space<hbm>> -> memref<10000x64xf32, #tpu.memory_space<hbm>>
      tpu.enqueue_indirect_dma source(%dma_start3A_245 : memref<10000x64xf32, #tpu.memory_space<hbm>>) target(%arg9 : memref<100x64xf32, #tpu.memory_space<vmem>>) offsets(%dma_start3A_238 : memref<100xi32, #tpu.memory_space<vmem>>) semaphore(%arg14 : memref<!tpu.dma_semaphore, #tpu.memory_space<semaphore_mem>>)
      %add3A_246 = arith.constant 1 : i32
      %add3A_247 = arith.addi %mul3A_221, %add3A_246 : i32
      %dma_wait3A_248 = arith.constant 0 : i32
      %dma_wait3A_249 = tpu.memref_slice %arg7[%add3A_247, %dma_wait3A_248] : memref<100x100xi32, #tpu.memory_space<vmem>> -> memref<1x100xi32, #tpu.memory_space<vmem>>
      %dma_wait3A_250 = tpu.memref_squeeze %dma_wait3A_249 : memref<1x100xi32, #tpu.memory_space<vmem>> -> memref<100xi32, #tpu.memory_space<vmem>>
      %dma_wait3A_251 = arith.constant 0 : i32
      %dma_wait3A_252 = arith.constant 0 : i32
      %dma_wait3A_253 = tpu.memref_slice %arg2[%arg0, %dma_wait3A_251, %dma_wait3A_252] : memref<2x10000x64xf32, #tpu.memory_space<hbm>> -> memref<1x10000x64xf32, #tpu.memory_space<hbm>>
      %dma_wait3A_254 = tpu.memref_squeeze %dma_wait3A_253 : memref<1x10000x64xf32, #tpu.memory_space<hbm>> -> memref<10000x64xf32, #tpu.memory_space<hbm>>
      %dma_wait3A_255 = arith.constant 0 : i32
      %dma_wait3A_256 = arith.constant 0 : i32
      %dma_wait3A_257 = tpu.memref_slice %dma_wait3A_254[%dma_wait3A_255, %dma_wait3A_256] : memref<10000x64xf32, #tpu.memory_space<hbm>> -> memref<10000x64xf32, #tpu.memory_space<hbm>>
      tpu.wait_indirect_dma semaphore(%arg15 : memref<!tpu.dma_semaphore, #tpu.memory_space<semaphore_mem>>) src(%dma_wait3A_257 : memref<10000x64xf32, #tpu.memory_space<hbm>>) dst(%arg10 : memref<100x64xf32, #tpu.memory_space<vmem>>)
      "tpu.region"() ({
        %run_scoped3A_318 = tpu.sem_alloc : memref<!tpu.dma_semaphore, #tpu.memory_space<semaphore_mem>>
        %dma_start3A_319 = arith.constant 0 : i32
        %dma_start3A_320 = tpu.memref_slice %arg8[%add3A_247, %dma_start3A_319] : memref<100x100xi32, #tpu.memory_space<vmem>> -> memref<1x100xi32, #tpu.memory_space<vmem>>
        %dma_start3A_321 = tpu.memref_squeeze %dma_start3A_320 : memref<1x100xi32, #tpu.memory_space<vmem>> -> memref<100xi32, #tpu.memory_space<vmem>>
        %dma_start3A_322 = arith.constant 0 : i32
        %dma_start3A_323 = arith.constant 0 : i32
        %dma_start3A_324 = tpu.memref_slice %arg13[%dma_start3A_322, %dma_start3A_323] : memref<10240x64xf32, #tpu.memory_space<vmem_shared>> -> memref<10240x64xf32, #tpu.memory_space<vmem_shared>>
        tpu.enqueue_indirect_dma source(%arg10 : memref<100x64xf32, #tpu.memory_space<vmem>>) target(%dma_start3A_324 : memref<10240x64xf32, #tpu.memory_space<vmem_shared>>) offsets(%dma_start3A_321 : memref<100xi32, #tpu.memory_space<vmem>>) semaphore(%run_scoped3A_318 : memref<!tpu.dma_semaphore, #tpu.memory_space<semaphore_mem>>) {add = true}
        %dma_wait3A_325 = arith.constant 0 : i32
        %dma_wait3A_326 = tpu.memref_slice %arg8[%add3A_247, %dma_wait3A_325] : memref<100x100xi32, #tpu.memory_space<vmem>> -> memref<1x100xi32, #tpu.memory_space<vmem>>
        %dma_wait3A_327 = tpu.memref_squeeze %dma_wait3A_326 : memref<1x100xi32, #tpu.memory_space<vmem>> -> memref<100xi32, #tpu.memory_space<vmem>>
        %dma_wait3A_328 = arith.constant 0 : i32
        %dma_wait3A_329 = arith.constant 0 : i32
        %dma_wait3A_330 = tpu.memref_slice %arg13[%dma_wait3A_328, %dma_wait3A_329] : memref<10240x64xf32, #tpu.memory_space<vmem_shared>> -> memref<10240x64xf32, #tpu.memory_space<vmem_shared>>
        tpu.wait_indirect_dma semaphore(%run_scoped3A_318 : memref<!tpu.dma_semaphore, #tpu.memory_space<semaphore_mem>>) src(%arg10 : memref<100x64xf32, #tpu.memory_space<vmem>>) dst(%dma_wait3A_330 : memref<10240x64xf32, #tpu.memory_space<vmem_shared>>)
        tpu.yield
      }) : () -> ()
      %add3A_258 = arith.constant 4 : i32
      %add3A_259 = arith.addi %add3A_247, %add3A_258 : i32
      %dma_start3A_260 = arith.constant 0 : i32
      %dma_start3A_261 = tpu.memref_slice %arg7[%add3A_259, %dma_start3A_260] : memref<100x100xi32, #tpu.memory_space<vmem>> -> memref<1x100xi32, #tpu.memory_space<vmem>>
      %dma_start3A_262 = tpu.memref_squeeze %dma_start3A_261 : memref<1x100xi32, #tpu.memory_space<vmem>> -> memref<100xi32, #tpu.memory_space<vmem>>
      %dma_start3A_263 = arith.constant 0 : i32
      %dma_start3A_264 = arith.constant 0 : i32
      %dma_start3A_265 = tpu.memref_slice %arg2[%arg0, %dma_start3A_263, %dma_start3A_264] : memref<2x10000x64xf32, #tpu.memory_space<hbm>> -> memref<1x10000x64xf32, #tpu.memory_space<hbm>>
      %dma_start3A_266 = tpu.memref_squeeze %dma_start3A_265 : memref<1x10000x64xf32, #tpu.memory_space<hbm>> -> memref<10000x64xf32, #tpu.memory_space<hbm>>
      %dma_start3A_267 = arith.constant 0 : i32
      %dma_start3A_268 = arith.constant 0 : i32
      %dma_start3A_269 = tpu.memref_slice %dma_start3A_266[%dma_start3A_267, %dma_start3A_268] : memref<10000x64xf32, #tpu.memory_space<hbm>> -> memref<10000x64xf32, #tpu.memory_space<hbm>>
      tpu.enqueue_indirect_dma source(%dma_start3A_269 : memref<10000x64xf32, #tpu.memory_space<hbm>>) target(%arg10 : memref<100x64xf32, #tpu.memory_space<vmem>>) offsets(%dma_start3A_262 : memref<100xi32, #tpu.memory_space<vmem>>) semaphore(%arg15 : memref<!tpu.dma_semaphore, #tpu.memory_space<semaphore_mem>>)
      %add3A_270 = arith.constant 2 : i32
      %add3A_271 = arith.addi %mul3A_221, %add3A_270 : i32
      %dma_wait3A_272 = arith.constant 0 : i32
      %dma_wait3A_273 = tpu.memref_slice %arg7[%add3A_271, %dma_wait3A_272] : memref<100x100xi32, #tpu.memory_space<vmem>> -> memref<1x100xi32, #tpu.memory_space<vmem>>
      %dma_wait3A_274 = tpu.memref_squeeze %dma_wait3A_273 : memref<1x100xi32, #tpu.memory_space<vmem>> -> memref<100xi32, #tpu.memory_space<vmem>>
      %dma_wait3A_275 = arith.constant 0 : i32
      %dma_wait3A_276 = arith.constant 0 : i32
      %dma_wait3A_277 = tpu.memref_slice %arg2[%arg0, %dma_wait3A_275, %dma_wait3A_276] : memref<2x10000x64xf32, #tpu.memory_space<hbm>> -> memref<1x10000x64xf32, #tpu.memory_space<hbm>>
      %dma_wait3A_278 = tpu.memref_squeeze %dma_wait3A_277 : memref<1x10000x64xf32, #tpu.memory_space<hbm>> -> memref<10000x64xf32, #tpu.memory_space<hbm>>
      %dma_wait3A_279 = arith.constant 0 : i32
      %dma_wait3A_280 = arith.constant 0 : i32
      %dma_wait3A_281 = tpu.memref_slice %dma_wait3A_278[%dma_wait3A_279, %dma_wait3A_280] : memref<10000x64xf32, #tpu.memory_space<hbm>> -> memref<10000x64xf32, #tpu.memory_space<hbm>>
      tpu.wait_indirect_dma semaphore(%arg16 : memref<!tpu.dma_semaphore, #tpu.memory_space<semaphore_mem>>) src(%dma_wait3A_281 : memref<10000x64xf32, #tpu.memory_space<hbm>>) dst(%arg11 : memref<100x64xf32, #tpu.memory_space<vmem>>)
      "tpu.region"() ({
        %run_scoped3A_318 = tpu.sem_alloc : memref<!tpu.dma_semaphore, #tpu.memory_space<semaphore_mem>>
        %dma_start3A_319 = arith.constant 0 : i32
        %dma_start3A_320 = tpu.memref_slice %arg8[%add3A_271, %dma_start3A_319] : memref<100x100xi32, #tpu.memory_space<vmem>> -> memref<1x100xi32, #tpu.memory_space<vmem>>
        %dma_start3A_321 = tpu.memref_squeeze %dma_start3A_320 : memref<1x100xi32, #tpu.memory_space<vmem>> -> memref<100xi32, #tpu.memory_space<vmem>>
        %dma_start3A_322 = arith.constant 0 : i32
        %dma_start3A_323 = arith.constant 0 : i32
        %dma_start3A_324 = tpu.memref_slice %arg13[%dma_start3A_322, %dma_start3A_323] : memref<10240x64xf32, #tpu.memory_space<vmem_shared>> -> memref<10240x64xf32, #tpu.memory_space<vmem_shared>>
        tpu.enqueue_indirect_dma source(%arg11 : memref<100x64xf32, #tpu.memory_space<vmem>>) target(%dma_start3A_324 : memref<10240x64xf32, #tpu.memory_space<vmem_shared>>) offsets(%dma_start3A_321 : memref<100xi32, #tpu.memory_space<vmem>>) semaphore(%run_scoped3A_318 : memref<!tpu.dma_semaphore, #tpu.memory_space<semaphore_mem>>) {add = true}
        %dma_wait3A_325 = arith.constant 0 : i32
        %dma_wait3A_326 = tpu.memref_slice %arg8[%add3A_271, %dma_wait3A_325] : memref<100x100xi32, #tpu.memory_space<vmem>> -> memref<1x100xi32, #tpu.memory_space<vmem>>
        %dma_wait3A_327 = tpu.memref_squeeze %dma_wait3A_326 : memref<1x100xi32, #tpu.memory_space<vmem>> -> memref<100xi32, #tpu.memory_space<vmem>>
        %dma_wait3A_328 = arith.constant 0 : i32
        %dma_wait3A_329 = arith.constant 0 : i32
        %dma_wait3A_330 = tpu.memref_slice %arg13[%dma_wait3A_328, %dma_wait3A_329] : memref<10240x64xf32, #tpu.memory_space<vmem_shared>> -> memref<10240x64xf32, #tpu.memory_space<vmem_shared>>
        tpu.wait_indirect_dma semaphore(%run_scoped3A_318 : memref<!tpu.dma_semaphore, #tpu.memory_space<semaphore_mem>>) src(%arg11 : memref<100x64xf32, #tpu.memory_space<vmem>>) dst(%dma_wait3A_330 : memref<10240x64xf32, #tpu.memory_space<vmem_shared>>)
        tpu.yield
      }) : () -> ()
      %add3A_282 = arith.constant 4 : i32
      %add3A_283 = arith.addi %add3A_271, %add3A_282 : i32
      %dma_start3A_284 = arith.constant 0 : i32
      %dma_start3A_285 = tpu.memref_slice %arg7[%add3A_283, %dma_start3A_284] : memref<100x100xi32, #tpu.memory_space<vmem>> -> memref<1x100xi32, #tpu.memory_space<vmem>>
      %dma_start3A_286 = tpu.memref_squeeze %dma_start3A_285 : memref<1x100xi32, #tpu.memory_space<vmem>> -> memref<100xi32, #tpu.memory_space<vmem>>
      %dma_start3A_287 = arith.constant 0 : i32
      %dma_start3A_288 = arith.constant 0 : i32
      %dma_start3A_289 = tpu.memref_slice %arg2[%arg0, %dma_start3A_287, %dma_start3A_288] : memref<2x10000x64xf32, #tpu.memory_space<hbm>> -> memref<1x10000x64xf32, #tpu.memory_space<hbm>>
      %dma_start3A_290 = tpu.memref_squeeze %dma_start3A_289 : memref<1x10000x64xf32, #tpu.memory_space<hbm>> -> memref<10000x64xf32, #tpu.memory_space<hbm>>
      %dma_start3A_291 = arith.constant 0 : i32
      %dma_start3A_292 = arith.constant 0 : i32
      %dma_start3A_293 = tpu.memref_slice %dma_start3A_290[%dma_start3A_291, %dma_start3A_292] : memref<10000x64xf32, #tpu.memory_space<hbm>> -> memref<10000x64xf32, #tpu.memory_space<hbm>>
      tpu.enqueue_indirect_dma source(%dma_start3A_293 : memref<10000x64xf32, #tpu.memory_space<hbm>>) target(%arg11 : memref<100x64xf32, #tpu.memory_space<vmem>>) offsets(%dma_start3A_286 : memref<100xi32, #tpu.memory_space<vmem>>) semaphore(%arg16 : memref<!tpu.dma_semaphore, #tpu.memory_space<semaphore_mem>>)
      %add3A_294 = arith.constant 3 : i32
      %add3A_295 = arith.addi %mul3A_221, %add3A_294 : i32
      %dma_wait3A_296 = arith.constant 0 : i32
      %dma_wait3A_297 = tpu.memref_slice %arg7[%add3A_295, %dma_wait3A_296] : memref<100x100xi32, #tpu.memory_space<vmem>> -> memref<1x100xi32, #tpu.memory_space<vmem>>
      %dma_wait3A_298 = tpu.memref_squeeze %dma_wait3A_297 : memref<1x100xi32, #tpu.memory_space<vmem>> -> memref<100xi32, #tpu.memory_space<vmem>>
      %dma_wait3A_299 = arith.constant 0 : i32
      %dma_wait3A_300 = arith.constant 0 : i32
      %dma_wait3A_301 = tpu.memref_slice %arg2[%arg0, %dma_wait3A_299, %dma_wait3A_300] : memref<2x10000x64xf32, #tpu.memory_space<hbm>> -> memref<1x10000x64xf32, #tpu.memory_space<hbm>>
      %dma_wait3A_302 = tpu.memref_squeeze %dma_wait3A_301 : memref<1x10000x64xf32, #tpu.memory_space<hbm>> -> memref<10000x64xf32, #tpu.memory_space<hbm>>
      %dma_wait3A_303 = arith.constant 0 : i32
      %dma_wait3A_304 = arith.constant 0 : i32
      %dma_wait3A_305 = tpu.memref_slice %dma_wait3A_302[%dma_wait3A_303, %dma_wait3A_304] : memref<10000x64xf32, #tpu.memory_space<hbm>> -> memref<10000x64xf32, #tpu.memory_space<hbm>>
      tpu.wait_indirect_dma semaphore(%arg17 : memref<!tpu.dma_semaphore, #tpu.memory_space<semaphore_mem>>) src(%dma_wait3A_305 : memref<10000x64xf32, #tpu.memory_space<hbm>>) dst(%arg12 : memref<100x64xf32, #tpu.memory_space<vmem>>)
      "tpu.region"() ({
        %run_scoped3A_318 = tpu.sem_alloc : memref<!tpu.dma_semaphore, #tpu.memory_space<semaphore_mem>>
        %dma_start3A_319 = arith.constant 0 : i32
        %dma_start3A_320 = tpu.memref_slice %arg8[%add3A_295, %dma_start3A_319] : memref<100x100xi32, #tpu.memory_space<vmem>> -> memref<1x100xi32, #tpu.memory_space<vmem>>
        %dma_start3A_321 = tpu.memref_squeeze %dma_start3A_320 : memref<1x100xi32, #tpu.memory_space<vmem>> -> memref<100xi32, #tpu.memory_space<vmem>>
        %dma_start3A_322 = arith.constant 0 : i32
        %dma_start3A_323 = arith.constant 0 : i32
        %dma_start3A_324 = tpu.memref_slice %arg13[%dma_start3A_322, %dma_start3A_323] : memref<10240x64xf32, #tpu.memory_space<vmem_shared>> -> memref<10240x64xf32, #tpu.memory_space<vmem_shared>>
        tpu.enqueue_indirect_dma source(%arg12 : memref<100x64xf32, #tpu.memory_space<vmem>>) target(%dma_start3A_324 : memref<10240x64xf32, #tpu.memory_space<vmem_shared>>) offsets(%dma_start3A_321 : memref<100xi32, #tpu.memory_space<vmem>>) semaphore(%run_scoped3A_318 : memref<!tpu.dma_semaphore, #tpu.memory_space<semaphore_mem>>) {add = true}
        %dma_wait3A_325 = arith.constant 0 : i32
        %dma_wait3A_326 = tpu.memref_slice %arg8[%add3A_295, %dma_wait3A_325] : memref<100x100xi32, #tpu.memory_space<vmem>> -> memref<1x100xi32, #tpu.memory_space<vmem>>
        %dma_wait3A_327 = tpu.memref_squeeze %dma_wait3A_326 : memref<1x100xi32, #tpu.memory_space<vmem>> -> memref<100xi32, #tpu.memory_space<vmem>>
        %dma_wait3A_328 = arith.constant 0 : i32
        %dma_wait3A_329 = arith.constant 0 : i32
        %dma_wait3A_330 = tpu.memref_slice %arg13[%dma_wait3A_328, %dma_wait3A_329] : memref<10240x64xf32, #tpu.memory_space<vmem_shared>> -> memref<10240x64xf32, #tpu.memory_space<vmem_shared>>
        tpu.wait_indirect_dma semaphore(%run_scoped3A_318 : memref<!tpu.dma_semaphore, #tpu.memory_space<semaphore_mem>>) src(%arg12 : memref<100x64xf32, #tpu.memory_space<vmem>>) dst(%dma_wait3A_330 : memref<10240x64xf32, #tpu.memory_space<vmem_shared>>)
        tpu.yield
      }) : () -> ()
      %add3A_306 = arith.constant 4 : i32
      %add3A_307 = arith.addi %add3A_295, %add3A_306 : i32
      %dma_start3A_308 = arith.constant 0 : i32
      %dma_start3A_309 = tpu.memref_slice %arg7[%add3A_307, %dma_start3A_308] : memref<100x100xi32, #tpu.memory_space<vmem>> -> memref<1x100xi32, #tpu.memory_space<vmem>>
      %dma_start3A_310 = tpu.memref_squeeze %dma_start3A_309 : memref<1x100xi32, #tpu.memory_space<vmem>> -> memref<100xi32, #tpu.memory_space<vmem>>
      %dma_start3A_311 = arith.constant 0 : i32
      %dma_start3A_312 = arith.constant 0 : i32
      %dma_start3A_313 = tpu.memref_slice %arg2[%arg0, %dma_start3A_311, %dma_start3A_312] : memref<2x10000x64xf32, #tpu.memory_space<hbm>> -> memref<1x10000x64xf32, #tpu.memory_space<hbm>>
      %dma_start3A_314 = tpu.memref_squeeze %dma_start3A_313 : memref<1x10000x64xf32, #tpu.memory_space<hbm>> -> memref<10000x64xf32, #tpu.memory_space<hbm>>
      %dma_start3A_315 = arith.constant 0 : i32
      %dma_start3A_316 = arith.constant 0 : i32
      %dma_start3A_317 = tpu.memref_slice %dma_start3A_314[%dma_start3A_315, %dma_start3A_316] : memref<10000x64xf32, #tpu.memory_space<hbm>> -> memref<10000x64xf32, #tpu.memory_space<hbm>>
      tpu.enqueue_indirect_dma source(%dma_start3A_317 : memref<10000x64xf32, #tpu.memory_space<hbm>>) target(%arg12 : memref<100x64xf32, #tpu.memory_space<vmem>>) offsets(%dma_start3A_310 : memref<100xi32, #tpu.memory_space<vmem>>) semaphore(%arg17 : memref<!tpu.dma_semaphore, #tpu.memory_space<semaphore_mem>>)
    }
    %scan3A_165 = arith.constant 24 : i32
    %dma_wait3A_166 = arith.constant 96 : i32
    %dma_wait3A_167 = arith.constant 0 : i32
    %dma_wait3A_168 = tpu.memref_slice %arg7[%dma_wait3A_166, %dma_wait3A_167] : memref<100x100xi32, #tpu.memory_space<vmem>> -> memref<1x100xi32, #tpu.memory_space<vmem>>
    %dma_wait3A_169 = tpu.memref_squeeze %dma_wait3A_168 : memref<1x100xi32, #tpu.memory_space<vmem>> -> memref<100xi32, #tpu.memory_space<vmem>>
    %dma_wait3A_170 = arith.constant 0 : i32
    %dma_wait3A_171 = arith.constant 0 : i32
    %dma_wait3A_172 = tpu.memref_slice %arg2[%arg0, %dma_wait3A_170, %dma_wait3A_171] : memref<2x10000x64xf32, #tpu.memory_space<hbm>> -> memref<1x10000x64xf32, #tpu.memory_space<hbm>>
    %dma_wait3A_173 = tpu.memref_squeeze %dma_wait3A_172 : memref<1x10000x64xf32, #tpu.memory_space<hbm>> -> memref<10000x64xf32, #tpu.memory_space<hbm>>
    %dma_wait3A_174 = arith.constant 0 : i32
    %dma_wait3A_175 = arith.constant 0 : i32
    %dma_wait3A_176 = tpu.memref_slice %dma_wait3A_173[%dma_wait3A_174, %dma_wait3A_175] : memref<10000x64xf32, #tpu.memory_space<hbm>> -> memref<10000x64xf32, #tpu.memory_space<hbm>>
    tpu.wait_indirect_dma semaphore(%arg14 : memref<!tpu.dma_semaphore, #tpu.memory_space<semaphore_mem>>) src(%dma_wait3A_176 : memref<10000x64xf32, #tpu.memory_space<hbm>>) dst(%arg9 : memref<100x64xf32, #tpu.memory_space<vmem>>)
    %run_scoped3A_177 = arith.constant 96 : i32
    "tpu.region"() ({
      %run_scoped3A_219 = tpu.sem_alloc : memref<!tpu.dma_semaphore, #tpu.memory_space<semaphore_mem>>
      %dma_start3A_220 = arith.constant 0 : i32
      %dma_start3A_221 = tpu.memref_slice %arg8[%run_scoped3A_177, %dma_start3A_220] : memref<100x100xi32, #tpu.memory_space<vmem>> -> memref<1x100xi32, #tpu.memory_space<vmem>>
      %dma_start3A_222 = tpu.memref_squeeze %dma_start3A_221 : memref<1x100xi32, #tpu.memory_space<vmem>> -> memref<100xi32, #tpu.memory_space<vmem>>
      %dma_start3A_223 = arith.constant 0 : i32
      %dma_start3A_224 = arith.constant 0 : i32
      %dma_start3A_225 = tpu.memref_slice %arg13[%dma_start3A_223, %dma_start3A_224] : memref<10240x64xf32, #tpu.memory_space<vmem_shared>> -> memref<10240x64xf32, #tpu.memory_space<vmem_shared>>
      tpu.enqueue_indirect_dma source(%arg9 : memref<100x64xf32, #tpu.memory_space<vmem>>) target(%dma_start3A_225 : memref<10240x64xf32, #tpu.memory_space<vmem_shared>>) offsets(%dma_start3A_222 : memref<100xi32, #tpu.memory_space<vmem>>) semaphore(%run_scoped3A_219 : memref<!tpu.dma_semaphore, #tpu.memory_space<semaphore_mem>>) {add = true}
      %dma_wait3A_226 = arith.constant 0 : i32
      %dma_wait3A_227 = tpu.memref_slice %arg8[%run_scoped3A_177, %dma_wait3A_226] : memref<100x100xi32, #tpu.memory_space<vmem>> -> memref<1x100xi32, #tpu.memory_space<vmem>>
      %dma_wait3A_228 = tpu.memref_squeeze %dma_wait3A_227 : memref<1x100xi32, #tpu.memory_space<vmem>> -> memref<100xi32, #tpu.memory_space<vmem>>
      %dma_wait3A_229 = arith.constant 0 : i32
      %dma_wait3A_230 = arith.constant 0 : i32
      %dma_wait3A_231 = tpu.memref_slice %arg13[%dma_wait3A_229, %dma_wait3A_230] : memref<10240x64xf32, #tpu.memory_space<vmem_shared>> -> memref<10240x64xf32, #tpu.memory_space<vmem_shared>>
      tpu.wait_indirect_dma semaphore(%run_scoped3A_219 : memref<!tpu.dma_semaphore, #tpu.memory_space<semaphore_mem>>) src(%arg9 : memref<100x64xf32, #tpu.memory_space<vmem>>) dst(%dma_wait3A_231 : memref<10240x64xf32, #tpu.memory_space<vmem_shared>>)
      tpu.yield
    }) : () -> ()
    %dma_wait3A_178 = arith.constant 97 : i32
    %dma_wait3A_179 = arith.constant 0 : i32
    %dma_wait3A_180 = tpu.memref_slice %arg7[%dma_wait3A_178, %dma_wait3A_179] : memref<100x100xi32, #tpu.memory_space<vmem>> -> memref<1x100xi32, #tpu.memory_space<vmem>>
    %dma_wait3A_181 = tpu.memref_squeeze %dma_wait3A_180 : memref<1x100xi32, #tpu.memory_space<vmem>> -> memref<100xi32, #tpu.memory_space<vmem>>
    %dma_wait3A_182 = arith.constant 0 : i32
    %dma_wait3A_183 = arith.constant 0 : i32
    %dma_wait3A_184 = tpu.memref_slice %arg2[%arg0, %dma_wait3A_182, %dma_wait3A_183] : memref<2x10000x64xf32, #tpu.memory_space<hbm>> -> memref<1x10000x64xf32, #tpu.memory_space<hbm>>
    %dma_wait3A_185 = tpu.memref_squeeze %dma_wait3A_184 : memref<1x10000x64xf32, #tpu.memory_space<hbm>> -> memref<10000x64xf32, #tpu.memory_space<hbm>>
    %dma_wait3A_186 = arith.constant 0 : i32
    %dma_wait3A_187 = arith.constant 0 : i32
    %dma_wait3A_188 = tpu.memref_slice %dma_wait3A_185[%dma_wait3A_186, %dma_wait3A_187] : memref<10000x64xf32, #tpu.memory_space<hbm>> -> memref<10000x64xf32, #tpu.memory_space<hbm>>
    tpu.wait_indirect_dma semaphore(%arg15 : memref<!tpu.dma_semaphore, #tpu.memory_space<semaphore_mem>>) src(%dma_wait3A_188 : memref<10000x64xf32, #tpu.memory_space<hbm>>) dst(%arg10 : memref<100x64xf32, #tpu.memory_space<vmem>>)
    %run_scoped3A_189 = arith.constant 97 : i32
    "tpu.region"() ({
      %run_scoped3A_219 = tpu.sem_alloc : memref<!tpu.dma_semaphore, #tpu.memory_space<semaphore_mem>>
      %dma_start3A_220 = arith.constant 0 : i32
      %dma_start3A_221 = tpu.memref_slice %arg8[%run_scoped3A_189, %dma_start3A_220] : memref<100x100xi32, #tpu.memory_space<vmem>> -> memref<1x100xi32, #tpu.memory_space<vmem>>
      %dma_start3A_222 = tpu.memref_squeeze %dma_start3A_221 : memref<1x100xi32, #tpu.memory_space<vmem>> -> memref<100xi32, #tpu.memory_space<vmem>>
      %dma_start3A_223 = arith.constant 0 : i32
      %dma_start3A_224 = arith.constant 0 : i32
      %dma_start3A_225 = tpu.memref_slice %arg13[%dma_start3A_223, %dma_start3A_224] : memref<10240x64xf32, #tpu.memory_space<vmem_shared>> -> memref<10240x64xf32, #tpu.memory_space<vmem_shared>>
      tpu.enqueue_indirect_dma source(%arg10 : memref<100x64xf32, #tpu.memory_space<vmem>>) target(%dma_start3A_225 : memref<10240x64xf32, #tpu.memory_space<vmem_shared>>) offsets(%dma_start3A_222 : memref<100xi32, #tpu.memory_space<vmem>>) semaphore(%run_scoped3A_219 : memref<!tpu.dma_semaphore, #tpu.memory_space<semaphore_mem>>) {add = true}
      %dma_wait3A_226 = arith.constant 0 : i32
      %dma_wait3A_227 = tpu.memref_slice %arg8[%run_scoped3A_189, %dma_wait3A_226] : memref<100x100xi32, #tpu.memory_space<vmem>> -> memref<1x100xi32, #tpu.memory_space<vmem>>
      %dma_wait3A_228 = tpu.memref_squeeze %dma_wait3A_227 : memref<1x100xi32, #tpu.memory_space<vmem>> -> memref<100xi32, #tpu.memory_space<vmem>>
      %dma_wait3A_229 = arith.constant 0 : i32
      %dma_wait3A_230 = arith.constant 0 : i32
      %dma_wait3A_231 = tpu.memref_slice %arg13[%dma_wait3A_229, %dma_wait3A_230] : memref<10240x64xf32, #tpu.memory_space<vmem_shared>> -> memref<10240x64xf32, #tpu.memory_space<vmem_shared>>
      tpu.wait_indirect_dma semaphore(%run_scoped3A_219 : memref<!tpu.dma_semaphore, #tpu.memory_space<semaphore_mem>>) src(%arg10 : memref<100x64xf32, #tpu.memory_space<vmem>>) dst(%dma_wait3A_231 : memref<10240x64xf32, #tpu.memory_space<vmem_shared>>)
      tpu.yield
    }) : () -> ()
    %dma_wait3A_190 = arith.constant 98 : i32
    %dma_wait3A_191 = arith.constant 0 : i32
    %dma_wait3A_192 = tpu.memref_slice %arg7[%dma_wait3A_190, %dma_wait3A_191] : memref<100x100xi32, #tpu.memory_space<vmem>> -> memref<1x100xi32, #tpu.memory_space<vmem>>
    %dma_wait3A_193 = tpu.memref_squeeze %dma_wait3A_192 : memref<1x100xi32, #tpu.memory_space<vmem>> -> memref<100xi32, #tpu.memory_space<vmem>>
    %dma_wait3A_194 = arith.constant 0 : i32
    %dma_wait3A_195 = arith.constant 0 : i32
    %dma_wait3A_196 = tpu.memref_slice %arg2[%arg0, %dma_wait3A_194, %dma_wait3A_195] : memref<2x10000x64xf32, #tpu.memory_space<hbm>> -> memref<1x10000x64xf32, #tpu.memory_space<hbm>>
    %dma_wait3A_197 = tpu.memref_squeeze %dma_wait3A_196 : memref<1x10000x64xf32, #tpu.memory_space<hbm>> -> memref<10000x64xf32, #tpu.memory_space<hbm>>
    %dma_wait3A_198 = arith.constant 0 : i32
    %dma_wait3A_199 = arith.constant 0 : i32
    %dma_wait3A_200 = tpu.memref_slice %dma_wait3A_197[%dma_wait3A_198, %dma_wait3A_199] : memref<10000x64xf32, #tpu.memory_space<hbm>> -> memref<10000x64xf32, #tpu.memory_space<hbm>>
    tpu.wait_indirect_dma semaphore(%arg16 : memref<!tpu.dma_semaphore, #tpu.memory_space<semaphore_mem>>) src(%dma_wait3A_200 : memref<10000x64xf32, #tpu.memory_space<hbm>>) dst(%arg11 : memref<100x64xf32, #tpu.memory_space<vmem>>)
    %run_scoped3A_201 = arith.constant 98 : i32
    "tpu.region"() ({
      %run_scoped3A_219 = tpu.sem_alloc : memref<!tpu.dma_semaphore, #tpu.memory_space<semaphore_mem>>
      %dma_start3A_220 = arith.constant 0 : i32
      %dma_start3A_221 = tpu.memref_slice %arg8[%run_scoped3A_201, %dma_start3A_220] : memref<100x100xi32, #tpu.memory_space<vmem>> -> memref<1x100xi32, #tpu.memory_space<vmem>>
      %dma_start3A_222 = tpu.memref_squeeze %dma_start3A_221 : memref<1x100xi32, #tpu.memory_space<vmem>> -> memref<100xi32, #tpu.memory_space<vmem>>
      %dma_start3A_223 = arith.constant 0 : i32
      %dma_start3A_224 = arith.constant 0 : i32
      %dma_start3A_225 = tpu.memref_slice %arg13[%dma_start3A_223, %dma_start3A_224] : memref<10240x64xf32, #tpu.memory_space<vmem_shared>> -> memref<10240x64xf32, #tpu.memory_space<vmem_shared>>
      tpu.enqueue_indirect_dma source(%arg11 : memref<100x64xf32, #tpu.memory_space<vmem>>) target(%dma_start3A_225 : memref<10240x64xf32, #tpu.memory_space<vmem_shared>>) offsets(%dma_start3A_222 : memref<100xi32, #tpu.memory_space<vmem>>) semaphore(%run_scoped3A_219 : memref<!tpu.dma_semaphore, #tpu.memory_space<semaphore_mem>>) {add = true}
      %dma_wait3A_226 = arith.constant 0 : i32
      %dma_wait3A_227 = tpu.memref_slice %arg8[%run_scoped3A_201, %dma_wait3A_226] : memref<100x100xi32, #tpu.memory_space<vmem>> -> memref<1x100xi32, #tpu.memory_space<vmem>>
      %dma_wait3A_228 = tpu.memref_squeeze %dma_wait3A_227 : memref<1x100xi32, #tpu.memory_space<vmem>> -> memref<100xi32, #tpu.memory_space<vmem>>
      %dma_wait3A_229 = arith.constant 0 : i32
      %dma_wait3A_230 = arith.constant 0 : i32
      %dma_wait3A_231 = tpu.memref_slice %arg13[%dma_wait3A_229, %dma_wait3A_230] : memref<10240x64xf32, #tpu.memory_space<vmem_shared>> -> memref<10240x64xf32, #tpu.memory_space<vmem_shared>>
      tpu.wait_indirect_dma semaphore(%run_scoped3A_219 : memref<!tpu.dma_semaphore, #tpu.memory_space<semaphore_mem>>) src(%arg11 : memref<100x64xf32, #tpu.memory_space<vmem>>) dst(%dma_wait3A_231 : memref<10240x64xf32, #tpu.memory_space<vmem_shared>>)
      tpu.yield
    }) : () -> ()
    %dma_wait3A_202 = arith.constant 99 : i32
    %dma_wait3A_203 = arith.constant 0 : i32
    %dma_wait3A_204 = tpu.memref_slice %arg7[%dma_wait3A_202, %dma_wait3A_203] : memref<100x100xi32, #tpu.memory_space<vmem>> -> memref<1x100xi32, #tpu.memory_space<vmem>>
    %dma_wait3A_205 = tpu.memref_squeeze %dma_wait3A_204 : memref<1x100xi32, #tpu.memory_space<vmem>> -> memref<100xi32, #tpu.memory_space<vmem>>
    %dma_wait3A_206 = arith.constant 0 : i32
    %dma_wait3A_207 = arith.constant 0 : i32
    %dma_wait3A_208 = tpu.memref_slice %arg2[%arg0, %dma_wait3A_206, %dma_wait3A_207] : memref<2x10000x64xf32, #tpu.memory_space<hbm>> -> memref<1x10000x64xf32, #tpu.memory_space<hbm>>
    %dma_wait3A_209 = tpu.memref_squeeze %dma_wait3A_208 : memref<1x10000x64xf32, #tpu.memory_space<hbm>> -> memref<10000x64xf32, #tpu.memory_space<hbm>>
    %dma_wait3A_210 = arith.constant 0 : i32
    %dma_wait3A_211 = arith.constant 0 : i32
    %dma_wait3A_212 = tpu.memref_slice %dma_wait3A_209[%dma_wait3A_210, %dma_wait3A_211] : memref<10000x64xf32, #tpu.memory_space<hbm>> -> memref<10000x64xf32, #tpu.memory_space<hbm>>
    tpu.wait_indirect_dma semaphore(%arg17 : memref<!tpu.dma_semaphore, #tpu.memory_space<semaphore_mem>>) src(%dma_wait3A_212 : memref<10000x64xf32, #tpu.memory_space<hbm>>) dst(%arg12 : memref<100x64xf32, #tpu.memory_space<vmem>>)
    %run_scoped3A_213 = arith.constant 99 : i32
    "tpu.region"() ({
      %run_scoped3A_219 = tpu.sem_alloc : memref<!tpu.dma_semaphore, #tpu.memory_space<semaphore_mem>>
      %dma_start3A_220 = arith.constant 0 : i32
      %dma_start3A_221 = tpu.memref_slice %arg8[%run_scoped3A_213, %dma_start3A_220] : memref<100x100xi32, #tpu.memory_space<vmem>> -> memref<1x100xi32, #tpu.memory_space<vmem>>
      %dma_start3A_222 = tpu.memref_squeeze %dma_start3A_221 : memref<1x100xi32, #tpu.memory_space<vmem>> -> memref<100xi32, #tpu.memory_space<vmem>>
      %dma_start3A_223 = arith.constant 0 : i32
      %dma_start3A_224 = arith.constant 0 : i32
      %dma_start3A_225 = tpu.memref_slice %arg13[%dma_start3A_223, %dma_start3A_224] : memref<10240x64xf32, #tpu.memory_space<vmem_shared>> -> memref<10240x64xf32, #tpu.memory_space<vmem_shared>>
      tpu.enqueue_indirect_dma source(%arg12 : memref<100x64xf32, #tpu.memory_space<vmem>>) target(%dma_start3A_225 : memref<10240x64xf32, #tpu.memory_space<vmem_shared>>) offsets(%dma_start3A_222 : memref<100xi32, #tpu.memory_space<vmem>>) semaphore(%run_scoped3A_219 : memref<!tpu.dma_semaphore, #tpu.memory_space<semaphore_mem>>) {add = true}
      %dma_wait3A_226 = arith.constant 0 : i32
      %dma_wait3A_227 = tpu.memref_slice %arg8[%run_scoped3A_213, %dma_wait3A_226] : memref<100x100xi32, #tpu.memory_space<vmem>> -> memref<1x100xi32, #tpu.memory_space<vmem>>
      %dma_wait3A_228 = tpu.memref_squeeze %dma_wait3A_227 : memref<1x100xi32, #tpu.memory_space<vmem>> -> memref<100xi32, #tpu.memory_space<vmem>>
      %dma_wait3A_229 = arith.constant 0 : i32
      %dma_wait3A_230 = arith.constant 0 : i32
      %dma_wait3A_231 = tpu.memref_slice %arg13[%dma_wait3A_229, %dma_wait3A_230] : memref<10240x64xf32, #tpu.memory_space<vmem_shared>> -> memref<10240x64xf32, #tpu.memory_space<vmem_shared>>
      tpu.wait_indirect_dma semaphore(%run_scoped3A_219 : memref<!tpu.dma_semaphore, #tpu.memory_space<semaphore_mem>>) src(%arg12 : memref<100x64xf32, #tpu.memory_space<vmem>>) dst(%dma_wait3A_231 : memref<10240x64xf32, #tpu.memory_space<vmem_shared>>)
      tpu.yield
    }) : () -> ()
    %barrier3A_214 = arith.constant 0 : index
    tpu.barrier barrier_id(%barrier3A_214)
    %mul3A_215 = arith.constant 640 : i32
    %mul3A_216 = arith.muli %arg1, %mul3A_215 : i32
    %mul3A_217 = arith.constant 640 : i32
    %mul3A_218 = arith.muli %arg1, %mul3A_217 : i32
    "tpu.region"() ({
      %run_scoped3A_219 = tpu.sem_alloc : memref<!tpu.dma_semaphore, #tpu.memory_space<semaphore_mem>>
      %dma_start3A_220 = arith.constant 0 : i32
      %dma_start3A_221 = tpu.memref_slice %arg6[%arg0, %mul3A_218, %dma_start3A_220] : memref<2x10240x64xf32, #tpu.memory_space<hbm>> -> memref<1x640x64xf32, #tpu.memory_space<hbm>>
      %dma_start3A_222 = tpu.memref_squeeze %dma_start3A_221 : memref<1x640x64xf32, #tpu.memory_space<hbm>> -> memref<640x64xf32, #tpu.memory_space<hbm>>
      %dma_start3A_223 = arith.constant 0 : i32
      %dma_start3A_224 = tpu.memref_slice %arg13[%mul3A_216, %dma_start3A_223] : memref<10240x64xf32, #tpu.memory_space<vmem_shared>> -> memref<640x64xf32, #tpu.memory_space<vmem_shared>>
      tpu.enqueue_dma source(%dma_start3A_224 : memref<640x64xf32, #tpu.memory_space<vmem_shared>>) target(%dma_start3A_222 : memref<640x64xf32, #tpu.memory_space<hbm>>) target_semaphore(%run_scoped3A_219 : memref<!tpu.dma_semaphore, #tpu.memory_space<semaphore_mem>>)
      %dma_wait3A_225 = arith.constant 0 : i32
      %dma_wait3A_226 = tpu.memref_slice %arg6[%arg0, %mul3A_218, %dma_wait3A_225] : memref<2x10240x64xf32, #tpu.memory_space<hbm>> -> memref<1x640x64xf32, #tpu.memory_space<hbm>>
      %dma_wait3A_227 = tpu.memref_squeeze %dma_wait3A_226 : memref<1x640x64xf32, #tpu.memory_space<hbm>> -> memref<640x64xf32, #tpu.memory_space<hbm>>
      %dma_wait3A_228 = arith.constant 0 : i32
      %dma_wait3A_229 = tpu.memref_slice %arg13[%mul3A_216, %dma_wait3A_228] : memref<10240x64xf32, #tpu.memory_space<vmem_shared>> -> memref<640x64xf32, #tpu.memory_space<vmem_shared>>
      tpu.wait_dma2 semaphore(%run_scoped3A_219 : memref<!tpu.dma_semaphore, #tpu.memory_space<semaphore_mem>>) src(%dma_wait3A_229 : memref<640x64xf32, #tpu.memory_space<vmem_shared>>) dst(%dma_wait3A_227 : memref<640x64xf32, #tpu.memory_space<hbm>>)
      tpu.yield
    }) : () -> ()
    return
  }
}

module attributes {stable_mosaic.version = 14 : i64} {
  func.func @_tc_mm_body(%arg0: memref<10000x128xf32, #tpu.memory_space<vmem>>, %arg1: memref<128x128xf32, #tpu.memory_space<vmem>>, %arg2: memref<10000x128xf32, #tpu.memory_space<vmem>>) attributes {dimension_semantics = [], scalar_prefetch = 0 : i64, scratch_operands = 0 : i64, tpu.core_type = #tpu.core_type<tc>} {
    %get3A = arith.constant 0 : index
    %get3A_0 = arith.constant 0 : index
    %get3A_1 = vector.load %arg0[%get3A, %get3A_0] : memref<10000x128xf32, #tpu.memory_space<vmem>>, vector<10000x128xf32>
    %get3A_2 = arith.constant 0 : index
    %get3A_3 = arith.constant 0 : index
    %get3A_4 = vector.load %arg1[%get3A_2, %get3A_3] : memref<128x128xf32, #tpu.memory_space<vmem>>, vector<128x128xf32>
    %dot_general3A = arith.constant dense<0.000000e+00> : vector<10000x128xf32>
    %dot_general3A_5 = tpu.matmul %get3A_1, %get3A_4, %dot_general3A {dimension_numbers = #tpu.dot_dimension_numbers<[1], [0], [0], [1], [0, 0, 1, 1], [], []>, transpose_lhs_hint = false} : vector<10000x128xf32>, vector<128x128xf32>, vector<10000x128xf32> -> vector<10000x128xf32>
    %swap3A = arith.constant 0 : index
    %swap3A_6 = arith.constant 0 : index
    %swap3A_7 = vector.load %arg2[%swap3A, %swap3A_6] : memref<10000x128xf32, #tpu.memory_space<vmem>>, vector<10000x128xf32>
    tpu.vector_store %arg2[%swap3A, %swap3A_6], %dot_general3A_5 {strides = array<i32>} : memref<10000x128xf32, #tpu.memory_space<vmem>>, vector<10000x128xf32>,
    return
  }
}

module attributes {stable_mosaic.version = 14 : i64} {
  func.func @_tc1_body(%arg0: memref<10000x1xf32, #tpu.memory_space<vmem>>, %arg1: memref<10000x1xf32, #tpu.memory_space<vmem>>, %arg2: memref<10000x128xf32, #tpu.memory_space<vmem>>, %arg3: memref<10000x1xf32, #tpu.memory_space<vmem>>, %arg4: memref<2x10000x64xf32, #tpu.memory_space<vmem>>) attributes {dimension_semantics = [], scalar_prefetch = 0 : i64, scratch_operands = 0 : i64, tpu.core_type = #tpu.core_type<tc>} {
    %get3A = arith.constant 0 : index
    %get3A_0 = arith.constant 0 : index
    %get3A_1 = vector.load %arg0[%get3A, %get3A_0] : memref<10000x1xf32, #tpu.memory_space<vmem>>, vector<10000x1xf32>
    %get3A_2 = arith.constant 0 : index
    %get3A_3 = arith.constant 0 : index
    %get3A_4 = vector.load %arg1[%get3A_2, %get3A_3] : memref<10000x1xf32, #tpu.memory_space<vmem>>, vector<10000x1xf32>
    %add3A = arith.addf %get3A_1, %get3A_4 : vector<10000x1xf32>
    %add3A_5 = arith.constant 1.000000e+00 : f32
    %add3A_6 = vector.broadcast %add3A_5 : f32 to vector<10000x1xf32>
    %add3A_7 = arith.addf %add3A, %add3A_6 : vector<10000x1xf32>
    %rsqrt3A = math.rsqrt %add3A_7 : vector<10000x1xf32>
    %swap3A = arith.constant 0 : index
    %swap3A_8 = arith.constant 0 : index
    %swap3A_9 = vector.load %arg3[%swap3A, %swap3A_8] : memref<10000x1xf32, #tpu.memory_space<vmem>>, vector<10000x1xf32>
    tpu.vector_store %arg3[%swap3A, %swap3A_8], %rsqrt3A {strides = array<i32>} : memref<10000x1xf32, #tpu.memory_space<vmem>>, vector<10000x1xf32>,
    %get3A_10 = arith.constant 0 : index
    %get3A_11 = arith.constant 0 : index
    %get3A_12 = vector.load %arg2[%get3A_10, %get3A_11] : memref<10000x128xf32, #tpu.memory_space<vmem>>, vector<10000x128xf32>
    %mul3A = vector.broadcast %rsqrt3A : vector<10000x1xf32> to vector<10000x128xf32>
    %mul3A_13 = arith.mulf %get3A_12, %mul3A : vector<10000x128xf32>
    %slice3A = vector.extract_strided_slice %mul3A_13 {offsets = [0, 0], sizes = [10000, 64], strides = [1, 1]} : vector<10000x128xf32> to vector<10000x64xf32>
    %swap3A_14 = arith.constant 0 : index
    %swap3A_15 = arith.constant 0 : index
    %swap3A_16 = arith.constant 0 : index
    %swap3A_17 = vector.load %arg4[%swap3A_14, %swap3A_15, %swap3A_16] : memref<2x10000x64xf32, #tpu.memory_space<vmem>>, vector<1x10000x64xf32>
    %swap3A_18 = vector.shape_cast %swap3A_17 : vector<1x10000x64xf32> to vector<10000x64xf32>
    %swap3A_19 = vector.shape_cast %slice3A : vector<10000x64xf32> to vector<1x10000x64xf32>
    tpu.vector_store %arg4[%swap3A_14, %swap3A_15, %swap3A_16], %swap3A_19 {strides = array<i32>} : memref<2x10000x64xf32, #tpu.memory_space<vmem>>, vector<1x10000x64xf32>,
    %slice3A_20 = vector.extract_strided_slice %mul3A_13 {offsets = [0, 64], sizes = [10000, 64], strides = [1, 1]} : vector<10000x128xf32> to vector<10000x64xf32>
    %swap3A_21 = arith.constant 1 : index
    %swap3A_22 = arith.constant 0 : index
    %swap3A_23 = arith.constant 0 : index
    %swap3A_24 = vector.load %arg4[%swap3A_21, %swap3A_22, %swap3A_23] : memref<2x10000x64xf32, #tpu.memory_space<vmem>>, vector<1x10000x64xf32>
    %swap3A_25 = vector.shape_cast %swap3A_24 : vector<1x10000x64xf32> to vector<10000x64xf32>
    %swap3A_26 = vector.shape_cast %slice3A_20 : vector<10000x64xf32> to vector<1x10000x64xf32>
    tpu.vector_store %arg4[%swap3A_21, %swap3A_22, %swap3A_23], %swap3A_26 {strides = array<i32>} : memref<2x10000x64xf32, #tpu.memory_space<vmem>>, vector<1x10000x64xf32>,
    return
  }
}

module attributes {stable_mosaic.version = 14 : i64} {
  func.func @_tc2a_body(%arg0: memref<2x10240x64xf32, #tpu.memory_space<vmem>>, %arg1: memref<10000x128xf32, #tpu.memory_space<vmem>>, %arg2: memref<10000x128xf32, #tpu.memory_space<vmem>>, %arg3: memref<10000x1xf32, #tpu.memory_space<vmem>>, %arg4: memref<1x128xf32, #tpu.memory_space<vmem>>, %arg5: memref<10000x128xf32, #tpu.memory_space<vmem>>) attributes {dimension_semantics = [], scalar_prefetch = 0 : i64, scratch_operands = 0 : i64, tpu.core_type = #tpu.core_type<tc>} {
    %get3A = arith.constant 0 : index
    %get3A_0 = arith.constant 0 : index
    %get3A_1 = vector.load %arg1[%get3A, %get3A_0] : memref<10000x128xf32, #tpu.memory_space<vmem>>, vector<10000x128xf32>
    %get3A_2 = arith.constant 0 : index
    %get3A_3 = arith.constant 0 : index
    %get3A_4 = vector.load %arg2[%get3A_2, %get3A_3] : memref<10000x128xf32, #tpu.memory_space<vmem>>, vector<10000x128xf32>
    %get3A_5 = arith.constant 0 : index
    %get3A_6 = arith.constant 0 : index
    %get3A_7 = vector.load %arg3[%get3A_5, %get3A_6] : memref<10000x1xf32, #tpu.memory_space<vmem>>, vector<10000x1xf32>
    %get3A_8 = arith.constant 0 : index
    %get3A_9 = arith.constant 0 : index
    %get3A_10 = vector.load %arg4[%get3A_8, %get3A_9] : memref<1x128xf32, #tpu.memory_space<vmem>>, vector<1x128xf32>
    %get3A_11 = arith.constant 0 : index
    %get3A_12 = arith.constant 0 : index
    %get3A_13 = arith.constant 0 : index
    %get3A_14 = vector.load %arg0[%get3A_11, %get3A_12, %get3A_13] : memref<2x10240x64xf32, #tpu.memory_space<vmem>>, vector<1x10000x64xf32>
    %get3A_15 = vector.shape_cast %get3A_14 : vector<1x10000x64xf32> to vector<10000x64xf32>
    %get3A_16 = arith.constant 1 : index
    %get3A_17 = arith.constant 0 : index
    %get3A_18 = arith.constant 0 : index
    %get3A_19 = vector.load %arg0[%get3A_16, %get3A_17, %get3A_18] : memref<2x10240x64xf32, #tpu.memory_space<vmem>>, vector<1x10000x64xf32>
    %get3A_20 = vector.shape_cast %get3A_19 : vector<1x10000x64xf32> to vector<10000x64xf32>
    %concatenate3A = tpu.concatenate %get3A_15, %get3A_20 in 1 : vector<10000x64xf32>, vector<10000x64xf32> -> vector<10000x128xf32>
    %mul3A = vector.broadcast %get3A_7 : vector<10000x1xf32> to vector<10000x128xf32>
    %mul3A_21 = arith.mulf %concatenate3A, %mul3A : vector<10000x128xf32>
    %mul3A_22 = arith.mulf %get3A_7, %get3A_7 : vector<10000x1xf32>
    %mul3A_23 = vector.broadcast %mul3A_22 : vector<10000x1xf32> to vector<10000x128xf32>
    %mul3A_24 = arith.mulf %get3A_1, %mul3A_23 : vector<10000x128xf32>
    %add3A = arith.addf %mul3A_21, %mul3A_24 : vector<10000x128xf32>
    %add3A_25 = vector.broadcast %get3A_10 : vector<1x128xf32> to vector<10000x128xf32>
    %add3A_26 = arith.addf %add3A, %add3A_25 : vector<10000x128xf32>
    %add3A_27 = arith.addf %add3A_26, %get3A_4 : vector<10000x128xf32>
    %max3A = arith.constant 0.000000e+00 : f32
    %max3A_28 = vector.broadcast %max3A : f32 to vector<10000x128xf32>
    %max3A_29 = arith.maximumf %add3A_27, %max3A_28 : vector<10000x128xf32>
    %swap3A = arith.constant 0 : index
    %swap3A_30 = arith.constant 0 : index
    %swap3A_31 = vector.load %arg5[%swap3A, %swap3A_30] : memref<10000x128xf32, #tpu.memory_space<vmem>>, vector<10000x128xf32>
    tpu.vector_store %arg5[%swap3A, %swap3A_30], %max3A_29 {strides = array<i32>} : memref<10000x128xf32, #tpu.memory_space<vmem>>, vector<10000x128xf32>,
    return
  }
}

module attributes {stable_mosaic.version = 14 : i64} {
  func.func @_tc2b_body(%arg0: memref<10000x128xf32, #tpu.memory_space<vmem>>, %arg1: memref<128x128xf32, #tpu.memory_space<vmem>>, %arg2: memref<10000x1xf32, #tpu.memory_space<vmem>>, %arg3: memref<10000x128xf32, #tpu.memory_space<vmem>>, %arg4: memref<2x10000x64xf32, #tpu.memory_space<vmem>>) attributes {dimension_semantics = [], scalar_prefetch = 0 : i64, scratch_operands = 0 : i64, tpu.core_type = #tpu.core_type<tc>} {
    %get3A = arith.constant 0 : index
    %get3A_0 = arith.constant 0 : index
    %get3A_1 = vector.load %arg2[%get3A, %get3A_0] : memref<10000x1xf32, #tpu.memory_space<vmem>>, vector<10000x1xf32>
    %get3A_2 = arith.constant 0 : index
    %get3A_3 = arith.constant 0 : index
    %get3A_4 = vector.load %arg0[%get3A_2, %get3A_3] : memref<10000x128xf32, #tpu.memory_space<vmem>>, vector<10000x128xf32>
    %get3A_5 = arith.constant 0 : index
    %get3A_6 = arith.constant 0 : index
    %get3A_7 = vector.load %arg1[%get3A_5, %get3A_6] : memref<128x128xf32, #tpu.memory_space<vmem>>, vector<128x128xf32>
    %dot_general3A = arith.constant dense<0.000000e+00> : vector<10000x128xf32>
    %dot_general3A_8 = tpu.matmul %get3A_4, %get3A_7, %dot_general3A {dimension_numbers = #tpu.dot_dimension_numbers<[1], [0], [0], [1], [0, 0, 1, 1], [], []>, transpose_lhs_hint = false} : vector<10000x128xf32>, vector<128x128xf32>, vector<10000x128xf32> -> vector<10000x128xf32>
    %swap3A = arith.constant 0 : index
    %swap3A_9 = arith.constant 0 : index
    %swap3A_10 = vector.load %arg3[%swap3A, %swap3A_9] : memref<10000x128xf32, #tpu.memory_space<vmem>>, vector<10000x128xf32>
    tpu.vector_store %arg3[%swap3A, %swap3A_9], %dot_general3A_8 {strides = array<i32>} : memref<10000x128xf32, #tpu.memory_space<vmem>>, vector<10000x128xf32>,
    %mul3A = vector.broadcast %get3A_1 : vector<10000x1xf32> to vector<10000x128xf32>
    %mul3A_11 = arith.mulf %dot_general3A_8, %mul3A : vector<10000x128xf32>
    %slice3A = vector.extract_strided_slice %mul3A_11 {offsets = [0, 0], sizes = [10000, 64], strides = [1, 1]} : vector<10000x128xf32> to vector<10000x64xf32>
    %swap3A_12 = arith.constant 0 : index
    %swap3A_13 = arith.constant 0 : index
    %swap3A_14 = arith.constant 0 : index
    %swap3A_15 = vector.load %arg4[%swap3A_12, %swap3A_13, %swap3A_14] : memref<2x10000x64xf32, #tpu.memory_space<vmem>>, vector<1x10000x64xf32>
    %swap3A_16 = vector.shape_cast %swap3A_15 : vector<1x10000x64xf32> to vector<10000x64xf32>
    %swap3A_17 = vector.shape_cast %slice3A : vector<10000x64xf32> to vector<1x10000x64xf32>
    tpu.vector_store %arg4[%swap3A_12, %swap3A_13, %swap3A_14], %swap3A_17 {strides = array<i32>} : memref<2x10000x64xf32, #tpu.memory_space<vmem>>, vector<1x10000x64xf32>,
    %slice3A_18 = vector.extract_strided_slice %mul3A_11 {offsets = [0, 64], sizes = [10000, 64], strides = [1, 1]} : vector<10000x128xf32> to vector<10000x64xf32>
    %swap3A_19 = arith.constant 1 : index
    %swap3A_20 = arith.constant 0 : index
    %swap3A_21 = arith.constant 0 : index
    %swap3A_22 = vector.load %arg4[%swap3A_19, %swap3A_20, %swap3A_21] : memref<2x10000x64xf32, #tpu.memory_space<vmem>>, vector<1x10000x64xf32>
    %swap3A_23 = vector.shape_cast %swap3A_22 : vector<1x10000x64xf32> to vector<10000x64xf32>
    %swap3A_24 = vector.shape_cast %slice3A_18 : vector<10000x64xf32> to vector<1x10000x64xf32>
    tpu.vector_store %arg4[%swap3A_19, %swap3A_20, %swap3A_21], %swap3A_24 {strides = array<i32>} : memref<2x10000x64xf32, #tpu.memory_space<vmem>>, vector<1x10000x64xf32>,
    return
  }
}

module attributes {stable_mosaic.version = 14 : i64} {
  func.func @_tc3_body(%arg0: memref<2x10240x64xf32, #tpu.memory_space<vmem>>, %arg1: memref<10000x128xf32, #tpu.memory_space<vmem>>, %arg2: memref<10000x128xf32, #tpu.memory_space<vmem>>, %arg3: memref<10000x1xf32, #tpu.memory_space<vmem>>, %arg4: memref<1x128xf32, #tpu.memory_space<vmem>>, %arg5: memref<128x256xf32, #tpu.memory_space<vmem>>, %arg6: memref<1x256xf32, #tpu.memory_space<vmem>>, %arg7: memref<128x1xf32, #tpu.memory_space<vmem>>, %arg8: memref<1x1xf32, #tpu.memory_space<vmem>>, %arg9: memref<1x256xf32, #tpu.memory_space<vmem>>, %arg10: memref<1x1xf32, #tpu.memory_space<vmem>>) attributes {dimension_semantics = [], scalar_prefetch = 0 : i64, scratch_operands = 0 : i64, tpu.core_type = #tpu.core_type<tc>} {
    %get3A = arith.constant 0 : index
    %get3A_0 = arith.constant 0 : index
    %get3A_1 = vector.load %arg1[%get3A, %get3A_0] : memref<10000x128xf32, #tpu.memory_space<vmem>>, vector<10000x128xf32>
    %get3A_2 = arith.constant 0 : index
    %get3A_3 = arith.constant 0 : index
    %get3A_4 = vector.load %arg2[%get3A_2, %get3A_3] : memref<10000x128xf32, #tpu.memory_space<vmem>>, vector<10000x128xf32>
    %get3A_5 = arith.constant 0 : index
    %get3A_6 = arith.constant 0 : index
    %get3A_7 = vector.load %arg3[%get3A_5, %get3A_6] : memref<10000x1xf32, #tpu.memory_space<vmem>>, vector<10000x1xf32>
    %get3A_8 = arith.constant 0 : index
    %get3A_9 = arith.constant 0 : index
    %get3A_10 = vector.load %arg4[%get3A_8, %get3A_9] : memref<1x128xf32, #tpu.memory_space<vmem>>, vector<1x128xf32>
    %get3A_11 = arith.constant 0 : index
    %get3A_12 = arith.constant 0 : index
    %get3A_13 = arith.constant 0 : index
    %get3A_14 = vector.load %arg0[%get3A_11, %get3A_12, %get3A_13] : memref<2x10240x64xf32, #tpu.memory_space<vmem>>, vector<1x10000x64xf32>
    %get3A_15 = vector.shape_cast %get3A_14 : vector<1x10000x64xf32> to vector<10000x64xf32>
    %get3A_16 = arith.constant 1 : index
    %get3A_17 = arith.constant 0 : index
    %get3A_18 = arith.constant 0 : index
    %get3A_19 = vector.load %arg0[%get3A_16, %get3A_17, %get3A_18] : memref<2x10240x64xf32, #tpu.memory_space<vmem>>, vector<1x10000x64xf32>
    %get3A_20 = vector.shape_cast %get3A_19 : vector<1x10000x64xf32> to vector<10000x64xf32>
    %concatenate3A = tpu.concatenate %get3A_15, %get3A_20 in 1 : vector<10000x64xf32>, vector<10000x64xf32> -> vector<10000x128xf32>
    %mul3A = vector.broadcast %get3A_7 : vector<10000x1xf32> to vector<10000x128xf32>
    %mul3A_21 = arith.mulf %concatenate3A, %mul3A : vector<10000x128xf32>
    %mul3A_22 = arith.mulf %get3A_7, %get3A_7 : vector<10000x1xf32>
    %mul3A_23 = vector.broadcast %mul3A_22 : vector<10000x1xf32> to vector<10000x128xf32>
    %mul3A_24 = arith.mulf %get3A_1, %mul3A_23 : vector<10000x128xf32>
    %add3A = arith.addf %mul3A_21, %mul3A_24 : vector<10000x128xf32>
    %add3A_25 = vector.broadcast %get3A_10 : vector<1x128xf32> to vector<10000x128xf32>
    %add3A_26 = arith.addf %add3A, %add3A_25 : vector<10000x128xf32>
    %add3A_27 = arith.addf %add3A_26, %get3A_4 : vector<10000x128xf32>
    %max3A = arith.constant 0.000000e+00 : f32
    %max3A_28 = vector.broadcast %max3A : f32 to vector<10000x128xf32>
    %max3A_29 = arith.maximumf %add3A_27, %max3A_28 : vector<10000x128xf32>
    %reduce_sum3A = arith.constant dense<0.000000e+00> : vector<128xf32>
    %reduce_sum3A_30 = vector.multi_reduction <add>, %max3A_29, %reduce_sum3A [0] : vector<10000x128xf32> to vector<128xf32>
    %broadcast_in_dim3A = vector.shape_cast %reduce_sum3A_30 : vector<128xf32> to vector<1x128xf32>
    %div3A = arith.constant 1.000000e+04 : f32
    %div3A_31 = vector.broadcast %div3A : f32 to vector<1x128xf32>
    %div3A_32 = arith.divf %broadcast_in_dim3A, %div3A_31 : vector<1x128xf32>
    %get3A_33 = arith.constant 0 : index
    %get3A_34 = arith.constant 0 : index
    %get3A_35 = vector.load %arg5[%get3A_33, %get3A_34] : memref<128x256xf32, #tpu.memory_space<vmem>>, vector<128x256xf32>
    %dot_general3A = arith.constant dense<0.000000e+00> : vector<1x256xf32>
    %dot_general3A_36 = tpu.matmul %div3A_32, %get3A_35, %dot_general3A {dimension_numbers = #tpu.dot_dimension_numbers<[1], [0], [0], [1], [0, 0, 1, 1], [], []>, transpose_lhs_hint = false} : vector<1x128xf32>, vector<128x256xf32>, vector<1x256xf32> -> vector<1x256xf32>
    %get3A_37 = arith.constant 0 : index
    %get3A_38 = arith.constant 0 : index
    %get3A_39 = vector.load %arg6[%get3A_37, %get3A_38] : memref<1x256xf32, #tpu.memory_space<vmem>>, vector<1x256xf32>
    %add3A_40 = arith.addf %dot_general3A_36, %get3A_39 : vector<1x256xf32>
    %swap3A = arith.constant 0 : index
    %swap3A_41 = arith.constant 0 : index
    %swap3A_42 = vector.load %arg9[%swap3A, %swap3A_41] : memref<1x256xf32, #tpu.memory_space<vmem>>, vector<1x256xf32>
    tpu.vector_store %arg9[%swap3A, %swap3A_41], %add3A_40 {strides = array<i32>} : memref<1x256xf32, #tpu.memory_space<vmem>>, vector<1x256xf32>,
    %get3A_43 = arith.constant 0 : index
    %get3A_44 = arith.constant 0 : index
    %get3A_45 = vector.load %arg7[%get3A_43, %get3A_44] : memref<128x1xf32, #tpu.memory_space<vmem>>, vector<128x1xf32>
    %dot_general3A_46 = arith.constant dense<0.000000e+00> : vector<1x1xf32>
    %dot_general3A_47 = tpu.matmul %div3A_32, %get3A_45, %dot_general3A_46 {dimension_numbers = #tpu.dot_dimension_numbers<[1], [0], [0], [1], [0, 0, 1, 1], [], []>, transpose_lhs_hint = false} : vector<1x128xf32>, vector<128x1xf32>, vector<1x1xf32> -> vector<1x1xf32>
    %get3A_48 = arith.constant 0 : index
    %get3A_49 = arith.constant 0 : index
    %get3A_50 = vector.load %arg8[%get3A_48, %get3A_49] : memref<1x1xf32, #tpu.memory_space<vmem>>, vector<1x1xf32>
    %add3A_51 = arith.addf %dot_general3A_47, %get3A_50 : vector<1x1xf32>
    %swap3A_52 = arith.constant 0 : index
    %swap3A_53 = arith.constant 0 : index
    %swap3A_54 = vector.load %arg10[%swap3A_52, %swap3A_53] : memref<1x1xf32, #tpu.memory_space<vmem>>, vector<1x1xf32>
    tpu.vector_store %arg10[%swap3A_52, %swap3A_53], %add3A_51 {strides = array<i32>} : memref<1x1xf32, #tpu.memory_space<vmem>>, vector<1x1xf32>,
    return
  }
}

</mosaic_0001>

<sc_bundles>
// kernel: kernel.10.cloned.1.call-start
scs
__scs_entry_jumppad:
0x0: {  	(pc) =	sbr.rel $0x88, $3  }
0x1: {  	(tag) =	ssettag $0x0;
	lr =	simm.s32 $0x1  }
0x2: {  	[smem:$0x3F97] =	sst lr;
	_ =	strace $0xD0000000  }
0x3: {  	_ = 	snop  }
0x4: {  	_ = 	snop  }
0x5: {  	_ = 	snop  }
0x6: {  	_ = 	snop  }
0x7: {  	_ = 	snop  }
__scs_overlays_trampoline_lowered:
0x8: {  	[smem:$0x3FA6] =	sst s0  }
0x9: {  	[smem:$0x3FA7] =	sst s1  }
0xa: {  	[smem:$0x3FA8] =	sst s2  }
0xb: {  	[smem:$0x3FA9] =	sst s3  }
0xc: {  	[smem:$0x3FAA] =	sst s4  }
0xd: {  	[smem:$0x3FAB] =	sst s5  }
0xe: {  	[smem:$0x3FAC] =	sst s6  }
0xf: {  	[smem:$0x3FAD] =	sst s7  }
0x10: {  	[smem:$0x3FAE] =	sst s8  }
0x11: {  	[smem:$0x3FAF] =	sst s9;
	s0 =	simm.s32 @!p0 $0x0  }
0x12: {  	s1 =	sld [smem:$0x3F95];
	s0 =	simm.s32 @p0 $0x1  }
0x13: {  	[smem:$0x3FB0] =	sst s0;
	s0 =	simm.s32 @!p1 $0x0  }
0x14: {  	s2 =	sld [smem:$0x3F94];
	s0 =	simm.s32 @p1 $0x1  }
0x15: {  	[smem:$0x3FB1] =	sst s0;
	s0 =	simm.s32 @!p2 $0x0  }
0x16: {  	s3 =	sld [smem:$0x3FDB];
	s0 =	simm.s32 @p2 $0x1  }
0x17: {  	s4 =	simm.s32 $0x1BF5;
	[smem:$0x3FB3] =	sst s0  }
0x18: {  	s0 =	sld [smem:$0x3F96];
	_ =	swait.ge [sflag:s4], $0x0  }
0x19: {  	s7 =	sld [smem:$0x3F97]  }
0x1a: {  	s8 =	sadd.s32 $0xFFFFE003, lr  }
0x1b: {  	s9 =	sadd.s32 $0xFFFFFEF7, lr;
	s5 =	simm.s32 $0xFFFFFFFF;
	p2 =	slt.u32 s8, $0xFFFFF086  }
0x1c: {  	p1 =	slt.u32 s9, $0xF7A;
	s5 =	simm.s32 @!p2 $0x0  }
0x1d: {  	s5 =	simm.s32 @p1 $0x1;
	p0 =	seq.s32 s7, s2  }
0x1e: {  	s7 =	smul.u32 @!p0 $0xF7A, s2;
	p2 =	seq.s32 @!p0 s5, $0x0  }
0x1f: {  	s9 =	smul.u32 $0xF7A, s1;
	s8 =	simm.s32 @!p0 $0x1BF5;
	p2 =	por !p2, p0  }
0x20: {  	[sflag:s8] =	ssyncset.s32 @!p0 $0xFFFFF086;
	s6 =	sadd.s32 @!p0 s3, s7;
	s7 =	simm.s32 @!p0 $0x108  }
0x21: {  	s3 =	sadd.s32 s3, s9;
	s6 =	sadd.s32 @!p0 $0x88, s6;
	s7 =	simm.s32 @p2 $0x1082  }
0x22: {  	[simem:s7], [sflag:s8] =	dma.local @!p0 [hbm:s6], $0xF7A  }
0x23: {  	s9 =	sor.u32 $0xD0000000, s2;
	s6 =	simm.s32 $0x108;
	_ =	swait.ge @!p0 [sflag:s8], $0x0  }
0x24: {  	s3 =	sadd.s32 $0x88, s3;
	s6 =	simm.s32 @!p1 $0x1082;
	[sflag:s4] =	ssyncset.s32 $0xFFFFF086  }
0x25: {  	[simem:s6], [sflag:s4] =	dma.local [hbm:s3], $0xF7A  }
0x26: {  	[smem:$0x3F97] =	sst s1;
	(tag) =	ssettag s2;
	_ =	strace s9  }
0x27: {  	s1 =	sld [smem:$0x3FA7]  }
0x28: {  	s2 =	sld [smem:$0x3FA8]  }
0x29: {  	s4 =	sld [smem:$0x3FAA]  }
0x2a: {  	p0 =	seq.s32 s5, $0x0;
	s5 =	sld [smem:$0x3FAB]  }
0x2b: {  	s6 =	sld [smem:$0x3FAC]  }
0x2c: {  	s7 =	sld [smem:$0x3FAD]  }
0x2d: {  	s3 =	simm.s32 $0x108;
	s8 =	sld [smem:$0x3FAE]  }
0x2e: {  	s3 =	simm.s32 @!p0 $0x1082;
	s9 =	sld [smem:$0x3FAF]  }
0x2f: {  	lr =	sadd.s32 s0, s3;
	s0 =	sld [smem:$0x3FA6]  }
0x30: {  	s3 =	sld [smem:$0x3FA9]  }
0x31: {  	[smem:$0x3FB2] =	sst s10  }
0x32: {  	s10 =	sld [smem:$0x3FB0];
	_ =	sdelay $0x3  }
0x33: {  	p0 =	seq.s32 s10, $0x1;
	s10 =	sld [smem:$0x3FB2];
	_ =	sdelay $0x3  }
0x34: {  	[smem:$0x3FB2] =	sst s10  }
0x35: {  	s10 =	sld [smem:$0x3FB1];
	_ =	sdelay $0x3  }
0x36: {  	p1 =	seq.s32 s10, $0x1;
	s10 =	sld [smem:$0x3FB2];
	_ =	sdelay $0x3  }
0x37: {  	[smem:$0x3FB2] =	sst s10  }
0x38: {  	s10 =	sld [smem:$0x3FB3]  }
0x39: {  	_ = 	snop;
	(pc) =	sbr.ind lr, $3  }
0x3a: {  	_ = 	snop  }
0x3b: {  	_ = 	snop  }
0x3c: {  	p2 =	seq.s32 s10, $0x1;
	s10 =	sld [smem:$0x3FB2]  }
0x3d: {  	_ =	shalt  }
0x3e: {  	_ =	shalt  }
0x3f: {  	_ =	shalt  }
0x40: {  	_ =	shalt  }
0x41: {  	_ =	shalt  }
0x42: {  	_ =	shalt  }
0x43: {  	_ =	shalt  }
0x44: {  	_ =	shalt  }
0x45: {  	_ =	shalt  }
0x46: {  	_ =	shalt  }
0x47: {  	_ =	shalt  }
0x48: {  	_ =	shalt  }
0x49: {  	_ =	shalt  }
0x4a: {  	_ =	shalt  }
0x4b: {  	_ =	shalt  }
0x4c: {  	_ =	shalt  }
0x4d: {  	_ =	shalt  }
0x4e: {  	_ =	shalt  }
0x4f: {  	_ =	shalt  }
0x50: {  	_ =	shalt  }
0x51: {  	_ =	shalt  }
0x52: {  	_ =	shalt  }
0x53: {  	_ =	shalt  }
0x54: {  	_ =	shalt  }
0x55: {  	_ =	shalt  }
0x56: {  	_ =	shalt  }
0x57: {  	_ =	shalt  }
0x58: {  	_ =	shalt  }
0x59: {  	_ =	shalt  }
0x5a: {  	_ =	shalt  }
0x5b: {  	_ =	shalt  }
0x5c: {  	_ =	shalt  }
0x5d: {  	_ =	shalt  }
0x5e: {  	_ =	shalt  }
0x5f: {  	_ =	shalt  }
0x60: {  	_ =	shalt  }
0x61: {  	_ =	shalt  }
0x62: {  	_ =	shalt  }
0x63: {  	_ =	shalt  }
0x64: {  	_ =	shalt  }
0x65: {  	_ =	shalt  }
0x66: {  	_ =	shalt  }
0x67: {  	_ =	shalt  }
0x68: {  	_ =	shalt  }
0x69: {  	_ =	shalt  }
0x6a: {  	_ =	shalt  }
0x6b: {  	_ =	shalt  }
0x6c: {  	_ =	shalt  }
0x6d: {  	_ =	shalt  }
0x6e: {  	_ =	shalt  }
0x6f: {  	_ =	shalt  }
0x70: {  	_ =	shalt  }
0x71: {  	_ =	shalt  }
0x72: {  	_ =	shalt  }
0x73: {  	_ =	shalt  }
0x74: {  	_ =	shalt  }
0x75: {  	_ =	shalt  }
0x76: {  	_ =	shalt  }
0x77: {  	_ =	shalt  }
0x78: {  	_ =	shalt  }
0x79: {  	_ =	shalt  }
0x7a: {  	_ =	shalt  }
0x7b: {  	_ =	shalt  }
0x7c: {  	_ =	shalt  }
0x7d: {  	_ =	shalt  }
0x7e: {  	_ =	shalt  }
0x7f: {  	_ =	shalt  }
0x80: {  	_ =	shalt  }
0x81: {  	_ =	shalt  }
0x82: {  	_ =	shalt  }
0x83: {  	_ =	shalt  }
0x84: {  	_ =	shalt  }
0x85: {  	_ =	shalt  }
0x86: {  	_ =	shalt  }
0x87: {  	_ =	shalt  }
.Lfunc_end0:
.L_simem_size_0:
called_computation_lowered:
.L_overlay_start_0:
0x88: {  	s2 =	sld [smem:$0x3FD9]  }
0x89: {  	s3 =	sld [smem:$0x3FFE];
	_ =	sdelay $0x1  }
0x8a: {  	s1 =	srdreg.scid  }
0x8b: {  	s0 =	sand.u32 $0x1, s1  }
0x8c: {  	s14 =	sshll.u32 s0, $0xA;
	s2 =	sadd.s32 s3, s2  }
0x8d: {  	s2 =	sadd.s32 s2, s14  }
0x8e: {  	[smem:$0x3FBE] =	sst s2  }
0x8f: {  	_ = 	snop  }
0x90: {  	s2 =	sld [smem:$0x3FD0];
	_ =	sdelay $0x2  }
0x91: {  	s15 =	simm.s32 $0xA;
	s4 =	simm.s32 $0x10  }
0x92: {  	[smem:s4], [sflag:s15] =	dma.local [hbm:s2], $0x1  }
0x93: {  	_ =	swait.eq [sflag:s15], $0x1  }
0x94: {  	[sflag:s15] =	ssyncset.done $0x0  }
0x95: {  	[sflag:s15] =	ssyncadd.s32 $0xFFFFFFFF  }
0x96: {  	s16 =	sld [smem:$0x11];
	(tm) =	ssettm $0x1  }
0x97: {  	s17 =	sld [smem:$0x3FFB];
	_ =	sdelay $0x3  }
0x98: {  	_ =	strace s17  }
0x99: {  	s3 =	sld [smem:$0x3FFC];
	_ =	sdelay $0x3  }
0x9a: {  	_ =	strace s3  }
0x9b: {  	s3 =	sld [smem:$0x3FFD];
	_ =	sdelay $0x3  }
0x9c: {  	_ =	strace s3  }
0x9d: {  	_ =	strace $0x8FFFFFFF  }
0x9e: {  	s18 =	sld [smem:$0x3FDB];
	_ =	sdelay $0x1  }
0x9f: {  	s19 =	simm.s32 $_scs_section_size  }
0xa0: {  	s5 =	simm.s32 $_size__tile_overlayer_lowered;
	s6 =	simm.s32 $_tile_overlayer_lowered  }
0xa1: {  	s22 =	simm.s32 $0x1BFF;
	s21 =	sshll.u32 s6, $0x1;
	s3 =	sadd.s32 s19, s18  }
0xa2: {  	s7 =	simm.s32 $0x0;
	s20 =	sshll.u32 s5, $0x1;
	s5 =	sadd.s32 s21, s3  }
0xa3: {  	[timem:s7], [sflag:s22] =	dma.local [hbm:s5], s20  }
0xa4: {  	_ =	swait.ge [sflag:s22], s20  }
0xa5: {  	s4 =	ssub.s32 $0x0, s20;
	[sflag:s22] =	ssyncset.done $0x0  }
0xa6: {  	[sflag:s22] =	ssyncadd.s32 s4;
	_ =	sdelay $0x1  }
0xa7: {  	s23 =	simm.s32 $0x1B8B  }
0xa8: {  	_ =	swait.ge [sflag:s23], $0x1  }
0xa9: {  	[sflag:s23] =	ssyncset.done $0x0  }
0xaa: {  	s25 =	simm.s32 $0x1B8E;
	s24 =	sld [smem:$0x3FFE];
	[sflag:s23] =	ssyncadd.s32 $0xFFFFFFFF  }
0xab: {  	s26 =	simm.s32 $execute0_lowered;
	[smem:$0x3FD2] =	sst s25  }
0xac: {  	s5 =	sshll.u32 s26, $0x1;
	_ =	strace $0x80000046;
	[dreg:$0x1] =	wrdreg $0xFFFFFFFF  }
0xad: {  	s28 =	simm.s32 $_size_execute0_lowered;
	s3 =	sadd.s32 s3, s5;
	[dreg:$0x0] =	wrdreg $0x0  }
0xae: {  	s5 =	sshll.u32 s28, $0x1;
	[dreg:$0x2] =	wrdreg s3  }
0xaf: {  	[dreg:$0x3] =	wrdreg s5  }
0xb0: {  	[dreg:$0x4] =	wrdreg $0xC0  }
0xb1: {  	_ =	task [dreg:s7], $0x5FFFF  }
0xb2: {  	[dreg:$0x1] =	wrdreg $0xFFFFFFFF  }
0xb3: {  	[dreg:$0x0] =	wrdreg $0x60  }
0xb4: {  	[dreg:$0x2] =	wrdreg s24  }
0xb5: {  	[dreg:$0x3] =	wrdreg s16  }
0xb6: {  	[dreg:$0x4] =	wrdreg $0x2B880  }
0xb7: {  	[dreg:$0x5] =	wrdreg $0x9  }
0xb8: {  	_ =	task.clear_ibuf [dreg:s7], $0x6FFFF;
	_ =	strace $0x90000046  }
0xb9: {  	s29 =	simm.s32 $0x9;
	_ =	strace $0x80000048  }
0xba: {  	_ =	swait.ge [sflag:s29], $0x1  }
0xbb: {  	[sflag:s29] =	ssyncadd.s32 $0xFFFFFFFF  }
0xbc: {  	_ =	strace $0x90000048  }
0xbd: {  	_ =	sfence  }
0xbe: {  	s30 =	sld [smem:$0x0];
	_ =	sdelay $0x2  }
0xbf: {  	s31 =	sshll.u32 s1, $0xD;
	s1 =	sshrl.u32 s1, $0x2  }
0xc0: {  	s3 =	sand.u32 $0x4000, s31;
	s1 =	sadd.s32 s1, s30  }
0xc1: {  	s0 =	sor.u32 s3, s0;
	s1 =	sshll.u32 s1, $0x11  }
0xc2: {  	s0 =	sor.u32 s1, s0  }
0xc3: {  	s0 =	sadd.s32 $0x8F2B, s0  }
0xc4: {  	[sflag:s0] =	ssyncadd.remote.s32 $0x1  }
0xc5: {  	_ =	sfence.sel $0xFFFF  }
0xc6: {  	[dreg:$0x0] =	wrdreg $0xFFFFFFFF;
	(pc) =	sbr.abs _section_cstart, $3  }
0xc7: {  	[dreg:$0x1] =	wrdreg $0xFFFFFFFF  }
0xc8: {  	_ =	task.clear_ibuf [dreg:s7], $0x2FFFF;
	_ =	strace $0x9FFFFFFF  }
0xc9: {  	(tm) =	ssettm $0x7FFFFFFF  }
tec
execute0_lowered:
.L_overlay_start_1:
0x0: {  	(tag) =	ssettag $0x1  }
0x1: {  	s6 =	rddreg [dreg:$0x0];
	s1 =	srdreg.scid  }
0x2: {  	s0 =	stileid.u32;
	s2 =	rddreg [dreg:$0x1]  }
0x3: {  	s3 =	rddreg [dreg:$0x2];
	s4 =	simm.s32 $0x0;
	s12 =	simm.s32 $0x28A0  }
0x4: {  	s13 =	simm.s32 $0x64;
	s14 =	simm.s32 $0x1;
	s7 =	smul.u32 $0x5140, s0  }
0x5: {  	s5 =	sand.u32 $0x1, s1;
	s1 =	rddreg [dreg:$0x3];
	s9 =	smul.u32 $0x280, s0  }
0x6: {  	s17 =	simm.s32 $0x0;
	[smem:$0x7FF] =	sst s4;
	s8 =	smul.u32 $0x28A0, s5  }
0x7: {  	s15 =	sshll.u32 s0, $0x6;
	s31 =	smul.u32 $0x2800, s5;
	_ =	strace $0x80000047  }
0x8: {  	s10 =	ssub.s32 $0x2, s5;
	s5 =	sadd.s32 $0xCA00, s6;
	s15 =	sor.u32 $0x1C02, s15  }
0x9: {  	s11 =	sshrl.u32 s10, $0x1;
	s7 =	sadd.s32 s8, s7;
	s8 =	sadd.s32 s9, s31  }
0xa: {  	s10 =	ssub.s32 s10, s11;
	s7 =	sshrl.u32 s7, $0x3;
	s8 =	sshrl.u32 s8, $0x3  }
0xb: {  	s11 =	simm.s32 $0x2;
	s7 =	sadd.s32 s7, s6;
	s8 =	sadd.s32 s8, s6  }
0xc: {  	s6 =	sadd.s32 s9, s3;
	s9 =	smax.u32 s10, $0x1;
	s10 =	simm.s32 $0x2908  }
0xd: {  	s7 =	sadd.s32 $0x2600, s7;
	s8 =	sadd.s32 $0xCC00, s8;
	s16 =	sshrl.u32 s6, $0x3  }
.LBB2_1:
0xe: {  	[tilespmem:s10], [sflag:$0x2] =	stream.linear.gather [hbm4b:s5+s4], $0x280, $0x38;
	[tilespmem:$0x2E08] =	vst v63  }
0xf: {  	_ =	swait.ge [sflag:s11], $0x280  }
0x10: {  	[sflag:s11] =	ssyncset.done $0x0  }
0x11: {  	[sflag:s11] =	ssyncadd.s32 $0xFFFFFD80  }
0x12: {  	[spmem:s6] =	stream.linear.scatter [tilespmem:s10], [sflag:$0x2], $0x280, $0x38;
	[tilespmem:$0x2E08] =	vst v63  }
0x13: {  	_ =	swait.ge [sflag:s11], $0x280  }
0x14: {  	[sflag:s11] =	ssyncset.done $0x0  }
0x15: {  	[sflag:s11] =	ssyncadd.s32 $0xFFFFFD80  }
0x16: {  	[tilespmem:s12], [sflag:$0x2] =	stream.linear.gather [hbm4b:s2+s4], $0x68, $0x38;
	[tilespmem:$0x2E08] =	vst v63  }
0x17: {  	_ =	swait.ge [sflag:s11], $0x68  }
0x18: {  	[sflag:s11] =	ssyncset.done $0x0  }
0x19: {  	[sflag:s11] =	ssyncadd.s32 $0xFFFFFF98  }
0x1a: {  	[tilespmem:s4], [sflag:$0x2] =	stream.linear.gather [hbm4b:s7+s4], $0x28A0, $0x38;
	[tilespmem:$0x2E08] =	vst v63  }
0x1b: {  	_ =	swait.ge [sflag:s11], $0x28A0  }
0x1c: {  	[sflag:s11] =	ssyncset.done $0x0  }
0x1d: {  	[sflag:s11] =	ssyncadd.s32 $0xFFFFD760  }
0x1e: {  	s18 =	simm.s32 $0x0;
	[bflag:$0x0] =	sbarrier.arrive $0xFFFF  }
0x1f: {  	[spmem:s3] =	stream.indirect.scatter.add.f32 [tilespmem:s12], [sflag:$0x1], $0x1, s18, s13, $0xb8;
	[tilespmem:$0x2E08] =	vst v63  }
0x20: {  	s28 =	simm.s32 $0x68  }
0x21: {  	[spmem:s3] =	stream.indirect.scatter.add.f32 [tilespmem:s12], [sflag:$0x1], $0x1, s28, s13, $0xb8;
	[tilespmem:$0x2E08] =	vst v63  }
0x22: {  	s29 =	simm.s32 $0xD0  }
0x23: {  	[spmem:s3] =	stream.indirect.scatter.add.f32 [tilespmem:s12], [sflag:$0x1], $0x1, s29, s13, $0xb8;
	[tilespmem:$0x2E08] =	vst v63  }
0x24: {  	s30 =	simm.s32 $0x138  }
0x25: {  	[spmem:s3] =	stream.indirect.scatter.add.f32 [tilespmem:s12], [sflag:$0x1], $0x1, s30, s13, $0xb8;
	[tilespmem:$0x2E08] =	vst v63  }
0x26: {  	s31 =	simm.s32 $0x1A0  }
0x27: {  	[spmem:s3] =	stream.indirect.scatter.add.f32 [tilespmem:s12], [sflag:$0x1], $0x1, s31, s13, $0xb8;
	[tilespmem:$0x2E08] =	vst v63  }
0x28: {  	_ =	swait.ge [sflag:s14], $0x64  }
0x29: {  	[sflag:s14] =	ssyncset.done $0x0  }
0x2a: {  	[sflag:s14] =	ssyncadd.s32 $0xFFFFFF9C  }
0x2b: {  	_ =	swait.ge [sflag:s14], $0x64  }
0x2c: {  	[sflag:s14] =	ssyncset.done $0x0  }
0x2d: {  	[sflag:s14] =	ssyncadd.s32 $0xFFFFFF9C  }
0x2e: {  	_ =	swait.ge [sflag:s14], $0x64  }
0x2f: {  	[sflag:s14] =	ssyncset.done $0x0  }
0x30: {  	[sflag:s14] =	ssyncadd.s32 $0xFFFFFF9C  }
0x31: {  	_ =	swait.ge [sflag:s14], $0x64  }
0x32: {  	[sflag:s14] =	ssyncset.done $0x0  }
0x33: {  	[sflag:s14] =	ssyncadd.s32 $0xFFFFFF9C  }
0x34: {  	_ =	swait.ge [sflag:s14], $0x64  }
0x35: {  	s19 =	simm.s32 $0x1040;
	s18 =	simm.s32 $0x820;
	[sflag:s14] =	ssyncset.done $0x0  }
.LBB2_2:
0x36: {  	s20 =	sshra.s32 s18, $0x2  }
0x37: {  	[sflag:s14] =	ssyncadd.s32 $0xFFFFFF9C;
	s18 =	smov.u32 s19;
	s21 =	sadd.s32 $0x820, s19  }
0x38: {  	[spmem:s3] =	stream.indirect.scatter.add.f32 [tilespmem:s12], [sflag:$0x1], $0x1, s20, s13, $0xb8;
	[tilespmem:$0x2E08] =	vst v63  }
0x39: {  	p0 =	sne.s32 s19, $0x9A60;
	s19 =	sadd.s32 $0x68, s20  }
0x3a: {  	[spmem:s3] =	stream.indirect.scatter.add.f32 [tilespmem:s12], [sflag:$0x1], $0x1, s19, s13, $0xb8;
	[tilespmem:$0x2E08] =	vst v63  }
0x3b: {  	s19 =	sadd.s32 $0xD0, s20  }
0x3c: {  	[spmem:s3] =	stream.indirect.scatter.add.f32 [tilespmem:s12], [sflag:$0x1], $0x1, s19, s13, $0xb8;
	[tilespmem:$0x2E08] =	vst v63  }
0x3d: {  	s19 =	sadd.s32 $0x138, s20  }
0x3e: {  	[spmem:s3] =	stream.indirect.scatter.add.f32 [tilespmem:s12], [sflag:$0x1], $0x1, s19, s13, $0xb8;
	[tilespmem:$0x2E08] =	vst v63  }
0x3f: {  	s19 =	sadd.s32 $0x1A0, s20  }
0x40: {  	[spmem:s3] =	stream.indirect.scatter.add.f32 [tilespmem:s12], [sflag:$0x1], $0x1, s19, s13, $0xb8;
	[tilespmem:$0x2E08] =	vst v63  }
0x41: {  	_ =	swait.ge [sflag:s14], $0x64  }
0x42: {  	[sflag:s14] =	ssyncset.done $0x0  }
0x43: {  	[sflag:s14] =	ssyncadd.s32 $0xFFFFFF9C  }
0x44: {  	_ =	swait.ge [sflag:s14], $0x64  }
0x45: {  	[sflag:s14] =	ssyncset.done $0x0  }
0x46: {  	[sflag:s14] =	ssyncadd.s32 $0xFFFFFF9C  }
0x47: {  	_ =	swait.ge [sflag:s14], $0x64  }
0x48: {  	[sflag:s14] =	ssyncset.done $0x0  }
0x49: {  	[sflag:s14] =	ssyncadd.s32 $0xFFFFFF9C  }
.Ltmp0:
0x4a: {  	_ =	swait.ge [sflag:s14], $0x64;
	(pc) =	sbr.rel @p0 .LBB2_2-.Ltmp0, $4  }
0x4b: {  	[sflag:s14] =	ssyncset.done $0x0  }
0x4c: {  	[sflag:s14] =	ssyncadd.s32 $0xFFFFFF9C  }
0x4d: {  	_ =	swait.ge [sflag:s14], $0x64  }
0x4e: {  	s19 =	smov.u32 s21;
	[sflag:s14] =	ssyncset.done $0x0  }
0x4f: {  	s18 =	sshra.s32 s18, $0x2;
	[sflag:s14] =	ssyncadd.s32 $0xFFFFFF9C  }
0x50: {  	[spmem:s3] =	stream.indirect.scatter.add.f32 [tilespmem:s12], [sflag:$0x1], $0x1, s18, s13, $0xb8;
	[tilespmem:$0x2E08] =	vst v63  }
0x51: {  	s19 =	sadd.s32 $0x68, s18  }
0x52: {  	[spmem:s3] =	stream.indirect.scatter.add.f32 [tilespmem:s12], [sflag:$0x1], $0x1, s19, s13, $0xb8;
	[tilespmem:$0x2E08] =	vst v63  }
0x53: {  	s30 =	sadd.s32 $0xD0, s18  }
0x54: {  	[spmem:s3] =	stream.indirect.scatter.add.f32 [tilespmem:s12], [sflag:$0x1], $0x1, s30, s13, $0xb8;
	[tilespmem:$0x2E08] =	vst v63  }
0x55: {  	s31 =	sadd.s32 $0x138, s18  }
0x56: {  	[spmem:s3] =	stream.indirect.scatter.add.f32 [tilespmem:s12], [sflag:$0x1], $0x1, s31, s13, $0xb8;
	[tilespmem:$0x2E08] =	vst v63  }
0x57: {  	s18 =	sadd.s32 $0x1A0, s18  }
0x58: {  	[spmem:s3] =	stream.indirect.scatter.add.f32 [tilespmem:s12], [sflag:$0x1], $0x1, s18, s13, $0xb8;
	[tilespmem:$0x2E08] =	vst v63  }
0x59: {  	_ =	swait.ge [sflag:s14], $0x64  }
0x5a: {  	[sflag:s14] =	ssyncset.done $0x0  }
0x5b: {  	[sflag:s14] =	ssyncadd.s32 $0xFFFFFF9C  }
0x5c: {  	_ =	swait.ge [sflag:s14], $0x64  }
0x5d: {  	[sflag:s14] =	ssyncset.done $0x0  }
0x5e: {  	[sflag:s14] =	ssyncadd.s32 $0xFFFFFF9C  }
0x5f: {  	_ =	swait.ge [sflag:s14], $0x64  }
0x60: {  	[sflag:s14] =	ssyncset.done $0x0  }
0x61: {  	[sflag:s14] =	ssyncadd.s32 $0xFFFFFF9C  }
0x62: {  	_ =	swait.ge [sflag:s14], $0x64  }
0x63: {  	[sflag:s14] =	ssyncset.done $0x0  }
0x64: {  	[sflag:s14] =	ssyncadd.s32 $0xFFFFFF9C  }
0x65: {  	_ =	swait.ge [sflag:s14], $0x64  }
0x66: {  	s17 =	sadd.s32 $0x1, s17;
	[sflag:s14] =	ssyncset.done $0x0  }
0x67: {  	p0 =	sne.s32 s17, s9;
	[sflag:s14] =	ssyncadd.s32 $0xFFFFFF9C  }
.Ltmp1:
0x68: {  	[bflag:$0x0] =	sbarrier.arrive $0xFFFF;
	(pc) =	sbr.rel @p0 .LBB2_1-.Ltmp1, $4  }
0x69: {  	[hbm:s8], [sflag:s15] =	dma.local [spmem:s16], $0x50  }
0x6a: {  	_ =	swait.ge [sflag:s11], $0x50  }
0x6b: {  	[sflag:s11] =	ssyncset.done $0x0  }
0x6c: {  	[sflag:s11] =	ssyncadd.s32 $0xFFFFFFB0  }
0x6d: {  	_ =	sfence.sel $0x180000  }
0x6e: {  	[bflag:$0x0] =	sbarrier.arrive $0xFFFF  }
0x6f: {  	p0 =	sne.s32 s0, $0x0;
	_ =	strace $0x90000047  }
0x70: {  	s0 =	sadd.s32 @!p0 $0x100000, s1;
	[bflag:$0x2] =	sbarrier.arrive $0xFFFF  }
0x71: {  	[sflag:s0] =	ssyncadd.tile.s32 @!p0 $0x1;
	_ =	shalt  }
.Lfunc_end2:
_tile_overlayer_lowered:
.L_overlay_start_2:
0x72: {  	(tag) =	ssettag $0x2  }
0x73: {  	s0 =	rddreg [dreg:$0x0];
	s2 =	stileid.u32  }
0x74: {  	s1 =	rddreg [dreg:$0x1];
	p0 =	sne.s32 s2, $0x0  }
0x75: {  	s3 =	rddreg [dreg:$0x2];
	[bflag:$0x3] =	sbarrier.arrive $0xFFFF;
	s2 =	simm.s32 @!p0 $0x1C02  }
0x76: {  	[timem:s3], [sflag:s2] =	dma.local @!p0 [hbm:s0], s1  }
0x77: {  	s0 =	simm.s32 @!p0 $0x2  }
0x78: {  	_ =	swait.ge @!p0 [sflag:s0], s1  }
0x79: {  	s1 =	ssub.s32 @!p0 $0x0, s1;
	[sflag:s0] =	ssyncset.done @!p0 $0x0  }
0x7a: {  	[sflag:s0] =	ssyncadd.s32 @!p0 s1  }
0x7b: {  	[bflag:$0x3] =	sbarrier.arrive $0xFFFF  }
0x7c: {  	_ =	shalt  }

// kernel: kernel.13.cloned.1.call-start
scs
__scs_entry_jumppad:
0x0: {  	(pc) =	sbr.rel $0x88, $3  }
0x1: {  	(tag) =	ssettag $0x0;
	lr =	simm.s32 $0x1  }
0x2: {  	[smem:$0x3F97] =	sst lr;
	_ =	strace $0xD0000000  }
0x3: {  	_ = 	snop  }
0x4: {  	_ = 	snop  }
0x5: {  	_ = 	snop  }
0x6: {  	_ = 	snop  }
0x7: {  	_ = 	snop  }
__scs_overlays_trampoline_lowered:
0x8: {  	[smem:$0x3FA6] =	sst s0  }
0x9: {  	[smem:$0x3FA7] =	sst s1  }
0xa: {  	[smem:$0x3FA8] =	sst s2  }
0xb: {  	[smem:$0x3FA9] =	sst s3  }
0xc: {  	[smem:$0x3FAA] =	sst s4  }
0xd: {  	[smem:$0x3FAB] =	sst s5  }
0xe: {  	[smem:$0x3FAC] =	sst s6  }
0xf: {  	[smem:$0x3FAD] =	sst s7  }
0x10: {  	[smem:$0x3FAE] =	sst s8  }
0x11: {  	[smem:$0x3FAF] =	sst s9;
	s0 =	simm.s32 @!p0 $0x0  }
0x12: {  	s1 =	sld [smem:$0x3F95];
	s0 =	simm.s32 @p0 $0x1  }
0x13: {  	[smem:$0x3FB0] =	sst s0;
	s0 =	simm.s32 @!p1 $0x0  }
0x14: {  	s2 =	sld [smem:$0x3F94];
	s0 =	simm.s32 @p1 $0x1  }
0x15: {  	[smem:$0x3FB1] =	sst s0;
	s0 =	simm.s32 @!p2 $0x0  }
0x16: {  	s3 =	sld [smem:$0x3FDB];
	s0 =	simm.s32 @p2 $0x1  }
0x17: {  	s4 =	simm.s32 $0x1BF5;
	[smem:$0x3FB3] =	sst s0  }
0x18: {  	s0 =	sld [smem:$0x3F96];
	_ =	swait.ge [sflag:s4], $0x0  }
0x19: {  	s7 =	sld [smem:$0x3F97]  }
0x1a: {  	s8 =	sadd.s32 $0xFFFFE003, lr  }
0x1b: {  	s9 =	sadd.s32 $0xFFFFFEF7, lr;
	s5 =	simm.s32 $0xFFFFFFFF;
	p2 =	slt.u32 s8, $0xFFFFF086  }
0x1c: {  	p1 =	slt.u32 s9, $0xF7A;
	s5 =	simm.s32 @!p2 $0x0  }
0x1d: {  	s5 =	simm.s32 @p1 $0x1;
	p0 =	seq.s32 s7, s2  }
0x1e: {  	s7 =	smul.u32 @!p0 $0xF7A, s2;
	p2 =	seq.s32 @!p0 s5, $0x0  }
0x1f: {  	s9 =	smul.u32 $0xF7A, s1;
	s8 =	simm.s32 @!p0 $0x1BF5;
	p2 =	por !p2, p0  }
0x20: {  	[sflag:s8] =	ssyncset.s32 @!p0 $0xFFFFF086;
	s6 =	sadd.s32 @!p0 s3, s7;
	s7 =	simm.s32 @!p0 $0x108  }
0x21: {  	s3 =	sadd.s32 s3, s9;
	s6 =	sadd.s32 @!p0 $0x88, s6;
	s7 =	simm.s32 @p2 $0x1082  }
0x22: {  	[simem:s7], [sflag:s8] =	dma.local @!p0 [hbm:s6], $0xF7A  }
0x23: {  	s9 =	sor.u32 $0xD0000000, s2;
	s6 =	simm.s32 $0x108;
	_ =	swait.ge @!p0 [sflag:s8], $0x0  }
0x24: {  	s3 =	sadd.s32 $0x88, s3;
	s6 =	simm.s32 @!p1 $0x1082;
	[sflag:s4] =	ssyncset.s32 $0xFFFFF086  }
0x25: {  	[simem:s6], [sflag:s4] =	dma.local [hbm:s3], $0xF7A  }
0x26: {  	[smem:$0x3F97] =	sst s1;
	(tag) =	ssettag s2;
	_ =	strace s9  }
0x27: {  	s1 =	sld [smem:$0x3FA7]  }
0x28: {  	s2 =	sld [smem:$0x3FA8]  }
0x29: {  	s4 =	sld [smem:$0x3FAA]  }
0x2a: {  	p0 =	seq.s32 s5, $0x0;
	s5 =	sld [smem:$0x3FAB]  }
0x2b: {  	s6 =	sld [smem:$0x3FAC]  }
0x2c: {  	s7 =	sld [smem:$0x3FAD]  }
0x2d: {  	s3 =	simm.s32 $0x108;
	s8 =	sld [smem:$0x3FAE]  }
0x2e: {  	s3 =	simm.s32 @!p0 $0x1082;
	s9 =	sld [smem:$0x3FAF]  }
0x2f: {  	lr =	sadd.s32 s0, s3;
	s0 =	sld [smem:$0x3FA6]  }
0x30: {  	s3 =	sld [smem:$0x3FA9]  }
0x31: {  	[smem:$0x3FB2] =	sst s10  }
0x32: {  	s10 =	sld [smem:$0x3FB0];
	_ =	sdelay $0x3  }
0x33: {  	p0 =	seq.s32 s10, $0x1;
	s10 =	sld [smem:$0x3FB2];
	_ =	sdelay $0x3  }
0x34: {  	[smem:$0x3FB2] =	sst s10  }
0x35: {  	s10 =	sld [smem:$0x3FB1];
	_ =	sdelay $0x3  }
0x36: {  	p1 =	seq.s32 s10, $0x1;
	s10 =	sld [smem:$0x3FB2];
	_ =	sdelay $0x3  }
0x37: {  	[smem:$0x3FB2] =	sst s10  }
0x38: {  	s10 =	sld [smem:$0x3FB3]  }
0x39: {  	_ = 	snop;
	(pc) =	sbr.ind lr, $3  }
0x3a: {  	_ = 	snop  }
0x3b: {  	_ = 	snop  }
0x3c: {  	p2 =	seq.s32 s10, $0x1;
	s10 =	sld [smem:$0x3FB2]  }
0x3d: {  	_ =	shalt  }
0x3e: {  	_ =	shalt  }
0x3f: {  	_ =	shalt  }
0x40: {  	_ =	shalt  }
0x41: {  	_ =	shalt  }
0x42: {  	_ =	shalt  }
0x43: {  	_ =	shalt  }
0x44: {  	_ =	shalt  }
0x45: {  	_ =	shalt  }
0x46: {  	_ =	shalt  }
0x47: {  	_ =	shalt  }
0x48: {  	_ =	shalt  }
0x49: {  	_ =	shalt  }
0x4a: {  	_ =	shalt  }
0x4b: {  	_ =	shalt  }
0x4c: {  	_ =	shalt  }
0x4d: {  	_ =	shalt  }
0x4e: {  	_ =	shalt  }
0x4f: {  	_ =	shalt  }
0x50: {  	_ =	shalt  }
0x51: {  	_ =	shalt  }
0x52: {  	_ =	shalt  }
0x53: {  	_ =	shalt  }
0x54: {  	_ =	shalt  }
0x55: {  	_ =	shalt  }
0x56: {  	_ =	shalt  }
0x57: {  	_ =	shalt  }
0x58: {  	_ =	shalt  }
0x59: {  	_ =	shalt  }
0x5a: {  	_ =	shalt  }
0x5b: {  	_ =	shalt  }
0x5c: {  	_ =	shalt  }
0x5d: {  	_ =	shalt  }
0x5e: {  	_ =	shalt  }
0x5f: {  	_ =	shalt  }
0x60: {  	_ =	shalt  }
0x61: {  	_ =	shalt  }
0x62: {  	_ =	shalt  }
0x63: {  	_ =	shalt  }
0x64: {  	_ =	shalt  }
0x65: {  	_ =	shalt  }
0x66: {  	_ =	shalt  }
0x67: {  	_ =	shalt  }
0x68: {  	_ =	shalt  }
0x69: {  	_ =	shalt  }
0x6a: {  	_ =	shalt  }
0x6b: {  	_ =	shalt  }
0x6c: {  	_ =	shalt  }
0x6d: {  	_ =	shalt  }
0x6e: {  	_ =	shalt  }
0x6f: {  	_ =	shalt  }
0x70: {  	_ =	shalt  }
0x71: {  	_ =	shalt  }
0x72: {  	_ =	shalt  }
0x73: {  	_ =	shalt  }
0x74: {  	_ =	shalt  }
0x75: {  	_ =	shalt  }
0x76: {  	_ =	shalt  }
0x77: {  	_ =	shalt  }
0x78: {  	_ =	shalt  }
0x79: {  	_ =	shalt  }
0x7a: {  	_ =	shalt  }
0x7b: {  	_ =	shalt  }
0x7c: {  	_ =	shalt  }
0x7d: {  	_ =	shalt  }
0x7e: {  	_ =	shalt  }
0x7f: {  	_ =	shalt  }
0x80: {  	_ =	shalt  }
0x81: {  	_ =	shalt  }
0x82: {  	_ =	shalt  }
0x83: {  	_ =	shalt  }
0x84: {  	_ =	shalt  }
0x85: {  	_ =	shalt  }
0x86: {  	_ =	shalt  }
0x87: {  	_ =	shalt  }
.Lfunc_end0:
.L_simem_size_0:
called_computation.1_lowered:
.L_overlay_start_0:
0x88: {  	s2 =	sld [smem:$0x3FD9]  }
0x89: {  	s3 =	sld [smem:$0x3FFE];
	_ =	sdelay $0x1  }
0x8a: {  	s1 =	srdreg.scid  }
0x8b: {  	s0 =	sand.u32 $0x1, s1  }
0x8c: {  	s16 =	sshll.u32 s0, $0xA;
	s2 =	sadd.s32 s3, s2  }
0x8d: {  	s2 =	sadd.s32 s2, s16  }
0x8e: {  	[smem:$0x3FBE] =	sst s2  }
0x8f: {  	_ = 	snop  }
0x90: {  	(tm) =	ssettm $0x1  }
0x91: {  	s17 =	sld [smem:$0x3FFB];
	_ =	sdelay $0x3  }
0x92: {  	_ =	strace s17  }
0x93: {  	s2 =	sld [smem:$0x3FFC];
	_ =	sdelay $0x3  }
0x94: {  	_ =	strace s2  }
0x95: {  	s2 =	sld [smem:$0x3FFD];
	_ =	sdelay $0x3  }
0x96: {  	_ =	strace s2  }
0x97: {  	_ =	strace $0x8FFFFFFF  }
0x98: {  	s18 =	sld [smem:$0x3FDB];
	_ =	sdelay $0x1  }
0x99: {  	s19 =	simm.s32 $_scs_section_size  }
0x9a: {  	s4 =	simm.s32 $_size__tile_overlayer_lowered;
	s5 =	simm.s32 $_tile_overlayer_lowered  }
0x9b: {  	s22 =	simm.s32 $0x1BFF;
	s21 =	sshll.u32 s5, $0x1;
	s2 =	sadd.s32 s19, s18  }
0x9c: {  	s6 =	simm.s32 $0x0;
	s20 =	sshll.u32 s4, $0x1;
	s4 =	sadd.s32 s21, s2  }
0x9d: {  	[timem:s6], [sflag:s22] =	dma.local [hbm:s4], s20  }
0x9e: {  	_ =	swait.ge [sflag:s22], s20  }
0x9f: {  	s3 =	ssub.s32 $0x0, s20;
	[sflag:s22] =	ssyncset.done $0x0  }
0xa0: {  	[sflag:s22] =	ssyncadd.s32 s3;
	_ =	sdelay $0x1  }
0xa1: {  	s23 =	simm.s32 $0x1B8B  }
0xa2: {  	_ =	swait.ge [sflag:s23], $0x1  }
0xa3: {  	[sflag:s23] =	ssyncset.done $0x0  }
0xa4: {  	s25 =	simm.s32 $0x1B8E;
	s24 =	sld [smem:$0x3FFE];
	[sflag:s23] =	ssyncadd.s32 $0xFFFFFFFF  }
0xa5: {  	s26 =	simm.s32 $execute0_lowered;
	[smem:$0x3FD2] =	sst s25  }
0xa6: {  	s4 =	sshll.u32 s26, $0x1;
	_ =	strace $0x80000049;
	[dreg:$0x1] =	wrdreg $0xFFFFFFFF  }
0xa7: {  	s28 =	simm.s32 $_size_execute0_lowered;
	s2 =	sadd.s32 s2, s4;
	[dreg:$0x0] =	wrdreg $0x0  }
0xa8: {  	s4 =	sshll.u32 s28, $0x1;
	[dreg:$0x2] =	wrdreg s2  }
0xa9: {  	[dreg:$0x3] =	wrdreg s4  }
0xaa: {  	[dreg:$0x4] =	wrdreg $0xC0  }
0xab: {  	_ =	task [dreg:s6], $0x5FFFF  }
0xac: {  	[dreg:$0x1] =	wrdreg $0xFFFFFFFF  }
0xad: {  	[dreg:$0x0] =	wrdreg $0x60  }
0xae: {  	[dreg:$0x2] =	wrdreg s24  }
0xaf: {  	[dreg:$0x3] =	wrdreg $0xB5400  }
0xb0: {  	[dreg:$0x4] =	wrdreg $0x9  }
0xb1: {  	_ =	task.clear_ibuf [dreg:s6], $0x5FFFF;
	_ =	strace $0x90000049  }
0xb2: {  	s29 =	simm.s32 $0x9;
	_ =	strace $0x8000004B  }
0xb3: {  	_ =	swait.ge [sflag:s29], $0x1  }
0xb4: {  	[sflag:s29] =	ssyncadd.s32 $0xFFFFFFFF  }
0xb5: {  	_ =	strace $0x9000004B  }
0xb6: {  	_ =	sfence  }
0xb7: {  	s30 =	sld [smem:$0x0];
	_ =	sdelay $0x2  }
0xb8: {  	s31 =	sshll.u32 s1, $0xD;
	s1 =	sshrl.u32 s1, $0x2  }
0xb9: {  	s3 =	sand.u32 $0x4000, s31;
	s1 =	sadd.s32 s1, s30  }
0xba: {  	s0 =	sor.u32 s3, s0;
	s1 =	sshll.u32 s1, $0x11  }
0xbb: {  	s0 =	sor.u32 s1, s0  }
0xbc: {  	s0 =	sadd.s32 $0x8F2B, s0  }
0xbd: {  	[sflag:s0] =	ssyncadd.remote.s32 $0x1  }
0xbe: {  	_ =	sfence.sel $0xFFFF  }
0xbf: {  	[dreg:$0x0] =	wrdreg $0xFFFFFFFF;
	(pc) =	sbr.abs _section_cstart, $3  }
0xc0: {  	[dreg:$0x1] =	wrdreg $0xFFFFFFFF  }
0xc1: {  	_ =	task.clear_ibuf [dreg:s6], $0x2FFFF;
	_ =	strace $0x9FFFFFFF  }
0xc2: {  	(tm) =	ssettm $0x7FFFFFFF  }
0xc3: {  	_ =	shalt  }
tec
execute0_lowered:
.L_overlay_start_1:
0x0: {  	(tag) =	ssettag $0x1  }
0x1: {  	s0 =	rddreg [dreg:$0x0]  }
0x2: {  	s1 =	rddreg [dreg:$0x1];
	s2 =	srdreg.scid;
	s3 =	simm.s32 $0x0  }
0x3: {  	s12 =	stileid.u32;
	s14 =	simm.s32 $0x5;
	s28 =	simm.s32 $0x9C40  }
0x4: {  	s29 =	simm.s32 $0x1;
	s30 =	simm.s32 $0x2;
	s5 =	smul.u32 $0xA000, s12  }
0x5: {  	s31 =	simm.s32 $0x3;
	s2 =	sand.u32 $0x1, s2;
	s8 =	smul.u32 $0x28000, s12  }
0x6: {  	[smem:$0x7FF] =	sst s3;
	s9 =	sadd.s32 $0xD600, s0;
	s20 =	smul.u32 $0x5140, s12  }
0x7: {  	s10 =	sadd.s32 $0x2600, s0;
	s19 =	sshll.u32 s12, $0x6;
	s4 =	smul.u32 $0x13880, s2  }
0x8: {  	_ =	strace $0x8000004A;
	s6 =	smul.u32 $0xA0000, s2;
	s2 =	ssub.s32 $0x2, s2  }
0x9: {  	s11 =	sshrl.u32 s2, $0x1;
	s18 =	sshrl.u32 s8, $0x2;
	s21 =	sadd.s32 s5, s1  }
0xa: {  	s22 =	sshrl.u32 s20, $0x3;
	s20 =	simm.s32 $0x64;
	s7 =	sadd.s32 s4, s0  }
0xb: {  	s6 =	sadd.s32 s5, s6;
	s4 =	sadd.s32 $0xCA00, s0;
	s2 =	ssub.s32 s2, s11  }
0xc: {  	s5 =	sor.u32 $0x1C05, s19;
	s11 =	sadd.s32 s9, s22;
	s23 =	sadd.s32 $0x514, s22  }
0xd: {  	s8 =	sadd.s32 s10, s22;
	s13 =	sshrl.u32 s21, $0x3;
	s21 =	simm.s32 $0x5140  }
0xe: {  	s22 =	simm.s32 $0x68;
	s6 =	sshrl.u32 s6, $0x3;
	[dreg:$0x3] =	wrdreg s11  }
0xf: {  	[dreg:$0x4] =	wrdreg s8;
	s8 =	sadd.s32 $0x65C00, s7;
	s24 =	sadd.s32 s9, s23  }
0x10: {  	s25 =	sadd.s32 s10, s23;
	s26 =	smax.u32 s2, $0x1;
	s23 =	simm.s32 $0x6A40  }
0x11: {  	s2 =	simm.s32 $0x4FA0;
	s7 =	simm.s32 $0x5070;
	[dreg:$0x5] =	wrdreg s24  }
0x12: {  	s9 =	simm.s32 $0x50D8;
	s10 =	simm.s32 $0x0;
	[dreg:$0x6] =	wrdreg s25  }
0x13: {  	s0 =	sadd.s32 s6, s0;
	s6 =	sadd.s32 s18, s1;
	[dreg:$0x8] =	wrdreg s26  }
0x14: {  	s24 =	simm.s32 $0xD0;
	s25 =	simm.s32 $0x8340;
	s26 =	simm.s32 $0x138  }
0x15: {  	s15 =	sadd.s32 $0x2000, s6;
	s16 =	sadd.s32 $0x4000, s6;
	s0 =	sadd.s32 $0x17A00, s0  }
0x16: {  	s17 =	sadd.s32 $0x6000, s6;
	s6 =	sadd.s32 $0x8000, s6;
	[dreg:$0x7] =	wrdreg s0  }
0x17: {  	s15 =	sshrl.u32 s15, $0x3;
	s16 =	sshrl.u32 s16, $0x3;
	s17 =	sshrl.u32 s17, $0x3  }
0x18: {  	s18 =	sshrl.u32 s6, $0x3;
	s0 =	simm.s32 $0x4;
	s6 =	simm.s32 $0x5008  }
.LBB2_1:
0x19: {  	[spmem:s13], [sflag:s5] =	dma.local [hbm:s4], $0x400  }
0x1a: {  	_ =	swait.ge [sflag:s14], $0x400  }
0x1b: {  	[sflag:s14] =	ssyncset.done $0x0  }
0x1c: {  	[sflag:s14] =	ssyncadd.s32 $0xFFFFFC00  }
0x1d: {  	[spmem:s15], [sflag:s5] =	dma.local [hbm:s4], $0x400  }
0x1e: {  	_ =	swait.ge [sflag:s14], $0x400  }
0x1f: {  	[sflag:s14] =	ssyncset.done $0x0  }
0x20: {  	[sflag:s14] =	ssyncadd.s32 $0xFFFFFC00  }
0x21: {  	[spmem:s16], [sflag:s5] =	dma.local [hbm:s4], $0x400  }
0x22: {  	_ =	swait.ge [sflag:s14], $0x400  }
0x23: {  	[sflag:s14] =	ssyncset.done $0x0  }
0x24: {  	[sflag:s14] =	ssyncadd.s32 $0xFFFFFC00  }
0x25: {  	[spmem:s17], [sflag:s5] =	dma.local [hbm:s4], $0x400  }
0x26: {  	_ =	swait.ge [sflag:s14], $0x400  }
0x27: {  	[sflag:s14] =	ssyncset.done $0x0  }
0x28: {  	[sflag:s14] =	ssyncadd.s32 $0xFFFFFC00  }
0x29: {  	[spmem:s18], [sflag:s5] =	dma.local [hbm:s4], $0x400  }
0x2a: {  	_ =	swait.ge [sflag:s14], $0x400  }
0x2b: {  	[sflag:s14] =	ssyncset.done $0x0  }
0x2c: {  	[sflag:s14] =	ssyncadd.s32 $0xFFFFFC00  }
0x2d: {  	[bflag:$0x0] =	sbarrier.arrive $0xFFFF  }
0x2e: {  	s11 =	rddreg [dreg:$0x3]  }
0x2f: {  	[tilespmem:s3], [sflag:$0x5] =	stream.linear.gather [hbm4b:s11+s3], $0x28A0, $0x38;
	[tilespmem:$0x15540] =	vst v63  }
0x30: {  	_ =	swait.ge [sflag:s14], $0x28A0  }
0x31: {  	[sflag:s14] =	ssyncset.done $0x0  }
0x32: {  	s12 =	simm.s32 $0x28A0;
	s19 =	rddreg [dreg:$0x4];
	[sflag:s14] =	ssyncadd.s32 $0xFFFFD760  }
0x33: {  	[tilespmem:s12], [sflag:$0x5] =	stream.linear.gather [hbm4b:s19+s3], $0x28A0, $0x38;
	[tilespmem:$0x15540] =	vst v63  }
0x34: {  	_ =	swait.ge [sflag:s14], $0x28A0  }
0x35: {  	[sflag:s14] =	ssyncset.done $0x0  }
0x36: {  	[sflag:s14] =	ssyncadd.s32 $0xFFFFD760  }
0x37: {  	[tilespmem:s21], [sflag:$0x1] =	stream.indirect.gather [hbm4b:s8+s20], $0x40, s3, s20, $0xb8;
	[tilespmem:$0x15540] =	vst v63  }
0x38: {  	_ = 	snop  }
0x39: {  	[tilespmem:s23], [sflag:$0x2] =	stream.indirect.gather [hbm4b:s8+s20], $0x40, s22, s20, $0xb8;
	[tilespmem:$0x15540] =	vst v63  }
0x3a: {  	_ = 	snop  }
0x3b: {  	[tilespmem:s25], [sflag:$0x3] =	stream.indirect.gather [hbm4b:s8+s20], $0x40, s24, s20, $0xb8;
	[tilespmem:$0x15540] =	vst v63  }
0x3c: {  	_ = 	snop  }
0x3d: {  	[tilespmem:s28], [sflag:$0x4] =	stream.indirect.gather [hbm4b:s8+s20], $0x40, s26, s20, $0xb8;
	[tilespmem:$0x15540] =	vst v63  }
0x3e: {  	_ =	swait.ge [sflag:s29], $0x1900  }
0x3f: {  	[sflag:s29] =	ssyncset.done $0x0  }
0x40: {  	s19 =	simm.s32 $0x28A0;
	[sflag:s29] =	ssyncadd.s32 $0xFFFFE700  }
0x41: {  	[spmem:s1] =	stream.indirect.scatter.add.f32 [tilespmem:s21], [sflag:$0x5], $0x40, s19, s20, $0xb8;
	[tilespmem:$0x15540] =	vst v63  }
0x42: {  	_ =	swait.ge [sflag:s14], $0x1900  }
0x43: {  	[sflag:s14] =	ssyncset.done $0x0  }
0x44: {  	s12 =	simm.s32 $0x1A0;
	[sflag:s14] =	ssyncadd.s32 $0xFFFFE700  }
0x45: {  	[tilespmem:s21], [sflag:$0x1] =	stream.indirect.gather [hbm4b:s8+s20], $0x40, s12, s20, $0xb8;
	[tilespmem:$0x15540] =	vst v63  }
0x46: {  	_ =	swait.ge [sflag:s30], $0x1900  }
0x47: {  	[sflag:s30] =	ssyncset.done $0x0  }
0x48: {  	s19 =	simm.s32 $0x2908;
	[sflag:s30] =	ssyncadd.s32 $0xFFFFE700  }
0x49: {  	[spmem:s1] =	stream.indirect.scatter.add.f32 [tilespmem:s23], [sflag:$0x5], $0x40, s19, s20, $0xb8;
	[tilespmem:$0x15540] =	vst v63  }
0x4a: {  	_ =	swait.ge [sflag:s14], $0x1900  }
0x4b: {  	[sflag:s14] =	ssyncset.done $0x0  }
0x4c: {  	s12 =	simm.s32 $0x208;
	[sflag:s14] =	ssyncadd.s32 $0xFFFFE700  }
0x4d: {  	[tilespmem:s23], [sflag:$0x2] =	stream.indirect.gather [hbm4b:s8+s20], $0x40, s12, s20, $0xb8;
	[tilespmem:$0x15540] =	vst v63  }
0x4e: {  	_ =	swait.ge [sflag:s31], $0x1900  }
0x4f: {  	[sflag:s31] =	ssyncset.done $0x0  }
0x50: {  	s19 =	simm.s32 $0x2970;
	[sflag:s31] =	ssyncadd.s32 $0xFFFFE700  }
0x51: {  	[spmem:s1] =	stream.indirect.scatter.add.f32 [tilespmem:s25], [sflag:$0x5], $0x40, s19, s20, $0xb8;
	[tilespmem:$0x15540] =	vst v63  }
0x52: {  	_ =	swait.ge [sflag:s14], $0x1900  }
0x53: {  	[sflag:s14] =	ssyncset.done $0x0  }
0x54: {  	s12 =	simm.s32 $0x270;
	[sflag:s14] =	ssyncadd.s32 $0xFFFFE700  }
0x55: {  	[tilespmem:s25], [sflag:$0x3] =	stream.indirect.gather [hbm4b:s8+s20], $0x40, s12, s20, $0xb8;
	[tilespmem:$0x15540] =	vst v63  }
0x56: {  	_ =	swait.ge [sflag:s0], $0x1900  }
0x57: {  	[sflag:s0] =	ssyncset.done $0x0  }
0x58: {  	s19 =	simm.s32 $0x29D8;
	[sflag:s0] =	ssyncadd.s32 $0xFFFFE700  }
0x59: {  	[spmem:s1] =	stream.indirect.scatter.add.f32 [tilespmem:s28], [sflag:$0x5], $0x40, s19, s20, $0xb8;
	[tilespmem:$0x15540] =	vst v63  }
0x5a: {  	_ =	swait.ge [sflag:s14], $0x1900  }
0x5b: {  	[sflag:s14] =	ssyncset.done $0x0  }
0x5c: {  	s11 =	simm.s32 $0x680;
	s12 =	simm.s32 $0x2D8;
	[sflag:s14] =	ssyncadd.s32 $0xFFFFE700  }
.LBB2_2:
0x5d: {  	[tilespmem:s28], [sflag:$0x4] =	stream.indirect.gather [hbm4b:s8+s20], $0x40, s12, s20, $0xb8;
	[tilespmem:$0x15540] =	vst v63  }
0x5e: {  	s12 =	smov.u32 s11  }
0x5f: {  	p0 =	sne.s32 s11, $0x9580;
	s11 =	sadd.s32 $0x680, s11;
	_ =	swait.ge [sflag:s29], $0x1900  }
0x60: {  	s12 =	sshra.s32 s12, $0x2;
	[sflag:s29] =	ssyncset.done $0x0  }
0x61: {  	s19 =	sadd.s32 $0x28A0, s12;
	[sflag:s29] =	ssyncadd.s32 $0xFFFFE700  }
0x62: {  	[spmem:s1] =	stream.indirect.scatter.add.f32 [tilespmem:s21], [sflag:$0x5], $0x40, s19, s20, $0xb8;
	[tilespmem:$0x15540] =	vst v63  }
0x63: {  	_ =	swait.ge [sflag:s14], $0x1900  }
0x64: {  	[sflag:s14] =	ssyncset.done $0x0  }
0x65: {  	s19 =	sadd.s32 $0x1A0, s12;
	[sflag:s14] =	ssyncadd.s32 $0xFFFFE700  }
0x66: {  	[tilespmem:s21], [sflag:$0x1] =	stream.indirect.gather [hbm4b:s8+s20], $0x40, s19, s20, $0xb8;
	[tilespmem:$0x15540] =	vst v63  }
0x67: {  	_ =	swait.ge [sflag:s30], $0x1900  }
0x68: {  	[sflag:s30] =	ssyncset.done $0x0  }
0x69: {  	s19 =	sadd.s32 $0x2908, s12;
	[sflag:s30] =	ssyncadd.s32 $0xFFFFE700  }
0x6a: {  	[spmem:s1] =	stream.indirect.scatter.add.f32 [tilespmem:s23], [sflag:$0x5], $0x40, s19, s20, $0xb8;
	[tilespmem:$0x15540] =	vst v63  }
0x6b: {  	_ =	swait.ge [sflag:s14], $0x1900  }
0x6c: {  	[sflag:s14] =	ssyncset.done $0x0  }
0x6d: {  	s19 =	sadd.s32 $0x208, s12;
	[sflag:s14] =	ssyncadd.s32 $0xFFFFE700  }
0x6e: {  	[tilespmem:s23], [sflag:$0x2] =	stream.indirect.gather [hbm4b:s8+s20], $0x40, s19, s20, $0xb8;
	[tilespmem:$0x15540] =	vst v63  }
0x6f: {  	_ =	swait.ge [sflag:s31], $0x1900  }
0x70: {  	[sflag:s31] =	ssyncset.done $0x0  }
0x71: {  	s19 =	sadd.s32 $0x2970, s12;
	[sflag:s31] =	ssyncadd.s32 $0xFFFFE700  }
0x72: {  	[spmem:s1] =	stream.indirect.scatter.add.f32 [tilespmem:s25], [sflag:$0x5], $0x40, s19, s20, $0xb8;
	[tilespmem:$0x15540] =	vst v63  }
0x73: {  	_ =	swait.ge [sflag:s14], $0x1900  }
0x74: {  	[sflag:s14] =	ssyncset.done $0x0  }
0x75: {  	s19 =	sadd.s32 $0x270, s12;
	[sflag:s14] =	ssyncadd.s32 $0xFFFFE700  }
0x76: {  	[tilespmem:s25], [sflag:$0x3] =	stream.indirect.gather [hbm4b:s8+s20], $0x40, s19, s20, $0xb8;
	[tilespmem:$0x15540] =	vst v63  }
0x77: {  	_ =	swait.ge [sflag:s0], $0x1900  }
0x78: {  	[sflag:s0] =	ssyncset.done $0x0  }
.Ltmp0:
0x79: {  	s19 =	sadd.s32 $0x29D8, s12;
	[sflag:s0] =	ssyncadd.s32 $0xFFFFE700;
	(pc) =	sbr.rel @p0 .LBB2_2-.Ltmp0, $4  }
0x7a: {  	[spmem:s1] =	stream.indirect.scatter.add.f32 [tilespmem:s28], [sflag:$0x5], $0x40, s19, s20, $0xb8;
	[tilespmem:$0x15540] =	vst v63  }
0x7b: {  	_ =	swait.ge [sflag:s14], $0x1900  }
0x7c: {  	[sflag:s14] =	ssyncset.done $0x0  }
0x7d: {  	s12 =	sadd.s32 $0x2D8, s12;
	[sflag:s14] =	ssyncadd.s32 $0xFFFFE700  }
0x7e: {  	[tilespmem:s28], [sflag:$0x4] =	stream.indirect.gather [hbm4b:s8+s20], $0x40, s12, s20, $0xb8;
	[tilespmem:$0x15540] =	vst v63  }
0x7f: {  	_ =	swait.ge [sflag:s29], $0x1900  }
0x80: {  	[sflag:s29] =	ssyncset.done $0x0  }
0x81: {  	[sflag:s29] =	ssyncadd.s32 $0xFFFFE700  }
0x82: {  	[spmem:s1] =	stream.indirect.scatter.add.f32 [tilespmem:s21], [sflag:$0x5], $0x40, s2, s20, $0xb8;
	[tilespmem:$0x15540] =	vst v63  }
0x83: {  	_ =	swait.ge [sflag:s14], $0x1900  }
0x84: {  	[sflag:s14] =	ssyncset.done $0x0  }
0x85: {  	[sflag:s14] =	ssyncadd.s32 $0xFFFFE700  }
0x86: {  	_ =	swait.ge [sflag:s30], $0x1900  }
0x87: {  	[sflag:s30] =	ssyncset.done $0x0  }
0x88: {  	[sflag:s30] =	ssyncadd.s32 $0xFFFFE700  }
0x89: {  	[spmem:s1] =	stream.indirect.scatter.add.f32 [tilespmem:s23], [sflag:$0x5], $0x40, s6, s20, $0xb8;
	[tilespmem:$0x15540] =	vst v63  }
0x8a: {  	_ =	swait.ge [sflag:s14], $0x1900  }
0x8b: {  	[sflag:s14] =	ssyncset.done $0x0  }
0x8c: {  	[sflag:s14] =	ssyncadd.s32 $0xFFFFE700  }
0x8d: {  	_ =	swait.ge [sflag:s31], $0x1900  }
0x8e: {  	[sflag:s31] =	ssyncset.done $0x0  }
0x8f: {  	[sflag:s31] =	ssyncadd.s32 $0xFFFFE700  }
0x90: {  	[spmem:s1] =	stream.indirect.scatter.add.f32 [tilespmem:s25], [sflag:$0x5], $0x40, s7, s20, $0xb8;
	[tilespmem:$0x15540] =	vst v63  }
0x91: {  	_ =	swait.ge [sflag:s14], $0x1900  }
0x92: {  	[sflag:s14] =	ssyncset.done $0x0  }
0x93: {  	[sflag:s14] =	ssyncadd.s32 $0xFFFFE700  }
0x94: {  	_ =	swait.ge [sflag:s0], $0x1900  }
0x95: {  	[sflag:s0] =	ssyncset.done $0x0  }
0x96: {  	[sflag:s0] =	ssyncadd.s32 $0xFFFFE700  }
0x97: {  	[spmem:s1] =	stream.indirect.scatter.add.f32 [tilespmem:s28], [sflag:$0x5], $0x40, s9, s20, $0xb8;
	[tilespmem:$0x15540] =	vst v63  }
0x98: {  	_ =	swait.ge [sflag:s14], $0x1900  }
0x99: {  	[sflag:s14] =	ssyncset.done $0x0  }
0x9a: {  	s11 =	simm.s32 $0x0;
	s19 =	rddreg [dreg:$0x5];
	[sflag:s14] =	ssyncadd.s32 $0xFFFFE700  }
0x9b: {  	[tilespmem:s11], [sflag:$0x5] =	stream.linear.gather [hbm4b:s19+s11], $0x28A0, $0x38;
	[tilespmem:$0x15540] =	vst v63  }
0x9c: {  	_ =	swait.ge [sflag:s14], $0x28A0  }
0x9d: {  	[sflag:s14] =	ssyncset.done $0x0  }
0x9e: {  	s19 =	simm.s32 $0x28A0;
	s12 =	rddreg [dreg:$0x6];
	[sflag:s14] =	ssyncadd.s32 $0xFFFFD760  }
0x9f: {  	[tilespmem:s19], [sflag:$0x5] =	stream.linear.gather [hbm4b:s12+s11], $0x28A0, $0x38;
	[tilespmem:$0x15540] =	vst v63  }
0xa0: {  	_ =	swait.ge [sflag:s14], $0x28A0  }
0xa1: {  	[sflag:s14] =	ssyncset.done $0x0  }
0xa2: {  	[sflag:s14] =	ssyncadd.s32 $0xFFFFD760  }
0xa3: {  	[tilespmem:s21], [sflag:$0x1] =	stream.indirect.gather [hbm4b:s8+s20], $0x40, s11, s20, $0xb8;
	[tilespmem:$0x15540] =	vst v63  }
0xa4: {  	_ = 	snop  }
0xa5: {  	[tilespmem:s23], [sflag:$0x2] =	stream.indirect.gather [hbm4b:s8+s20], $0x40, s22, s20, $0xb8;
	[tilespmem:$0x15540] =	vst v63  }
0xa6: {  	_ = 	snop  }
0xa7: {  	[tilespmem:s25], [sflag:$0x3] =	stream.indirect.gather [hbm4b:s8+s20], $0x40, s24, s20, $0xb8;
	[tilespmem:$0x15540] =	vst v63  }
0xa8: {  	_ = 	snop  }
0xa9: {  	[tilespmem:s28], [sflag:$0x4] =	stream.indirect.gather [hbm4b:s8+s20], $0x40, s26, s20, $0xb8;
	[tilespmem:$0x15540] =	vst v63  }
0xaa: {  	_ =	swait.ge [sflag:s29], $0x1900  }
0xab: {  	[sflag:s29] =	ssyncset.done $0x0  }
0xac: {  	s19 =	simm.s32 $0x28A0;
	[sflag:s29] =	ssyncadd.s32 $0xFFFFE700  }
0xad: {  	[spmem:s1] =	stream.indirect.scatter.add.f32 [tilespmem:s21], [sflag:$0x5], $0x40, s19, s20, $0xb8;
	[tilespmem:$0x15540] =	vst v63  }
0xae: {  	_ =	swait.ge [sflag:s14], $0x1900  }
0xaf: {  	[sflag:s14] =	ssyncset.done $0x0  }
0xb0: {  	s12 =	simm.s32 $0x1A0;
	[sflag:s14] =	ssyncadd.s32 $0xFFFFE700  }
0xb1: {  	[tilespmem:s21], [sflag:$0x1] =	stream.indirect.gather [hbm4b:s8+s20], $0x40, s12, s20, $0xb8;
	[tilespmem:$0x15540] =	vst v63  }
0xb2: {  	_ =	swait.ge [sflag:s30], $0x1900  }
0xb3: {  	[sflag:s30] =	ssyncset.done $0x0  }
0xb4: {  	s19 =	simm.s32 $0x2908;
	[sflag:s30] =	ssyncadd.s32 $0xFFFFE700  }
0xb5: {  	[spmem:s1] =	stream.indirect.scatter.add.f32 [tilespmem:s23], [sflag:$0x5], $0x40, s19, s20, $0xb8;
	[tilespmem:$0x15540] =	vst v63  }
0xb6: {  	_ =	swait.ge [sflag:s14], $0x1900  }
0xb7: {  	[sflag:s14] =	ssyncset.done $0x0  }
0xb8: {  	s12 =	simm.s32 $0x208;
	[sflag:s14] =	ssyncadd.s32 $0xFFFFE700  }
0xb9: {  	[tilespmem:s23], [sflag:$0x2] =	stream.indirect.gather [hbm4b:s8+s20], $0x40, s12, s20, $0xb8;
	[tilespmem:$0x15540] =	vst v63  }
0xba: {  	_ =	swait.ge [sflag:s31], $0x1900  }
0xbb: {  	[sflag:s31] =	ssyncset.done $0x0  }
0xbc: {  	s19 =	simm.s32 $0x2970;
	[sflag:s31] =	ssyncadd.s32 $0xFFFFE700  }
0xbd: {  	[spmem:s1] =	stream.indirect.scatter.add.f32 [tilespmem:s25], [sflag:$0x5], $0x40, s19, s20, $0xb8;
	[tilespmem:$0x15540] =	vst v63  }
0xbe: {  	_ =	swait.ge [sflag:s14], $0x1900  }
0xbf: {  	[sflag:s14] =	ssyncset.done $0x0  }
0xc0: {  	s12 =	simm.s32 $0x270;
	[sflag:s14] =	ssyncadd.s32 $0xFFFFE700  }
0xc1: {  	[tilespmem:s25], [sflag:$0x3] =	stream.indirect.gather [hbm4b:s8+s20], $0x40, s12, s20, $0xb8;
	[tilespmem:$0x15540] =	vst v63  }
0xc2: {  	_ =	swait.ge [sflag:s0], $0x1900  }
0xc3: {  	[sflag:s0] =	ssyncset.done $0x0  }
0xc4: {  	s19 =	simm.s32 $0x29D8;
	[sflag:s0] =	ssyncadd.s32 $0xFFFFE700  }
0xc5: {  	[spmem:s1] =	stream.indirect.scatter.add.f32 [tilespmem:s28], [sflag:$0x5], $0x40, s19, s20, $0xb8;
	[tilespmem:$0x15540] =	vst v63  }
0xc6: {  	_ =	swait.ge [sflag:s14], $0x1900  }
0xc7: {  	[sflag:s14] =	ssyncset.done $0x0  }
0xc8: {  	s11 =	simm.s32 $0x680;
	s12 =	simm.s32 $0x2D8;
	[sflag:s14] =	ssyncadd.s32 $0xFFFFE700  }
.LBB2_4:
0xc9: {  	[tilespmem:s28], [sflag:$0x4] =	stream.indirect.gather [hbm4b:s8+s20], $0x40, s12, s20, $0xb8;
	[tilespmem:$0x15540] =	vst v63  }
0xca: {  	s12 =	smov.u32 s11  }
0xcb: {  	p0 =	sne.s32 s11, $0x9580;
	s11 =	sadd.s32 $0x680, s11;
	_ =	swait.ge [sflag:s29], $0x1900  }
0xcc: {  	s12 =	sshra.s32 s12, $0x2;
	[sflag:s29] =	ssyncset.done $0x0  }
0xcd: {  	s19 =	sadd.s32 $0x28A0, s12;
	[sflag:s29] =	ssyncadd.s32 $0xFFFFE700  }
0xce: {  	[spmem:s1] =	stream.indirect.scatter.add.f32 [tilespmem:s21], [sflag:$0x5], $0x40, s19, s20, $0xb8;
	[tilespmem:$0x15540] =	vst v63  }
0xcf: {  	_ =	swait.ge [sflag:s14], $0x1900  }
0xd0: {  	[sflag:s14] =	ssyncset.done $0x0  }
0xd1: {  	s19 =	sadd.s32 $0x1A0, s12;
	[sflag:s14] =	ssyncadd.s32 $0xFFFFE700  }
0xd2: {  	[tilespmem:s21], [sflag:$0x1] =	stream.indirect.gather [hbm4b:s8+s20], $0x40, s19, s20, $0xb8;
	[tilespmem:$0x15540] =	vst v63  }
0xd3: {  	_ =	swait.ge [sflag:s30], $0x1900  }
0xd4: {  	[sflag:s30] =	ssyncset.done $0x0  }
0xd5: {  	s19 =	sadd.s32 $0x2908, s12;
	[sflag:s30] =	ssyncadd.s32 $0xFFFFE700  }
0xd6: {  	[spmem:s1] =	stream.indirect.scatter.add.f32 [tilespmem:s23], [sflag:$0x5], $0x40, s19, s20, $0xb8;
	[tilespmem:$0x15540] =	vst v63  }
0xd7: {  	_ =	swait.ge [sflag:s14], $0x1900  }
0xd8: {  	[sflag:s14] =	ssyncset.done $0x0  }
0xd9: {  	s19 =	sadd.s32 $0x208, s12;
	[sflag:s14] =	ssyncadd.s32 $0xFFFFE700  }
0xda: {  	[tilespmem:s23], [sflag:$0x2] =	stream.indirect.gather [hbm4b:s8+s20], $0x40, s19, s20, $0xb8;
	[tilespmem:$0x15540] =	vst v63  }
0xdb: {  	_ =	swait.ge [sflag:s31], $0x1900  }
0xdc: {  	[sflag:s31] =	ssyncset.done $0x0  }
0xdd: {  	s19 =	sadd.s32 $0x2970, s12;
	[sflag:s31] =	ssyncadd.s32 $0xFFFFE700  }
0xde: {  	[spmem:s1] =	stream.indirect.scatter.add.f32 [tilespmem:s25], [sflag:$0x5], $0x40, s19, s20, $0xb8;
	[tilespmem:$0x15540] =	vst v63  }
0xdf: {  	_ =	swait.ge [sflag:s14], $0x1900  }
0xe0: {  	[sflag:s14] =	ssyncset.done $0x0  }
0xe1: {  	s19 =	sadd.s32 $0x270, s12;
	[sflag:s14] =	ssyncadd.s32 $0xFFFFE700  }
0xe2: {  	[tilespmem:s25], [sflag:$0x3] =	stream.indirect.gather [hbm4b:s8+s20], $0x40, s19, s20, $0xb8;
	[tilespmem:$0x15540] =	vst v63  }
0xe3: {  	_ =	swait.ge [sflag:s0], $0x1900  }
0xe4: {  	[sflag:s0] =	ssyncset.done $0x0  }
.Ltmp1:
0xe5: {  	s19 =	sadd.s32 $0x29D8, s12;
	[sflag:s0] =	ssyncadd.s32 $0xFFFFE700;
	(pc) =	sbr.rel @p0 .LBB2_4-.Ltmp1, $4  }
0xe6: {  	[spmem:s1] =	stream.indirect.scatter.add.f32 [tilespmem:s28], [sflag:$0x5], $0x40, s19, s20, $0xb8;
	[tilespmem:$0x15540] =	vst v63  }
0xe7: {  	_ =	swait.ge [sflag:s14], $0x1900  }
0xe8: {  	[sflag:s14] =	ssyncset.done $0x0  }
0xe9: {  	s12 =	sadd.s32 $0x2D8, s12;
	[sflag:s14] =	ssyncadd.s32 $0xFFFFE700  }
0xea: {  	[tilespmem:s28], [sflag:$0x4] =	stream.indirect.gather [hbm4b:s8+s20], $0x40, s12, s20, $0xb8;
	[tilespmem:$0x15540] =	vst v63  }
0xeb: {  	_ =	swait.ge [sflag:s29], $0x1900  }
0xec: {  	[sflag:s29] =	ssyncset.done $0x0  }
0xed: {  	[sflag:s29] =	ssyncadd.s32 $0xFFFFE700  }
0xee: {  	[spmem:s1] =	stream.indirect.scatter.add.f32 [tilespmem:s21], [sflag:$0x5], $0x40, s2, s20, $0xb8;
	[tilespmem:$0x15540] =	vst v63  }
0xef: {  	_ =	swait.ge [sflag:s14], $0x1900  }
0xf0: {  	[sflag:s14] =	ssyncset.done $0x0  }
0xf1: {  	[sflag:s14] =	ssyncadd.s32 $0xFFFFE700  }
0xf2: {  	_ =	swait.ge [sflag:s30], $0x1900  }
0xf3: {  	[sflag:s30] =	ssyncset.done $0x0  }
0xf4: {  	[sflag:s30] =	ssyncadd.s32 $0xFFFFE700  }
0xf5: {  	[spmem:s1] =	stream.indirect.scatter.add.f32 [tilespmem:s23], [sflag:$0x5], $0x40, s6, s20, $0xb8;
	[tilespmem:$0x15540] =	vst v63  }
0xf6: {  	_ =	swait.ge [sflag:s14], $0x1900  }
0xf7: {  	[sflag:s14] =	ssyncset.done $0x0  }
0xf8: {  	[sflag:s14] =	ssyncadd.s32 $0xFFFFE700  }
0xf9: {  	_ =	swait.ge [sflag:s31], $0x1900  }
0xfa: {  	[sflag:s31] =	ssyncset.done $0x0  }
0xfb: {  	[sflag:s31] =	ssyncadd.s32 $0xFFFFE700  }
0xfc: {  	[spmem:s1] =	stream.indirect.scatter.add.f32 [tilespmem:s25], [sflag:$0x5], $0x40, s7, s20, $0xb8;
	[tilespmem:$0x15540] =	vst v63  }
0xfd: {  	_ =	swait.ge [sflag:s14], $0x1900  }
0xfe: {  	[sflag:s14] =	ssyncset.done $0x0  }
0xff: {  	[sflag:s14] =	ssyncadd.s32 $0xFFFFE700  }
0x100: {  	_ =	swait.ge [sflag:s0], $0x1900  }
0x101: {  	[sflag:s0] =	ssyncset.done $0x0  }
0x102: {  	[sflag:s0] =	ssyncadd.s32 $0xFFFFE700  }
0x103: {  	[spmem:s1] =	stream.indirect.scatter.add.f32 [tilespmem:s28], [sflag:$0x5], $0x40, s9, s20, $0xb8;
	[tilespmem:$0x15540] =	vst v63  }
0x104: {  	_ =	swait.ge [sflag:s14], $0x1900  }
0x105: {  	[sflag:s14] =	ssyncset.done $0x0  }
0x106: {  	[sflag:s14] =	ssyncadd.s32 $0xFFFFE700  }
0x107: {  	[bflag:$0x0] =	sbarrier.arrive $0xFFFF  }
0x108: {  	s11 =	rddreg [dreg:$0x7]  }
0x109: {  	[hbm:s11], [sflag:s5] =	dma.local [spmem:s13], $0x1400  }
0x10a: {  	_ =	swait.ge [sflag:s14], $0x1400  }
0x10b: {  	s10 =	sadd.s32 $0x1, s10;
	s19 =	rddreg [dreg:$0x8]  }
0x10c: {  	p0 =	sne.s32 s10, s19  }
.Ltmp2:
0x10d: {  	_ = 	snop;
	(pc) =	sbr.rel @p0 .LBB2_1-.Ltmp2, $3  }
0x10e: {  	_ =	sdelay $0x1  }
0x10f: {  	[sflag:s14] =	ssyncset.done $0x0  }
0x110: {  	[sflag:s14] =	ssyncadd.s32 $0xFFFFEC00  }
0x111: {  	_ =	sfence.sel $0x180000  }
0x112: {  	[bflag:$0x0] =	sbarrier.arrive $0xFFFF  }
0x113: {  	_ =	strace $0x9000004A  }
0x114: {  	s0 =	stileid.u32;
	[bflag:$0x2] =	sbarrier.arrive $0xFFFF  }
0x115: {  	p0 =	sne.s32 s0, $0x0;
	s0 =	rddreg [dreg:$0x2]  }
0x116: {  	s0 =	sadd.s32 @!p0 $0x100000, s0  }
0x117: {  	[sflag:s0] =	ssyncadd.tile.s32 @!p0 $0x1;
	_ =	shalt  }
.Lfunc_end2:
_tile_overlayer_lowered:
.L_overlay_start_2:
0x118: {  	(tag) =	ssettag $0x2  }
0x119: {  	s0 =	rddreg [dreg:$0x0];
	s2 =	stileid.u32  }
0x11a: {  	s1 =	rddreg [dreg:$0x1];
	p0 =	sne.s32 s2, $0x0  }
0x11b: {  	s3 =	rddreg [dreg:$0x2];
	[bflag:$0x3] =	sbarrier.arrive $0xFFFF;
	s2 =	simm.s32 @!p0 $0x1C05  }
0x11c: {  	[timem:s3], [sflag:s2] =	dma.local @!p0 [hbm:s0], s1  }
0x11d: {  	s0 =	simm.s32 @!p0 $0x5  }
0x11e: {  	_ =	swait.ge @!p0 [sflag:s0], s1  }
0x11f: {  	s1 =	ssub.s32 @!p0 $0x0, s1;
	[sflag:s0] =	ssyncset.done @!p0 $0x0  }
0x120: {  	[sflag:s0] =	ssyncadd.s32 @!p0 s1  }
0x121: {  	[bflag:$0x3] =	sbarrier.arrive $0xFFFF  }
0x122: {  	_ =	shalt  }

// kernel: kernel.16.cloned.1.call-start
scs
__scs_entry_jumppad:
0x0: {  	(pc) =	sbr.rel $0x88, $3  }
0x1: {  	(tag) =	ssettag $0x0;
	lr =	simm.s32 $0x1  }
0x2: {  	[smem:$0x3F97] =	sst lr;
	_ =	strace $0xD0000000  }
0x3: {  	_ = 	snop  }
0x4: {  	_ = 	snop  }
0x5: {  	_ = 	snop  }
0x6: {  	_ = 	snop  }
0x7: {  	_ = 	snop  }
__scs_overlays_trampoline_lowered:
0x8: {  	[smem:$0x3FA6] =	sst s0  }
0x9: {  	[smem:$0x3FA7] =	sst s1  }
0xa: {  	[smem:$0x3FA8] =	sst s2  }
0xb: {  	[smem:$0x3FA9] =	sst s3  }
0xc: {  	[smem:$0x3FAA] =	sst s4  }
0xd: {  	[smem:$0x3FAB] =	sst s5  }
0xe: {  	[smem:$0x3FAC] =	sst s6  }
0xf: {  	[smem:$0x3FAD] =	sst s7  }
0x10: {  	[smem:$0x3FAE] =	sst s8  }
0x11: {  	[smem:$0x3FAF] =	sst s9;
	s0 =	simm.s32 @!p0 $0x0  }
0x12: {  	s1 =	sld [smem:$0x3F95];
	s0 =	simm.s32 @p0 $0x1  }
0x13: {  	[smem:$0x3FB0] =	sst s0;
	s0 =	simm.s32 @!p1 $0x0  }
0x14: {  	s2 =	sld [smem:$0x3F94];
	s0 =	simm.s32 @p1 $0x1  }
0x15: {  	[smem:$0x3FB1] =	sst s0;
	s0 =	simm.s32 @!p2 $0x0  }
0x16: {  	s3 =	sld [smem:$0x3FDB];
	s0 =	simm.s32 @p2 $0x1  }
0x17: {  	s4 =	simm.s32 $0x1BF5;
	[smem:$0x3FB3] =	sst s0  }
0x18: {  	s0 =	sld [smem:$0x3F96];
	_ =	swait.ge [sflag:s4], $0x0  }
0x19: {  	s7 =	sld [smem:$0x3F97]  }
0x1a: {  	s8 =	sadd.s32 $0xFFFFE003, lr  }
0x1b: {  	s9 =	sadd.s32 $0xFFFFFEF7, lr;
	s5 =	simm.s32 $0xFFFFFFFF;
	p2 =	slt.u32 s8, $0xFFFFF086  }
0x1c: {  	p1 =	slt.u32 s9, $0xF7A;
	s5 =	simm.s32 @!p2 $0x0  }
0x1d: {  	s5 =	simm.s32 @p1 $0x1;
	p0 =	seq.s32 s7, s2  }
0x1e: {  	s7 =	smul.u32 @!p0 $0xF7A, s2;
	p2 =	seq.s32 @!p0 s5, $0x0  }
0x1f: {  	s9 =	smul.u32 $0xF7A, s1;
	s8 =	simm.s32 @!p0 $0x1BF5;
	p2 =	por !p2, p0  }
0x20: {  	[sflag:s8] =	ssyncset.s32 @!p0 $0xFFFFF086;
	s6 =	sadd.s32 @!p0 s3, s7;
	s7 =	simm.s32 @!p0 $0x108  }
0x21: {  	s3 =	sadd.s32 s3, s9;
	s6 =	sadd.s32 @!p0 $0x88, s6;
	s7 =	simm.s32 @p2 $0x1082  }
0x22: {  	[simem:s7], [sflag:s8] =	dma.local @!p0 [hbm:s6], $0xF7A  }
0x23: {  	s9 =	sor.u32 $0xD0000000, s2;
	s6 =	simm.s32 $0x108;
	_ =	swait.ge @!p0 [sflag:s8], $0x0  }
0x24: {  	s3 =	sadd.s32 $0x88, s3;
	s6 =	simm.s32 @!p1 $0x1082;
	[sflag:s4] =	ssyncset.s32 $0xFFFFF086  }
0x25: {  	[simem:s6], [sflag:s4] =	dma.local [hbm:s3], $0xF7A  }
0x26: {  	[smem:$0x3F97] =	sst s1;
	(tag) =	ssettag s2;
	_ =	strace s9  }
0x27: {  	s1 =	sld [smem:$0x3FA7]  }
0x28: {  	s2 =	sld [smem:$0x3FA8]  }
0x29: {  	s4 =	sld [smem:$0x3FAA]  }
0x2a: {  	p0 =	seq.s32 s5, $0x0;
	s5 =	sld [smem:$0x3FAB]  }
0x2b: {  	s6 =	sld [smem:$0x3FAC]  }
0x2c: {  	s7 =	sld [smem:$0x3FAD]  }
0x2d: {  	s3 =	simm.s32 $0x108;
	s8 =	sld [smem:$0x3FAE]  }
0x2e: {  	s3 =	simm.s32 @!p0 $0x1082;
	s9 =	sld [smem:$0x3FAF]  }
0x2f: {  	lr =	sadd.s32 s0, s3;
	s0 =	sld [smem:$0x3FA6]  }
0x30: {  	s3 =	sld [smem:$0x3FA9]  }
0x31: {  	[smem:$0x3FB2] =	sst s10  }
0x32: {  	s10 =	sld [smem:$0x3FB0];
	_ =	sdelay $0x3  }
0x33: {  	p0 =	seq.s32 s10, $0x1;
	s10 =	sld [smem:$0x3FB2];
	_ =	sdelay $0x3  }
0x34: {  	[smem:$0x3FB2] =	sst s10  }
0x35: {  	s10 =	sld [smem:$0x3FB1];
	_ =	sdelay $0x3  }
0x36: {  	p1 =	seq.s32 s10, $0x1;
	s10 =	sld [smem:$0x3FB2];
	_ =	sdelay $0x3  }
0x37: {  	[smem:$0x3FB2] =	sst s10  }
0x38: {  	s10 =	sld [smem:$0x3FB3]  }
0x39: {  	_ = 	snop;
	(pc) =	sbr.ind lr, $3  }
0x3a: {  	_ = 	snop  }
0x3b: {  	_ = 	snop  }
0x3c: {  	p2 =	seq.s32 s10, $0x1;
	s10 =	sld [smem:$0x3FB2]  }
0x3d: {  	_ =	shalt  }
0x3e: {  	_ =	shalt  }
0x3f: {  	_ =	shalt  }
0x40: {  	_ =	shalt  }
0x41: {  	_ =	shalt  }
0x42: {  	_ =	shalt  }
0x43: {  	_ =	shalt  }
0x44: {  	_ =	shalt  }
0x45: {  	_ =	shalt  }
0x46: {  	_ =	shalt  }
0x47: {  	_ =	shalt  }
0x48: {  	_ =	shalt  }
0x49: {  	_ =	shalt  }
0x4a: {  	_ =	shalt  }
0x4b: {  	_ =	shalt  }
0x4c: {  	_ =	shalt  }
0x4d: {  	_ =	shalt  }
0x4e: {  	_ =	shalt  }
0x4f: {  	_ =	shalt  }
0x50: {  	_ =	shalt  }
0x51: {  	_ =	shalt  }
0x52: {  	_ =	shalt  }
0x53: {  	_ =	shalt  }
0x54: {  	_ =	shalt  }
0x55: {  	_ =	shalt  }
0x56: {  	_ =	shalt  }
0x57: {  	_ =	shalt  }
0x58: {  	_ =	shalt  }
0x59: {  	_ =	shalt  }
0x5a: {  	_ =	shalt  }
0x5b: {  	_ =	shalt  }
0x5c: {  	_ =	shalt  }
0x5d: {  	_ =	shalt  }
0x5e: {  	_ =	shalt  }
0x5f: {  	_ =	shalt  }
0x60: {  	_ =	shalt  }
0x61: {  	_ =	shalt  }
0x62: {  	_ =	shalt  }
0x63: {  	_ =	shalt  }
0x64: {  	_ =	shalt  }
0x65: {  	_ =	shalt  }
0x66: {  	_ =	shalt  }
0x67: {  	_ =	shalt  }
0x68: {  	_ =	shalt  }
0x69: {  	_ =	shalt  }
0x6a: {  	_ =	shalt  }
0x6b: {  	_ =	shalt  }
0x6c: {  	_ =	shalt  }
0x6d: {  	_ =	shalt  }
0x6e: {  	_ =	shalt  }
0x6f: {  	_ =	shalt  }
0x70: {  	_ =	shalt  }
0x71: {  	_ =	shalt  }
0x72: {  	_ =	shalt  }
0x73: {  	_ =	shalt  }
0x74: {  	_ =	shalt  }
0x75: {  	_ =	shalt  }
0x76: {  	_ =	shalt  }
0x77: {  	_ =	shalt  }
0x78: {  	_ =	shalt  }
0x79: {  	_ =	shalt  }
0x7a: {  	_ =	shalt  }
0x7b: {  	_ =	shalt  }
0x7c: {  	_ =	shalt  }
0x7d: {  	_ =	shalt  }
0x7e: {  	_ =	shalt  }
0x7f: {  	_ =	shalt  }
0x80: {  	_ =	shalt  }
0x81: {  	_ =	shalt  }
0x82: {  	_ =	shalt  }
0x83: {  	_ =	shalt  }
0x84: {  	_ =	shalt  }
0x85: {  	_ =	shalt  }
0x86: {  	_ =	shalt  }
0x87: {  	_ =	shalt  }
.Lfunc_end0:
.L_simem_size_0:
called_computation.2_lowered:
.L_overlay_start_0:
0x88: {  	s2 =	sld [smem:$0x3FD9]  }
0x89: {  	s3 =	sld [smem:$0x3FFE];
	_ =	sdelay $0x1  }
0x8a: {  	s1 =	srdreg.scid  }
0x8b: {  	s0 =	sand.u32 $0x1, s1  }
0x8c: {  	s16 =	sshll.u32 s0, $0xA;
	s2 =	sadd.s32 s3, s2  }
0x8d: {  	s2 =	sadd.s32 s2, s16  }
0x8e: {  	[smem:$0x3FBE] =	sst s2  }
0x8f: {  	_ = 	snop  }
0x90: {  	(tm) =	ssettm $0x1  }
0x91: {  	s17 =	sld [smem:$0x3FFB];
	_ =	sdelay $0x3  }
0x92: {  	_ =	strace s17  }
0x93: {  	s2 =	sld [smem:$0x3FFC];
	_ =	sdelay $0x3  }
0x94: {  	_ =	strace s2  }
0x95: {  	s2 =	sld [smem:$0x3FFD];
	_ =	sdelay $0x3  }
0x96: {  	_ =	strace s2  }
0x97: {  	_ =	strace $0x8FFFFFFF  }
0x98: {  	s18 =	sld [smem:$0x3FDB];
	_ =	sdelay $0x1  }
0x99: {  	s19 =	simm.s32 $_scs_section_size  }
0x9a: {  	s4 =	simm.s32 $_size__tile_overlayer_lowered;
	s5 =	simm.s32 $_tile_overlayer_lowered  }
0x9b: {  	s22 =	simm.s32 $0x1BFF;
	s21 =	sshll.u32 s5, $0x1;
	s2 =	sadd.s32 s19, s18  }
0x9c: {  	s6 =	simm.s32 $0x0;
	s20 =	sshll.u32 s4, $0x1;
	s4 =	sadd.s32 s21, s2  }
0x9d: {  	[timem:s6], [sflag:s22] =	dma.local [hbm:s4], s20  }
0x9e: {  	_ =	swait.ge [sflag:s22], s20  }
0x9f: {  	s3 =	ssub.s32 $0x0, s20;
	[sflag:s22] =	ssyncset.done $0x0  }
0xa0: {  	[sflag:s22] =	ssyncadd.s32 s3;
	_ =	sdelay $0x1  }
0xa1: {  	s23 =	simm.s32 $0x1B8B  }
0xa2: {  	_ =	swait.ge [sflag:s23], $0x1  }
0xa3: {  	[sflag:s23] =	ssyncset.done $0x0  }
0xa4: {  	s25 =	simm.s32 $0x1B8E;
	s24 =	sld [smem:$0x3FFE];
	[sflag:s23] =	ssyncadd.s32 $0xFFFFFFFF  }
0xa5: {  	s26 =	simm.s32 $execute0_lowered;
	[smem:$0x3FD2] =	sst s25  }
0xa6: {  	s4 =	sshll.u32 s26, $0x1;
	_ =	strace $0x8000004C;
	[dreg:$0x1] =	wrdreg $0xFFFFFFFF  }
0xa7: {  	s28 =	simm.s32 $_size_execute0_lowered;
	s2 =	sadd.s32 s2, s4;
	[dreg:$0x0] =	wrdreg $0x0  }
0xa8: {  	s4 =	sshll.u32 s28, $0x1;
	[dreg:$0x2] =	wrdreg s2  }
0xa9: {  	[dreg:$0x3] =	wrdreg s4  }
0xaa: {  	[dreg:$0x4] =	wrdreg $0xC0  }
0xab: {  	_ =	task [dreg:s6], $0x5FFFF  }
0xac: {  	[dreg:$0x1] =	wrdreg $0xFFFFFFFF  }
0xad: {  	[dreg:$0x0] =	wrdreg $0x60  }
0xae: {  	[dreg:$0x2] =	wrdreg s24  }
0xaf: {  	[dreg:$0x3] =	wrdreg $0xB5400  }
0xb0: {  	[dreg:$0x4] =	wrdreg $0x9  }
0xb1: {  	_ =	task.clear_ibuf [dreg:s6], $0x5FFFF;
	_ =	strace $0x9000004C  }
0xb2: {  	s29 =	simm.s32 $0x9;
	_ =	strace $0x8000004E  }
0xb3: {  	_ =	swait.ge [sflag:s29], $0x1  }
0xb4: {  	[sflag:s29] =	ssyncadd.s32 $0xFFFFFFFF  }
0xb5: {  	_ =	strace $0x9000004E  }
0xb6: {  	_ =	sfence  }
0xb7: {  	s30 =	sld [smem:$0x0];
	_ =	sdelay $0x2  }
0xb8: {  	s31 =	sshll.u32 s1, $0xD;
	s1 =	sshrl.u32 s1, $0x2  }
0xb9: {  	s3 =	sand.u32 $0x4000, s31;
	s1 =	sadd.s32 s1, s30  }
0xba: {  	s0 =	sor.u32 s3, s0;
	s1 =	sshll.u32 s1, $0x11  }
0xbb: {  	s0 =	sor.u32 s1, s0  }
0xbc: {  	s0 =	sadd.s32 $0x8F2B, s0  }
0xbd: {  	[sflag:s0] =	ssyncadd.remote.s32 $0x1  }
0xbe: {  	_ =	sfence.sel $0xFFFF  }
0xbf: {  	[dreg:$0x0] =	wrdreg $0xFFFFFFFF;
	(pc) =	sbr.abs _section_cstart, $3  }
0xc0: {  	[dreg:$0x1] =	wrdreg $0xFFFFFFFF  }
0xc1: {  	_ =	task.clear_ibuf [dreg:s6], $0x2FFFF;
	_ =	strace $0x9FFFFFFF  }
0xc2: {  	(tm) =	ssettm $0x7FFFFFFF  }
0xc3: {  	_ =	shalt  }
tec
execute0_lowered:
.L_overlay_start_1:
0x0: {  	(tag) =	ssettag $0x1  }
0x1: {  	s0 =	rddreg [dreg:$0x0]  }
0x2: {  	s1 =	rddreg [dreg:$0x1];
	s2 =	srdreg.scid;
	s3 =	simm.s32 $0x0  }
0x3: {  	s12 =	stileid.u32;
	s14 =	simm.s32 $0x5;
	s28 =	simm.s32 $0x9C40  }
0x4: {  	s29 =	simm.s32 $0x1;
	s30 =	simm.s32 $0x2;
	s5 =	smul.u32 $0xA000, s12  }
0x5: {  	s31 =	simm.s32 $0x3;
	s2 =	sand.u32 $0x1, s2;
	s8 =	smul.u32 $0x28000, s12  }
0x6: {  	[smem:$0x7FF] =	sst s3;
	s9 =	sadd.s32 $0xD600, s0;
	s20 =	smul.u32 $0x5140, s12  }
0x7: {  	s10 =	sadd.s32 $0x2600, s0;
	s19 =	sshll.u32 s12, $0x6;
	s4 =	smul.u32 $0x13880, s2  }
0x8: {  	_ =	strace $0x8000004D;
	s6 =	smul.u32 $0xA0000, s2;
	s2 =	ssub.s32 $0x2, s2  }
0x9: {  	s11 =	sshrl.u32 s2, $0x1;
	s18 =	sshrl.u32 s8, $0x2;
	s21 =	sadd.s32 s5, s1  }
0xa: {  	s22 =	sshrl.u32 s20, $0x3;
	s20 =	simm.s32 $0x64;
	s7 =	sadd.s32 s4, s0  }
0xb: {  	s6 =	sadd.s32 s5, s6;
	s4 =	sadd.s32 $0xCA00, s0;
	s2 =	ssub.s32 s2, s11  }
0xc: {  	s5 =	sor.u32 $0x1C05, s19;
	s11 =	sadd.s32 s9, s22;
	s23 =	sadd.s32 $0x514, s22  }
0xd: {  	s8 =	sadd.s32 s10, s22;
	s13 =	sshrl.u32 s21, $0x3;
	s21 =	simm.s32 $0x5140  }
0xe: {  	s22 =	simm.s32 $0x68;
	s6 =	sshrl.u32 s6, $0x3;
	[dreg:$0x3] =	wrdreg s11  }
0xf: {  	[dreg:$0x4] =	wrdreg s8;
	s8 =	sadd.s32 $0x65C00, s7;
	s24 =	sadd.s32 s9, s23  }
0x10: {  	s25 =	sadd.s32 s10, s23;
	s26 =	smax.u32 s2, $0x1;
	s23 =	simm.s32 $0x6A40  }
0x11: {  	s2 =	simm.s32 $0x4FA0;
	s7 =	simm.s32 $0x5070;
	[dreg:$0x5] =	wrdreg s24  }
0x12: {  	s9 =	simm.s32 $0x50D8;
	s10 =	simm.s32 $0x0;
	[dreg:$0x6] =	wrdreg s25  }
0x13: {  	s0 =	sadd.s32 s6, s0;
	s6 =	sadd.s32 s18, s1;
	[dreg:$0x8] =	wrdreg s26  }
0x14: {  	s24 =	simm.s32 $0xD0;
	s25 =	simm.s32 $0x8340;
	s26 =	simm.s32 $0x138  }
0x15: {  	s15 =	sadd.s32 $0x2000, s6;
	s16 =	sadd.s32 $0x4000, s6;
	s0 =	sadd.s32 $0x17A00, s0  }
0x16: {  	s17 =	sadd.s32 $0x6000, s6;
	s6 =	sadd.s32 $0x8000, s6;
	[dreg:$0x7] =	wrdreg s0  }
0x17: {  	s15 =	sshrl.u32 s15, $0x3;
	s16 =	sshrl.u32 s16, $0x3;
	s17 =	sshrl.u32 s17, $0x3  }
0x18: {  	s18 =	sshrl.u32 s6, $0x3;
	s0 =	simm.s32 $0x4;
	s6 =	simm.s32 $0x5008  }
.LBB2_1:
0x19: {  	[spmem:s13], [sflag:s5] =	dma.local [hbm:s4], $0x400  }
0x1a: {  	_ =	swait.ge [sflag:s14], $0x400  }
0x1b: {  	[sflag:s14] =	ssyncset.done $0x0  }
0x1c: {  	[sflag:s14] =	ssyncadd.s32 $0xFFFFFC00  }
0x1d: {  	[spmem:s15], [sflag:s5] =	dma.local [hbm:s4], $0x400  }
0x1e: {  	_ =	swait.ge [sflag:s14], $0x400  }
0x1f: {  	[sflag:s14] =	ssyncset.done $0x0  }
0x20: {  	[sflag:s14] =	ssyncadd.s32 $0xFFFFFC00  }
0x21: {  	[spmem:s16], [sflag:s5] =	dma.local [hbm:s4], $0x400  }
0x22: {  	_ =	swait.ge [sflag:s14], $0x400  }
0x23: {  	[sflag:s14] =	ssyncset.done $0x0  }
0x24: {  	[sflag:s14] =	ssyncadd.s32 $0xFFFFFC00  }
0x25: {  	[spmem:s17], [sflag:s5] =	dma.local [hbm:s4], $0x400  }
0x26: {  	_ =	swait.ge [sflag:s14], $0x400  }
0x27: {  	[sflag:s14] =	ssyncset.done $0x0  }
0x28: {  	[sflag:s14] =	ssyncadd.s32 $0xFFFFFC00  }
0x29: {  	[spmem:s18], [sflag:s5] =	dma.local [hbm:s4], $0x400  }
0x2a: {  	_ =	swait.ge [sflag:s14], $0x400  }
0x2b: {  	[sflag:s14] =	ssyncset.done $0x0  }
0x2c: {  	[sflag:s14] =	ssyncadd.s32 $0xFFFFFC00  }
0x2d: {  	[bflag:$0x0] =	sbarrier.arrive $0xFFFF  }
0x2e: {  	s11 =	rddreg [dreg:$0x3]  }
0x2f: {  	[tilespmem:s3], [sflag:$0x5] =	stream.linear.gather [hbm4b:s11+s3], $0x28A0, $0x38;
	[tilespmem:$0x15540] =	vst v63  }
0x30: {  	_ =	swait.ge [sflag:s14], $0x28A0  }
0x31: {  	[sflag:s14] =	ssyncset.done $0x0  }
0x32: {  	s12 =	simm.s32 $0x28A0;
	s19 =	rddreg [dreg:$0x4];
	[sflag:s14] =	ssyncadd.s32 $0xFFFFD760  }
0x33: {  	[tilespmem:s12], [sflag:$0x5] =	stream.linear.gather [hbm4b:s19+s3], $0x28A0, $0x38;
	[tilespmem:$0x15540] =	vst v63  }
0x34: {  	_ =	swait.ge [sflag:s14], $0x28A0  }
0x35: {  	[sflag:s14] =	ssyncset.done $0x0  }
0x36: {  	[sflag:s14] =	ssyncadd.s32 $0xFFFFD760  }
0x37: {  	[tilespmem:s21], [sflag:$0x1] =	stream.indirect.gather [hbm4b:s8+s20], $0x40, s3, s20, $0xb8;
	[tilespmem:$0x15540] =	vst v63  }
0x38: {  	_ = 	snop  }
0x39: {  	[tilespmem:s23], [sflag:$0x2] =	stream.indirect.gather [hbm4b:s8+s20], $0x40, s22, s20, $0xb8;
	[tilespmem:$0x15540] =	vst v63  }
0x3a: {  	_ = 	snop  }
0x3b: {  	[tilespmem:s25], [sflag:$0x3] =	stream.indirect.gather [hbm4b:s8+s20], $0x40, s24, s20, $0xb8;
	[tilespmem:$0x15540] =	vst v63  }
0x3c: {  	_ = 	snop  }
0x3d: {  	[tilespmem:s28], [sflag:$0x4] =	stream.indirect.gather [hbm4b:s8+s20], $0x40, s26, s20, $0xb8;
	[tilespmem:$0x15540] =	vst v63  }
0x3e: {  	_ =	swait.ge [sflag:s29], $0x1900  }
0x3f: {  	[sflag:s29] =	ssyncset.done $0x0  }
0x40: {  	s19 =	simm.s32 $0x28A0;
	[sflag:s29] =	ssyncadd.s32 $0xFFFFE700  }
0x41: {  	[spmem:s1] =	stream.indirect.scatter.add.f32 [tilespmem:s21], [sflag:$0x5], $0x40, s19, s20, $0xb8;
	[tilespmem:$0x15540] =	vst v63  }
0x42: {  	_ =	swait.ge [sflag:s14], $0x1900  }
0x43: {  	[sflag:s14] =	ssyncset.done $0x0  }
0x44: {  	s12 =	simm.s32 $0x1A0;
	[sflag:s14] =	ssyncadd.s32 $0xFFFFE700  }
0x45: {  	[tilespmem:s21], [sflag:$0x1] =	stream.indirect.gather [hbm4b:s8+s20], $0x40, s12, s20, $0xb8;
	[tilespmem:$0x15540] =	vst v63  }
0x46: {  	_ =	swait.ge [sflag:s30], $0x1900  }
0x47: {  	[sflag:s30] =	ssyncset.done $0x0  }
0x48: {  	s19 =	simm.s32 $0x2908;
	[sflag:s30] =	ssyncadd.s32 $0xFFFFE700  }
0x49: {  	[spmem:s1] =	stream.indirect.scatter.add.f32 [tilespmem:s23], [sflag:$0x5], $0x40, s19, s20, $0xb8;
	[tilespmem:$0x15540] =	vst v63  }
0x4a: {  	_ =	swait.ge [sflag:s14], $0x1900  }
0x4b: {  	[sflag:s14] =	ssyncset.done $0x0  }
0x4c: {  	s12 =	simm.s32 $0x208;
	[sflag:s14] =	ssyncadd.s32 $0xFFFFE700  }
0x4d: {  	[tilespmem:s23], [sflag:$0x2] =	stream.indirect.gather [hbm4b:s8+s20], $0x40, s12, s20, $0xb8;
	[tilespmem:$0x15540] =	vst v63  }
0x4e: {  	_ =	swait.ge [sflag:s31], $0x1900  }
0x4f: {  	[sflag:s31] =	ssyncset.done $0x0  }
0x50: {  	s19 =	simm.s32 $0x2970;
	[sflag:s31] =	ssyncadd.s32 $0xFFFFE700  }
0x51: {  	[spmem:s1] =	stream.indirect.scatter.add.f32 [tilespmem:s25], [sflag:$0x5], $0x40, s19, s20, $0xb8;
	[tilespmem:$0x15540] =	vst v63  }
0x52: {  	_ =	swait.ge [sflag:s14], $0x1900  }
0x53: {  	[sflag:s14] =	ssyncset.done $0x0  }
0x54: {  	s12 =	simm.s32 $0x270;
	[sflag:s14] =	ssyncadd.s32 $0xFFFFE700  }
0x55: {  	[tilespmem:s25], [sflag:$0x3] =	stream.indirect.gather [hbm4b:s8+s20], $0x40, s12, s20, $0xb8;
	[tilespmem:$0x15540] =	vst v63  }
0x56: {  	_ =	swait.ge [sflag:s0], $0x1900  }
0x57: {  	[sflag:s0] =	ssyncset.done $0x0  }
0x58: {  	s19 =	simm.s32 $0x29D8;
	[sflag:s0] =	ssyncadd.s32 $0xFFFFE700  }
0x59: {  	[spmem:s1] =	stream.indirect.scatter.add.f32 [tilespmem:s28], [sflag:$0x5], $0x40, s19, s20, $0xb8;
	[tilespmem:$0x15540] =	vst v63  }
0x5a: {  	_ =	swait.ge [sflag:s14], $0x1900  }
0x5b: {  	[sflag:s14] =	ssyncset.done $0x0  }
0x5c: {  	s11 =	simm.s32 $0x680;
	s12 =	simm.s32 $0x2D8;
	[sflag:s14] =	ssyncadd.s32 $0xFFFFE700  }
.LBB2_2:
0x5d: {  	[tilespmem:s28], [sflag:$0x4] =	stream.indirect.gather [hbm4b:s8+s20], $0x40, s12, s20, $0xb8;
	[tilespmem:$0x15540] =	vst v63  }
0x5e: {  	s12 =	smov.u32 s11  }
0x5f: {  	p0 =	sne.s32 s11, $0x9580;
	s11 =	sadd.s32 $0x680, s11;
	_ =	swait.ge [sflag:s29], $0x1900  }
0x60: {  	s12 =	sshra.s32 s12, $0x2;
	[sflag:s29] =	ssyncset.done $0x0  }
0x61: {  	s19 =	sadd.s32 $0x28A0, s12;
	[sflag:s29] =	ssyncadd.s32 $0xFFFFE700  }
0x62: {  	[spmem:s1] =	stream.indirect.scatter.add.f32 [tilespmem:s21], [sflag:$0x5], $0x40, s19, s20, $0xb8;
	[tilespmem:$0x15540] =	vst v63  }
0x63: {  	_ =	swait.ge [sflag:s14], $0x1900  }
0x64: {  	[sflag:s14] =	ssyncset.done $0x0  }
0x65: {  	s19 =	sadd.s32 $0x1A0, s12;
	[sflag:s14] =	ssyncadd.s32 $0xFFFFE700  }
0x66: {  	[tilespmem:s21], [sflag:$0x1] =	stream.indirect.gather [hbm4b:s8+s20], $0x40, s19, s20, $0xb8;
	[tilespmem:$0x15540] =	vst v63  }
0x67: {  	_ =	swait.ge [sflag:s30], $0x1900  }
0x68: {  	[sflag:s30] =	ssyncset.done $0x0  }
0x69: {  	s19 =	sadd.s32 $0x2908, s12;
	[sflag:s30] =	ssyncadd.s32 $0xFFFFE700  }
0x6a: {  	[spmem:s1] =	stream.indirect.scatter.add.f32 [tilespmem:s23], [sflag:$0x5], $0x40, s19, s20, $0xb8;
	[tilespmem:$0x15540] =	vst v63  }
0x6b: {  	_ =	swait.ge [sflag:s14], $0x1900  }
0x6c: {  	[sflag:s14] =	ssyncset.done $0x0  }
0x6d: {  	s19 =	sadd.s32 $0x208, s12;
	[sflag:s14] =	ssyncadd.s32 $0xFFFFE700  }
0x6e: {  	[tilespmem:s23], [sflag:$0x2] =	stream.indirect.gather [hbm4b:s8+s20], $0x40, s19, s20, $0xb8;
	[tilespmem:$0x15540] =	vst v63  }
0x6f: {  	_ =	swait.ge [sflag:s31], $0x1900  }
0x70: {  	[sflag:s31] =	ssyncset.done $0x0  }
0x71: {  	s19 =	sadd.s32 $0x2970, s12;
	[sflag:s31] =	ssyncadd.s32 $0xFFFFE700  }
0x72: {  	[spmem:s1] =	stream.indirect.scatter.add.f32 [tilespmem:s25], [sflag:$0x5], $0x40, s19, s20, $0xb8;
	[tilespmem:$0x15540] =	vst v63  }
0x73: {  	_ =	swait.ge [sflag:s14], $0x1900  }
0x74: {  	[sflag:s14] =	ssyncset.done $0x0  }
0x75: {  	s19 =	sadd.s32 $0x270, s12;
	[sflag:s14] =	ssyncadd.s32 $0xFFFFE700  }
0x76: {  	[tilespmem:s25], [sflag:$0x3] =	stream.indirect.gather [hbm4b:s8+s20], $0x40, s19, s20, $0xb8;
	[tilespmem:$0x15540] =	vst v63  }
0x77: {  	_ =	swait.ge [sflag:s0], $0x1900  }
0x78: {  	[sflag:s0] =	ssyncset.done $0x0  }
.Ltmp0:
0x79: {  	s19 =	sadd.s32 $0x29D8, s12;
	[sflag:s0] =	ssyncadd.s32 $0xFFFFE700;
	(pc) =	sbr.rel @p0 .LBB2_2-.Ltmp0, $4  }
0x7a: {  	[spmem:s1] =	stream.indirect.scatter.add.f32 [tilespmem:s28], [sflag:$0x5], $0x40, s19, s20, $0xb8;
	[tilespmem:$0x15540] =	vst v63  }
0x7b: {  	_ =	swait.ge [sflag:s14], $0x1900  }
0x7c: {  	[sflag:s14] =	ssyncset.done $0x0  }
0x7d: {  	s12 =	sadd.s32 $0x2D8, s12;
	[sflag:s14] =	ssyncadd.s32 $0xFFFFE700  }
0x7e: {  	[tilespmem:s28], [sflag:$0x4] =	stream.indirect.gather [hbm4b:s8+s20], $0x40, s12, s20, $0xb8;
	[tilespmem:$0x15540] =	vst v63  }
0x7f: {  	_ =	swait.ge [sflag:s29], $0x1900  }
0x80: {  	[sflag:s29] =	ssyncset.done $0x0  }
0x81: {  	[sflag:s29] =	ssyncadd.s32 $0xFFFFE700  }
0x82: {  	[spmem:s1] =	stream.indirect.scatter.add.f32 [tilespmem:s21], [sflag:$0x5], $0x40, s2, s20, $0xb8;
	[tilespmem:$0x15540] =	vst v63  }
0x83: {  	_ =	swait.ge [sflag:s14], $0x1900  }
0x84: {  	[sflag:s14] =	ssyncset.done $0x0  }
0x85: {  	[sflag:s14] =	ssyncadd.s32 $0xFFFFE700  }
0x86: {  	_ =	swait.ge [sflag:s30], $0x1900  }
0x87: {  	[sflag:s30] =	ssyncset.done $0x0  }
0x88: {  	[sflag:s30] =	ssyncadd.s32 $0xFFFFE700  }
0x89: {  	[spmem:s1] =	stream.indirect.scatter.add.f32 [tilespmem:s23], [sflag:$0x5], $0x40, s6, s20, $0xb8;
	[tilespmem:$0x15540] =	vst v63  }
0x8a: {  	_ =	swait.ge [sflag:s14], $0x1900  }
0x8b: {  	[sflag:s14] =	ssyncset.done $0x0  }
0x8c: {  	[sflag:s14] =	ssyncadd.s32 $0xFFFFE700  }
0x8d: {  	_ =	swait.ge [sflag:s31], $0x1900  }
0x8e: {  	[sflag:s31] =	ssyncset.done $0x0  }
0x8f: {  	[sflag:s31] =	ssyncadd.s32 $0xFFFFE700  }
0x90: {  	[spmem:s1] =	stream.indirect.scatter.add.f32 [tilespmem:s25], [sflag:$0x5], $0x40, s7, s20, $0xb8;
	[tilespmem:$0x15540] =	vst v63  }
0x91: {  	_ =	swait.ge [sflag:s14], $0x1900  }
0x92: {  	[sflag:s14] =	ssyncset.done $0x0  }
0x93: {  	[sflag:s14] =	ssyncadd.s32 $0xFFFFE700  }
0x94: {  	_ =	swait.ge [sflag:s0], $0x1900  }
0x95: {  	[sflag:s0] =	ssyncset.done $0x0  }
0x96: {  	[sflag:s0] =	ssyncadd.s32 $0xFFFFE700  }
0x97: {  	[spmem:s1] =	stream.indirect.scatter.add.f32 [tilespmem:s28], [sflag:$0x5], $0x40, s9, s20, $0xb8;
	[tilespmem:$0x15540] =	vst v63  }
0x98: {  	_ =	swait.ge [sflag:s14], $0x1900  }
0x99: {  	[sflag:s14] =	ssyncset.done $0x0  }
0x9a: {  	s11 =	simm.s32 $0x0;
	s19 =	rddreg [dreg:$0x5];
	[sflag:s14] =	ssyncadd.s32 $0xFFFFE700  }
0x9b: {  	[tilespmem:s11], [sflag:$0x5] =	stream.linear.gather [hbm4b:s19+s11], $0x28A0, $0x38;
	[tilespmem:$0x15540] =	vst v63  }
0x9c: {  	_ =	swait.ge [sflag:s14], $0x28A0  }
0x9d: {  	[sflag:s14] =	ssyncset.done $0x0  }
0x9e: {  	s19 =	simm.s32 $0x28A0;
	s12 =	rddreg [dreg:$0x6];
	[sflag:s14] =	ssyncadd.s32 $0xFFFFD760  }
0x9f: {  	[tilespmem:s19], [sflag:$0x5] =	stream.linear.gather [hbm4b:s12+s11], $0x28A0, $0x38;
	[tilespmem:$0x15540] =	vst v63  }
0xa0: {  	_ =	swait.ge [sflag:s14], $0x28A0  }
0xa1: {  	[sflag:s14] =	ssyncset.done $0x0  }
0xa2: {  	[sflag:s14] =	ssyncadd.s32 $0xFFFFD760  }
0xa3: {  	[tilespmem:s21], [sflag:$0x1] =	stream.indirect.gather [hbm4b:s8+s20], $0x40, s11, s20, $0xb8;
	[tilespmem:$0x15540] =	vst v63  }
0xa4: {  	_ = 	snop  }
0xa5: {  	[tilespmem:s23], [sflag:$0x2] =	stream.indirect.gather [hbm4b:s8+s20], $0x40, s22, s20, $0xb8;
	[tilespmem:$0x15540] =	vst v63  }
0xa6: {  	_ = 	snop  }
0xa7: {  	[tilespmem:s25], [sflag:$0x3] =	stream.indirect.gather [hbm4b:s8+s20], $0x40, s24, s20, $0xb8;
	[tilespmem:$0x15540] =	vst v63  }
0xa8: {  	_ = 	snop  }
0xa9: {  	[tilespmem:s28], [sflag:$0x4] =	stream.indirect.gather [hbm4b:s8+s20], $0x40, s26, s20, $0xb8;
	[tilespmem:$0x15540] =	vst v63  }
0xaa: {  	_ =	swait.ge [sflag:s29], $0x1900  }
0xab: {  	[sflag:s29] =	ssyncset.done $0x0  }
0xac: {  	s19 =	simm.s32 $0x28A0;
	[sflag:s29] =	ssyncadd.s32 $0xFFFFE700  }
0xad: {  	[spmem:s1] =	stream.indirect.scatter.add.f32 [tilespmem:s21], [sflag:$0x5], $0x40, s19, s20, $0xb8;
	[tilespmem:$0x15540] =	vst v63  }
0xae: {  	_ =	swait.ge [sflag:s14], $0x1900  }
0xaf: {  	[sflag:s14] =	ssyncset.done $0x0  }
0xb0: {  	s12 =	simm.s32 $0x1A0;
	[sflag:s14] =	ssyncadd.s32 $0xFFFFE700  }
0xb1: {  	[tilespmem:s21], [sflag:$0x1] =	stream.indirect.gather [hbm4b:s8+s20], $0x40, s12, s20, $0xb8;
	[tilespmem:$0x15540] =	vst v63  }
0xb2: {  	_ =	swait.ge [sflag:s30], $0x1900  }
0xb3: {  	[sflag:s30] =	ssyncset.done $0x0  }
0xb4: {  	s19 =	simm.s32 $0x2908;
	[sflag:s30] =	ssyncadd.s32 $0xFFFFE700  }
0xb5: {  	[spmem:s1] =	stream.indirect.scatter.add.f32 [tilespmem:s23], [sflag:$0x5], $0x40, s19, s20, $0xb8;
	[tilespmem:$0x15540] =	vst v63  }
0xb6: {  	_ =	swait.ge [sflag:s14], $0x1900  }
0xb7: {  	[sflag:s14] =	ssyncset.done $0x0  }
0xb8: {  	s12 =	simm.s32 $0x208;
	[sflag:s14] =	ssyncadd.s32 $0xFFFFE700  }
0xb9: {  	[tilespmem:s23], [sflag:$0x2] =	stream.indirect.gather [hbm4b:s8+s20], $0x40, s12, s20, $0xb8;
	[tilespmem:$0x15540] =	vst v63  }
0xba: {  	_ =	swait.ge [sflag:s31], $0x1900  }
0xbb: {  	[sflag:s31] =	ssyncset.done $0x0  }
0xbc: {  	s19 =	simm.s32 $0x2970;
	[sflag:s31] =	ssyncadd.s32 $0xFFFFE700  }
0xbd: {  	[spmem:s1] =	stream.indirect.scatter.add.f32 [tilespmem:s25], [sflag:$0x5], $0x40, s19, s20, $0xb8;
	[tilespmem:$0x15540] =	vst v63  }
0xbe: {  	_ =	swait.ge [sflag:s14], $0x1900  }
0xbf: {  	[sflag:s14] =	ssyncset.done $0x0  }
0xc0: {  	s12 =	simm.s32 $0x270;
	[sflag:s14] =	ssyncadd.s32 $0xFFFFE700  }
0xc1: {  	[tilespmem:s25], [sflag:$0x3] =	stream.indirect.gather [hbm4b:s8+s20], $0x40, s12, s20, $0xb8;
	[tilespmem:$0x15540] =	vst v63  }
0xc2: {  	_ =	swait.ge [sflag:s0], $0x1900  }
0xc3: {  	[sflag:s0] =	ssyncset.done $0x0  }
0xc4: {  	s19 =	simm.s32 $0x29D8;
	[sflag:s0] =	ssyncadd.s32 $0xFFFFE700  }
0xc5: {  	[spmem:s1] =	stream.indirect.scatter.add.f32 [tilespmem:s28], [sflag:$0x5], $0x40, s19, s20, $0xb8;
	[tilespmem:$0x15540] =	vst v63  }
0xc6: {  	_ =	swait.ge [sflag:s14], $0x1900  }
0xc7: {  	[sflag:s14] =	ssyncset.done $0x0  }
0xc8: {  	s11 =	simm.s32 $0x680;
	s12 =	simm.s32 $0x2D8;
	[sflag:s14] =	ssyncadd.s32 $0xFFFFE700  }
.LBB2_4:
0xc9: {  	[tilespmem:s28], [sflag:$0x4] =	stream.indirect.gather [hbm4b:s8+s20], $0x40, s12, s20, $0xb8;
	[tilespmem:$0x15540] =	vst v63  }
0xca: {  	s12 =	smov.u32 s11  }
0xcb: {  	p0 =	sne.s32 s11, $0x9580;
	s11 =	sadd.s32 $0x680, s11;
	_ =	swait.ge [sflag:s29], $0x1900  }
0xcc: {  	s12 =	sshra.s32 s12, $0x2;
	[sflag:s29] =	ssyncset.done $0x0  }
0xcd: {  	s19 =	sadd.s32 $0x28A0, s12;
	[sflag:s29] =	ssyncadd.s32 $0xFFFFE700  }
0xce: {  	[spmem:s1] =	stream.indirect.scatter.add.f32 [tilespmem:s21], [sflag:$0x5], $0x40, s19, s20, $0xb8;
	[tilespmem:$0x15540] =	vst v63  }
0xcf: {  	_ =	swait.ge [sflag:s14], $0x1900  }
0xd0: {  	[sflag:s14] =	ssyncset.done $0x0  }
0xd1: {  	s19 =	sadd.s32 $0x1A0, s12;
	[sflag:s14] =	ssyncadd.s32 $0xFFFFE700  }
0xd2: {  	[tilespmem:s21], [sflag:$0x1] =	stream.indirect.gather [hbm4b:s8+s20], $0x40, s19, s20, $0xb8;
	[tilespmem:$0x15540] =	vst v63  }
0xd3: {  	_ =	swait.ge [sflag:s30], $0x1900  }
0xd4: {  	[sflag:s30] =	ssyncset.done $0x0  }
0xd5: {  	s19 =	sadd.s32 $0x2908, s12;
	[sflag:s30] =	ssyncadd.s32 $0xFFFFE700  }
0xd6: {  	[spmem:s1] =	stream.indirect.scatter.add.f32 [tilespmem:s23], [sflag:$0x5], $0x40, s19, s20, $0xb8;
	[tilespmem:$0x15540] =	vst v63  }
0xd7: {  	_ =	swait.ge [sflag:s14], $0x1900  }
0xd8: {  	[sflag:s14] =	ssyncset.done $0x0  }
0xd9: {  	s19 =	sadd.s32 $0x208, s12;
	[sflag:s14] =	ssyncadd.s32 $0xFFFFE700  }
0xda: {  	[tilespmem:s23], [sflag:$0x2] =	stream.indirect.gather [hbm4b:s8+s20], $0x40, s19, s20, $0xb8;
	[tilespmem:$0x15540] =	vst v63  }
0xdb: {  	_ =	swait.ge [sflag:s31], $0x1900  }
0xdc: {  	[sflag:s31] =	ssyncset.done $0x0  }
0xdd: {  	s19 =	sadd.s32 $0x2970, s12;
	[sflag:s31] =	ssyncadd.s32 $0xFFFFE700  }
0xde: {  	[spmem:s1] =	stream.indirect.scatter.add.f32 [tilespmem:s25], [sflag:$0x5], $0x40, s19, s20, $0xb8;
	[tilespmem:$0x15540] =	vst v63  }
0xdf: {  	_ =	swait.ge [sflag:s14], $0x1900  }
0xe0: {  	[sflag:s14] =	ssyncset.done $0x0  }
0xe1: {  	s19 =	sadd.s32 $0x270, s12;
	[sflag:s14] =	ssyncadd.s32 $0xFFFFE700  }
0xe2: {  	[tilespmem:s25], [sflag:$0x3] =	stream.indirect.gather [hbm4b:s8+s20], $0x40, s19, s20, $0xb8;
	[tilespmem:$0x15540] =	vst v63  }
0xe3: {  	_ =	swait.ge [sflag:s0], $0x1900  }
0xe4: {  	[sflag:s0] =	ssyncset.done $0x0  }
.Ltmp1:
0xe5: {  	s19 =	sadd.s32 $0x29D8, s12;
	[sflag:s0] =	ssyncadd.s32 $0xFFFFE700;
	(pc) =	sbr.rel @p0 .LBB2_4-.Ltmp1, $4  }
0xe6: {  	[spmem:s1] =	stream.indirect.scatter.add.f32 [tilespmem:s28], [sflag:$0x5], $0x40, s19, s20, $0xb8;
	[tilespmem:$0x15540] =	vst v63  }
0xe7: {  	_ =	swait.ge [sflag:s14], $0x1900  }
0xe8: {  	[sflag:s14] =	ssyncset.done $0x0  }
0xe9: {  	s12 =	sadd.s32 $0x2D8, s12;
	[sflag:s14] =	ssyncadd.s32 $0xFFFFE700  }
0xea: {  	[tilespmem:s28], [sflag:$0x4] =	stream.indirect.gather [hbm4b:s8+s20], $0x40, s12, s20, $0xb8;
	[tilespmem:$0x15540] =	vst v63  }
0xeb: {  	_ =	swait.ge [sflag:s29], $0x1900  }
0xec: {  	[sflag:s29] =	ssyncset.done $0x0  }
0xed: {  	[sflag:s29] =	ssyncadd.s32 $0xFFFFE700  }
0xee: {  	[spmem:s1] =	stream.indirect.scatter.add.f32 [tilespmem:s21], [sflag:$0x5], $0x40, s2, s20, $0xb8;
	[tilespmem:$0x15540] =	vst v63  }
0xef: {  	_ =	swait.ge [sflag:s14], $0x1900  }
0xf0: {  	[sflag:s14] =	ssyncset.done $0x0  }
0xf1: {  	[sflag:s14] =	ssyncadd.s32 $0xFFFFE700  }
0xf2: {  	_ =	swait.ge [sflag:s30], $0x1900  }
0xf3: {  	[sflag:s30] =	ssyncset.done $0x0  }
0xf4: {  	[sflag:s30] =	ssyncadd.s32 $0xFFFFE700  }
0xf5: {  	[spmem:s1] =	stream.indirect.scatter.add.f32 [tilespmem:s23], [sflag:$0x5], $0x40, s6, s20, $0xb8;
	[tilespmem:$0x15540] =	vst v63  }
0xf6: {  	_ =	swait.ge [sflag:s14], $0x1900  }
0xf7: {  	[sflag:s14] =	ssyncset.done $0x0  }
0xf8: {  	[sflag:s14] =	ssyncadd.s32 $0xFFFFE700  }
0xf9: {  	_ =	swait.ge [sflag:s31], $0x1900  }
0xfa: {  	[sflag:s31] =	ssyncset.done $0x0  }
0xfb: {  	[sflag:s31] =	ssyncadd.s32 $0xFFFFE700  }
0xfc: {  	[spmem:s1] =	stream.indirect.scatter.add.f32 [tilespmem:s25], [sflag:$0x5], $0x40, s7, s20, $0xb8;
	[tilespmem:$0x15540] =	vst v63  }
0xfd: {  	_ =	swait.ge [sflag:s14], $0x1900  }
0xfe: {  	[sflag:s14] =	ssyncset.done $0x0  }
0xff: {  	[sflag:s14] =	ssyncadd.s32 $0xFFFFE700  }
0x100: {  	_ =	swait.ge [sflag:s0], $0x1900  }
0x101: {  	[sflag:s0] =	ssyncset.done $0x0  }
0x102: {  	[sflag:s0] =	ssyncadd.s32 $0xFFFFE700  }
0x103: {  	[spmem:s1] =	stream.indirect.scatter.add.f32 [tilespmem:s28], [sflag:$0x5], $0x40, s9, s20, $0xb8;
	[tilespmem:$0x15540] =	vst v63  }
0x104: {  	_ =	swait.ge [sflag:s14], $0x1900  }
0x105: {  	[sflag:s14] =	ssyncset.done $0x0  }
0x106: {  	[sflag:s14] =	ssyncadd.s32 $0xFFFFE700  }
0x107: {  	[bflag:$0x0] =	sbarrier.arrive $0xFFFF  }
0x108: {  	s11 =	rddreg [dreg:$0x7]  }
0x109: {  	[hbm:s11], [sflag:s5] =	dma.local [spmem:s13], $0x1400  }
0x10a: {  	_ =	swait.ge [sflag:s14], $0x1400  }
0x10b: {  	s10 =	sadd.s32 $0x1, s10;
	s19 =	rddreg [dreg:$0x8]  }
0x10c: {  	p0 =	sne.s32 s10, s19  }
.Ltmp2:
0x10d: {  	_ = 	snop;
	(pc) =	sbr.rel @p0 .LBB2_1-.Ltmp2, $3  }
0x10e: {  	_ =	sdelay $0x1  }
0x10f: {  	[sflag:s14] =	ssyncset.done $0x0  }
0x110: {  	[sflag:s14] =	ssyncadd.s32 $0xFFFFEC00  }
0x111: {  	_ =	sfence.sel $0x180000  }
0x112: {  	[bflag:$0x0] =	sbarrier.arrive $0xFFFF  }
0x113: {  	_ =	strace $0x9000004D  }
0x114: {  	s0 =	stileid.u32;
	[bflag:$0x2] =	sbarrier.arrive $0xFFFF  }
0x115: {  	p0 =	sne.s32 s0, $0x0;
	s0 =	rddreg [dreg:$0x2]  }
0x116: {  	s0 =	sadd.s32 @!p0 $0x100000, s0  }
0x117: {  	[sflag:s0] =	ssyncadd.tile.s32 @!p0 $0x1;
	_ =	shalt  }
.Lfunc_end2:
_tile_overlayer_lowered:
.L_overlay_start_2:
0x118: {  	(tag) =	ssettag $0x2  }
0x119: {  	s0 =	rddreg [dreg:$0x0];
	s2 =	stileid.u32  }
0x11a: {  	s1 =	rddreg [dreg:$0x1];
	p0 =	sne.s32 s2, $0x0  }
0x11b: {  	s3 =	rddreg [dreg:$0x2];
	[bflag:$0x3] =	sbarrier.arrive $0xFFFF;
	s2 =	simm.s32 @!p0 $0x1C05  }
0x11c: {  	[timem:s3], [sflag:s2] =	dma.local @!p0 [hbm:s0], s1  }
0x11d: {  	s0 =	simm.s32 @!p0 $0x5  }
0x11e: {  	_ =	swait.ge @!p0 [sflag:s0], s1  }
0x11f: {  	s1 =	ssub.s32 @!p0 $0x0, s1;
	[sflag:s0] =	ssyncset.done @!p0 $0x0  }
0x120: {  	[sflag:s0] =	ssyncadd.s32 @!p0 s1  }
0x121: {  	[bflag:$0x3] =	sbarrier.arrive $0xFFFF  }
0x122: {  	_ =	shalt  }

</sc_bundles>
